<compile_context>
chip_gen: v7x
topology: tpu7x:2x2x1
jax: 0.10.2.dev20260603
libtpu: 0.0.44.dev20260713+nightly
codegen_flags: <defaults>
</compile_context>

<pallas_src>
import functools

import jax
import jax.numpy as jnp
from jax import lax
from jax.experimental import pallas as pl
from jax.experimental.pallas import tpu as pltpu
from jax.experimental.pallas import tpu_sc as plsc

NC, NS, L = 2, 16, 16
C = 128
N_SCALE = 12500
NSC_PAD = 12544
N_PTS = 100000
N_PTS_PAD = 102400
ROWS_PTS = 800
LOG2 = 0.6931471805599453
TOTAL = float(2 * 128 * 128 * 16)


def _mesh():
    return plsc.VectorSubcoreMesh(core_axis_name="c", subcore_axis_name="s")


def _fill2d(ref, rows, val):
    cols = ref.shape[1]

    def body(i, _):
        for k in range(cols // 16):
            ref[i, pl.ds(k * 16, 16)] = jnp.full((16,), val, ref.dtype)
        return 0

    lax.fori_loop(0, rows, body, 0)


@functools.partial(
    pl.kernel,
    out_type=(jax.ShapeDtypeStruct((NSC_PAD, C), jnp.float32),
              jax.ShapeDtypeStruct((NSC_PAD, C), jnp.float32)),
    mesh=_mesh(),
    scratch_types=(
        pltpu.VMEM_SHARED((NSC_PAD, C), jnp.float32),
        pltpu.VMEM((2, 64), jnp.int32),
        pltpu.VMEM((2, 64), jnp.int32),
        pltpu.VMEM((2, 64, C), jnp.float32),
        pltpu.SemaphoreType.DMA((2,)),
    ),
)
def _sk4(lo_h, cl_h, cs_h, zeros_h, acc_o, cnt_o, spm, cl_v, cs_v, rows_v, sems):
    c = lax.axis_index("c")
    s = lax.axis_index("s")
    pltpu.sync_copy(zeros_h, spm.at[pl.ds(s * 784, 784), :])
    _fill2d(rows_v.at[0], 64, 1.0)
    plsc.subcore_barrier()

    base = s * 6400
    NCHUNK = 100

    def start(j):
        b = j % 2
        pltpu.sync_copy(cl_h.at[pl.ds(base + j * 64, 64)], cl_v.at[b])
        pltpu.sync_copy(cs_h.at[pl.ds(base + j * 64, 64)], cs_v.at[b])
        pltpu.async_copy(lo_h.at[cl_v.at[b]], rows_v.at[b], sems.at[b])

    @pl.when(c == 0)
    def _():
        start(0)

        def body_sum(j, _):
            b = j % 2

            @pl.when(j + 1 < NCHUNK)
            def _():
                start(j + 1)

            pltpu.make_async_copy(lo_h.at[cl_v.at[b]], rows_v.at[b],
                                  sems.at[b]).wait()
            pltpu.sync_copy(rows_v.at[b], spm.at[cs_v.at[b]], add=True)
            return 0

        lax.fori_loop(0, NCHUNK, body_sum, 0)

    @pl.when(c == 1)
    def _():
        def body_cnt(j, _):
            pltpu.sync_copy(cs_h.at[pl.ds(base + j * 64, 64)], cs_v.at[0])
            pltpu.sync_copy(rows_v.at[0], spm.at[cs_v.at[0]], add=True)
            return 0

        lax.fori_loop(0, NCHUNK, body_cnt, 0)

    plsc.subcore_barrier()

    @pl.when(c == 0)
    def _():
        pltpu.sync_copy(spm.at[pl.ds(s * 784, 784), :],
                        acc_o.at[pl.ds(s * 784, 784), :])

    @pl.when(c == 1)
    def _():
        pltpu.sync_copy(spm.at[pl.ds(s * 784, 784), :],
                        cnt_o.at[pl.ds(s * 784, 784), :])


@functools.partial(
    pl.kernel,
    out_type=jax.ShapeDtypeStruct((N_PTS_PAD, C), jnp.float32),
    mesh=_mesh(),
    scratch_types=(
        pltpu.VMEM((2, 128), jnp.int32),
        pltpu.VMEM((2, 128, C), jnp.float32),
        pltpu.SemaphoreType.DMA((2,)),
    ),
)
def _sk5(pfea_h, cs_h, out_h, cs_v, rows_v, sems):
    c = lax.axis_index("c")
    s = lax.axis_index("s")
    base_row = c * 400 + s * 25

    def start(j):
        b = j % 2
        pltpu.sync_copy(cs_h.at[base_row + j], cs_v.at[b])
        pltpu.async_copy(pfea_h.at[cs_v.at[b]], rows_v.at[b], sems.at[b])

    start(0)

    def body(j, _):
        b = j % 2

        @pl.when(j + 1 < 25)
        def _():
            start(j + 1)

        pltpu.make_async_copy(pfea_h.at[cs_v.at[b]], rows_v.at[b],
                              sems.at[b]).wait()
        pltpu.sync_copy(rows_v.at[b],
                        out_h.at[pl.ds((base_row + j) * 128, 128), :])
        return 0

    lax.fori_loop(0, 25, body, 0)


def _combine_body(a_ref, c_ref, o_ref):
    o_ref[...] = a_ref[...] / jnp.maximum(c_ref[:, 0:1], 1.0)


def _combine(acc, cnt):
    grid = (NSC_PAD // 896,)
    return pl.pallas_call(
        _combine_body,
        grid=grid,
        in_specs=[
            pl.BlockSpec((896, C), lambda i: (i, 0)),
            pl.BlockSpec((896, C), lambda i: (i, 0)),
        ],
        out_specs=pl.BlockSpec((896, C), lambda i: (i, 0)),
        out_shape=jax.ShapeDtypeStruct((NSC_PAD, C), jnp.float32),
    )(acc, cnt)


def _rowmask(i, blk, n, rows):
    r = jax.lax.broadcasted_iota(jnp.int32, (rows, 1), 0) + i * blk
    return r < n


def _stats_rows(y, valid):
    ym = jnp.where(valid, y, 0.0)
    s0 = jnp.sum(ym, axis=0, keepdims=True)
    s1 = jnp.sum(ym * ym, axis=0, keepdims=True)
    z = jnp.zeros((6, y.shape[1]), jnp.float32)
    return jnp.concatenate([s0, s1, z], axis=0)


def _finalize_stats(st, n):
    m = st[0:1] / n
    var = st[1:2] / n - m * m
    istd = jax.lax.rsqrt(var + 1e-5)
    return jnp.concatenate([m, istd, jnp.zeros((6, st.shape[1]), jnp.float32)], axis=0)


def _step_body(*refs, n, blk, act_in, has_res, emit_t):
    it = iter(refs)
    x_ref = next(it)
    w_ref = next(it)
    b_ref = next(it)
    mvs_ref = next(it) if act_in else None
    res_ref = next(it) if has_res else None
    t_ref = next(it) if emit_t else None
    y_ref = next(it)
    st_ref = next(it)
    i = pl.program_id(0)
    x = x_ref[...]
    if act_in:
        x = (x - mvs_ref[0:1, :]) * mvs_ref[1:2, :]
        if has_res:
            x = x + res_ref[...]
        x = jnp.maximum(x, 0.0)
    if emit_t:
        t_ref[...] = x
    y = jnp.dot(x, w_ref[...], preferred_element_type=jnp.float32) + b_ref[...]
    y_ref[...] = y

    @pl.when(i == 0)
    def _():
        st_ref[...] = jnp.zeros_like(st_ref)

    st_ref[...] += _stats_rows(y, _rowmask(i, blk, n, y.shape[0]))


def _chain_step(x, W, b, mvs=None, res=None, emit_t=False, blk=2048):
    n, k = x.shape
    m = W.shape[1]
    grid = (pl.cdiv(n, blk),)
    act_in = mvs is not None
    has_res = res is not None
    in_specs = [pl.BlockSpec((blk, k), lambda i: (i, 0)),
                pl.BlockSpec((k, m), lambda i: (0, 0)),
                pl.BlockSpec((1, m), lambda i: (0, 0))]
    args = [x, W, b.reshape(1, -1)]
    if act_in:
        in_specs.append(pl.BlockSpec((8, k), lambda i: (0, 0)))
        args.append(mvs)
    if has_res:
        in_specs.append(pl.BlockSpec((blk, k), lambda i: (i, 0)))
        args.append(res)
    out_specs = []
    out_shape = []
    if emit_t:
        out_specs.append(pl.BlockSpec((blk, k), lambda i: (i, 0)))
        out_shape.append(jax.ShapeDtypeStruct((n, k), jnp.float32))
    out_specs.append(pl.BlockSpec((blk, m), lambda i: (i, 0)))
    out_shape.append(jax.ShapeDtypeStruct((n, m), jnp.float32))
    out_specs.append(pl.BlockSpec((8, m), lambda i: (0, 0)))
    out_shape.append(jax.ShapeDtypeStruct((8, m), jnp.float32))
    body = functools.partial(_step_body, n=n, blk=blk, act_in=act_in,
                             has_res=has_res, emit_t=emit_t)
    outs = pl.pallas_call(body, grid=grid, in_specs=in_specs,
                          out_specs=out_specs, out_shape=out_shape)(*args)
    st = _finalize_stats(outs[-1], float(n))
    if emit_t:
        return outs[0], outs[1], st
    return outs[0], st


def _vblock_chain(x):
    return x


def _tail_body(y4_ref, mvs_ref, v1_ref, x_ref, w_ref, b_ref, feat_ref, id_ref):
    t = (y4_ref[...] - mvs_ref[0:1, :]) * mvs_ref[1:2, :]
    t = jnp.maximum(t + v1_ref[...], 0.0)
    feat = x_ref[...] + t
    feat_ref[...] = feat
    y = jnp.dot(feat, w_ref[...], preferred_element_type=jnp.float32) + b_ref[...]
    id_ref[...] = jnp.where(y > 0, y, 0.1 * y)


def _tail(y4, mvs, v1, x, W, b, blk=2048):
    n, k = x.shape
    grid = (pl.cdiv(n, blk),)
    bs = lambda: pl.BlockSpec((blk, k), lambda i: (i, 0))
    return pl.pallas_call(
        _tail_body, grid=grid,
        in_specs=[bs(), pl.BlockSpec((8, k), lambda i: (0, 0)), bs(), bs(),
                  pl.BlockSpec((k, k), lambda i: (0, 0)),
                  pl.BlockSpec((1, k), lambda i: (0, 0))],
        out_specs=[bs(), bs()],
        out_shape=[jax.ShapeDtypeStruct((n, k), jnp.float32),
                   jax.ShapeDtypeStruct((n, k), jnp.float32)],
    )(y4, mvs, v1, x, W, b.reshape(1, -1))


def _loss_body(y4_ref, mvs_ref, v1_ref, lgw_ref, o_ref, *, n, blk):
    i = pl.program_id(0)
    t = (y4_ref[...] - mvs_ref[0:1, :]) * mvs_ref[1:2, :]
    t = jnp.maximum(t + v1_ref[...], 0.0)
    logit = jnp.sum(t * lgw_ref[0:1, :], axis=1, keepdims=True) + lgw_ref[1:2, 0:1]
    sp = jnp.maximum(-logit, 0.0) + jnp.log1p(jnp.exp(-jnp.abs(logit)))
    sp = jnp.where(_rowmask(i, blk, n, sp.shape[0]), sp, 0.0)
    total = jnp.sum(sp)
    r = jax.lax.broadcasted_iota(jnp.int32, (8, 128), 0)
    c = jax.lax.broadcasted_iota(jnp.int32, (8, 128), 1)
    mat = jnp.where((r == 0) & (c == 0), total, 0.0)

    @pl.when(i == 0)
    def _():
        o_ref[...] = jnp.zeros_like(o_ref)

    o_ref[...] += mat


def _loss_tail(y4, mvs, v1, lgW, lgb, blk=2048):
    n, k = y4.shape
    grid = (pl.cdiv(n, blk),)
    lgw2 = jnp.concatenate([lgW.reshape(1, k),
                            jnp.full((1, k), lgb[0], jnp.float32)], axis=0)
    bs = lambda: pl.BlockSpec((blk, k), lambda i: (i, 0))
    out = pl.pallas_call(
        functools.partial(_loss_body, n=n, blk=blk), grid=grid,
        in_specs=[bs(), pl.BlockSpec((8, k), lambda i: (0, 0)), bs(),
                  pl.BlockSpec((2, k), lambda i: (0, 0))],
        out_specs=pl.BlockSpec((8, 128), lambda i: (0, 0)),
        out_shape=jax.ShapeDtypeStruct((8, 128), jnp.float32),
    )(y4, mvs, v1, lgw2)
    return out[0, 0]


def _mm2_body(a_ref, b_ref, wa_ref, wb_ref, bb_ref, w2_ref, b2_ref, o_ref):
    y = (jnp.dot(a_ref[...], wa_ref[...], preferred_element_type=jnp.float32)
         + jnp.dot(b_ref[...], wb_ref[...], preferred_element_type=jnp.float32)
         + bb_ref[...])
    t = jnp.where(y > 0, y, 0.1 * y)
    o_ref[...] = jnp.dot(t, w2_ref[...], preferred_element_type=jnp.float32) + b2_ref[...]


def _mm2(a, b, Wa, Wb, b1, W2, b2, blk=2048):
    n, k = a.shape
    grid = (pl.cdiv(n, blk),)
    bs = lambda: pl.BlockSpec((blk, k), lambda i: (i, 0))
    ws = lambda: pl.BlockSpec((k, k), lambda i: (0, 0))
    return pl.pallas_call(
        _mm2_body, grid=grid,
        in_specs=[bs(), bs(), ws(), ws(), pl.BlockSpec((1, k), lambda i: (0, 0)),
                  ws(), pl.BlockSpec((1, k), lambda i: (0, 0))],
        out_specs=bs(),
        out_shape=jax.ShapeDtypeStruct((n, k), jnp.float32),
    )(a, b, Wa, Wb, b1.reshape(1, -1), W2, b2.reshape(1, -1))


def _mm_lrelu_body(x_ref, w_ref, b_ref, o_ref):
    y = jnp.dot(x_ref[...], w_ref[...], preferred_element_type=jnp.float32) + b_ref[...]
    o_ref[...] = jnp.where(y > 0, y, 0.1 * y)


def _mm_lrelu(x, w, b, blk=2048):
    n, k = x.shape
    m = w.shape[1]
    grid = (pl.cdiv(n, blk),)
    return pl.pallas_call(
        _mm_lrelu_body,
        grid=grid,
        in_specs=[
            pl.BlockSpec((blk, k), lambda i: (i, 0)),
            pl.BlockSpec((k, m), lambda i: (0, 0)),
            pl.BlockSpec((1, m), lambda i: (0, 0)),
        ],
        out_specs=pl.BlockSpec((blk, m), lambda i: (i, 0)),
        out_shape=jax.ShapeDtypeStruct((n, m), jnp.float32),
    )(x, w, b.reshape(1, -1))


def kernel(features, partial_features, params, coors, coors_inv_last, coors_inv_scale):
    p = params

    def _lrelu(x):
        return jnp.where(x > 0, x, 0.1 * x)

    y1, st1 = _chain_step(features, p['v1_W1'], p['v1_b1'])
    y2, st2 = _chain_step(y1, p['v1_W2'], p['v1_b2'], mvs=st1)
    v1, y3, st3 = _chain_step(y2, p['v2_W1'], p['v2_b1'], mvs=st2,
                              res=features, emit_t=True)
    y4, st4 = _chain_step(y3, p['v2_W2'], p['v2_b2'], mvs=st3)
    feat, identity = _tail(y4, st4, v1, features, p['pi_W'], p['pi_b'])

    z1, s1 = _chain_step(partial_features, p['v1_W1'], p['v1_b1'])
    z2, s2 = _chain_step(z1, p['v1_W2'], p['v1_b2'], mvs=s1)
    u1, z3, s3 = _chain_step(z2, p['v2_W1'], p['v2_b1'], mvs=s2,
                             res=partial_features, emit_t=True)
    z4, s4 = _chain_step(z3, p['v2_W2'], p['v2_b2'], mvs=s3)
    loss_sum = _loss_tail(z4, s4, u1, p['lg_W'], p['lg_b'])
    loss = (loss_sum + (TOTAL - float(z4.shape[0])) * LOG2) / TOTAL

    n_max = feat.shape[0]
    key = (coors[:, 0] * (1 << 18) + (coors[:, 1] // 2) * (1 << 12)
           + (coors[:, 2] // 2) * (1 << 6) + (coors[:, 3] // 2))
    pres = jnp.zeros((1 << 19,), jnp.int32).at[key].set(1)
    ranks = jnp.cumsum(pres) - pres
    inv = ranks[key]

    cnt_seg = jnp.zeros((n_max, 1), jnp.float32).at[inv].add(1.0)
    sums = jnp.zeros((n_max, C), jnp.float32).at[inv].add(feat)
    down = sums / jnp.clip(cnt_seg, 1.0)
    seg_mask = (cnt_seg > 0).astype(jnp.float32)
    n_down_f = jnp.sum(seg_mask)

    def _bn_masked(x):
        m = jnp.sum(x * seg_mask, axis=0) / n_down_f
        v_ = jnp.sum(((x - m) ** 2) * seg_mask, axis=0) / n_down_f
        return (x - m) / jnp.sqrt(v_ + 1e-5)

    pp = _lrelu(down @ p['pp_W1'] + p['pp_b1'])
    pp = _bn_masked(pp)
    pp = _lrelu(pp @ p['pp_W2'] + p['pp_b2'])
    pp = _bn_masked(pp)
    pp = _lrelu(pp @ p['pp_W3'] + p['pp_b3'])
    A = p['po_W1'][:C]
    B = p['po_W1'][C:]
    lo50 = _mm2(identity, pp[inv], A, B, p['po_b1'], p['po_W2'], p['po_b2'])

    cl_pad = jnp.concatenate(
        [coors_inv_last, jnp.zeros((N_PTS_PAD - N_PTS,), jnp.int32)])
    cs_pad = jnp.concatenate(
        [coors_inv_scale, jnp.full((N_PTS_PAD - N_PTS,), N_SCALE, jnp.int32)])
    lo50_pad = jnp.concatenate([lo50, jnp.zeros((48, C), jnp.float32)], axis=0)
    zeros_h = jnp.zeros((784, C), jnp.float32)
    acc, cnt = _sk4(lo50_pad, cl_pad, cs_pad, zeros_h)
    p_fea = _combine(acc, cnt)
    out = _sk5(p_fea, cs_pad.reshape(ROWS_PTS, 128))
    return (out[:N_PTS], loss)

# --- scband reference (transcript-rebuilt; emitter-appended) ---
"""Pipeline reference for scband-spvblock-8469675508142 (READ-ONLY COPY).

The authoritative reference and input builder live on the scoring server;
editing this copy changes nothing except your own understanding.
"""

import jax, jax.numpy as jnp
import numpy as np

N_LAST = 50000
N_PARTIAL = 25000
N_POINTS = 100000
N_SCALE = 12500
C_IN = 128
C_OUT = 128
SCALE = 2
SPATIAL = (128, 128, 16)
BATCH = 2


def _init(key, shape, scale=0.02):
    return jax.random.normal(key, shape, dtype=jnp.float32) * scale


def _bn(x):
    m = jnp.mean(x, axis=0)
    v = jnp.var(x, axis=0)
    return (x - m) / jnp.sqrt(v + 1e-5)


def _lrelu(x):
    return jax.nn.leaky_relu(x, 0.1)


def _seg_mean(data, ids, n):
    s = jax.ops.segment_sum(data, ids, num_segments=n)
    c = jax.ops.segment_sum(jnp.ones((data.shape[0], 1), data.dtype), ids, num_segments=n)
    return s / jnp.clip(c, 1.0)


def _block(x, W1, b1, W2, b2):
    out = jax.nn.relu(_bn(x @ W1 + b1))
    out = _bn(out @ W2 + b2)
    return jax.nn.relu(out + x)


def setup_inputs(seed: int = 0) -> dict:
    key = jax.random.key(seed)
    ks = jax.random.split(key, 20)
    features = jax.random.normal(ks[0], (N_LAST, C_IN), dtype=jnp.float32)
    partial_features = jax.random.normal(ks[1], (N_PARTIAL, C_IN), dtype=jnp.float32)
    cb = jax.random.randint(ks[2], (N_LAST, 1), 0, BATCH)
    cx = jax.random.randint(ks[3], (N_LAST, 3), 0, 128)
    coors = jnp.concatenate([cb, cx], axis=1)
    coors_inv_last = jax.random.randint(ks[4], (N_POINTS,), 0, N_LAST)
    coors_inv_scale = jax.random.randint(ks[5], (N_POINTS,), 0, N_SCALE)
    params = {
        'v1_W1': _init(ks[6], (C_IN, C_OUT)), 'v1_b1': jnp.zeros((C_OUT,), jnp.float32),
        'v1_W2': _init(ks[7], (C_OUT, C_OUT)), 'v1_b2': jnp.zeros((C_OUT,), jnp.float32),
        'v2_W1': _init(ks[8], (C_OUT, C_OUT)), 'v2_b1': jnp.zeros((C_OUT,), jnp.float32),
        'v2_W2': _init(ks[9], (C_OUT, C_OUT)), 'v2_b2': jnp.zeros((C_OUT,), jnp.float32),
        'lg_W': _init(ks[10], (C_OUT, 1)), 'lg_b': jnp.zeros((1,), jnp.float32),
        'pi_W': _init(ks[11], (C_IN, C_OUT)), 'pi_b': jnp.zeros((C_OUT,), jnp.float32),
        'pp_W1': _init(ks[12], (C_IN, C_OUT // 2)), 'pp_b1': jnp.zeros((C_OUT // 2,), jnp.float32),
        'pp_W2': _init(ks[13], (C_OUT // 2, C_OUT // 2)), 'pp_b2': jnp.zeros((C_OUT // 2,), jnp.float32),
        'pp_W3': _init(ks[14], (C_OUT // 2, C_OUT)), 'pp_b3': jnp.zeros((C_OUT,), jnp.float32),
        'po_W1': _init(ks[15], (2 * C_OUT, C_OUT)), 'po_b1': jnp.zeros((C_OUT,), jnp.float32),
        'po_W2': _init(ks[16], (C_OUT, C_OUT)), 'po_b2': jnp.zeros((C_OUT,), jnp.float32),
    }
    return {'features': features, 'partial_features': partial_features, 'params': params,
            'coors': coors, 'coors_inv_last': coors_inv_last, 'coors_inv_scale': coors_inv_scale}


def reference(features, partial_features, params, coors, coors_inv_last, coors_inv_scale):
    p = params
    # v_enc on full and partial sparse tensors (submanifold convs ~ per-voxel linear residual blocks)
    v = _block(_block(features, p['v1_W1'], p['v1_b1'], p['v1_W2'], p['v1_b2']),
               p['v2_W1'], p['v2_b1'], p['v2_W2'], p['v2_b2'])
    vp = _block(_block(partial_features, p['v1_W1'], p['v1_b1'], p['v1_W2'], p['v1_b2']),
                p['v2_W1'], p['v2_b1'], p['v2_W2'], p['v2_b2'])
    # mae logits + dense BCEWithLogits computed analytically (empty cells contribute BCE(0,.)=log 2)
    logits = vp @ p['lg_W'] + p['lg_b']
    total = float(BATCH * SPATIAL[0] * SPATIAL[1] * SPATIAL[2])
    loss = (jnp.sum(jax.nn.softplus(-logits)) + (total - logits.shape[0]) * jnp.log(2.0)) / total
    # voxel features broadcast to points then pooled to next scale
    v_fea_inv = _seg_mean(v[coors_inv_last], coors_inv_scale, N_SCALE)  # used by next layer in data_dict
    # point_encoder
    feat = features + v
    key4 = jnp.concatenate([coors[:, 0:1], coors[:, 1:] // SCALE], axis=1)
    n_max = key4.shape[0]
    inv = jnp.unique(key4, axis=0, return_inverse=True, size=n_max, fill_value=0)[1].reshape(-1)
    n_down = inv.max() + 1
    n_down_f = n_down.astype(jnp.float32)
    seg_mask = (jnp.arange(n_max) < n_down).astype(jnp.float32)[:, None]

    def _bn_masked(x):
        m = jnp.sum(x * seg_mask, axis=0) / n_down_f
        v_ = jnp.sum(((x - m) ** 2) * seg_mask, axis=0) / n_down_f
        return (x - m) / jnp.sqrt(v_ + 1e-5)

    down = _seg_mean(feat, inv, n_max)
    identity = _lrelu(feat @ p['pi_W'] + p['pi_b'])
    pp = _lrelu(down @ p['pp_W1'] + p['pp_b1'])
    pp = _bn_masked(pp)
    pp = _lrelu(pp @ p['pp_W2'] + p['pp_b2'])
    pp = _bn_masked(pp)
    pp = _lrelu(pp @ p['pp_W3'] + p['pp_b3'])
    out = jnp.concatenate([identity, pp[inv]], axis=1)
    lo = _lrelu(out[coors_inv_last] @ p['po_W1'] + p['po_b1']) @ p['po_W2'] + p['po_b2']
    p_fea = _seg_mean(lo, coors_inv_scale, N_SCALE)
    _ = v_fea_inv  # carried in data_dict, not part of returned outputs
    return (p_fea[coors_inv_scale], loss)

if __name__ == "__main__":
    import jax
    _d = setup_inputs()
    print(jax.jit(kernel)(*tuple(_d.values())))

</pallas_src>

<mosaic_0001>
#map = affine_map<(d0, d1) -> (0, 0)>
#map1 = affine_map<(d0, d1) -> (0)>
module attributes {stable_mosaic.version = 14 : i64} {
  func.func @_sk4(%arg0: i32, %arg1: i32, %arg2: memref<50048x128xf32, #tpu.memory_space<hbm>>, %arg3: memref<102400xi32, #tpu.memory_space<hbm>>, %arg4: memref<102400xi32, #tpu.memory_space<hbm>>, %arg5: memref<784x128xf32, #tpu.memory_space<hbm>>, %arg6: memref<12544x128xf32, #tpu.memory_space<hbm>>, %arg7: memref<12544x128xf32, #tpu.memory_space<hbm>>, %arg8: memref<12544x128xf32, #tpu.memory_space<vmem_shared>>, %arg9: memref<2x64xi32, #tpu.memory_space<vmem>>, %arg10: memref<2x64xi32, #tpu.memory_space<vmem>>, %arg11: memref<2x64x128xf32, #tpu.memory_space<vmem>>, %arg12: memref<2x!tpu.dma_semaphore, #tpu.memory_space<semaphore_mem>>) attributes {dimension_semantics = [#tpu.dimension_semantics<core_parallel>, #tpu.dimension_semantics<subcore_parallel>], iteration_bounds = array<i64: 2, 16>, scalar_prefetch = 0 : i64, scratch_operands = 5 : i64, tpu.core_type = #tpu.core_type<sc_vector_subcore>, window_params = [{transform_indices = #map}, {transform_indices = #map1}, {transform_indices = #map1}, {transform_indices = #map}, {transform_indices = #map}, {transform_indices = #map}]} {
    %mul3A = arith.constant 784 : i32
    %mul3A_0 = arith.muli %arg1, %mul3A : i32
    "tpu.region"() ({
      %run_scoped3A = tpu.sem_alloc : memref<!tpu.dma_semaphore, #tpu.memory_space<semaphore_mem>>
      %dma_start3A = arith.constant 0 : i32
      %dma_start3A_28 = tpu.memref_slice %arg8[%mul3A_0, %dma_start3A] : memref<12544x128xf32, #tpu.memory_space<vmem_shared>> -> memref<784x128xf32, #tpu.memory_space<vmem_shared>>
      tpu.enqueue_dma source(%arg5 : memref<784x128xf32, #tpu.memory_space<hbm>>) target(%dma_start3A_28 : memref<784x128xf32, #tpu.memory_space<vmem_shared>>) target_semaphore(%run_scoped3A : memref<!tpu.dma_semaphore, #tpu.memory_space<semaphore_mem>>)
      %dma_wait3A = arith.constant 0 : i32
      %dma_wait3A_29 = tpu.memref_slice %arg8[%mul3A_0, %dma_wait3A] : memref<12544x128xf32, #tpu.memory_space<vmem_shared>> -> memref<784x128xf32, #tpu.memory_space<vmem_shared>>
      tpu.wait_dma2 semaphore(%run_scoped3A : memref<!tpu.dma_semaphore, #tpu.memory_space<semaphore_mem>>) src(%arg5 : memref<784x128xf32, #tpu.memory_space<hbm>>) dst(%dma_wait3A_29 : memref<784x128xf32, #tpu.memory_space<vmem_shared>>)
      tpu.yield
    }) : () -> ()
    %scan3A = arith.constant 0 : i32
    %scan3A_1 = arith.constant 0 : i32
    %scan3A_2 = arith.constant 0 : i32
    %scan3A_3 = arith.constant 64 : i32
    %scan3A_4 = arith.addi %scan3A_2, %scan3A_3 : i32
    %scan3A_5 = arith.constant 1 : i32
    %scan3A_6 = scf.for %scan3A_28 = %scan3A_2 to %scan3A_4 step %scan3A_5 iter_args(%scan3A_29 = %scan3A_1) -> (i32)  : i32 {
      %broadcast_in_dim3A = arith.constant 1.000000e+00 : f32
      %broadcast_in_dim3A_30 = vector.broadcast %broadcast_in_dim3A : f32 to vector<16xf32>
      %swap3A = arith.constant 0 : i32
      %swap3A_31 = arith.constant 0 : i32
      %swap3A_32 = tpu.memref_slice %arg11[%scan3A, %swap3A, %swap3A_31] : memref<2x64x128xf32, #tpu.memory_space<vmem>> -> memref<1x64x128xf32, #tpu.memory_space<vmem>>
      %swap3A_33 = tpu.memref_squeeze %swap3A_32 : memref<1x64x128xf32, #tpu.memory_space<vmem>> -> memref<64x128xf32, #tpu.memory_space<vmem>>
      %swap3A_34 = arith.index_cast %scan3A_28 : i32 to index
      %swap3A_35 = arith.constant 0 : index
      %swap3A_36 = tpu.vector_load %swap3A_33[%swap3A_34, %swap3A_35] {strides = array<i32>} : memref<64x128xf32, #tpu.memory_space<vmem>>, vector<1x16xf32>,
      %swap3A_37 = vector.shape_cast %swap3A_36 : vector<1x16xf32> to vector<16xf32>
      %swap3A_38 = vector.shape_cast %broadcast_in_dim3A_30 : vector<16xf32> to vector<1x16xf32>
      tpu.vector_store %swap3A_33[%swap3A_34, %swap3A_35], %swap3A_38 {strides = array<i32>} : memref<64x128xf32, #tpu.memory_space<vmem>>, vector<1x16xf32>,
      %broadcast_in_dim3A_39 = arith.constant 1.000000e+00 : f32
      %broadcast_in_dim3A_40 = vector.broadcast %broadcast_in_dim3A_39 : f32 to vector<16xf32>
      %swap3A_41 = arith.constant 0 : i32
      %swap3A_42 = arith.constant 0 : i32
      %swap3A_43 = tpu.memref_slice %arg11[%scan3A, %swap3A_41, %swap3A_42] : memref<2x64x128xf32, #tpu.memory_space<vmem>> -> memref<1x64x128xf32, #tpu.memory_space<vmem>>
      %swap3A_44 = tpu.memref_squeeze %swap3A_43 : memref<1x64x128xf32, #tpu.memory_space<vmem>> -> memref<64x128xf32, #tpu.memory_space<vmem>>
      %swap3A_45 = arith.index_cast %scan3A_28 : i32 to index
      %swap3A_46 = arith.constant 16 : index
      %swap3A_47 = tpu.vector_load %swap3A_44[%swap3A_45, %swap3A_46] {strides = array<i32>} : memref<64x128xf32, #tpu.memory_space<vmem>>, vector<1x16xf32>,
      %swap3A_48 = vector.shape_cast %swap3A_47 : vector<1x16xf32> to vector<16xf32>
      %swap3A_49 = vector.shape_cast %broadcast_in_dim3A_40 : vector<16xf32> to vector<1x16xf32>
      tpu.vector_store %swap3A_44[%swap3A_45, %swap3A_46], %swap3A_49 {strides = array<i32>} : memref<64x128xf32, #tpu.memory_space<vmem>>, vector<1x16xf32>,
      %broadcast_in_dim3A_50 = arith.constant 1.000000e+00 : f32
      %broadcast_in_dim3A_51 = vector.broadcast %broadcast_in_dim3A_50 : f32 to vector<16xf32>
      %swap3A_52 = arith.constant 0 : i32
      %swap3A_53 = arith.constant 0 : i32
      %swap3A_54 = tpu.memref_slice %arg11[%scan3A, %swap3A_52, %swap3A_53] : memref<2x64x128xf32, #tpu.memory_space<vmem>> -> memref<1x64x128xf32, #tpu.memory_space<vmem>>
      %swap3A_55 = tpu.memref_squeeze %swap3A_54 : memref<1x64x128xf32, #tpu.memory_space<vmem>> -> memref<64x128xf32, #tpu.memory_space<vmem>>
      %swap3A_56 = arith.index_cast %scan3A_28 : i32 to index
      %swap3A_57 = arith.constant 32 : index
      %swap3A_58 = tpu.vector_load %swap3A_55[%swap3A_56, %swap3A_57] {strides = array<i32>} : memref<64x128xf32, #tpu.memory_space<vmem>>, vector<1x16xf32>,
      %swap3A_59 = vector.shape_cast %swap3A_58 : vector<1x16xf32> to vector<16xf32>
      %swap3A_60 = vector.shape_cast %broadcast_in_dim3A_51 : vector<16xf32> to vector<1x16xf32>
      tpu.vector_store %swap3A_55[%swap3A_56, %swap3A_57], %swap3A_60 {strides = array<i32>} : memref<64x128xf32, #tpu.memory_space<vmem>>, vector<1x16xf32>,
      %broadcast_in_dim3A_61 = arith.constant 1.000000e+00 : f32
      %broadcast_in_dim3A_62 = vector.broadcast %broadcast_in_dim3A_61 : f32 to vector<16xf32>
      %swap3A_63 = arith.constant 0 : i32
      %swap3A_64 = arith.constant 0 : i32
      %swap3A_65 = tpu.memref_slice %arg11[%scan3A, %swap3A_63, %swap3A_64] : memref<2x64x128xf32, #tpu.memory_space<vmem>> -> memref<1x64x128xf32, #tpu.memory_space<vmem>>
      %swap3A_66 = tpu.memref_squeeze %swap3A_65 : memref<1x64x128xf32, #tpu.memory_space<vmem>> -> memref<64x128xf32, #tpu.memory_space<vmem>>
      %swap3A_67 = arith.index_cast %scan3A_28 : i32 to index
      %swap3A_68 = arith.constant 48 : index
      %swap3A_69 = tpu.vector_load %swap3A_66[%swap3A_67, %swap3A_68] {strides = array<i32>} : memref<64x128xf32, #tpu.memory_space<vmem>>, vector<1x16xf32>,
      %swap3A_70 = vector.shape_cast %swap3A_69 : vector<1x16xf32> to vector<16xf32>
      %swap3A_71 = vector.shape_cast %broadcast_in_dim3A_62 : vector<16xf32> to vector<1x16xf32>
      tpu.vector_store %swap3A_66[%swap3A_67, %swap3A_68], %swap3A_71 {strides = array<i32>} : memref<64x128xf32, #tpu.memory_space<vmem>>, vector<1x16xf32>,
      %broadcast_in_dim3A_72 = arith.constant 1.000000e+00 : f32
      %broadcast_in_dim3A_73 = vector.broadcast %broadcast_in_dim3A_72 : f32 to vector<16xf32>
      %swap3A_74 = arith.constant 0 : i32
      %swap3A_75 = arith.constant 0 : i32
      %swap3A_76 = tpu.memref_slice %arg11[%scan3A, %swap3A_74, %swap3A_75] : memref<2x64x128xf32, #tpu.memory_space<vmem>> -> memref<1x64x128xf32, #tpu.memory_space<vmem>>
      %swap3A_77 = tpu.memref_squeeze %swap3A_76 : memref<1x64x128xf32, #tpu.memory_space<vmem>> -> memref<64x128xf32, #tpu.memory_space<vmem>>
      %swap3A_78 = arith.index_cast %scan3A_28 : i32 to index
      %swap3A_79 = arith.constant 64 : index
      %swap3A_80 = tpu.vector_load %swap3A_77[%swap3A_78, %swap3A_79] {strides = array<i32>} : memref<64x128xf32, #tpu.memory_space<vmem>>, vector<1x16xf32>,
      %swap3A_81 = vector.shape_cast %swap3A_80 : vector<1x16xf32> to vector<16xf32>
      %swap3A_82 = vector.shape_cast %broadcast_in_dim3A_73 : vector<16xf32> to vector<1x16xf32>
      tpu.vector_store %swap3A_77[%swap3A_78, %swap3A_79], %swap3A_82 {strides = array<i32>} : memref<64x128xf32, #tpu.memory_space<vmem>>, vector<1x16xf32>,
      %broadcast_in_dim3A_83 = arith.constant 1.000000e+00 : f32
      %broadcast_in_dim3A_84 = vector.broadcast %broadcast_in_dim3A_83 : f32 to vector<16xf32>
      %swap3A_85 = arith.constant 0 : i32
      %swap3A_86 = arith.constant 0 : i32
      %swap3A_87 = tpu.memref_slice %arg11[%scan3A, %swap3A_85, %swap3A_86] : memref<2x64x128xf32, #tpu.memory_space<vmem>> -> memref<1x64x128xf32, #tpu.memory_space<vmem>>
      %swap3A_88 = tpu.memref_squeeze %swap3A_87 : memref<1x64x128xf32, #tpu.memory_space<vmem>> -> memref<64x128xf32, #tpu.memory_space<vmem>>
      %swap3A_89 = arith.index_cast %scan3A_28 : i32 to index
      %swap3A_90 = arith.constant 80 : index
      %swap3A_91 = tpu.vector_load %swap3A_88[%swap3A_89, %swap3A_90] {strides = array<i32>} : memref<64x128xf32, #tpu.memory_space<vmem>>, vector<1x16xf32>,
      %swap3A_92 = vector.shape_cast %swap3A_91 : vector<1x16xf32> to vector<16xf32>
      %swap3A_93 = vector.shape_cast %broadcast_in_dim3A_84 : vector<16xf32> to vector<1x16xf32>
      tpu.vector_store %swap3A_88[%swap3A_89, %swap3A_90], %swap3A_93 {strides = array<i32>} : memref<64x128xf32, #tpu.memory_space<vmem>>, vector<1x16xf32>,
      %broadcast_in_dim3A_94 = arith.constant 1.000000e+00 : f32
      %broadcast_in_dim3A_95 = vector.broadcast %broadcast_in_dim3A_94 : f32 to vector<16xf32>
      %swap3A_96 = arith.constant 0 : i32
      %swap3A_97 = arith.constant 0 : i32
      %swap3A_98 = tpu.memref_slice %arg11[%scan3A, %swap3A_96, %swap3A_97] : memref<2x64x128xf32, #tpu.memory_space<vmem>> -> memref<1x64x128xf32, #tpu.memory_space<vmem>>
      %swap3A_99 = tpu.memref_squeeze %swap3A_98 : memref<1x64x128xf32, #tpu.memory_space<vmem>> -> memref<64x128xf32, #tpu.memory_space<vmem>>
      %swap3A_100 = arith.index_cast %scan3A_28 : i32 to index
      %swap3A_101 = arith.constant 96 : index
      %swap3A_102 = tpu.vector_load %swap3A_99[%swap3A_100, %swap3A_101] {strides = array<i32>} : memref<64x128xf32, #tpu.memory_space<vmem>>, vector<1x16xf32>,
      %swap3A_103 = vector.shape_cast %swap3A_102 : vector<1x16xf32> to vector<16xf32>
      %swap3A_104 = vector.shape_cast %broadcast_in_dim3A_95 : vector<16xf32> to vector<1x16xf32>
      tpu.vector_store %swap3A_99[%swap3A_100, %swap3A_101], %swap3A_104 {strides = array<i32>} : memref<64x128xf32, #tpu.memory_space<vmem>>, vector<1x16xf32>,
      %broadcast_in_dim3A_105 = arith.constant 1.000000e+00 : f32
      %broadcast_in_dim3A_106 = vector.broadcast %broadcast_in_dim3A_105 : f32 to vector<16xf32>
      %swap3A_107 = arith.constant 0 : i32
      %swap3A_108 = arith.constant 0 : i32
      %swap3A_109 = tpu.memref_slice %arg11[%scan3A, %swap3A_107, %swap3A_108] : memref<2x64x128xf32, #tpu.memory_space<vmem>> -> memref<1x64x128xf32, #tpu.memory_space<vmem>>
      %swap3A_110 = tpu.memref_squeeze %swap3A_109 : memref<1x64x128xf32, #tpu.memory_space<vmem>> -> memref<64x128xf32, #tpu.memory_space<vmem>>
      %swap3A_111 = arith.index_cast %scan3A_28 : i32 to index
      %swap3A_112 = arith.constant 112 : index
      %swap3A_113 = tpu.vector_load %swap3A_110[%swap3A_111, %swap3A_112] {strides = array<i32>} : memref<64x128xf32, #tpu.memory_space<vmem>>, vector<1x16xf32>,
      %swap3A_114 = vector.shape_cast %swap3A_113 : vector<1x16xf32> to vector<16xf32>
      %swap3A_115 = vector.shape_cast %broadcast_in_dim3A_106 : vector<16xf32> to vector<1x16xf32>
      tpu.vector_store %swap3A_110[%swap3A_111, %swap3A_112], %swap3A_115 {strides = array<i32>} : memref<64x128xf32, #tpu.memory_space<vmem>>, vector<1x16xf32>,
      %scan3A_116 = arith.constant 0 : i32
      scf.yield %scan3A_116 : i32
    }
    %scan3A_7 = arith.constant 64 : i32
    %barrier3A = arith.constant 0 : index
    tpu.barrier barrier_id(%barrier3A)
    %mul3A_8 = arith.constant 6400 : i32
    %mul3A_9 = arith.muli %arg1, %mul3A_8 : i32
    %eq3A = arith.constant 0 : i32
    %eq3A_10 = arith.cmpi eq, %arg0, %eq3A : i32
    %convert_element_type3A = arith.extui %eq3A_10 : i1 to i32
    %cond3A = arith.constant 0 : i32
    %cond3A_11 = arith.cmpi ne, %convert_element_type3A, %cond3A : i32
    scf.if %cond3A_11 {
      %add3A = arith.constant 0 : i32
      %add3A_28 = arith.addi %mul3A_9, %add3A : i32
      %run_scoped3A = arith.constant 0 : i32
      "tpu.region"() ({
        %run_scoped3A_53 = tpu.sem_alloc : memref<!tpu.dma_semaphore, #tpu.memory_space<semaphore_mem>>
        %dma_start3A_54 = arith.constant 0 : i32
        %dma_start3A_55 = tpu.memref_slice %arg9[%run_scoped3A, %dma_start3A_54] : memref<2x64xi32, #tpu.memory_space<vmem>> -> memref<1x64xi32, #tpu.memory_space<vmem>>
        %dma_start3A_56 = tpu.memref_squeeze %dma_start3A_55 : memref<1x64xi32, #tpu.memory_space<vmem>> -> memref<64xi32, #tpu.memory_space<vmem>>
        %dma_start3A_57 = tpu.memref_slice %arg3[%add3A_28] : memref<102400xi32, #tpu.memory_space<hbm>> -> memref<64xi32, #tpu.memory_space<hbm>>
        %dma_start3A_58 = arith.constant 0 : i32
        %dma_start3A_59 = tpu.memref_slice %arg9[%run_scoped3A, %dma_start3A_58] : memref<2x64xi32, #tpu.memory_space<vmem>> -> memref<1x64xi32, #tpu.memory_space<vmem>>
        %dma_start3A_60 = tpu.memref_squeeze %dma_start3A_59 : memref<1x64xi32, #tpu.memory_space<vmem>> -> memref<64xi32, #tpu.memory_space<vmem>>
        %dma_start3A_61 = tpu.memref_slice %arg3[%add3A_28] : memref<102400xi32, #tpu.memory_space<hbm>> -> memref<64xi32, #tpu.memory_space<hbm>>
        tpu.enqueue_dma source(%dma_start3A_61 : memref<64xi32, #tpu.memory_space<hbm>>) target(%dma_start3A_60 : memref<64xi32, #tpu.memory_space<vmem>>) target_semaphore(%run_scoped3A_53 : memref<!tpu.dma_semaphore, #tpu.memory_space<semaphore_mem>>)
        %dma_wait3A = arith.constant 0 : i32
        %dma_wait3A_62 = tpu.memref_slice %arg9[%run_scoped3A, %dma_wait3A] : memref<2x64xi32, #tpu.memory_space<vmem>> -> memref<1x64xi32, #tpu.memory_space<vmem>>
        %dma_wait3A_63 = tpu.memref_squeeze %dma_wait3A_62 : memref<1x64xi32, #tpu.memory_space<vmem>> -> memref<64xi32, #tpu.memory_space<vmem>>
        %dma_wait3A_64 = tpu.memref_slice %arg3[%add3A_28] : memref<102400xi32, #tpu.memory_space<hbm>> -> memref<64xi32, #tpu.memory_space<hbm>>
        %dma_wait3A_65 = arith.constant 0 : i32
        %dma_wait3A_66 = tpu.memref_slice %arg9[%run_scoped3A, %dma_wait3A_65] : memref<2x64xi32, #tpu.memory_space<vmem>> -> memref<1x64xi32, #tpu.memory_space<vmem>>
        %dma_wait3A_67 = tpu.memref_squeeze %dma_wait3A_66 : memref<1x64xi32, #tpu.memory_space<vmem>> -> memref<64xi32, #tpu.memory_space<vmem>>
        %dma_wait3A_68 = tpu.memref_slice %arg3[%add3A_28] : memref<102400xi32, #tpu.memory_space<hbm>> -> memref<64xi32, #tpu.memory_space<hbm>>
        tpu.wait_dma2 semaphore(%run_scoped3A_53 : memref<!tpu.dma_semaphore, #tpu.memory_space<semaphore_mem>>) src(%dma_wait3A_68 : memref<64xi32, #tpu.memory_space<hbm>>) dst(%dma_wait3A_67 : memref<64xi32, #tpu.memory_space<vmem>>)
        tpu.yield
      }) : () -> ()
      %add3A_29 = arith.constant 0 : i32
      %add3A_30 = arith.addi %mul3A_9, %add3A_29 : i32
      %run_scoped3A_31 = arith.constant 0 : i32
      "tpu.region"() ({
        %run_scoped3A_53 = tpu.sem_alloc : memref<!tpu.dma_semaphore, #tpu.memory_space<semaphore_mem>>
        %dma_start3A_54 = arith.constant 0 : i32
        %dma_start3A_55 = tpu.memref_slice %arg10[%run_scoped3A_31, %dma_start3A_54] : memref<2x64xi32, #tpu.memory_space<vmem>> -> memref<1x64xi32, #tpu.memory_space<vmem>>
        %dma_start3A_56 = tpu.memref_squeeze %dma_start3A_55 : memref<1x64xi32, #tpu.memory_space<vmem>> -> memref<64xi32, #tpu.memory_space<vmem>>
        %dma_start3A_57 = tpu.memref_slice %arg4[%add3A_30] : memref<102400xi32, #tpu.memory_space<hbm>> -> memref<64xi32, #tpu.memory_space<hbm>>
        %dma_start3A_58 = arith.constant 0 : i32
        %dma_start3A_59 = tpu.memref_slice %arg10[%run_scoped3A_31, %dma_start3A_58] : memref<2x64xi32, #tpu.memory_space<vmem>> -> memref<1x64xi32, #tpu.memory_space<vmem>>
        %dma_start3A_60 = tpu.memref_squeeze %dma_start3A_59 : memref<1x64xi32, #tpu.memory_space<vmem>> -> memref<64xi32, #tpu.memory_space<vmem>>
        %dma_start3A_61 = tpu.memref_slice %arg4[%add3A_30] : memref<102400xi32, #tpu.memory_space<hbm>> -> memref<64xi32, #tpu.memory_space<hbm>>
        tpu.enqueue_dma source(%dma_start3A_61 : memref<64xi32, #tpu.memory_space<hbm>>) target(%dma_start3A_60 : memref<64xi32, #tpu.memory_space<vmem>>) target_semaphore(%run_scoped3A_53 : memref<!tpu.dma_semaphore, #tpu.memory_space<semaphore_mem>>)
        %dma_wait3A = arith.constant 0 : i32
        %dma_wait3A_62 = tpu.memref_slice %arg10[%run_scoped3A_31, %dma_wait3A] : memref<2x64xi32, #tpu.memory_space<vmem>> -> memref<1x64xi32, #tpu.memory_space<vmem>>
        %dma_wait3A_63 = tpu.memref_squeeze %dma_wait3A_62 : memref<1x64xi32, #tpu.memory_space<vmem>> -> memref<64xi32, #tpu.memory_space<vmem>>
        %dma_wait3A_64 = tpu.memref_slice %arg4[%add3A_30] : memref<102400xi32, #tpu.memory_space<hbm>> -> memref<64xi32, #tpu.memory_space<hbm>>
        %dma_wait3A_65 = arith.constant 0 : i32
        %dma_wait3A_66 = tpu.memref_slice %arg10[%run_scoped3A_31, %dma_wait3A_65] : memref<2x64xi32, #tpu.memory_space<vmem>> -> memref<1x64xi32, #tpu.memory_space<vmem>>
        %dma_wait3A_67 = tpu.memref_squeeze %dma_wait3A_66 : memref<1x64xi32, #tpu.memory_space<vmem>> -> memref<64xi32, #tpu.memory_space<vmem>>
        %dma_wait3A_68 = tpu.memref_slice %arg4[%add3A_30] : memref<102400xi32, #tpu.memory_space<hbm>> -> memref<64xi32, #tpu.memory_space<hbm>>
        tpu.wait_dma2 semaphore(%run_scoped3A_53 : memref<!tpu.dma_semaphore, #tpu.memory_space<semaphore_mem>>) src(%dma_wait3A_68 : memref<64xi32, #tpu.memory_space<hbm>>) dst(%dma_wait3A_67 : memref<64xi32, #tpu.memory_space<vmem>>)
        tpu.yield
      }) : () -> ()
      %dma_start3A = arith.constant 0 : i32
      %dma_start3A_32 = arith.constant 0 : i32
      %dma_start3A_33 = arith.constant 0 : i32
      %dma_start3A_34 = arith.constant 0 : i32
      %dma_start3A_35 = arith.constant 0 : i32
      %dma_start3A_36 = tpu.memref_slice %arg11[%dma_start3A_32, %dma_start3A_34, %dma_start3A_35] : memref<2x64x128xf32, #tpu.memory_space<vmem>> -> memref<1x64x128xf32, #tpu.memory_space<vmem>>
      %dma_start3A_37 = tpu.memref_squeeze %dma_start3A_36 : memref<1x64x128xf32, #tpu.memory_space<vmem>> -> memref<64x128xf32, #tpu.memory_space<vmem>>
      %dma_start3A_38 = arith.constant 0 : i32
      %dma_start3A_39 = tpu.memref_slice %arg9[%dma_start3A, %dma_start3A_38] : memref<2x64xi32, #tpu.memory_space<vmem>> -> memref<1x64xi32, #tpu.memory_space<vmem>>
      %dma_start3A_40 = tpu.memref_squeeze %dma_start3A_39 : memref<1x64xi32, #tpu.memory_space<vmem>> -> memref<64xi32, #tpu.memory_space<vmem>>
      %dma_start3A_41 = arith.constant 0 : i32
      %dma_start3A_42 = arith.constant 0 : i32
      %dma_start3A_43 = tpu.memref_slice %arg2[%dma_start3A_41, %dma_start3A_42] : memref<50048x128xf32, #tpu.memory_space<hbm>> -> memref<50048x128xf32, #tpu.memory_space<hbm>>
      %dma_start3A_44 = tpu.memref_slice %arg12[%dma_start3A_33] : memref<2x!tpu.dma_semaphore, #tpu.memory_space<semaphore_mem>> -> memref<1x!tpu.dma_semaphore, #tpu.memory_space<semaphore_mem>>
      %dma_start3A_45 = tpu.memref_squeeze %dma_start3A_44 : memref<1x!tpu.dma_semaphore, #tpu.memory_space<semaphore_mem>> -> memref<!tpu.dma_semaphore, #tpu.memory_space<semaphore_mem>>
      tpu.enqueue_indirect_dma source(%dma_start3A_43 : memref<50048x128xf32, #tpu.memory_space<hbm>>) target(%dma_start3A_37 : memref<64x128xf32, #tpu.memory_space<vmem>>) offsets(%dma_start3A_40 : memref<64xi32, #tpu.memory_space<vmem>>) semaphore(%dma_start3A_45 : memref<!tpu.dma_semaphore, #tpu.memory_space<semaphore_mem>>)
      %scan3A_46 = arith.constant 0 : i32
      %scan3A_47 = arith.constant 0 : i32
      %scan3A_48 = arith.constant 100 : i32
      %scan3A_49 = arith.addi %scan3A_47, %scan3A_48 : i32
      %scan3A_50 = arith.constant 1 : i32
      %scan3A_51 = scf.for %scan3A_53 = %scan3A_47 to %scan3A_49 step %scan3A_50 iter_args(%scan3A_54 = %scan3A_46) -> (i32)  : i32 {
        %jit3A = arith.constant 2 : i32
        %eq3A_55 = arith.constant 0 : i32
        %eq3A_56 = arith.cmpi eq, %jit3A, %eq3A_55 : i32
        %jit3A_57 = arith.constant 1 : i32
        %select_n3A = arith.select %eq3A_56, %jit3A_57, %jit3A : i32
        %rem3A = arith.remsi %scan3A_53, %select_n3A : i32
        %ne3A = arith.constant 0 : i32
        %ne3A_58 = arith.cmpi ne, %rem3A, %ne3A : i32
        %lt3A = arith.constant 0 : i32
        %lt3A_59 = arith.cmpi slt, %rem3A, %lt3A : i32
        %lt3A_60 = arith.constant 0 : i32
        %lt3A_61 = arith.cmpi slt, %select_n3A, %lt3A_60 : i32
        %ne3A_62 = arith.xori %lt3A_59, %lt3A_61 : i1
        %and3A = arith.andi %ne3A_62, %ne3A_58 : i1
        %add3A_63 = arith.addi %rem3A, %select_n3A : i32
        %select_n3A_64 = arith.select %and3A, %add3A_63, %rem3A : i32
        %add3A_65 = arith.constant 1 : i32
        %add3A_66 = arith.addi %scan3A_53, %add3A_65 : i32
        %lt3A_67 = arith.constant 100 : i32
        %lt3A_68 = arith.cmpi slt, %add3A_66, %lt3A_67 : i32
        %convert_element_type3A_69 = arith.extui %lt3A_68 : i1 to i32
        %cond3A_70 = arith.constant 0 : i32
        %cond3A_71 = arith.cmpi ne, %convert_element_type3A_69, %cond3A_70 : i32
        scf.if %cond3A_71 {
          %add3A_84 = arith.constant 1 : i32
          %add3A_85 = arith.addi %scan3A_53, %add3A_84 : i32
          %jit3A_86 = arith.constant 2 : i32
          %eq3A_87 = arith.constant 0 : i32
          %eq3A_88 = arith.cmpi eq, %jit3A_86, %eq3A_87 : i32
          %jit3A_89 = arith.constant 1 : i32
          %select_n3A_90 = arith.select %eq3A_88, %jit3A_89, %jit3A_86 : i32
          %rem3A_91 = arith.remsi %add3A_85, %select_n3A_90 : i32
          %ne3A_92 = arith.constant 0 : i32
          %ne3A_93 = arith.cmpi ne, %rem3A_91, %ne3A_92 : i32
          %lt3A_94 = arith.constant 0 : i32
          %lt3A_95 = arith.cmpi slt, %rem3A_91, %lt3A_94 : i32
          %lt3A_96 = arith.constant 0 : i32
          %lt3A_97 = arith.cmpi slt, %select_n3A_90, %lt3A_96 : i32
          %ne3A_98 = arith.xori %lt3A_95, %lt3A_97 : i1
          %and3A_99 = arith.andi %ne3A_98, %ne3A_93 : i1
          %add3A_100 = arith.addi %rem3A_91, %select_n3A_90 : i32
          %select_n3A_101 = arith.select %and3A_99, %add3A_100, %rem3A_91 : i32
          %mul3A_102 = arith.constant 64 : i32
          %mul3A_103 = arith.muli %add3A_85, %mul3A_102 : i32
          %add3A_104 = arith.addi %mul3A_9, %mul3A_103 : i32
          "tpu.region"() ({
            %run_scoped3A_120 = tpu.sem_alloc : memref<!tpu.dma_semaphore, #tpu.memory_space<semaphore_mem>>
            %dma_start3A_121 = arith.constant 0 : i32
            %dma_start3A_122 = tpu.memref_slice %arg9[%select_n3A_101, %dma_start3A_121] : memref<2x64xi32, #tpu.memory_space<vmem>> -> memref<1x64xi32, #tpu.memory_space<vmem>>
            %dma_start3A_123 = tpu.memref_squeeze %dma_start3A_122 : memref<1x64xi32, #tpu.memory_space<vmem>> -> memref<64xi32, #tpu.memory_space<vmem>>
            %dma_start3A_124 = tpu.memref_slice %arg3[%add3A_104] : memref<102400xi32, #tpu.memory_space<hbm>> -> memref<64xi32, #tpu.memory_space<hbm>>
            %dma_start3A_125 = arith.constant 0 : i32
            %dma_start3A_126 = tpu.memref_slice %arg9[%select_n3A_101, %dma_start3A_125] : memref<2x64xi32, #tpu.memory_space<vmem>> -> memref<1x64xi32, #tpu.memory_space<vmem>>
            %dma_start3A_127 = tpu.memref_squeeze %dma_start3A_126 : memref<1x64xi32, #tpu.memory_space<vmem>> -> memref<64xi32, #tpu.memory_space<vmem>>
            %dma_start3A_128 = tpu.memref_slice %arg3[%add3A_104] : memref<102400xi32, #tpu.memory_space<hbm>> -> memref<64xi32, #tpu.memory_space<hbm>>
            tpu.enqueue_dma source(%dma_start3A_128 : memref<64xi32, #tpu.memory_space<hbm>>) target(%dma_start3A_127 : memref<64xi32, #tpu.memory_space<vmem>>) target_semaphore(%run_scoped3A_120 : memref<!tpu.dma_semaphore, #tpu.memory_space<semaphore_mem>>)
            %dma_wait3A_129 = arith.constant 0 : i32
            %dma_wait3A_130 = tpu.memref_slice %arg9[%select_n3A_101, %dma_wait3A_129] : memref<2x64xi32, #tpu.memory_space<vmem>> -> memref<1x64xi32, #tpu.memory_space<vmem>>
            %dma_wait3A_131 = tpu.memref_squeeze %dma_wait3A_130 : memref<1x64xi32, #tpu.memory_space<vmem>> -> memref<64xi32, #tpu.memory_space<vmem>>
            %dma_wait3A_132 = tpu.memref_slice %arg3[%add3A_104] : memref<102400xi32, #tpu.memory_space<hbm>> -> memref<64xi32, #tpu.memory_space<hbm>>
            %dma_wait3A_133 = arith.constant 0 : i32
            %dma_wait3A_134 = tpu.memref_slice %arg9[%select_n3A_101, %dma_wait3A_133] : memref<2x64xi32, #tpu.memory_space<vmem>> -> memref<1x64xi32, #tpu.memory_space<vmem>>
            %dma_wait3A_135 = tpu.memref_squeeze %dma_wait3A_134 : memref<1x64xi32, #tpu.memory_space<vmem>> -> memref<64xi32, #tpu.memory_space<vmem>>
            %dma_wait3A_136 = tpu.memref_slice %arg3[%add3A_104] : memref<102400xi32, #tpu.memory_space<hbm>> -> memref<64xi32, #tpu.memory_space<hbm>>
            tpu.wait_dma2 semaphore(%run_scoped3A_120 : memref<!tpu.dma_semaphore, #tpu.memory_space<semaphore_mem>>) src(%dma_wait3A_136 : memref<64xi32, #tpu.memory_space<hbm>>) dst(%dma_wait3A_135 : memref<64xi32, #tpu.memory_space<vmem>>)
            tpu.yield
          }) : () -> ()
          %mul3A_105 = arith.constant 64 : i32
          %mul3A_106 = arith.muli %add3A_85, %mul3A_105 : i32
          %add3A_107 = arith.addi %mul3A_9, %mul3A_106 : i32
          "tpu.region"() ({
            %run_scoped3A_120 = tpu.sem_alloc : memref<!tpu.dma_semaphore, #tpu.memory_space<semaphore_mem>>
            %dma_start3A_121 = arith.constant 0 : i32
            %dma_start3A_122 = tpu.memref_slice %arg10[%select_n3A_101, %dma_start3A_121] : memref<2x64xi32, #tpu.memory_space<vmem>> -> memref<1x64xi32, #tpu.memory_space<vmem>>
            %dma_start3A_123 = tpu.memref_squeeze %dma_start3A_122 : memref<1x64xi32, #tpu.memory_space<vmem>> -> memref<64xi32, #tpu.memory_space<vmem>>
            %dma_start3A_124 = tpu.memref_slice %arg4[%add3A_107] : memref<102400xi32, #tpu.memory_space<hbm>> -> memref<64xi32, #tpu.memory_space<hbm>>
            %dma_start3A_125 = arith.constant 0 : i32
            %dma_start3A_126 = tpu.memref_slice %arg10[%select_n3A_101, %dma_start3A_125] : memref<2x64xi32, #tpu.memory_space<vmem>> -> memref<1x64xi32, #tpu.memory_space<vmem>>
            %dma_start3A_127 = tpu.memref_squeeze %dma_start3A_126 : memref<1x64xi32, #tpu.memory_space<vmem>> -> memref<64xi32, #tpu.memory_space<vmem>>
            %dma_start3A_128 = tpu.memref_slice %arg4[%add3A_107] : memref<102400xi32, #tpu.memory_space<hbm>> -> memref<64xi32, #tpu.memory_space<hbm>>
            tpu.enqueue_dma source(%dma_start3A_128 : memref<64xi32, #tpu.memory_space<hbm>>) target(%dma_start3A_127 : memref<64xi32, #tpu.memory_space<vmem>>) target_semaphore(%run_scoped3A_120 : memref<!tpu.dma_semaphore, #tpu.memory_space<semaphore_mem>>)
            %dma_wait3A_129 = arith.constant 0 : i32
            %dma_wait3A_130 = tpu.memref_slice %arg10[%select_n3A_101, %dma_wait3A_129] : memref<2x64xi32, #tpu.memory_space<vmem>> -> memref<1x64xi32, #tpu.memory_space<vmem>>
            %dma_wait3A_131 = tpu.memref_squeeze %dma_wait3A_130 : memref<1x64xi32, #tpu.memory_space<vmem>> -> memref<64xi32, #tpu.memory_space<vmem>>
            %dma_wait3A_132 = tpu.memref_slice %arg4[%add3A_107] : memref<102400xi32, #tpu.memory_space<hbm>> -> memref<64xi32, #tpu.memory_space<hbm>>
            %dma_wait3A_133 = arith.constant 0 : i32
            %dma_wait3A_134 = tpu.memref_slice %arg10[%select_n3A_101, %dma_wait3A_133] : memref<2x64xi32, #tpu.memory_space<vmem>> -> memref<1x64xi32, #tpu.memory_space<vmem>>
            %dma_wait3A_135 = tpu.memref_squeeze %dma_wait3A_134 : memref<1x64xi32, #tpu.memory_space<vmem>> -> memref<64xi32, #tpu.memory_space<vmem>>
            %dma_wait3A_136 = tpu.memref_slice %arg4[%add3A_107] : memref<102400xi32, #tpu.memory_space<hbm>> -> memref<64xi32, #tpu.memory_space<hbm>>
            tpu.wait_dma2 semaphore(%run_scoped3A_120 : memref<!tpu.dma_semaphore, #tpu.memory_space<semaphore_mem>>) src(%dma_wait3A_136 : memref<64xi32, #tpu.memory_space<hbm>>) dst(%dma_wait3A_135 : memref<64xi32, #tpu.memory_space<vmem>>)
            tpu.yield
          }) : () -> ()
          %dma_start3A_108 = arith.constant 0 : i32
          %dma_start3A_109 = arith.constant 0 : i32
          %dma_start3A_110 = tpu.memref_slice %arg11[%select_n3A_101, %dma_start3A_108, %dma_start3A_109] : memref<2x64x128xf32, #tpu.memory_space<vmem>> -> memref<1x64x128xf32, #tpu.memory_space<vmem>>
          %dma_start3A_111 = tpu.memref_squeeze %dma_start3A_110 : memref<1x64x128xf32, #tpu.memory_space<vmem>> -> memref<64x128xf32, #tpu.memory_space<vmem>>
          %dma_start3A_112 = arith.constant 0 : i32
          %dma_start3A_113 = tpu.memref_slice %arg9[%select_n3A_101, %dma_start3A_112] : memref<2x64xi32, #tpu.memory_space<vmem>> -> memref<1x64xi32, #tpu.memory_space<vmem>>
          %dma_start3A_114 = tpu.memref_squeeze %dma_start3A_113 : memref<1x64xi32, #tpu.memory_space<vmem>> -> memref<64xi32, #tpu.memory_space<vmem>>
          %dma_start3A_115 = arith.constant 0 : i32
          %dma_start3A_116 = arith.constant 0 : i32
          %dma_start3A_117 = tpu.memref_slice %arg2[%dma_start3A_115, %dma_start3A_116] : memref<50048x128xf32, #tpu.memory_space<hbm>> -> memref<50048x128xf32, #tpu.memory_space<hbm>>
          %dma_start3A_118 = tpu.memref_slice %arg12[%select_n3A_101] : memref<2x!tpu.dma_semaphore, #tpu.memory_space<semaphore_mem>> -> memref<1x!tpu.dma_semaphore, #tpu.memory_space<semaphore_mem>>
          %dma_start3A_119 = tpu.memref_squeeze %dma_start3A_118 : memref<1x!tpu.dma_semaphore, #tpu.memory_space<semaphore_mem>> -> memref<!tpu.dma_semaphore, #tpu.memory_space<semaphore_mem>>
          tpu.enqueue_indirect_dma source(%dma_start3A_117 : memref<50048x128xf32, #tpu.memory_space<hbm>>) target(%dma_start3A_111 : memref<64x128xf32, #tpu.memory_space<vmem>>) offsets(%dma_start3A_114 : memref<64xi32, #tpu.memory_space<vmem>>) semaphore(%dma_start3A_119 : memref<!tpu.dma_semaphore, #tpu.memory_space<semaphore_mem>>)
        } else {
        }
        %dma_wait3A = arith.constant 0 : i32
        %dma_wait3A_72 = arith.constant 0 : i32
        %dma_wait3A_73 = tpu.memref_slice %arg11[%select_n3A_64, %dma_wait3A, %dma_wait3A_72] : memref<2x64x128xf32, #tpu.memory_space<vmem>> -> memref<1x64x128xf32, #tpu.memory_space<vmem>>
        %dma_wait3A_74 = tpu.memref_squeeze %dma_wait3A_73 : memref<1x64x128xf32, #tpu.memory_space<vmem>> -> memref<64x128xf32, #tpu.memory_space<vmem>>
        %dma_wait3A_75 = arith.constant 0 : i32
        %dma_wait3A_76 = tpu.memref_slice %arg9[%select_n3A_64, %dma_wait3A_75] : memref<2x64xi32, #tpu.memory_space<vmem>> -> memref<1x64xi32, #tpu.memory_space<vmem>>
        %dma_wait3A_77 = tpu.memref_squeeze %dma_wait3A_76 : memref<1x64xi32, #tpu.memory_space<vmem>> -> memref<64xi32, #tpu.memory_space<vmem>>
        %dma_wait3A_78 = arith.constant 0 : i32
        %dma_wait3A_79 = arith.constant 0 : i32
        %dma_wait3A_80 = tpu.memref_slice %arg2[%dma_wait3A_78, %dma_wait3A_79] : memref<50048x128xf32, #tpu.memory_space<hbm>> -> memref<50048x128xf32, #tpu.memory_space<hbm>>
        %dma_wait3A_81 = tpu.memref_slice %arg12[%select_n3A_64] : memref<2x!tpu.dma_semaphore, #tpu.memory_space<semaphore_mem>> -> memref<1x!tpu.dma_semaphore, #tpu.memory_space<semaphore_mem>>
        %dma_wait3A_82 = tpu.memref_squeeze %dma_wait3A_81 : memref<1x!tpu.dma_semaphore, #tpu.memory_space<semaphore_mem>> -> memref<!tpu.dma_semaphore, #tpu.memory_space<semaphore_mem>>
        tpu.wait_indirect_dma semaphore(%dma_wait3A_82 : memref<!tpu.dma_semaphore, #tpu.memory_space<semaphore_mem>>) src(%dma_wait3A_80 : memref<50048x128xf32, #tpu.memory_space<hbm>>) dst(%dma_wait3A_74 : memref<64x128xf32, #tpu.memory_space<vmem>>)
        "tpu.region"() ({
          %run_scoped3A_84 = tpu.sem_alloc : memref<!tpu.dma_semaphore, #tpu.memory_space<semaphore_mem>>
          %dma_start3A_85 = arith.constant 0 : i32
          %dma_start3A_86 = arith.constant 0 : i32
          %dma_start3A_87 = tpu.memref_slice %arg11[%select_n3A_64, %dma_start3A_85, %dma_start3A_86] : memref<2x64x128xf32, #tpu.memory_space<vmem>> -> memref<1x64x128xf32, #tpu.memory_space<vmem>>
          %dma_start3A_88 = tpu.memref_squeeze %dma_start3A_87 : memref<1x64x128xf32, #tpu.memory_space<vmem>> -> memref<64x128xf32, #tpu.memory_space<vmem>>
          %dma_start3A_89 = arith.constant 0 : i32
          %dma_start3A_90 = tpu.memref_slice %arg10[%select_n3A_64, %dma_start3A_89] : memref<2x64xi32, #tpu.memory_space<vmem>> -> memref<1x64xi32, #tpu.memory_space<vmem>>
          %dma_start3A_91 = tpu.memref_squeeze %dma_start3A_90 : memref<1x64xi32, #tpu.memory_space<vmem>> -> memref<64xi32, #tpu.memory_space<vmem>>
          %dma_start3A_92 = arith.constant 0 : i32
          %dma_start3A_93 = arith.constant 0 : i32
          %dma_start3A_94 = tpu.memref_slice %arg8[%dma_start3A_92, %dma_start3A_93] : memref<12544x128xf32, #tpu.memory_space<vmem_shared>> -> memref<12544x128xf32, #tpu.memory_space<vmem_shared>>
          tpu.enqueue_indirect_dma source(%dma_start3A_88 : memref<64x128xf32, #tpu.memory_space<vmem>>) target(%dma_start3A_94 : memref<12544x128xf32, #tpu.memory_space<vmem_shared>>) offsets(%dma_start3A_91 : memref<64xi32, #tpu.memory_space<vmem>>) semaphore(%run_scoped3A_84 : memref<!tpu.dma_semaphore, #tpu.memory_space<semaphore_mem>>) {add = true}
          %dma_wait3A_95 = arith.constant 0 : i32
          %dma_wait3A_96 = arith.constant 0 : i32
          %dma_wait3A_97 = tpu.memref_slice %arg11[%select_n3A_64, %dma_wait3A_95, %dma_wait3A_96] : memref<2x64x128xf32, #tpu.memory_space<vmem>> -> memref<1x64x128xf32, #tpu.memory_space<vmem>>
          %dma_wait3A_98 = tpu.memref_squeeze %dma_wait3A_97 : memref<1x64x128xf32, #tpu.memory_space<vmem>> -> memref<64x128xf32, #tpu.memory_space<vmem>>
          %dma_wait3A_99 = arith.constant 0 : i32
          %dma_wait3A_100 = tpu.memref_slice %arg10[%select_n3A_64, %dma_wait3A_99] : memref<2x64xi32, #tpu.memory_space<vmem>> -> memref<1x64xi32, #tpu.memory_space<vmem>>
          %dma_wait3A_101 = tpu.memref_squeeze %dma_wait3A_100 : memref<1x64xi32, #tpu.memory_space<vmem>> -> memref<64xi32, #tpu.memory_space<vmem>>
          %dma_wait3A_102 = arith.constant 0 : i32
          %dma_wait3A_103 = arith.constant 0 : i32
          %dma_wait3A_104 = tpu.memref_slice %arg8[%dma_wait3A_102, %dma_wait3A_103] : memref<12544x128xf32, #tpu.memory_space<vmem_shared>> -> memref<12544x128xf32, #tpu.memory_space<vmem_shared>>
          tpu.wait_indirect_dma semaphore(%run_scoped3A_84 : memref<!tpu.dma_semaphore, #tpu.memory_space<semaphore_mem>>) src(%dma_wait3A_98 : memref<64x128xf32, #tpu.memory_space<vmem>>) dst(%dma_wait3A_104 : memref<12544x128xf32, #tpu.memory_space<vmem_shared>>)
          tpu.yield
        }) : () -> ()
        %scan3A_83 = arith.constant 0 : i32
        scf.yield %scan3A_83 : i32
      }
      %scan3A_52 = arith.constant 100 : i32
    } else {
    }
    %eq3A_12 = arith.constant 1 : i32
    %eq3A_13 = arith.cmpi eq, %arg0, %eq3A_12 : i32
    %convert_element_type3A_14 = arith.extui %eq3A_13 : i1 to i32
    %cond3A_15 = arith.constant 0 : i32
    %cond3A_16 = arith.cmpi ne, %convert_element_type3A_14, %cond3A_15 : i32
    scf.if %cond3A_16 {
      %scan3A_28 = arith.constant 0 : i32
      %scan3A_29 = arith.constant 0 : i32
      %scan3A_30 = arith.constant 100 : i32
      %scan3A_31 = arith.addi %scan3A_29, %scan3A_30 : i32
      %scan3A_32 = arith.constant 1 : i32
      %scan3A_33 = scf.for %scan3A_35 = %scan3A_29 to %scan3A_31 step %scan3A_32 iter_args(%scan3A_36 = %scan3A_28) -> (i32)  : i32 {
        %mul3A_37 = arith.constant 64 : i32
        %mul3A_38 = arith.muli %scan3A_35, %mul3A_37 : i32
        %add3A = arith.addi %mul3A_9, %mul3A_38 : i32
        %run_scoped3A = arith.constant 0 : i32
        "tpu.region"() ({
          %run_scoped3A_42 = tpu.sem_alloc : memref<!tpu.dma_semaphore, #tpu.memory_space<semaphore_mem>>
          %dma_start3A = arith.constant 0 : i32
          %dma_start3A_43 = tpu.memref_slice %arg10[%run_scoped3A, %dma_start3A] : memref<2x64xi32, #tpu.memory_space<vmem>> -> memref<1x64xi32, #tpu.memory_space<vmem>>
          %dma_start3A_44 = tpu.memref_squeeze %dma_start3A_43 : memref<1x64xi32, #tpu.memory_space<vmem>> -> memref<64xi32, #tpu.memory_space<vmem>>
          %dma_start3A_45 = tpu.memref_slice %arg4[%add3A] : memref<102400xi32, #tpu.memory_space<hbm>> -> memref<64xi32, #tpu.memory_space<hbm>>
          %dma_start3A_46 = arith.constant 0 : i32
          %dma_start3A_47 = tpu.memref_slice %arg10[%run_scoped3A, %dma_start3A_46] : memref<2x64xi32, #tpu.memory_space<vmem>> -> memref<1x64xi32, #tpu.memory_space<vmem>>
          %dma_start3A_48 = tpu.memref_squeeze %dma_start3A_47 : memref<1x64xi32, #tpu.memory_space<vmem>> -> memref<64xi32, #tpu.memory_space<vmem>>
          %dma_start3A_49 = tpu.memref_slice %arg4[%add3A] : memref<102400xi32, #tpu.memory_space<hbm>> -> memref<64xi32, #tpu.memory_space<hbm>>
          tpu.enqueue_dma source(%dma_start3A_49 : memref<64xi32, #tpu.memory_space<hbm>>) target(%dma_start3A_48 : memref<64xi32, #tpu.memory_space<vmem>>) target_semaphore(%run_scoped3A_42 : memref<!tpu.dma_semaphore, #tpu.memory_space<semaphore_mem>>)
          %dma_wait3A = arith.constant 0 : i32
          %dma_wait3A_50 = tpu.memref_slice %arg10[%run_scoped3A, %dma_wait3A] : memref<2x64xi32, #tpu.memory_space<vmem>> -> memref<1x64xi32, #tpu.memory_space<vmem>>
          %dma_wait3A_51 = tpu.memref_squeeze %dma_wait3A_50 : memref<1x64xi32, #tpu.memory_space<vmem>> -> memref<64xi32, #tpu.memory_space<vmem>>
          %dma_wait3A_52 = tpu.memref_slice %arg4[%add3A] : memref<102400xi32, #tpu.memory_space<hbm>> -> memref<64xi32, #tpu.memory_space<hbm>>
          %dma_wait3A_53 = arith.constant 0 : i32
          %dma_wait3A_54 = tpu.memref_slice %arg10[%run_scoped3A, %dma_wait3A_53] : memref<2x64xi32, #tpu.memory_space<vmem>> -> memref<1x64xi32, #tpu.memory_space<vmem>>
          %dma_wait3A_55 = tpu.memref_squeeze %dma_wait3A_54 : memref<1x64xi32, #tpu.memory_space<vmem>> -> memref<64xi32, #tpu.memory_space<vmem>>
          %dma_wait3A_56 = tpu.memref_slice %arg4[%add3A] : memref<102400xi32, #tpu.memory_space<hbm>> -> memref<64xi32, #tpu.memory_space<hbm>>
          tpu.wait_dma2 semaphore(%run_scoped3A_42 : memref<!tpu.dma_semaphore, #tpu.memory_space<semaphore_mem>>) src(%dma_wait3A_56 : memref<64xi32, #tpu.memory_space<hbm>>) dst(%dma_wait3A_55 : memref<64xi32, #tpu.memory_space<vmem>>)
          tpu.yield
        }) : () -> ()
        %run_scoped3A_39 = arith.constant 0 : i32
        %run_scoped3A_40 = arith.constant 0 : i32
        "tpu.region"() ({
          %run_scoped3A_42 = tpu.sem_alloc : memref<!tpu.dma_semaphore, #tpu.memory_space<semaphore_mem>>
          %dma_start3A = arith.constant 0 : i32
          %dma_start3A_43 = arith.constant 0 : i32
          %dma_start3A_44 = tpu.memref_slice %arg11[%run_scoped3A_39, %dma_start3A, %dma_start3A_43] : memref<2x64x128xf32, #tpu.memory_space<vmem>> -> memref<1x64x128xf32, #tpu.memory_space<vmem>>
          %dma_start3A_45 = tpu.memref_squeeze %dma_start3A_44 : memref<1x64x128xf32, #tpu.memory_space<vmem>> -> memref<64x128xf32, #tpu.memory_space<vmem>>
          %dma_start3A_46 = arith.constant 0 : i32
          %dma_start3A_47 = tpu.memref_slice %arg10[%run_scoped3A_40, %dma_start3A_46] : memref<2x64xi32, #tpu.memory_space<vmem>> -> memref<1x64xi32, #tpu.memory_space<vmem>>
          %dma_start3A_48 = tpu.memref_squeeze %dma_start3A_47 : memref<1x64xi32, #tpu.memory_space<vmem>> -> memref<64xi32, #tpu.memory_space<vmem>>
          %dma_start3A_49 = arith.constant 0 : i32
          %dma_start3A_50 = arith.constant 0 : i32
          %dma_start3A_51 = tpu.memref_slice %arg8[%dma_start3A_49, %dma_start3A_50] : memref<12544x128xf32, #tpu.memory_space<vmem_shared>> -> memref<12544x128xf32, #tpu.memory_space<vmem_shared>>
          tpu.enqueue_indirect_dma source(%dma_start3A_45 : memref<64x128xf32, #tpu.memory_space<vmem>>) target(%dma_start3A_51 : memref<12544x128xf32, #tpu.memory_space<vmem_shared>>) offsets(%dma_start3A_48 : memref<64xi32, #tpu.memory_space<vmem>>) semaphore(%run_scoped3A_42 : memref<!tpu.dma_semaphore, #tpu.memory_space<semaphore_mem>>) {add = true}
          %dma_wait3A = arith.constant 0 : i32
          %dma_wait3A_52 = arith.constant 0 : i32
          %dma_wait3A_53 = tpu.memref_slice %arg11[%run_scoped3A_39, %dma_wait3A, %dma_wait3A_52] : memref<2x64x128xf32, #tpu.memory_space<vmem>> -> memref<1x64x128xf32, #tpu.memory_space<vmem>>
          %dma_wait3A_54 = tpu.memref_squeeze %dma_wait3A_53 : memref<1x64x128xf32, #tpu.memory_space<vmem>> -> memref<64x128xf32, #tpu.memory_space<vmem>>
          %dma_wait3A_55 = arith.constant 0 : i32
          %dma_wait3A_56 = tpu.memref_slice %arg10[%run_scoped3A_40, %dma_wait3A_55] : memref<2x64xi32, #tpu.memory_space<vmem>> -> memref<1x64xi32, #tpu.memory_space<vmem>>
          %dma_wait3A_57 = tpu.memref_squeeze %dma_wait3A_56 : memref<1x64xi32, #tpu.memory_space<vmem>> -> memref<64xi32, #tpu.memory_space<vmem>>
          %dma_wait3A_58 = arith.constant 0 : i32
          %dma_wait3A_59 = arith.constant 0 : i32
          %dma_wait3A_60 = tpu.memref_slice %arg8[%dma_wait3A_58, %dma_wait3A_59] : memref<12544x128xf32, #tpu.memory_space<vmem_shared>> -> memref<12544x128xf32, #tpu.memory_space<vmem_shared>>
          tpu.wait_indirect_dma semaphore(%run_scoped3A_42 : memref<!tpu.dma_semaphore, #tpu.memory_space<semaphore_mem>>) src(%dma_wait3A_54 : memref<64x128xf32, #tpu.memory_space<vmem>>) dst(%dma_wait3A_60 : memref<12544x128xf32, #tpu.memory_space<vmem_shared>>)
          tpu.yield
        }) : () -> ()
        %scan3A_41 = arith.constant 0 : i32
        scf.yield %scan3A_41 : i32
      }
      %scan3A_34 = arith.constant 100 : i32
    } else {
    }
    %barrier3A_17 = arith.constant 0 : index
    tpu.barrier barrier_id(%barrier3A_17)
    %eq3A_18 = arith.constant 0 : i32
    %eq3A_19 = arith.cmpi eq, %arg0, %eq3A_18 : i32
    %convert_element_type3A_20 = arith.extui %eq3A_19 : i1 to i32
    %cond3A_21 = arith.constant 0 : i32
    %cond3A_22 = arith.cmpi ne, %convert_element_type3A_20, %cond3A_21 : i32
    scf.if %cond3A_22 {
      %mul3A_28 = arith.constant 784 : i32
      %mul3A_29 = arith.muli %arg1, %mul3A_28 : i32
      %mul3A_30 = arith.constant 784 : i32
      %mul3A_31 = arith.muli %arg1, %mul3A_30 : i32
      "tpu.region"() ({
        %run_scoped3A = tpu.sem_alloc : memref<!tpu.dma_semaphore, #tpu.memory_space<semaphore_mem>>
        %dma_start3A = arith.constant 0 : i32
        %dma_start3A_32 = tpu.memref_slice %arg6[%mul3A_31, %dma_start3A] : memref<12544x128xf32, #tpu.memory_space<hbm>> -> memref<784x128xf32, #tpu.memory_space<hbm>>
        %dma_start3A_33 = arith.constant 0 : i32
        %dma_start3A_34 = tpu.memref_slice %arg8[%mul3A_29, %dma_start3A_33] : memref<12544x128xf32, #tpu.memory_space<vmem_shared>> -> memref<784x128xf32, #tpu.memory_space<vmem_shared>>
        tpu.enqueue_dma source(%dma_start3A_34 : memref<784x128xf32, #tpu.memory_space<vmem_shared>>) target(%dma_start3A_32 : memref<784x128xf32, #tpu.memory_space<hbm>>) target_semaphore(%run_scoped3A : memref<!tpu.dma_semaphore, #tpu.memory_space<semaphore_mem>>)
        %dma_wait3A = arith.constant 0 : i32
        %dma_wait3A_35 = tpu.memref_slice %arg6[%mul3A_31, %dma_wait3A] : memref<12544x128xf32, #tpu.memory_space<hbm>> -> memref<784x128xf32, #tpu.memory_space<hbm>>
        %dma_wait3A_36 = arith.constant 0 : i32
        %dma_wait3A_37 = tpu.memref_slice %arg8[%mul3A_29, %dma_wait3A_36] : memref<12544x128xf32, #tpu.memory_space<vmem_shared>> -> memref<784x128xf32, #tpu.memory_space<vmem_shared>>
        tpu.wait_dma2 semaphore(%run_scoped3A : memref<!tpu.dma_semaphore, #tpu.memory_space<semaphore_mem>>) src(%dma_wait3A_37 : memref<784x128xf32, #tpu.memory_space<vmem_shared>>) dst(%dma_wait3A_35 : memref<784x128xf32, #tpu.memory_space<hbm>>)
        tpu.yield
      }) : () -> ()
    } else {
    }
    %eq3A_23 = arith.constant 1 : i32
    %eq3A_24 = arith.cmpi eq, %arg0, %eq3A_23 : i32
    %convert_element_type3A_25 = arith.extui %eq3A_24 : i1 to i32
    %cond3A_26 = arith.constant 0 : i32
    %cond3A_27 = arith.cmpi ne, %convert_element_type3A_25, %cond3A_26 : i32
    scf.if %cond3A_27 {
      %mul3A_28 = arith.constant 784 : i32
      %mul3A_29 = arith.muli %arg1, %mul3A_28 : i32
      %mul3A_30 = arith.constant 784 : i32
      %mul3A_31 = arith.muli %arg1, %mul3A_30 : i32
      "tpu.region"() ({
        %run_scoped3A = tpu.sem_alloc : memref<!tpu.dma_semaphore, #tpu.memory_space<semaphore_mem>>
        %dma_start3A = arith.constant 0 : i32
        %dma_start3A_32 = tpu.memref_slice %arg7[%mul3A_31, %dma_start3A] : memref<12544x128xf32, #tpu.memory_space<hbm>> -> memref<784x128xf32, #tpu.memory_space<hbm>>
        %dma_start3A_33 = arith.constant 0 : i32
        %dma_start3A_34 = tpu.memref_slice %arg8[%mul3A_29, %dma_start3A_33] : memref<12544x128xf32, #tpu.memory_space<vmem_shared>> -> memref<784x128xf32, #tpu.memory_space<vmem_shared>>
        tpu.enqueue_dma source(%dma_start3A_34 : memref<784x128xf32, #tpu.memory_space<vmem_shared>>) target(%dma_start3A_32 : memref<784x128xf32, #tpu.memory_space<hbm>>) target_semaphore(%run_scoped3A : memref<!tpu.dma_semaphore, #tpu.memory_space<semaphore_mem>>)
        %dma_wait3A = arith.constant 0 : i32
        %dma_wait3A_35 = tpu.memref_slice %arg7[%mul3A_31, %dma_wait3A] : memref<12544x128xf32, #tpu.memory_space<hbm>> -> memref<784x128xf32, #tpu.memory_space<hbm>>
        %dma_wait3A_36 = arith.constant 0 : i32
        %dma_wait3A_37 = tpu.memref_slice %arg8[%mul3A_29, %dma_wait3A_36] : memref<12544x128xf32, #tpu.memory_space<vmem_shared>> -> memref<784x128xf32, #tpu.memory_space<vmem_shared>>
        tpu.wait_dma2 semaphore(%run_scoped3A : memref<!tpu.dma_semaphore, #tpu.memory_space<semaphore_mem>>) src(%dma_wait3A_37 : memref<784x128xf32, #tpu.memory_space<vmem_shared>>) dst(%dma_wait3A_35 : memref<784x128xf32, #tpu.memory_space<hbm>>)
        tpu.yield
      }) : () -> ()
    } else {
    }
    return
  }
}

#map = affine_map<(d0, d1) -> (0, 0)>
module attributes {stable_mosaic.version = 14 : i64} {
  func.func @_sk5(%arg0: i32, %arg1: i32, %arg2: memref<12544x128xf32, #tpu.memory_space<hbm>>, %arg3: memref<800x128xi32, #tpu.memory_space<hbm>>, %arg4: memref<102400x128xf32, #tpu.memory_space<hbm>>, %arg5: memref<2x128xi32, #tpu.memory_space<vmem>>, %arg6: memref<2x128x128xf32, #tpu.memory_space<vmem>>, %arg7: memref<2x!tpu.dma_semaphore, #tpu.memory_space<semaphore_mem>>) attributes {dimension_semantics = [#tpu.dimension_semantics<core_parallel>, #tpu.dimension_semantics<subcore_parallel>], iteration_bounds = array<i64: 2, 16>, scalar_prefetch = 0 : i64, scratch_operands = 3 : i64, tpu.core_type = #tpu.core_type<sc_vector_subcore>, window_params = [{transform_indices = #map}, {transform_indices = #map}, {transform_indices = #map}]} {
    %mul3A = arith.constant 400 : i32
    %mul3A_0 = arith.muli %arg0, %mul3A : i32
    %mul3A_1 = arith.constant 25 : i32
    %mul3A_2 = arith.muli %arg1, %mul3A_1 : i32
    %add3A = arith.addi %mul3A_0, %mul3A_2 : i32
    %add3A_3 = arith.constant 0 : i32
    %add3A_4 = arith.addi %add3A, %add3A_3 : i32
    %run_scoped3A = arith.constant 0 : i32
    "tpu.region"() ({
      %run_scoped3A_25 = tpu.sem_alloc : memref<!tpu.dma_semaphore, #tpu.memory_space<semaphore_mem>>
      %dma_start3A_26 = arith.constant 0 : i32
      %dma_start3A_27 = tpu.memref_slice %arg5[%run_scoped3A, %dma_start3A_26] : memref<2x128xi32, #tpu.memory_space<vmem>> -> memref<1x128xi32, #tpu.memory_space<vmem>>
      %dma_start3A_28 = tpu.memref_squeeze %dma_start3A_27 : memref<1x128xi32, #tpu.memory_space<vmem>> -> memref<128xi32, #tpu.memory_space<vmem>>
      %dma_start3A_29 = arith.constant 0 : i32
      %dma_start3A_30 = tpu.memref_slice %arg3[%add3A_4, %dma_start3A_29] : memref<800x128xi32, #tpu.memory_space<hbm>> -> memref<1x128xi32, #tpu.memory_space<hbm>>
      %dma_start3A_31 = tpu.memref_squeeze %dma_start3A_30 : memref<1x128xi32, #tpu.memory_space<hbm>> -> memref<128xi32, #tpu.memory_space<hbm>>
      %dma_start3A_32 = arith.constant 0 : i32
      %dma_start3A_33 = tpu.memref_slice %arg5[%run_scoped3A, %dma_start3A_32] : memref<2x128xi32, #tpu.memory_space<vmem>> -> memref<1x128xi32, #tpu.memory_space<vmem>>
      %dma_start3A_34 = tpu.memref_squeeze %dma_start3A_33 : memref<1x128xi32, #tpu.memory_space<vmem>> -> memref<128xi32, #tpu.memory_space<vmem>>
      %dma_start3A_35 = arith.constant 0 : i32
      %dma_start3A_36 = tpu.memref_slice %arg3[%add3A_4, %dma_start3A_35] : memref<800x128xi32, #tpu.memory_space<hbm>> -> memref<1x128xi32, #tpu.memory_space<hbm>>
      %dma_start3A_37 = tpu.memref_squeeze %dma_start3A_36 : memref<1x128xi32, #tpu.memory_space<hbm>> -> memref<128xi32, #tpu.memory_space<hbm>>
      tpu.enqueue_dma source(%dma_start3A_37 : memref<128xi32, #tpu.memory_space<hbm>>) target(%dma_start3A_34 : memref<128xi32, #tpu.memory_space<vmem>>) target_semaphore(%run_scoped3A_25 : memref<!tpu.dma_semaphore, #tpu.memory_space<semaphore_mem>>)
      %dma_wait3A = arith.constant 0 : i32
      %dma_wait3A_38 = tpu.memref_slice %arg5[%run_scoped3A, %dma_wait3A] : memref<2x128xi32, #tpu.memory_space<vmem>> -> memref<1x128xi32, #tpu.memory_space<vmem>>
      %dma_wait3A_39 = tpu.memref_squeeze %dma_wait3A_38 : memref<1x128xi32, #tpu.memory_space<vmem>> -> memref<128xi32, #tpu.memory_space<vmem>>
      %dma_wait3A_40 = arith.constant 0 : i32
      %dma_wait3A_41 = tpu.memref_slice %arg3[%add3A_4, %dma_wait3A_40] : memref<800x128xi32, #tpu.memory_space<hbm>> -> memref<1x128xi32, #tpu.memory_space<hbm>>
      %dma_wait3A_42 = tpu.memref_squeeze %dma_wait3A_41 : memref<1x128xi32, #tpu.memory_space<hbm>> -> memref<128xi32, #tpu.memory_space<hbm>>
      %dma_wait3A_43 = arith.constant 0 : i32
      %dma_wait3A_44 = tpu.memref_slice %arg5[%run_scoped3A, %dma_wait3A_43] : memref<2x128xi32, #tpu.memory_space<vmem>> -> memref<1x128xi32, #tpu.memory_space<vmem>>
      %dma_wait3A_45 = tpu.memref_squeeze %dma_wait3A_44 : memref<1x128xi32, #tpu.memory_space<vmem>> -> memref<128xi32, #tpu.memory_space<vmem>>
      %dma_wait3A_46 = arith.constant 0 : i32
      %dma_wait3A_47 = tpu.memref_slice %arg3[%add3A_4, %dma_wait3A_46] : memref<800x128xi32, #tpu.memory_space<hbm>> -> memref<1x128xi32, #tpu.memory_space<hbm>>
      %dma_wait3A_48 = tpu.memref_squeeze %dma_wait3A_47 : memref<1x128xi32, #tpu.memory_space<hbm>> -> memref<128xi32, #tpu.memory_space<hbm>>
      tpu.wait_dma2 semaphore(%run_scoped3A_25 : memref<!tpu.dma_semaphore, #tpu.memory_space<semaphore_mem>>) src(%dma_wait3A_48 : memref<128xi32, #tpu.memory_space<hbm>>) dst(%dma_wait3A_45 : memref<128xi32, #tpu.memory_space<vmem>>)
      tpu.yield
    }) : () -> ()
    %dma_start3A = arith.constant 0 : i32
    %dma_start3A_5 = arith.constant 0 : i32
    %dma_start3A_6 = arith.constant 0 : i32
    %dma_start3A_7 = arith.constant 0 : i32
    %dma_start3A_8 = arith.constant 0 : i32
    %dma_start3A_9 = tpu.memref_slice %arg6[%dma_start3A_5, %dma_start3A_7, %dma_start3A_8] : memref<2x128x128xf32, #tpu.memory_space<vmem>> -> memref<1x128x128xf32, #tpu.memory_space<vmem>>
    %dma_start3A_10 = tpu.memref_squeeze %dma_start3A_9 : memref<1x128x128xf32, #tpu.memory_space<vmem>> -> memref<128x128xf32, #tpu.memory_space<vmem>>
    %dma_start3A_11 = arith.constant 0 : i32
    %dma_start3A_12 = tpu.memref_slice %arg5[%dma_start3A, %dma_start3A_11] : memref<2x128xi32, #tpu.memory_space<vmem>> -> memref<1x128xi32, #tpu.memory_space<vmem>>
    %dma_start3A_13 = tpu.memref_squeeze %dma_start3A_12 : memref<1x128xi32, #tpu.memory_space<vmem>> -> memref<128xi32, #tpu.memory_space<vmem>>
    %dma_start3A_14 = arith.constant 0 : i32
    %dma_start3A_15 = arith.constant 0 : i32
    %dma_start3A_16 = tpu.memref_slice %arg2[%dma_start3A_14, %dma_start3A_15] : memref<12544x128xf32, #tpu.memory_space<hbm>> -> memref<12544x128xf32, #tpu.memory_space<hbm>>
    %dma_start3A_17 = tpu.memref_slice %arg7[%dma_start3A_6] : memref<2x!tpu.dma_semaphore, #tpu.memory_space<semaphore_mem>> -> memref<1x!tpu.dma_semaphore, #tpu.memory_space<semaphore_mem>>
    %dma_start3A_18 = tpu.memref_squeeze %dma_start3A_17 : memref<1x!tpu.dma_semaphore, #tpu.memory_space<semaphore_mem>> -> memref<!tpu.dma_semaphore, #tpu.memory_space<semaphore_mem>>
    tpu.enqueue_indirect_dma source(%dma_start3A_16 : memref<12544x128xf32, #tpu.memory_space<hbm>>) target(%dma_start3A_10 : memref<128x128xf32, #tpu.memory_space<vmem>>) offsets(%dma_start3A_13 : memref<128xi32, #tpu.memory_space<vmem>>) semaphore(%dma_start3A_18 : memref<!tpu.dma_semaphore, #tpu.memory_space<semaphore_mem>>)
    %scan3A = arith.constant 0 : i32
    %scan3A_19 = arith.constant 0 : i32
    %scan3A_20 = arith.constant 25 : i32
    %scan3A_21 = arith.addi %scan3A_19, %scan3A_20 : i32
    %scan3A_22 = arith.constant 1 : i32
    %scan3A_23 = scf.for %scan3A_25 = %scan3A_19 to %scan3A_21 step %scan3A_22 iter_args(%scan3A_26 = %scan3A) -> (i32)  : i32 {
      %jit3A = arith.constant 2 : i32
      %eq3A = arith.constant 0 : i32
      %eq3A_27 = arith.cmpi eq, %jit3A, %eq3A : i32
      %jit3A_28 = arith.constant 1 : i32
      %select_n3A = arith.select %eq3A_27, %jit3A_28, %jit3A : i32
      %rem3A = arith.remsi %scan3A_25, %select_n3A : i32
      %ne3A = arith.constant 0 : i32
      %ne3A_29 = arith.cmpi ne, %rem3A, %ne3A : i32
      %lt3A = arith.constant 0 : i32
      %lt3A_30 = arith.cmpi slt, %rem3A, %lt3A : i32
      %lt3A_31 = arith.constant 0 : i32
      %lt3A_32 = arith.cmpi slt, %select_n3A, %lt3A_31 : i32
      %ne3A_33 = arith.xori %lt3A_30, %lt3A_32 : i1
      %and3A = arith.andi %ne3A_33, %ne3A_29 : i1
      %add3A_34 = arith.addi %rem3A, %select_n3A : i32
      %select_n3A_35 = arith.select %and3A, %add3A_34, %rem3A : i32
      %add3A_36 = arith.constant 1 : i32
      %add3A_37 = arith.addi %scan3A_25, %add3A_36 : i32
      %lt3A_38 = arith.constant 25 : i32
      %lt3A_39 = arith.cmpi slt, %add3A_37, %lt3A_38 : i32
      %convert_element_type3A = arith.extui %lt3A_39 : i1 to i32
      %cond3A = arith.constant 0 : i32
      %cond3A_40 = arith.cmpi ne, %convert_element_type3A, %cond3A : i32
      scf.if %cond3A_40 {
        %add3A_56 = arith.constant 1 : i32
        %add3A_57 = arith.addi %scan3A_25, %add3A_56 : i32
        %jit3A_58 = arith.constant 2 : i32
        %eq3A_59 = arith.constant 0 : i32
        %eq3A_60 = arith.cmpi eq, %jit3A_58, %eq3A_59 : i32
        %jit3A_61 = arith.constant 1 : i32
        %select_n3A_62 = arith.select %eq3A_60, %jit3A_61, %jit3A_58 : i32
        %rem3A_63 = arith.remsi %add3A_57, %select_n3A_62 : i32
        %ne3A_64 = arith.constant 0 : i32
        %ne3A_65 = arith.cmpi ne, %rem3A_63, %ne3A_64 : i32
        %lt3A_66 = arith.constant 0 : i32
        %lt3A_67 = arith.cmpi slt, %rem3A_63, %lt3A_66 : i32
        %lt3A_68 = arith.constant 0 : i32
        %lt3A_69 = arith.cmpi slt, %select_n3A_62, %lt3A_68 : i32
        %ne3A_70 = arith.xori %lt3A_67, %lt3A_69 : i1
        %and3A_71 = arith.andi %ne3A_70, %ne3A_65 : i1
        %add3A_72 = arith.addi %rem3A_63, %select_n3A_62 : i32
        %select_n3A_73 = arith.select %and3A_71, %add3A_72, %rem3A_63 : i32
        %add3A_74 = arith.addi %add3A, %add3A_57 : i32
        "tpu.region"() ({
          %run_scoped3A_87 = tpu.sem_alloc : memref<!tpu.dma_semaphore, #tpu.memory_space<semaphore_mem>>
          %dma_start3A_88 = arith.constant 0 : i32
          %dma_start3A_89 = tpu.memref_slice %arg5[%select_n3A_73, %dma_start3A_88] : memref<2x128xi32, #tpu.memory_space<vmem>> -> memref<1x128xi32, #tpu.memory_space<vmem>>
          %dma_start3A_90 = tpu.memref_squeeze %dma_start3A_89 : memref<1x128xi32, #tpu.memory_space<vmem>> -> memref<128xi32, #tpu.memory_space<vmem>>
          %dma_start3A_91 = arith.constant 0 : i32
          %dma_start3A_92 = tpu.memref_slice %arg3[%add3A_74, %dma_start3A_91] : memref<800x128xi32, #tpu.memory_space<hbm>> -> memref<1x128xi32, #tpu.memory_space<hbm>>
          %dma_start3A_93 = tpu.memref_squeeze %dma_start3A_92 : memref<1x128xi32, #tpu.memory_space<hbm>> -> memref<128xi32, #tpu.memory_space<hbm>>
          %dma_start3A_94 = arith.constant 0 : i32
          %dma_start3A_95 = tpu.memref_slice %arg5[%select_n3A_73, %dma_start3A_94] : memref<2x128xi32, #tpu.memory_space<vmem>> -> memref<1x128xi32, #tpu.memory_space<vmem>>
          %dma_start3A_96 = tpu.memref_squeeze %dma_start3A_95 : memref<1x128xi32, #tpu.memory_space<vmem>> -> memref<128xi32, #tpu.memory_space<vmem>>
          %dma_start3A_97 = arith.constant 0 : i32
          %dma_start3A_98 = tpu.memref_slice %arg3[%add3A_74, %dma_start3A_97] : memref<800x128xi32, #tpu.memory_space<hbm>> -> memref<1x128xi32, #tpu.memory_space<hbm>>
          %dma_start3A_99 = tpu.memref_squeeze %dma_start3A_98 : memref<1x128xi32, #tpu.memory_space<hbm>> -> memref<128xi32, #tpu.memory_space<hbm>>
          tpu.enqueue_dma source(%dma_start3A_99 : memref<128xi32, #tpu.memory_space<hbm>>) target(%dma_start3A_96 : memref<128xi32, #tpu.memory_space<vmem>>) target_semaphore(%run_scoped3A_87 : memref<!tpu.dma_semaphore, #tpu.memory_space<semaphore_mem>>)
          %dma_wait3A_100 = arith.constant 0 : i32
          %dma_wait3A_101 = tpu.memref_slice %arg5[%select_n3A_73, %dma_wait3A_100] : memref<2x128xi32, #tpu.memory_space<vmem>> -> memref<1x128xi32, #tpu.memory_space<vmem>>
          %dma_wait3A_102 = tpu.memref_squeeze %dma_wait3A_101 : memref<1x128xi32, #tpu.memory_space<vmem>> -> memref<128xi32, #tpu.memory_space<vmem>>
          %dma_wait3A_103 = arith.constant 0 : i32
          %dma_wait3A_104 = tpu.memref_slice %arg3[%add3A_74, %dma_wait3A_103] : memref<800x128xi32, #tpu.memory_space<hbm>> -> memref<1x128xi32, #tpu.memory_space<hbm>>
          %dma_wait3A_105 = tpu.memref_squeeze %dma_wait3A_104 : memref<1x128xi32, #tpu.memory_space<hbm>> -> memref<128xi32, #tpu.memory_space<hbm>>
          %dma_wait3A_106 = arith.constant 0 : i32
          %dma_wait3A_107 = tpu.memref_slice %arg5[%select_n3A_73, %dma_wait3A_106] : memref<2x128xi32, #tpu.memory_space<vmem>> -> memref<1x128xi32, #tpu.memory_space<vmem>>
          %dma_wait3A_108 = tpu.memref_squeeze %dma_wait3A_107 : memref<1x128xi32, #tpu.memory_space<vmem>> -> memref<128xi32, #tpu.memory_space<vmem>>
          %dma_wait3A_109 = arith.constant 0 : i32
          %dma_wait3A_110 = tpu.memref_slice %arg3[%add3A_74, %dma_wait3A_109] : memref<800x128xi32, #tpu.memory_space<hbm>> -> memref<1x128xi32, #tpu.memory_space<hbm>>
          %dma_wait3A_111 = tpu.memref_squeeze %dma_wait3A_110 : memref<1x128xi32, #tpu.memory_space<hbm>> -> memref<128xi32, #tpu.memory_space<hbm>>
          tpu.wait_dma2 semaphore(%run_scoped3A_87 : memref<!tpu.dma_semaphore, #tpu.memory_space<semaphore_mem>>) src(%dma_wait3A_111 : memref<128xi32, #tpu.memory_space<hbm>>) dst(%dma_wait3A_108 : memref<128xi32, #tpu.memory_space<vmem>>)
          tpu.yield
        }) : () -> ()
        %dma_start3A_75 = arith.constant 0 : i32
        %dma_start3A_76 = arith.constant 0 : i32
        %dma_start3A_77 = tpu.memref_slice %arg6[%select_n3A_73, %dma_start3A_75, %dma_start3A_76] : memref<2x128x128xf32, #tpu.memory_space<vmem>> -> memref<1x128x128xf32, #tpu.memory_space<vmem>>
        %dma_start3A_78 = tpu.memref_squeeze %dma_start3A_77 : memref<1x128x128xf32, #tpu.memory_space<vmem>> -> memref<128x128xf32, #tpu.memory_space<vmem>>
        %dma_start3A_79 = arith.constant 0 : i32
        %dma_start3A_80 = tpu.memref_slice %arg5[%select_n3A_73, %dma_start3A_79] : memref<2x128xi32, #tpu.memory_space<vmem>> -> memref<1x128xi32, #tpu.memory_space<vmem>>
        %dma_start3A_81 = tpu.memref_squeeze %dma_start3A_80 : memref<1x128xi32, #tpu.memory_space<vmem>> -> memref<128xi32, #tpu.memory_space<vmem>>
        %dma_start3A_82 = arith.constant 0 : i32
        %dma_start3A_83 = arith.constant 0 : i32
        %dma_start3A_84 = tpu.memref_slice %arg2[%dma_start3A_82, %dma_start3A_83] : memref<12544x128xf32, #tpu.memory_space<hbm>> -> memref<12544x128xf32, #tpu.memory_space<hbm>>
        %dma_start3A_85 = tpu.memref_slice %arg7[%select_n3A_73] : memref<2x!tpu.dma_semaphore, #tpu.memory_space<semaphore_mem>> -> memref<1x!tpu.dma_semaphore, #tpu.memory_space<semaphore_mem>>
        %dma_start3A_86 = tpu.memref_squeeze %dma_start3A_85 : memref<1x!tpu.dma_semaphore, #tpu.memory_space<semaphore_mem>> -> memref<!tpu.dma_semaphore, #tpu.memory_space<semaphore_mem>>
        tpu.enqueue_indirect_dma source(%dma_start3A_84 : memref<12544x128xf32, #tpu.memory_space<hbm>>) target(%dma_start3A_78 : memref<128x128xf32, #tpu.memory_space<vmem>>) offsets(%dma_start3A_81 : memref<128xi32, #tpu.memory_space<vmem>>) semaphore(%dma_start3A_86 : memref<!tpu.dma_semaphore, #tpu.memory_space<semaphore_mem>>)
      } else {
      }
      %dma_wait3A = arith.constant 0 : i32
      %dma_wait3A_41 = arith.constant 0 : i32
      %dma_wait3A_42 = tpu.memref_slice %arg6[%select_n3A_35, %dma_wait3A, %dma_wait3A_41] : memref<2x128x128xf32, #tpu.memory_space<vmem>> -> memref<1x128x128xf32, #tpu.memory_space<vmem>>
      %dma_wait3A_43 = tpu.memref_squeeze %dma_wait3A_42 : memref<1x128x128xf32, #tpu.memory_space<vmem>> -> memref<128x128xf32, #tpu.memory_space<vmem>>
      %dma_wait3A_44 = arith.constant 0 : i32
      %dma_wait3A_45 = tpu.memref_slice %arg5[%select_n3A_35, %dma_wait3A_44] : memref<2x128xi32, #tpu.memory_space<vmem>> -> memref<1x128xi32, #tpu.memory_space<vmem>>
      %dma_wait3A_46 = tpu.memref_squeeze %dma_wait3A_45 : memref<1x128xi32, #tpu.memory_space<vmem>> -> memref<128xi32, #tpu.memory_space<vmem>>
      %dma_wait3A_47 = arith.constant 0 : i32
      %dma_wait3A_48 = arith.constant 0 : i32
      %dma_wait3A_49 = tpu.memref_slice %arg2[%dma_wait3A_47, %dma_wait3A_48] : memref<12544x128xf32, #tpu.memory_space<hbm>> -> memref<12544x128xf32, #tpu.memory_space<hbm>>
      %dma_wait3A_50 = tpu.memref_slice %arg7[%select_n3A_35] : memref<2x!tpu.dma_semaphore, #tpu.memory_space<semaphore_mem>> -> memref<1x!tpu.dma_semaphore, #tpu.memory_space<semaphore_mem>>
      %dma_wait3A_51 = tpu.memref_squeeze %dma_wait3A_50 : memref<1x!tpu.dma_semaphore, #tpu.memory_space<semaphore_mem>> -> memref<!tpu.dma_semaphore, #tpu.memory_space<semaphore_mem>>
      tpu.wait_indirect_dma semaphore(%dma_wait3A_51 : memref<!tpu.dma_semaphore, #tpu.memory_space<semaphore_mem>>) src(%dma_wait3A_49 : memref<12544x128xf32, #tpu.memory_space<hbm>>) dst(%dma_wait3A_43 : memref<128x128xf32, #tpu.memory_space<vmem>>)
      %add3A_52 = arith.addi %add3A, %scan3A_25 : i32
      %mul3A_53 = arith.constant 128 : i32
      %mul3A_54 = arith.muli %add3A_52, %mul3A_53 : i32
      "tpu.region"() ({
        %run_scoped3A_56 = tpu.sem_alloc : memref<!tpu.dma_semaphore, #tpu.memory_space<semaphore_mem>>
        %dma_start3A_57 = arith.constant 0 : i32
        %dma_start3A_58 = arith.constant 0 : i32
        %dma_start3A_59 = tpu.memref_slice %arg6[%select_n3A_35, %dma_start3A_57, %dma_start3A_58] : memref<2x128x128xf32, #tpu.memory_space<vmem>> -> memref<1x128x128xf32, #tpu.memory_space<vmem>>
        %dma_start3A_60 = tpu.memref_squeeze %dma_start3A_59 : memref<1x128x128xf32, #tpu.memory_space<vmem>> -> memref<128x128xf32, #tpu.memory_space<vmem>>
        %dma_start3A_61 = arith.constant 0 : i32
        %dma_start3A_62 = tpu.memref_slice %arg4[%mul3A_54, %dma_start3A_61] : memref<102400x128xf32, #tpu.memory_space<hbm>> -> memref<128x128xf32, #tpu.memory_space<hbm>>
        %dma_start3A_63 = arith.constant 0 : i32
        %dma_start3A_64 = tpu.memref_slice %arg4[%mul3A_54, %dma_start3A_63] : memref<102400x128xf32, #tpu.memory_space<hbm>> -> memref<128x128xf32, #tpu.memory_space<hbm>>
        %dma_start3A_65 = arith.constant 0 : i32
        %dma_start3A_66 = arith.constant 0 : i32
        %dma_start3A_67 = tpu.memref_slice %arg6[%select_n3A_35, %dma_start3A_65, %dma_start3A_66] : memref<2x128x128xf32, #tpu.memory_space<vmem>> -> memref<1x128x128xf32, #tpu.memory_space<vmem>>
        %dma_start3A_68 = tpu.memref_squeeze %dma_start3A_67 : memref<1x128x128xf32, #tpu.memory_space<vmem>> -> memref<128x128xf32, #tpu.memory_space<vmem>>
        tpu.enqueue_dma source(%dma_start3A_68 : memref<128x128xf32, #tpu.memory_space<vmem>>) target(%dma_start3A_64 : memref<128x128xf32, #tpu.memory_space<hbm>>) target_semaphore(%run_scoped3A_56 : memref<!tpu.dma_semaphore, #tpu.memory_space<semaphore_mem>>)
        %dma_wait3A_69 = arith.constant 0 : i32
        %dma_wait3A_70 = arith.constant 0 : i32
        %dma_wait3A_71 = tpu.memref_slice %arg6[%select_n3A_35, %dma_wait3A_69, %dma_wait3A_70] : memref<2x128x128xf32, #tpu.memory_space<vmem>> -> memref<1x128x128xf32, #tpu.memory_space<vmem>>
        %dma_wait3A_72 = tpu.memref_squeeze %dma_wait3A_71 : memref<1x128x128xf32, #tpu.memory_space<vmem>> -> memref<128x128xf32, #tpu.memory_space<vmem>>
        %dma_wait3A_73 = arith.constant 0 : i32
        %dma_wait3A_74 = tpu.memref_slice %arg4[%mul3A_54, %dma_wait3A_73] : memref<102400x128xf32, #tpu.memory_space<hbm>> -> memref<128x128xf32, #tpu.memory_space<hbm>>
        %dma_wait3A_75 = arith.constant 0 : i32
        %dma_wait3A_76 = tpu.memref_slice %arg4[%mul3A_54, %dma_wait3A_75] : memref<102400x128xf32, #tpu.memory_space<hbm>> -> memref<128x128xf32, #tpu.memory_space<hbm>>
        %dma_wait3A_77 = arith.constant 0 : i32
        %dma_wait3A_78 = arith.constant 0 : i32
        %dma_wait3A_79 = tpu.memref_slice %arg6[%select_n3A_35, %dma_wait3A_77, %dma_wait3A_78] : memref<2x128x128xf32, #tpu.memory_space<vmem>> -> memref<1x128x128xf32, #tpu.memory_space<vmem>>
        %dma_wait3A_80 = tpu.memref_squeeze %dma_wait3A_79 : memref<1x128x128xf32, #tpu.memory_space<vmem>> -> memref<128x128xf32, #tpu.memory_space<vmem>>
        tpu.wait_dma2 semaphore(%run_scoped3A_56 : memref<!tpu.dma_semaphore, #tpu.memory_space<semaphore_mem>>) src(%dma_wait3A_80 : memref<128x128xf32, #tpu.memory_space<vmem>>) dst(%dma_wait3A_76 : memref<128x128xf32, #tpu.memory_space<hbm>>)
        tpu.yield
      }) : () -> ()
      %scan3A_55 = arith.constant 0 : i32
      scf.yield %scan3A_55 : i32
    }
    %scan3A_24 = arith.constant 25 : i32
    return
  }
}

module attributes {stable_mosaic.version = 14 : i64} {
  func.func @_step_body(%arg0: i32, %arg1: memref<2048x128xf32, #tpu.memory_space<vmem>>, %arg2: memref<128x128xf32, #tpu.memory_space<vmem>>, %arg3: memref<1x128xf32, #tpu.memory_space<vmem>>, %arg4: memref<2048x128xf32, #tpu.memory_space<vmem>>, %arg5: memref<8x128xf32, #tpu.memory_space<vmem>>) attributes {dimension_semantics = [#tpu.dimension_semantics<arbitrary>], iteration_bounds = array<i64: 25>, scalar_prefetch = 0 : i64, scratch_operands = 0 : i64, tpu.core_type = #tpu.core_type<tc>, window_params = [{transform_indices = @transform_0, window_bounds = array<i64: 2048, 128>}, {pipeline_mode = #tpu.pipeline_mode<synchronous>, transform_indices = @transform_1, window_bounds = array<i64: 128, 128>}, {pipeline_mode = #tpu.pipeline_mode<synchronous>, transform_indices = @transform_2, window_bounds = array<i64: 1, 128>}, {transform_indices = @transform_3, window_bounds = array<i64: 2048, 128>}, {pipeline_mode = #tpu.pipeline_mode<synchronous>, transform_indices = @transform_4, window_bounds = array<i64: 8, 128>}]} {
    %get3A = arith.constant 0 : index
    %get3A_0 = arith.constant 0 : index
    %get3A_1 = vector.load %arg1[%get3A, %get3A_0] : memref<2048x128xf32, #tpu.memory_space<vmem>>, vector<2048x128xf32>
    %get3A_2 = arith.constant 0 : index
    %get3A_3 = arith.constant 0 : index
    %get3A_4 = vector.load %arg2[%get3A_2, %get3A_3] : memref<128x128xf32, #tpu.memory_space<vmem>>, vector<128x128xf32>
    %dot_general3A = arith.constant dense<0.000000e+00> : vector<2048x128xf32>
    %dot_general3A_5 = tpu.matmul %get3A_1, %get3A_4, %dot_general3A {dimension_numbers = #tpu.dot_dimension_numbers<[1], [0], [0], [1], [0, 0, 1, 1], [], []>, transpose_lhs_hint = false} : vector<2048x128xf32>, vector<128x128xf32>, vector<2048x128xf32> -> vector<2048x128xf32>
    %get3A_6 = arith.constant 0 : index
    %get3A_7 = arith.constant 0 : index
    %get3A_8 = vector.load %arg3[%get3A_6, %get3A_7] : memref<1x128xf32, #tpu.memory_space<vmem>>, vector<1x128xf32>
    %add3A = vector.broadcast %get3A_8 : vector<1x128xf32> to vector<2048x128xf32>
    %add3A_9 = arith.addf %dot_general3A_5, %add3A : vector<2048x128xf32>
    %swap3A = arith.constant 0 : index
    %swap3A_10 = arith.constant 0 : index
    %swap3A_11 = vector.load %arg4[%swap3A, %swap3A_10] : memref<2048x128xf32, #tpu.memory_space<vmem>>, vector<2048x128xf32>
    tpu.vector_store %arg4[%swap3A, %swap3A_10], %add3A_9 {strides = array<i32>} : memref<2048x128xf32, #tpu.memory_space<vmem>>, vector<2048x128xf32>,
    %eq3A = arith.constant 0 : i32
    %eq3A_12 = arith.cmpi eq, %arg0, %eq3A : i32
    %convert_element_type3A = arith.extui %eq3A_12 : i1 to i32
    %cond3A = arith.constant 0 : i32
    %cond3A_13 = arith.cmpi ne, %convert_element_type3A, %cond3A : i32
    scf.if %cond3A_13 {
      %broadcast_in_dim3A_36 = arith.constant 0.000000e+00 : f32
      %broadcast_in_dim3A_37 = vector.broadcast %broadcast_in_dim3A_36 : f32 to vector<8x128xf32>
      %swap3A_38 = arith.constant 0 : index
      %swap3A_39 = arith.constant 0 : index
      %swap3A_40 = vector.load %arg5[%swap3A_38, %swap3A_39] : memref<8x128xf32, #tpu.memory_space<vmem>>, vector<8x128xf32>
      tpu.vector_store %arg5[%swap3A_38, %swap3A_39], %broadcast_in_dim3A_37 {strides = array<i32>} : memref<8x128xf32, #tpu.memory_space<vmem>>, vector<8x128xf32>,
    } else {
    }
    %get3A_14 = arith.constant 0 : index
    %get3A_15 = arith.constant 0 : index
    %get3A_16 = vector.load %arg5[%get3A_14, %get3A_15] : memref<8x128xf32, #tpu.memory_space<vmem>>, vector<8x128xf32>
    %iota3A = tpu.iota {dimensions = array<i32: 0>} : vector<2048x1xi32>
    %mul3A = arith.constant 2048 : i32
    %mul3A_17 = arith.muli %arg0, %mul3A : i32
    %add3A_18 = vector.broadcast %mul3A_17 : i32 to vector<2048x1xi32>
    %add3A_19 = arith.addi %iota3A, %add3A_18 : vector<2048x1xi32>
    %lt3A = arith.constant 50000 : i32
    %lt3A_20 = vector.broadcast %lt3A : i32 to vector<2048x1xi32>
    %lt3A_21 = arith.cmpi slt, %add3A_19, %lt3A_20 : vector<2048x1xi32>
    %jit3A = arith.constant 0.000000e+00 : f32
    %broadcast_in_dim3A = vector.shape_cast %lt3A_21 : vector<2048x1xi1> to vector<2048x1xi1>
    %broadcast_in_dim3A_22 = vector.broadcast %broadcast_in_dim3A : vector<2048x1xi1> to vector<2048x128xi1>
    %broadcast_in_dim3A_23 = vector.broadcast %jit3A : f32 to vector<2048x128xf32>
    %select_n3A = arith.select %broadcast_in_dim3A_22, %add3A_9, %broadcast_in_dim3A_23 : vector<2048x128xi1>, vector<2048x128xf32>
    %reduce_sum3A = arith.constant dense<0.000000e+00> : vector<128xf32>
    %reduce_sum3A_24 = vector.multi_reduction <add>, %select_n3A, %reduce_sum3A [0] : vector<2048x128xf32> to vector<128xf32>
    %broadcast_in_dim3A_25 = vector.shape_cast %reduce_sum3A_24 : vector<128xf32> to vector<1x128xf32>
    %mul3A_26 = arith.mulf %select_n3A, %select_n3A : vector<2048x128xf32>
    %reduce_sum3A_27 = arith.constant dense<0.000000e+00> : vector<128xf32>
    %reduce_sum3A_28 = vector.multi_reduction <add>, %mul3A_26, %reduce_sum3A_27 [0] : vector<2048x128xf32> to vector<128xf32>
    %broadcast_in_dim3A_29 = vector.shape_cast %reduce_sum3A_28 : vector<128xf32> to vector<1x128xf32>
    %broadcast_in_dim3A_30 = arith.constant 0.000000e+00 : f32
    %broadcast_in_dim3A_31 = vector.broadcast %broadcast_in_dim3A_30 : f32 to vector<6x128xf32>
    %concatenate3A = tpu.concatenate %broadcast_in_dim3A_25, %broadcast_in_dim3A_29, %broadcast_in_dim3A_31 in 0 : vector<1x128xf32>, vector<1x128xf32>, vector<6x128xf32> -> vector<8x128xf32>
    %add3A_32 = arith.addf %get3A_16, %concatenate3A : vector<8x128xf32>
    %swap3A_33 = arith.constant 0 : index
    %swap3A_34 = arith.constant 0 : index
    %swap3A_35 = vector.load %arg5[%swap3A_33, %swap3A_34] : memref<8x128xf32, #tpu.memory_space<vmem>>, vector<8x128xf32>
    tpu.vector_store %arg5[%swap3A_33, %swap3A_34], %add3A_32 {strides = array<i32>} : memref<8x128xf32, #tpu.memory_space<vmem>>, vector<8x128xf32>,
    return
  }
  func.func @transform_0(%arg0: i32) -> (i32, i32) {
    %c0_i32 = arith.constant 0 : i32
    %c0_i32_0 = arith.constant 0 : i32
    return %arg0, %c0_i32 : i32, i32
  }
  func.func @transform_1(%arg0: i32) -> (i32, i32) {
    %c0_i32 = arith.constant 0 : i32
    %c0_i32_0 = arith.constant 0 : i32
    %c0_i32_1 = arith.constant 0 : i32
    return %c0_i32, %c0_i32_0 : i32, i32
  }
  func.func @transform_2(%arg0: i32) -> (i32, i32) {
    %c0_i32 = arith.constant 0 : i32
    %c0_i32_0 = arith.constant 0 : i32
    %c0_i32_1 = arith.constant 0 : i32
    return %c0_i32, %c0_i32_0 : i32, i32
  }
  func.func @transform_3(%arg0: i32) -> (i32, i32) {
    %c0_i32 = arith.constant 0 : i32
    %c0_i32_0 = arith.constant 0 : i32
    return %arg0, %c0_i32 : i32, i32
  }
  func.func @transform_4(%arg0: i32) -> (i32, i32) {
    %c0_i32 = arith.constant 0 : i32
    %c0_i32_0 = arith.constant 0 : i32
    %c0_i32_1 = arith.constant 0 : i32
    return %c0_i32, %c0_i32_0 : i32, i32
  }
}

module attributes {stable_mosaic.version = 14 : i64} {
  func.func @_step_body(%arg0: i32, %arg1: memref<2048x128xf32, #tpu.memory_space<vmem>>, %arg2: memref<128x128xf32, #tpu.memory_space<vmem>>, %arg3: memref<1x128xf32, #tpu.memory_space<vmem>>, %arg4: memref<8x128xf32, #tpu.memory_space<vmem>>, %arg5: memref<2048x128xf32, #tpu.memory_space<vmem>>, %arg6: memref<8x128xf32, #tpu.memory_space<vmem>>) attributes {dimension_semantics = [#tpu.dimension_semantics<arbitrary>], iteration_bounds = array<i64: 13>, scalar_prefetch = 0 : i64, scratch_operands = 0 : i64, tpu.core_type = #tpu.core_type<tc>, window_params = [{transform_indices = @transform_0, window_bounds = array<i64: 2048, 128>}, {pipeline_mode = #tpu.pipeline_mode<synchronous>, transform_indices = @transform_1, window_bounds = array<i64: 128, 128>}, {pipeline_mode = #tpu.pipeline_mode<synchronous>, transform_indices = @transform_2, window_bounds = array<i64: 1, 128>}, {pipeline_mode = #tpu.pipeline_mode<synchronous>, transform_indices = @transform_3, window_bounds = array<i64: 8, 128>}, {transform_indices = @transform_4, window_bounds = array<i64: 2048, 128>}, {pipeline_mode = #tpu.pipeline_mode<synchronous>, transform_indices = @transform_5, window_bounds = array<i64: 8, 128>}]} {
    %get3A = arith.constant 0 : index
    %get3A_0 = arith.constant 0 : index
    %get3A_1 = vector.load %arg1[%get3A, %get3A_0] : memref<2048x128xf32, #tpu.memory_space<vmem>>, vector<2048x128xf32>
    %get3A_2 = arith.constant 0 : index
    %get3A_3 = arith.constant 0 : index
    %get3A_4 = vector.load %arg4[%get3A_2, %get3A_3] : memref<8x128xf32, #tpu.memory_space<vmem>>, vector<1x128xf32>
    %sub3A = vector.broadcast %get3A_4 : vector<1x128xf32> to vector<2048x128xf32>
    %sub3A_5 = arith.subf %get3A_1, %sub3A : vector<2048x128xf32>
    %get3A_6 = arith.constant 1 : index
    %get3A_7 = arith.constant 0 : index
    %get3A_8 = vector.load %arg4[%get3A_6, %get3A_7] : memref<8x128xf32, #tpu.memory_space<vmem>>, vector<1x128xf32>
    %mul3A = vector.broadcast %get3A_8 : vector<1x128xf32> to vector<2048x128xf32>
    %mul3A_9 = arith.mulf %sub3A_5, %mul3A : vector<2048x128xf32>
    %max3A = arith.constant 0.000000e+00 : f32
    %max3A_10 = vector.broadcast %max3A : f32 to vector<2048x128xf32>
    %max3A_11 = arith.maximumf %mul3A_9, %max3A_10 : vector<2048x128xf32>
    %get3A_12 = arith.constant 0 : index
    %get3A_13 = arith.constant 0 : index
    %get3A_14 = vector.load %arg2[%get3A_12, %get3A_13] : memref<128x128xf32, #tpu.memory_space<vmem>>, vector<128x128xf32>
    %dot_general3A = arith.constant dense<0.000000e+00> : vector<2048x128xf32>
    %dot_general3A_15 = tpu.matmul %max3A_11, %get3A_14, %dot_general3A {dimension_numbers = #tpu.dot_dimension_numbers<[1], [0], [0], [1], [0, 0, 1, 1], [], []>, transpose_lhs_hint = false} : vector<2048x128xf32>, vector<128x128xf32>, vector<2048x128xf32> -> vector<2048x128xf32>
    %get3A_16 = arith.constant 0 : index
    %get3A_17 = arith.constant 0 : index
    %get3A_18 = vector.load %arg3[%get3A_16, %get3A_17] : memref<1x128xf32, #tpu.memory_space<vmem>>, vector<1x128xf32>
    %add3A = vector.broadcast %get3A_18 : vector<1x128xf32> to vector<2048x128xf32>
    %add3A_19 = arith.addf %dot_general3A_15, %add3A : vector<2048x128xf32>
    %swap3A = arith.constant 0 : index
    %swap3A_20 = arith.constant 0 : index
    %swap3A_21 = vector.load %arg5[%swap3A, %swap3A_20] : memref<2048x128xf32, #tpu.memory_space<vmem>>, vector<2048x128xf32>
    tpu.vector_store %arg5[%swap3A, %swap3A_20], %add3A_19 {strides = array<i32>} : memref<2048x128xf32, #tpu.memory_space<vmem>>, vector<2048x128xf32>,
    %eq3A = arith.constant 0 : i32
    %eq3A_22 = arith.cmpi eq, %arg0, %eq3A : i32
    %convert_element_type3A = arith.extui %eq3A_22 : i1 to i32
    %cond3A = arith.constant 0 : i32
    %cond3A_23 = arith.cmpi ne, %convert_element_type3A, %cond3A : i32
    scf.if %cond3A_23 {
      %broadcast_in_dim3A_47 = arith.constant 0.000000e+00 : f32
      %broadcast_in_dim3A_48 = vector.broadcast %broadcast_in_dim3A_47 : f32 to vector<8x128xf32>
      %swap3A_49 = arith.constant 0 : index
      %swap3A_50 = arith.constant 0 : index
      %swap3A_51 = vector.load %arg6[%swap3A_49, %swap3A_50] : memref<8x128xf32, #tpu.memory_space<vmem>>, vector<8x128xf32>
      tpu.vector_store %arg6[%swap3A_49, %swap3A_50], %broadcast_in_dim3A_48 {strides = array<i32>} : memref<8x128xf32, #tpu.memory_space<vmem>>, vector<8x128xf32>,
    } else {
    }
    %get3A_24 = arith.constant 0 : index
    %get3A_25 = arith.constant 0 : index
    %get3A_26 = vector.load %arg6[%get3A_24, %get3A_25] : memref<8x128xf32, #tpu.memory_space<vmem>>, vector<8x128xf32>
    %iota3A = tpu.iota {dimensions = array<i32: 0>} : vector<2048x1xi32>
    %mul3A_27 = arith.constant 2048 : i32
    %mul3A_28 = arith.muli %arg0, %mul3A_27 : i32
    %add3A_29 = vector.broadcast %mul3A_28 : i32 to vector<2048x1xi32>
    %add3A_30 = arith.addi %iota3A, %add3A_29 : vector<2048x1xi32>
    %lt3A = arith.constant 25000 : i32
    %lt3A_31 = vector.broadcast %lt3A : i32 to vector<2048x1xi32>
    %lt3A_32 = arith.cmpi slt, %add3A_30, %lt3A_31 : vector<2048x1xi32>
    %jit3A = arith.constant 0.000000e+00 : f32
    %broadcast_in_dim3A = vector.shape_cast %lt3A_32 : vector<2048x1xi1> to vector<2048x1xi1>
    %broadcast_in_dim3A_33 = vector.broadcast %broadcast_in_dim3A : vector<2048x1xi1> to vector<2048x128xi1>
    %broadcast_in_dim3A_34 = vector.broadcast %jit3A : f32 to vector<2048x128xf32>
    %select_n3A = arith.select %broadcast_in_dim3A_33, %add3A_19, %broadcast_in_dim3A_34 : vector<2048x128xi1>, vector<2048x128xf32>
    %reduce_sum3A = arith.constant dense<0.000000e+00> : vector<128xf32>
    %reduce_sum3A_35 = vector.multi_reduction <add>, %select_n3A, %reduce_sum3A [0] : vector<2048x128xf32> to vector<128xf32>
    %broadcast_in_dim3A_36 = vector.shape_cast %reduce_sum3A_35 : vector<128xf32> to vector<1x128xf32>
    %mul3A_37 = arith.mulf %select_n3A, %select_n3A : vector<2048x128xf32>
    %reduce_sum3A_38 = arith.constant dense<0.000000e+00> : vector<128xf32>
    %reduce_sum3A_39 = vector.multi_reduction <add>, %mul3A_37, %reduce_sum3A_38 [0] : vector<2048x128xf32> to vector<128xf32>
    %broadcast_in_dim3A_40 = vector.shape_cast %reduce_sum3A_39 : vector<128xf32> to vector<1x128xf32>
    %broadcast_in_dim3A_41 = arith.constant 0.000000e+00 : f32
    %broadcast_in_dim3A_42 = vector.broadcast %broadcast_in_dim3A_41 : f32 to vector<6x128xf32>
    %concatenate3A = tpu.concatenate %broadcast_in_dim3A_36, %broadcast_in_dim3A_40, %broadcast_in_dim3A_42 in 0 : vector<1x128xf32>, vector<1x128xf32>, vector<6x128xf32> -> vector<8x128xf32>
    %add3A_43 = arith.addf %get3A_26, %concatenate3A : vector<8x128xf32>
    %swap3A_44 = arith.constant 0 : index
    %swap3A_45 = arith.constant 0 : index
    %swap3A_46 = vector.load %arg6[%swap3A_44, %swap3A_45] : memref<8x128xf32, #tpu.memory_space<vmem>>, vector<8x128xf32>
    tpu.vector_store %arg6[%swap3A_44, %swap3A_45], %add3A_43 {strides = array<i32>} : memref<8x128xf32, #tpu.memory_space<vmem>>, vector<8x128xf32>,
    return
  }
  func.func @transform_0(%arg0: i32) -> (i32, i32) {
    %c0_i32 = arith.constant 0 : i32
    %c0_i32_0 = arith.constant 0 : i32
    return %arg0, %c0_i32 : i32, i32
  }
  func.func @transform_1(%arg0: i32) -> (i32, i32) {
    %c0_i32 = arith.constant 0 : i32
    %c0_i32_0 = arith.constant 0 : i32
    %c0_i32_1 = arith.constant 0 : i32
    return %c0_i32, %c0_i32_0 : i32, i32
  }
  func.func @transform_2(%arg0: i32) -> (i32, i32) {
    %c0_i32 = arith.constant 0 : i32
    %c0_i32_0 = arith.constant 0 : i32
    %c0_i32_1 = arith.constant 0 : i32
    return %c0_i32, %c0_i32_0 : i32, i32
  }
  func.func @transform_3(%arg0: i32) -> (i32, i32) {
    %c0_i32 = arith.constant 0 : i32
    %c0_i32_0 = arith.constant 0 : i32
    %c0_i32_1 = arith.constant 0 : i32
    return %c0_i32, %c0_i32_0 : i32, i32
  }
  func.func @transform_4(%arg0: i32) -> (i32, i32) {
    %c0_i32 = arith.constant 0 : i32
    %c0_i32_0 = arith.constant 0 : i32
    return %arg0, %c0_i32 : i32, i32
  }
  func.func @transform_5(%arg0: i32) -> (i32, i32) {
    %c0_i32 = arith.constant 0 : i32
    %c0_i32_0 = arith.constant 0 : i32
    %c0_i32_1 = arith.constant 0 : i32
    return %c0_i32, %c0_i32_0 : i32, i32
  }
}

module attributes {stable_mosaic.version = 14 : i64} {
  func.func @_step_body(%arg0: i32, %arg1: memref<2048x128xf32, #tpu.memory_space<vmem>>, %arg2: memref<128x128xf32, #tpu.memory_space<vmem>>, %arg3: memref<1x128xf32, #tpu.memory_space<vmem>>, %arg4: memref<2048x128xf32, #tpu.memory_space<vmem>>, %arg5: memref<8x128xf32, #tpu.memory_space<vmem>>) attributes {dimension_semantics = [#tpu.dimension_semantics<arbitrary>], iteration_bounds = array<i64: 13>, scalar_prefetch = 0 : i64, scratch_operands = 0 : i64, tpu.core_type = #tpu.core_type<tc>, window_params = [{transform_indices = @transform_0, window_bounds = array<i64: 2048, 128>}, {pipeline_mode = #tpu.pipeline_mode<synchronous>, transform_indices = @transform_1, window_bounds = array<i64: 128, 128>}, {pipeline_mode = #tpu.pipeline_mode<synchronous>, transform_indices = @transform_2, window_bounds = array<i64: 1, 128>}, {transform_indices = @transform_3, window_bounds = array<i64: 2048, 128>}, {pipeline_mode = #tpu.pipeline_mode<synchronous>, transform_indices = @transform_4, window_bounds = array<i64: 8, 128>}]} {
    %get3A = arith.constant 0 : index
    %get3A_0 = arith.constant 0 : index
    %get3A_1 = vector.load %arg1[%get3A, %get3A_0] : memref<2048x128xf32, #tpu.memory_space<vmem>>, vector<2048x128xf32>
    %get3A_2 = arith.constant 0 : index
    %get3A_3 = arith.constant 0 : index
    %get3A_4 = vector.load %arg2[%get3A_2, %get3A_3] : memref<128x128xf32, #tpu.memory_space<vmem>>, vector<128x128xf32>
    %dot_general3A = arith.constant dense<0.000000e+00> : vector<2048x128xf32>
    %dot_general3A_5 = tpu.matmul %get3A_1, %get3A_4, %dot_general3A {dimension_numbers = #tpu.dot_dimension_numbers<[1], [0], [0], [1], [0, 0, 1, 1], [], []>, transpose_lhs_hint = false} : vector<2048x128xf32>, vector<128x128xf32>, vector<2048x128xf32> -> vector<2048x128xf32>
    %get3A_6 = arith.constant 0 : index
    %get3A_7 = arith.constant 0 : index
    %get3A_8 = vector.load %arg3[%get3A_6, %get3A_7] : memref<1x128xf32, #tpu.memory_space<vmem>>, vector<1x128xf32>
    %add3A = vector.broadcast %get3A_8 : vector<1x128xf32> to vector<2048x128xf32>
    %add3A_9 = arith.addf %dot_general3A_5, %add3A : vector<2048x128xf32>
    %swap3A = arith.constant 0 : index
    %swap3A_10 = arith.constant 0 : index
    %swap3A_11 = vector.load %arg4[%swap3A, %swap3A_10] : memref<2048x128xf32, #tpu.memory_space<vmem>>, vector<2048x128xf32>
    tpu.vector_store %arg4[%swap3A, %swap3A_10], %add3A_9 {strides = array<i32>} : memref<2048x128xf32, #tpu.memory_space<vmem>>, vector<2048x128xf32>,
    %eq3A = arith.constant 0 : i32
    %eq3A_12 = arith.cmpi eq, %arg0, %eq3A : i32
    %convert_element_type3A = arith.extui %eq3A_12 : i1 to i32
    %cond3A = arith.constant 0 : i32
    %cond3A_13 = arith.cmpi ne, %convert_element_type3A, %cond3A : i32
    scf.if %cond3A_13 {
      %broadcast_in_dim3A_36 = arith.constant 0.000000e+00 : f32
      %broadcast_in_dim3A_37 = vector.broadcast %broadcast_in_dim3A_36 : f32 to vector<8x128xf32>
      %swap3A_38 = arith.constant 0 : index
      %swap3A_39 = arith.constant 0 : index
      %swap3A_40 = vector.load %arg5[%swap3A_38, %swap3A_39] : memref<8x128xf32, #tpu.memory_space<vmem>>, vector<8x128xf32>
      tpu.vector_store %arg5[%swap3A_38, %swap3A_39], %broadcast_in_dim3A_37 {strides = array<i32>} : memref<8x128xf32, #tpu.memory_space<vmem>>, vector<8x128xf32>,
    } else {
    }
    %get3A_14 = arith.constant 0 : index
    %get3A_15 = arith.constant 0 : index
    %get3A_16 = vector.load %arg5[%get3A_14, %get3A_15] : memref<8x128xf32, #tpu.memory_space<vmem>>, vector<8x128xf32>
    %iota3A = tpu.iota {dimensions = array<i32: 0>} : vector<2048x1xi32>
    %mul3A = arith.constant 2048 : i32
    %mul3A_17 = arith.muli %arg0, %mul3A : i32
    %add3A_18 = vector.broadcast %mul3A_17 : i32 to vector<2048x1xi32>
    %add3A_19 = arith.addi %iota3A, %add3A_18 : vector<2048x1xi32>
    %lt3A = arith.constant 25000 : i32
    %lt3A_20 = vector.broadcast %lt3A : i32 to vector<2048x1xi32>
    %lt3A_21 = arith.cmpi slt, %add3A_19, %lt3A_20 : vector<2048x1xi32>
    %jit3A = arith.constant 0.000000e+00 : f32
    %broadcast_in_dim3A = vector.shape_cast %lt3A_21 : vector<2048x1xi1> to vector<2048x1xi1>
    %broadcast_in_dim3A_22 = vector.broadcast %broadcast_in_dim3A : vector<2048x1xi1> to vector<2048x128xi1>
    %broadcast_in_dim3A_23 = vector.broadcast %jit3A : f32 to vector<2048x128xf32>
    %select_n3A = arith.select %broadcast_in_dim3A_22, %add3A_9, %broadcast_in_dim3A_23 : vector<2048x128xi1>, vector<2048x128xf32>
    %reduce_sum3A = arith.constant dense<0.000000e+00> : vector<128xf32>
    %reduce_sum3A_24 = vector.multi_reduction <add>, %select_n3A, %reduce_sum3A [0] : vector<2048x128xf32> to vector<128xf32>
    %broadcast_in_dim3A_25 = vector.shape_cast %reduce_sum3A_24 : vector<128xf32> to vector<1x128xf32>
    %mul3A_26 = arith.mulf %select_n3A, %select_n3A : vector<2048x128xf32>
    %reduce_sum3A_27 = arith.constant dense<0.000000e+00> : vector<128xf32>
    %reduce_sum3A_28 = vector.multi_reduction <add>, %mul3A_26, %reduce_sum3A_27 [0] : vector<2048x128xf32> to vector<128xf32>
    %broadcast_in_dim3A_29 = vector.shape_cast %reduce_sum3A_28 : vector<128xf32> to vector<1x128xf32>
    %broadcast_in_dim3A_30 = arith.constant 0.000000e+00 : f32
    %broadcast_in_dim3A_31 = vector.broadcast %broadcast_in_dim3A_30 : f32 to vector<6x128xf32>
    %concatenate3A = tpu.concatenate %broadcast_in_dim3A_25, %broadcast_in_dim3A_29, %broadcast_in_dim3A_31 in 0 : vector<1x128xf32>, vector<1x128xf32>, vector<6x128xf32> -> vector<8x128xf32>
    %add3A_32 = arith.addf %get3A_16, %concatenate3A : vector<8x128xf32>
    %swap3A_33 = arith.constant 0 : index
    %swap3A_34 = arith.constant 0 : index
    %swap3A_35 = vector.load %arg5[%swap3A_33, %swap3A_34] : memref<8x128xf32, #tpu.memory_space<vmem>>, vector<8x128xf32>
    tpu.vector_store %arg5[%swap3A_33, %swap3A_34], %add3A_32 {strides = array<i32>} : memref<8x128xf32, #tpu.memory_space<vmem>>, vector<8x128xf32>,
    return
  }
  func.func @transform_0(%arg0: i32) -> (i32, i32) {
    %c0_i32 = arith.constant 0 : i32
    %c0_i32_0 = arith.constant 0 : i32
    return %arg0, %c0_i32 : i32, i32
  }
  func.func @transform_1(%arg0: i32) -> (i32, i32) {
    %c0_i32 = arith.constant 0 : i32
    %c0_i32_0 = arith.constant 0 : i32
    %c0_i32_1 = arith.constant 0 : i32
    return %c0_i32, %c0_i32_0 : i32, i32
  }
  func.func @transform_2(%arg0: i32) -> (i32, i32) {
    %c0_i32 = arith.constant 0 : i32
    %c0_i32_0 = arith.constant 0 : i32
    %c0_i32_1 = arith.constant 0 : i32
    return %c0_i32, %c0_i32_0 : i32, i32
  }
  func.func @transform_3(%arg0: i32) -> (i32, i32) {
    %c0_i32 = arith.constant 0 : i32
    %c0_i32_0 = arith.constant 0 : i32
    return %arg0, %c0_i32 : i32, i32
  }
  func.func @transform_4(%arg0: i32) -> (i32, i32) {
    %c0_i32 = arith.constant 0 : i32
    %c0_i32_0 = arith.constant 0 : i32
    %c0_i32_1 = arith.constant 0 : i32
    return %c0_i32, %c0_i32_0 : i32, i32
  }
}

module attributes {stable_mosaic.version = 14 : i64} {
  func.func @_step_body(%arg0: i32, %arg1: memref<2048x128xf32, #tpu.memory_space<vmem>>, %arg2: memref<128x128xf32, #tpu.memory_space<vmem>>, %arg3: memref<1x128xf32, #tpu.memory_space<vmem>>, %arg4: memref<8x128xf32, #tpu.memory_space<vmem>>, %arg5: memref<2048x128xf32, #tpu.memory_space<vmem>>, %arg6: memref<2048x128xf32, #tpu.memory_space<vmem>>, %arg7: memref<2048x128xf32, #tpu.memory_space<vmem>>, %arg8: memref<8x128xf32, #tpu.memory_space<vmem>>) attributes {dimension_semantics = [#tpu.dimension_semantics<arbitrary>], iteration_bounds = array<i64: 13>, scalar_prefetch = 0 : i64, scratch_operands = 0 : i64, tpu.core_type = #tpu.core_type<tc>, window_params = [{transform_indices = @transform_0, window_bounds = array<i64: 2048, 128>}, {pipeline_mode = #tpu.pipeline_mode<synchronous>, transform_indices = @transform_1, window_bounds = array<i64: 128, 128>}, {pipeline_mode = #tpu.pipeline_mode<synchronous>, transform_indices = @transform_2, window_bounds = array<i64: 1, 128>}, {pipeline_mode = #tpu.pipeline_mode<synchronous>, transform_indices = @transform_3, window_bounds = array<i64: 8, 128>}, {transform_indices = @transform_4, window_bounds = array<i64: 2048, 128>}, {transform_indices = @transform_5, window_bounds = array<i64: 2048, 128>}, {transform_indices = @transform_6, window_bounds = array<i64: 2048, 128>}, {pipeline_mode = #tpu.pipeline_mode<synchronous>, transform_indices = @transform_7, window_bounds = array<i64: 8, 128>}]} {
    %get3A = arith.constant 0 : index
    %get3A_0 = arith.constant 0 : index
    %get3A_1 = vector.load %arg1[%get3A, %get3A_0] : memref<2048x128xf32, #tpu.memory_space<vmem>>, vector<2048x128xf32>
    %get3A_2 = arith.constant 0 : index
    %get3A_3 = arith.constant 0 : index
    %get3A_4 = vector.load %arg4[%get3A_2, %get3A_3] : memref<8x128xf32, #tpu.memory_space<vmem>>, vector<1x128xf32>
    %sub3A = vector.broadcast %get3A_4 : vector<1x128xf32> to vector<2048x128xf32>
    %sub3A_5 = arith.subf %get3A_1, %sub3A : vector<2048x128xf32>
    %get3A_6 = arith.constant 1 : index
    %get3A_7 = arith.constant 0 : index
    %get3A_8 = vector.load %arg4[%get3A_6, %get3A_7] : memref<8x128xf32, #tpu.memory_space<vmem>>, vector<1x128xf32>
    %mul3A = vector.broadcast %get3A_8 : vector<1x128xf32> to vector<2048x128xf32>
    %mul3A_9 = arith.mulf %sub3A_5, %mul3A : vector<2048x128xf32>
    %get3A_10 = arith.constant 0 : index
    %get3A_11 = arith.constant 0 : index
    %get3A_12 = vector.load %arg5[%get3A_10, %get3A_11] : memref<2048x128xf32, #tpu.memory_space<vmem>>, vector<2048x128xf32>
    %add3A = arith.addf %mul3A_9, %get3A_12 : vector<2048x128xf32>
    %max3A = arith.constant 0.000000e+00 : f32
    %max3A_13 = vector.broadcast %max3A : f32 to vector<2048x128xf32>
    %max3A_14 = arith.maximumf %add3A, %max3A_13 : vector<2048x128xf32>
    %swap3A = arith.constant 0 : index
    %swap3A_15 = arith.constant 0 : index
    %swap3A_16 = vector.load %arg6[%swap3A, %swap3A_15] : memref<2048x128xf32, #tpu.memory_space<vmem>>, vector<2048x128xf32>
    tpu.vector_store %arg6[%swap3A, %swap3A_15], %max3A_14 {strides = array<i32>} : memref<2048x128xf32, #tpu.memory_space<vmem>>, vector<2048x128xf32>,
    %get3A_17 = arith.constant 0 : index
    %get3A_18 = arith.constant 0 : index
    %get3A_19 = vector.load %arg2[%get3A_17, %get3A_18] : memref<128x128xf32, #tpu.memory_space<vmem>>, vector<128x128xf32>
    %dot_general3A = arith.constant dense<0.000000e+00> : vector<2048x128xf32>
    %dot_general3A_20 = tpu.matmul %max3A_14, %get3A_19, %dot_general3A {dimension_numbers = #tpu.dot_dimension_numbers<[1], [0], [0], [1], [0, 0, 1, 1], [], []>, transpose_lhs_hint = false} : vector<2048x128xf32>, vector<128x128xf32>, vector<2048x128xf32> -> vector<2048x128xf32>
    %get3A_21 = arith.constant 0 : index
    %get3A_22 = arith.constant 0 : index
    %get3A_23 = vector.load %arg3[%get3A_21, %get3A_22] : memref<1x128xf32, #tpu.memory_space<vmem>>, vector<1x128xf32>
    %add3A_24 = vector.broadcast %get3A_23 : vector<1x128xf32> to vector<2048x128xf32>
    %add3A_25 = arith.addf %dot_general3A_20, %add3A_24 : vector<2048x128xf32>
    %swap3A_26 = arith.constant 0 : index
    %swap3A_27 = arith.constant 0 : index
    %swap3A_28 = vector.load %arg7[%swap3A_26, %swap3A_27] : memref<2048x128xf32, #tpu.memory_space<vmem>>, vector<2048x128xf32>
    tpu.vector_store %arg7[%swap3A_26, %swap3A_27], %add3A_25 {strides = array<i32>} : memref<2048x128xf32, #tpu.memory_space<vmem>>, vector<2048x128xf32>,
    %eq3A = arith.constant 0 : i32
    %eq3A_29 = arith.cmpi eq, %arg0, %eq3A : i32
    %convert_element_type3A = arith.extui %eq3A_29 : i1 to i32
    %cond3A = arith.constant 0 : i32
    %cond3A_30 = arith.cmpi ne, %convert_element_type3A, %cond3A : i32
    scf.if %cond3A_30 {
      %broadcast_in_dim3A_54 = arith.constant 0.000000e+00 : f32
      %broadcast_in_dim3A_55 = vector.broadcast %broadcast_in_dim3A_54 : f32 to vector<8x128xf32>
      %swap3A_56 = arith.constant 0 : index
      %swap3A_57 = arith.constant 0 : index
      %swap3A_58 = vector.load %arg8[%swap3A_56, %swap3A_57] : memref<8x128xf32, #tpu.memory_space<vmem>>, vector<8x128xf32>
      tpu.vector_store %arg8[%swap3A_56, %swap3A_57], %broadcast_in_dim3A_55 {strides = array<i32>} : memref<8x128xf32, #tpu.memory_space<vmem>>, vector<8x128xf32>,
    } else {
    }
    %get3A_31 = arith.constant 0 : index
    %get3A_32 = arith.constant 0 : index
    %get3A_33 = vector.load %arg8[%get3A_31, %get3A_32] : memref<8x128xf32, #tpu.memory_space<vmem>>, vector<8x128xf32>
    %iota3A = tpu.iota {dimensions = array<i32: 0>} : vector<2048x1xi32>
    %mul3A_34 = arith.constant 2048 : i32
    %mul3A_35 = arith.muli %arg0, %mul3A_34 : i32
    %add3A_36 = vector.broadcast %mul3A_35 : i32 to vector<2048x1xi32>
    %add3A_37 = arith.addi %iota3A, %add3A_36 : vector<2048x1xi32>
    %lt3A = arith.constant 25000 : i32
    %lt3A_38 = vector.broadcast %lt3A : i32 to vector<2048x1xi32>
    %lt3A_39 = arith.cmpi slt, %add3A_37, %lt3A_38 : vector<2048x1xi32>
    %jit3A = arith.constant 0.000000e+00 : f32
    %broadcast_in_dim3A = vector.shape_cast %lt3A_39 : vector<2048x1xi1> to vector<2048x1xi1>
    %broadcast_in_dim3A_40 = vector.broadcast %broadcast_in_dim3A : vector<2048x1xi1> to vector<2048x128xi1>
    %broadcast_in_dim3A_41 = vector.broadcast %jit3A : f32 to vector<2048x128xf32>
    %select_n3A = arith.select %broadcast_in_dim3A_40, %add3A_25, %broadcast_in_dim3A_41 : vector<2048x128xi1>, vector<2048x128xf32>
    %reduce_sum3A = arith.constant dense<0.000000e+00> : vector<128xf32>
    %reduce_sum3A_42 = vector.multi_reduction <add>, %select_n3A, %reduce_sum3A [0] : vector<2048x128xf32> to vector<128xf32>
    %broadcast_in_dim3A_43 = vector.shape_cast %reduce_sum3A_42 : vector<128xf32> to vector<1x128xf32>
    %mul3A_44 = arith.mulf %select_n3A, %select_n3A : vector<2048x128xf32>
    %reduce_sum3A_45 = arith.constant dense<0.000000e+00> : vector<128xf32>
    %reduce_sum3A_46 = vector.multi_reduction <add>, %mul3A_44, %reduce_sum3A_45 [0] : vector<2048x128xf32> to vector<128xf32>
    %broadcast_in_dim3A_47 = vector.shape_cast %reduce_sum3A_46 : vector<128xf32> to vector<1x128xf32>
    %broadcast_in_dim3A_48 = arith.constant 0.000000e+00 : f32
    %broadcast_in_dim3A_49 = vector.broadcast %broadcast_in_dim3A_48 : f32 to vector<6x128xf32>
    %concatenate3A = tpu.concatenate %broadcast_in_dim3A_43, %broadcast_in_dim3A_47, %broadcast_in_dim3A_49 in 0 : vector<1x128xf32>, vector<1x128xf32>, vector<6x128xf32> -> vector<8x128xf32>
    %add3A_50 = arith.addf %get3A_33, %concatenate3A : vector<8x128xf32>
    %swap3A_51 = arith.constant 0 : index
    %swap3A_52 = arith.constant 0 : index
    %swap3A_53 = vector.load %arg8[%swap3A_51, %swap3A_52] : memref<8x128xf32, #tpu.memory_space<vmem>>, vector<8x128xf32>
    tpu.vector_store %arg8[%swap3A_51, %swap3A_52], %add3A_50 {strides = array<i32>} : memref<8x128xf32, #tpu.memory_space<vmem>>, vector<8x128xf32>,
    return
  }
  func.func @transform_0(%arg0: i32) -> (i32, i32) {
    %c0_i32 = arith.constant 0 : i32
    %c0_i32_0 = arith.constant 0 : i32
    return %arg0, %c0_i32 : i32, i32
  }
  func.func @transform_1(%arg0: i32) -> (i32, i32) {
    %c0_i32 = arith.constant 0 : i32
    %c0_i32_0 = arith.constant 0 : i32
    %c0_i32_1 = arith.constant 0 : i32
    return %c0_i32, %c0_i32_0 : i32, i32
  }
  func.func @transform_2(%arg0: i32) -> (i32, i32) {
    %c0_i32 = arith.constant 0 : i32
    %c0_i32_0 = arith.constant 0 : i32
    %c0_i32_1 = arith.constant 0 : i32
    return %c0_i32, %c0_i32_0 : i32, i32
  }
  func.func @transform_3(%arg0: i32) -> (i32, i32) {
    %c0_i32 = arith.constant 0 : i32
    %c0_i32_0 = arith.constant 0 : i32
    %c0_i32_1 = arith.constant 0 : i32
    return %c0_i32, %c0_i32_0 : i32, i32
  }
  func.func @transform_4(%arg0: i32) -> (i32, i32) {
    %c0_i32 = arith.constant 0 : i32
    %c0_i32_0 = arith.constant 0 : i32
    return %arg0, %c0_i32 : i32, i32
  }
  func.func @transform_5(%arg0: i32) -> (i32, i32) {
    %c0_i32 = arith.constant 0 : i32
    %c0_i32_0 = arith.constant 0 : i32
    return %arg0, %c0_i32 : i32, i32
  }
  func.func @transform_6(%arg0: i32) -> (i32, i32) {
    %c0_i32 = arith.constant 0 : i32
    %c0_i32_0 = arith.constant 0 : i32
    return %arg0, %c0_i32 : i32, i32
  }
  func.func @transform_7(%arg0: i32) -> (i32, i32) {
    %c0_i32 = arith.constant 0 : i32
    %c0_i32_0 = arith.constant 0 : i32
    %c0_i32_1 = arith.constant 0 : i32
    return %c0_i32, %c0_i32_0 : i32, i32
  }
}

module attributes {stable_mosaic.version = 14 : i64} {
  func.func @_step_body(%arg0: i32, %arg1: memref<2048x128xf32, #tpu.memory_space<vmem>>, %arg2: memref<128x128xf32, #tpu.memory_space<vmem>>, %arg3: memref<1x128xf32, #tpu.memory_space<vmem>>, %arg4: memref<8x128xf32, #tpu.memory_space<vmem>>, %arg5: memref<2048x128xf32, #tpu.memory_space<vmem>>, %arg6: memref<8x128xf32, #tpu.memory_space<vmem>>) attributes {dimension_semantics = [#tpu.dimension_semantics<arbitrary>], iteration_bounds = array<i64: 25>, scalar_prefetch = 0 : i64, scratch_operands = 0 : i64, tpu.core_type = #tpu.core_type<tc>, window_params = [{transform_indices = @transform_0, window_bounds = array<i64: 2048, 128>}, {pipeline_mode = #tpu.pipeline_mode<synchronous>, transform_indices = @transform_1, window_bounds = array<i64: 128, 128>}, {pipeline_mode = #tpu.pipeline_mode<synchronous>, transform_indices = @transform_2, window_bounds = array<i64: 1, 128>}, {pipeline_mode = #tpu.pipeline_mode<synchronous>, transform_indices = @transform_3, window_bounds = array<i64: 8, 128>}, {transform_indices = @transform_4, window_bounds = array<i64: 2048, 128>}, {pipeline_mode = #tpu.pipeline_mode<synchronous>, transform_indices = @transform_5, window_bounds = array<i64: 8, 128>}]} {
    %get3A = arith.constant 0 : index
    %get3A_0 = arith.constant 0 : index
    %get3A_1 = vector.load %arg1[%get3A, %get3A_0] : memref<2048x128xf32, #tpu.memory_space<vmem>>, vector<2048x128xf32>
    %get3A_2 = arith.constant 0 : index
    %get3A_3 = arith.constant 0 : index
    %get3A_4 = vector.load %arg4[%get3A_2, %get3A_3] : memref<8x128xf32, #tpu.memory_space<vmem>>, vector<1x128xf32>
    %sub3A = vector.broadcast %get3A_4 : vector<1x128xf32> to vector<2048x128xf32>
    %sub3A_5 = arith.subf %get3A_1, %sub3A : vector<2048x128xf32>
    %get3A_6 = arith.constant 1 : index
    %get3A_7 = arith.constant 0 : index
    %get3A_8 = vector.load %arg4[%get3A_6, %get3A_7] : memref<8x128xf32, #tpu.memory_space<vmem>>, vector<1x128xf32>
    %mul3A = vector.broadcast %get3A_8 : vector<1x128xf32> to vector<2048x128xf32>
    %mul3A_9 = arith.mulf %sub3A_5, %mul3A : vector<2048x128xf32>
    %max3A = arith.constant 0.000000e+00 : f32
    %max3A_10 = vector.broadcast %max3A : f32 to vector<2048x128xf32>
    %max3A_11 = arith.maximumf %mul3A_9, %max3A_10 : vector<2048x128xf32>
    %get3A_12 = arith.constant 0 : index
    %get3A_13 = arith.constant 0 : index
    %get3A_14 = vector.load %arg2[%get3A_12, %get3A_13] : memref<128x128xf32, #tpu.memory_space<vmem>>, vector<128x128xf32>
    %dot_general3A = arith.constant dense<0.000000e+00> : vector<2048x128xf32>
    %dot_general3A_15 = tpu.matmul %max3A_11, %get3A_14, %dot_general3A {dimension_numbers = #tpu.dot_dimension_numbers<[1], [0], [0], [1], [0, 0, 1, 1], [], []>, transpose_lhs_hint = false} : vector<2048x128xf32>, vector<128x128xf32>, vector<2048x128xf32> -> vector<2048x128xf32>
    %get3A_16 = arith.constant 0 : index
    %get3A_17 = arith.constant 0 : index
    %get3A_18 = vector.load %arg3[%get3A_16, %get3A_17] : memref<1x128xf32, #tpu.memory_space<vmem>>, vector<1x128xf32>
    %add3A = vector.broadcast %get3A_18 : vector<1x128xf32> to vector<2048x128xf32>
    %add3A_19 = arith.addf %dot_general3A_15, %add3A : vector<2048x128xf32>
    %swap3A = arith.constant 0 : index
    %swap3A_20 = arith.constant 0 : index
    %swap3A_21 = vector.load %arg5[%swap3A, %swap3A_20] : memref<2048x128xf32, #tpu.memory_space<vmem>>, vector<2048x128xf32>
    tpu.vector_store %arg5[%swap3A, %swap3A_20], %add3A_19 {strides = array<i32>} : memref<2048x128xf32, #tpu.memory_space<vmem>>, vector<2048x128xf32>,
    %eq3A = arith.constant 0 : i32
    %eq3A_22 = arith.cmpi eq, %arg0, %eq3A : i32
    %convert_element_type3A = arith.extui %eq3A_22 : i1 to i32
    %cond3A = arith.constant 0 : i32
    %cond3A_23 = arith.cmpi ne, %convert_element_type3A, %cond3A : i32
    scf.if %cond3A_23 {
      %broadcast_in_dim3A_47 = arith.constant 0.000000e+00 : f32
      %broadcast_in_dim3A_48 = vector.broadcast %broadcast_in_dim3A_47 : f32 to vector<8x128xf32>
      %swap3A_49 = arith.constant 0 : index
      %swap3A_50 = arith.constant 0 : index
      %swap3A_51 = vector.load %arg6[%swap3A_49, %swap3A_50] : memref<8x128xf32, #tpu.memory_space<vmem>>, vector<8x128xf32>
      tpu.vector_store %arg6[%swap3A_49, %swap3A_50], %broadcast_in_dim3A_48 {strides = array<i32>} : memref<8x128xf32, #tpu.memory_space<vmem>>, vector<8x128xf32>,
    } else {
    }
    %get3A_24 = arith.constant 0 : index
    %get3A_25 = arith.constant 0 : index
    %get3A_26 = vector.load %arg6[%get3A_24, %get3A_25] : memref<8x128xf32, #tpu.memory_space<vmem>>, vector<8x128xf32>
    %iota3A = tpu.iota {dimensions = array<i32: 0>} : vector<2048x1xi32>
    %mul3A_27 = arith.constant 2048 : i32
    %mul3A_28 = arith.muli %arg0, %mul3A_27 : i32
    %add3A_29 = vector.broadcast %mul3A_28 : i32 to vector<2048x1xi32>
    %add3A_30 = arith.addi %iota3A, %add3A_29 : vector<2048x1xi32>
    %lt3A = arith.constant 50000 : i32
    %lt3A_31 = vector.broadcast %lt3A : i32 to vector<2048x1xi32>
    %lt3A_32 = arith.cmpi slt, %add3A_30, %lt3A_31 : vector<2048x1xi32>
    %jit3A = arith.constant 0.000000e+00 : f32
    %broadcast_in_dim3A = vector.shape_cast %lt3A_32 : vector<2048x1xi1> to vector<2048x1xi1>
    %broadcast_in_dim3A_33 = vector.broadcast %broadcast_in_dim3A : vector<2048x1xi1> to vector<2048x128xi1>
    %broadcast_in_dim3A_34 = vector.broadcast %jit3A : f32 to vector<2048x128xf32>
    %select_n3A = arith.select %broadcast_in_dim3A_33, %add3A_19, %broadcast_in_dim3A_34 : vector<2048x128xi1>, vector<2048x128xf32>
    %reduce_sum3A = arith.constant dense<0.000000e+00> : vector<128xf32>
    %reduce_sum3A_35 = vector.multi_reduction <add>, %select_n3A, %reduce_sum3A [0] : vector<2048x128xf32> to vector<128xf32>
    %broadcast_in_dim3A_36 = vector.shape_cast %reduce_sum3A_35 : vector<128xf32> to vector<1x128xf32>
    %mul3A_37 = arith.mulf %select_n3A, %select_n3A : vector<2048x128xf32>
    %reduce_sum3A_38 = arith.constant dense<0.000000e+00> : vector<128xf32>
    %reduce_sum3A_39 = vector.multi_reduction <add>, %mul3A_37, %reduce_sum3A_38 [0] : vector<2048x128xf32> to vector<128xf32>
    %broadcast_in_dim3A_40 = vector.shape_cast %reduce_sum3A_39 : vector<128xf32> to vector<1x128xf32>
    %broadcast_in_dim3A_41 = arith.constant 0.000000e+00 : f32
    %broadcast_in_dim3A_42 = vector.broadcast %broadcast_in_dim3A_41 : f32 to vector<6x128xf32>
    %concatenate3A = tpu.concatenate %broadcast_in_dim3A_36, %broadcast_in_dim3A_40, %broadcast_in_dim3A_42 in 0 : vector<1x128xf32>, vector<1x128xf32>, vector<6x128xf32> -> vector<8x128xf32>
    %add3A_43 = arith.addf %get3A_26, %concatenate3A : vector<8x128xf32>
    %swap3A_44 = arith.constant 0 : index
    %swap3A_45 = arith.constant 0 : index
    %swap3A_46 = vector.load %arg6[%swap3A_44, %swap3A_45] : memref<8x128xf32, #tpu.memory_space<vmem>>, vector<8x128xf32>
    tpu.vector_store %arg6[%swap3A_44, %swap3A_45], %add3A_43 {strides = array<i32>} : memref<8x128xf32, #tpu.memory_space<vmem>>, vector<8x128xf32>,
    return
  }
  func.func @transform_0(%arg0: i32) -> (i32, i32) {
    %c0_i32 = arith.constant 0 : i32
    %c0_i32_0 = arith.constant 0 : i32
    return %arg0, %c0_i32 : i32, i32
  }
  func.func @transform_1(%arg0: i32) -> (i32, i32) {
    %c0_i32 = arith.constant 0 : i32
    %c0_i32_0 = arith.constant 0 : i32
    %c0_i32_1 = arith.constant 0 : i32
    return %c0_i32, %c0_i32_0 : i32, i32
  }
  func.func @transform_2(%arg0: i32) -> (i32, i32) {
    %c0_i32 = arith.constant 0 : i32
    %c0_i32_0 = arith.constant 0 : i32
    %c0_i32_1 = arith.constant 0 : i32
    return %c0_i32, %c0_i32_0 : i32, i32
  }
  func.func @transform_3(%arg0: i32) -> (i32, i32) {
    %c0_i32 = arith.constant 0 : i32
    %c0_i32_0 = arith.constant 0 : i32
    %c0_i32_1 = arith.constant 0 : i32
    return %c0_i32, %c0_i32_0 : i32, i32
  }
  func.func @transform_4(%arg0: i32) -> (i32, i32) {
    %c0_i32 = arith.constant 0 : i32
    %c0_i32_0 = arith.constant 0 : i32
    return %arg0, %c0_i32 : i32, i32
  }
  func.func @transform_5(%arg0: i32) -> (i32, i32) {
    %c0_i32 = arith.constant 0 : i32
    %c0_i32_0 = arith.constant 0 : i32
    %c0_i32_1 = arith.constant 0 : i32
    return %c0_i32, %c0_i32_0 : i32, i32
  }
}

module attributes {stable_mosaic.version = 14 : i64} {
  func.func @_step_body(%arg0: i32, %arg1: memref<2048x128xf32, #tpu.memory_space<vmem>>, %arg2: memref<128x128xf32, #tpu.memory_space<vmem>>, %arg3: memref<1x128xf32, #tpu.memory_space<vmem>>, %arg4: memref<8x128xf32, #tpu.memory_space<vmem>>, %arg5: memref<2048x128xf32, #tpu.memory_space<vmem>>, %arg6: memref<2048x128xf32, #tpu.memory_space<vmem>>, %arg7: memref<2048x128xf32, #tpu.memory_space<vmem>>, %arg8: memref<8x128xf32, #tpu.memory_space<vmem>>) attributes {dimension_semantics = [#tpu.dimension_semantics<arbitrary>], iteration_bounds = array<i64: 25>, scalar_prefetch = 0 : i64, scratch_operands = 0 : i64, tpu.core_type = #tpu.core_type<tc>, window_params = [{transform_indices = @transform_0, window_bounds = array<i64: 2048, 128>}, {pipeline_mode = #tpu.pipeline_mode<synchronous>, transform_indices = @transform_1, window_bounds = array<i64: 128, 128>}, {pipeline_mode = #tpu.pipeline_mode<synchronous>, transform_indices = @transform_2, window_bounds = array<i64: 1, 128>}, {pipeline_mode = #tpu.pipeline_mode<synchronous>, transform_indices = @transform_3, window_bounds = array<i64: 8, 128>}, {transform_indices = @transform_4, window_bounds = array<i64: 2048, 128>}, {transform_indices = @transform_5, window_bounds = array<i64: 2048, 128>}, {transform_indices = @transform_6, window_bounds = array<i64: 2048, 128>}, {pipeline_mode = #tpu.pipeline_mode<synchronous>, transform_indices = @transform_7, window_bounds = array<i64: 8, 128>}]} {
    %get3A = arith.constant 0 : index
    %get3A_0 = arith.constant 0 : index
    %get3A_1 = vector.load %arg1[%get3A, %get3A_0] : memref<2048x128xf32, #tpu.memory_space<vmem>>, vector<2048x128xf32>
    %get3A_2 = arith.constant 0 : index
    %get3A_3 = arith.constant 0 : index
    %get3A_4 = vector.load %arg4[%get3A_2, %get3A_3] : memref<8x128xf32, #tpu.memory_space<vmem>>, vector<1x128xf32>
    %sub3A = vector.broadcast %get3A_4 : vector<1x128xf32> to vector<2048x128xf32>
    %sub3A_5 = arith.subf %get3A_1, %sub3A : vector<2048x128xf32>
    %get3A_6 = arith.constant 1 : index
    %get3A_7 = arith.constant 0 : index
    %get3A_8 = vector.load %arg4[%get3A_6, %get3A_7] : memref<8x128xf32, #tpu.memory_space<vmem>>, vector<1x128xf32>
    %mul3A = vector.broadcast %get3A_8 : vector<1x128xf32> to vector<2048x128xf32>
    %mul3A_9 = arith.mulf %sub3A_5, %mul3A : vector<2048x128xf32>
    %get3A_10 = arith.constant 0 : index
    %get3A_11 = arith.constant 0 : index
    %get3A_12 = vector.load %arg5[%get3A_10, %get3A_11] : memref<2048x128xf32, #tpu.memory_space<vmem>>, vector<2048x128xf32>
    %add3A = arith.addf %mul3A_9, %get3A_12 : vector<2048x128xf32>
    %max3A = arith.constant 0.000000e+00 : f32
    %max3A_13 = vector.broadcast %max3A : f32 to vector<2048x128xf32>
    %max3A_14 = arith.maximumf %add3A, %max3A_13 : vector<2048x128xf32>
    %swap3A = arith.constant 0 : index
    %swap3A_15 = arith.constant 0 : index
    %swap3A_16 = vector.load %arg6[%swap3A, %swap3A_15] : memref<2048x128xf32, #tpu.memory_space<vmem>>, vector<2048x128xf32>
    tpu.vector_store %arg6[%swap3A, %swap3A_15], %max3A_14 {strides = array<i32>} : memref<2048x128xf32, #tpu.memory_space<vmem>>, vector<2048x128xf32>,
    %get3A_17 = arith.constant 0 : index
    %get3A_18 = arith.constant 0 : index
    %get3A_19 = vector.load %arg2[%get3A_17, %get3A_18] : memref<128x128xf32, #tpu.memory_space<vmem>>, vector<128x128xf32>
    %dot_general3A = arith.constant dense<0.000000e+00> : vector<2048x128xf32>
    %dot_general3A_20 = tpu.matmul %max3A_14, %get3A_19, %dot_general3A {dimension_numbers = #tpu.dot_dimension_numbers<[1], [0], [0], [1], [0, 0, 1, 1], [], []>, transpose_lhs_hint = false} : vector<2048x128xf32>, vector<128x128xf32>, vector<2048x128xf32> -> vector<2048x128xf32>
    %get3A_21 = arith.constant 0 : index
    %get3A_22 = arith.constant 0 : index
    %get3A_23 = vector.load %arg3[%get3A_21, %get3A_22] : memref<1x128xf32, #tpu.memory_space<vmem>>, vector<1x128xf32>
    %add3A_24 = vector.broadcast %get3A_23 : vector<1x128xf32> to vector<2048x128xf32>
    %add3A_25 = arith.addf %dot_general3A_20, %add3A_24 : vector<2048x128xf32>
    %swap3A_26 = arith.constant 0 : index
    %swap3A_27 = arith.constant 0 : index
    %swap3A_28 = vector.load %arg7[%swap3A_26, %swap3A_27] : memref<2048x128xf32, #tpu.memory_space<vmem>>, vector<2048x128xf32>
    tpu.vector_store %arg7[%swap3A_26, %swap3A_27], %add3A_25 {strides = array<i32>} : memref<2048x128xf32, #tpu.memory_space<vmem>>, vector<2048x128xf32>,
    %eq3A = arith.constant 0 : i32
    %eq3A_29 = arith.cmpi eq, %arg0, %eq3A : i32
    %convert_element_type3A = arith.extui %eq3A_29 : i1 to i32
    %cond3A = arith.constant 0 : i32
    %cond3A_30 = arith.cmpi ne, %convert_element_type3A, %cond3A : i32
    scf.if %cond3A_30 {
      %broadcast_in_dim3A_54 = arith.constant 0.000000e+00 : f32
      %broadcast_in_dim3A_55 = vector.broadcast %broadcast_in_dim3A_54 : f32 to vector<8x128xf32>
      %swap3A_56 = arith.constant 0 : index
      %swap3A_57 = arith.constant 0 : index
      %swap3A_58 = vector.load %arg8[%swap3A_56, %swap3A_57] : memref<8x128xf32, #tpu.memory_space<vmem>>, vector<8x128xf32>
      tpu.vector_store %arg8[%swap3A_56, %swap3A_57], %broadcast_in_dim3A_55 {strides = array<i32>} : memref<8x128xf32, #tpu.memory_space<vmem>>, vector<8x128xf32>,
    } else {
    }
    %get3A_31 = arith.constant 0 : index
    %get3A_32 = arith.constant 0 : index
    %get3A_33 = vector.load %arg8[%get3A_31, %get3A_32] : memref<8x128xf32, #tpu.memory_space<vmem>>, vector<8x128xf32>
    %iota3A = tpu.iota {dimensions = array<i32: 0>} : vector<2048x1xi32>
    %mul3A_34 = arith.constant 2048 : i32
    %mul3A_35 = arith.muli %arg0, %mul3A_34 : i32
    %add3A_36 = vector.broadcast %mul3A_35 : i32 to vector<2048x1xi32>
    %add3A_37 = arith.addi %iota3A, %add3A_36 : vector<2048x1xi32>
    %lt3A = arith.constant 50000 : i32
    %lt3A_38 = vector.broadcast %lt3A : i32 to vector<2048x1xi32>
    %lt3A_39 = arith.cmpi slt, %add3A_37, %lt3A_38 : vector<2048x1xi32>
    %jit3A = arith.constant 0.000000e+00 : f32
    %broadcast_in_dim3A = vector.shape_cast %lt3A_39 : vector<2048x1xi1> to vector<2048x1xi1>
    %broadcast_in_dim3A_40 = vector.broadcast %broadcast_in_dim3A : vector<2048x1xi1> to vector<2048x128xi1>
    %broadcast_in_dim3A_41 = vector.broadcast %jit3A : f32 to vector<2048x128xf32>
    %select_n3A = arith.select %broadcast_in_dim3A_40, %add3A_25, %broadcast_in_dim3A_41 : vector<2048x128xi1>, vector<2048x128xf32>
    %reduce_sum3A = arith.constant dense<0.000000e+00> : vector<128xf32>
    %reduce_sum3A_42 = vector.multi_reduction <add>, %select_n3A, %reduce_sum3A [0] : vector<2048x128xf32> to vector<128xf32>
    %broadcast_in_dim3A_43 = vector.shape_cast %reduce_sum3A_42 : vector<128xf32> to vector<1x128xf32>
    %mul3A_44 = arith.mulf %select_n3A, %select_n3A : vector<2048x128xf32>
    %reduce_sum3A_45 = arith.constant dense<0.000000e+00> : vector<128xf32>
    %reduce_sum3A_46 = vector.multi_reduction <add>, %mul3A_44, %reduce_sum3A_45 [0] : vector<2048x128xf32> to vector<128xf32>
    %broadcast_in_dim3A_47 = vector.shape_cast %reduce_sum3A_46 : vector<128xf32> to vector<1x128xf32>
    %broadcast_in_dim3A_48 = arith.constant 0.000000e+00 : f32
    %broadcast_in_dim3A_49 = vector.broadcast %broadcast_in_dim3A_48 : f32 to vector<6x128xf32>
    %concatenate3A = tpu.concatenate %broadcast_in_dim3A_43, %broadcast_in_dim3A_47, %broadcast_in_dim3A_49 in 0 : vector<1x128xf32>, vector<1x128xf32>, vector<6x128xf32> -> vector<8x128xf32>
    %add3A_50 = arith.addf %get3A_33, %concatenate3A : vector<8x128xf32>
    %swap3A_51 = arith.constant 0 : index
    %swap3A_52 = arith.constant 0 : index
    %swap3A_53 = vector.load %arg8[%swap3A_51, %swap3A_52] : memref<8x128xf32, #tpu.memory_space<vmem>>, vector<8x128xf32>
    tpu.vector_store %arg8[%swap3A_51, %swap3A_52], %add3A_50 {strides = array<i32>} : memref<8x128xf32, #tpu.memory_space<vmem>>, vector<8x128xf32>,
    return
  }
  func.func @transform_0(%arg0: i32) -> (i32, i32) {
    %c0_i32 = arith.constant 0 : i32
    %c0_i32_0 = arith.constant 0 : i32
    return %arg0, %c0_i32 : i32, i32
  }
  func.func @transform_1(%arg0: i32) -> (i32, i32) {
    %c0_i32 = arith.constant 0 : i32
    %c0_i32_0 = arith.constant 0 : i32
    %c0_i32_1 = arith.constant 0 : i32
    return %c0_i32, %c0_i32_0 : i32, i32
  }
  func.func @transform_2(%arg0: i32) -> (i32, i32) {
    %c0_i32 = arith.constant 0 : i32
    %c0_i32_0 = arith.constant 0 : i32
    %c0_i32_1 = arith.constant 0 : i32
    return %c0_i32, %c0_i32_0 : i32, i32
  }
  func.func @transform_3(%arg0: i32) -> (i32, i32) {
    %c0_i32 = arith.constant 0 : i32
    %c0_i32_0 = arith.constant 0 : i32
    %c0_i32_1 = arith.constant 0 : i32
    return %c0_i32, %c0_i32_0 : i32, i32
  }
  func.func @transform_4(%arg0: i32) -> (i32, i32) {
    %c0_i32 = arith.constant 0 : i32
    %c0_i32_0 = arith.constant 0 : i32
    return %arg0, %c0_i32 : i32, i32
  }
  func.func @transform_5(%arg0: i32) -> (i32, i32) {
    %c0_i32 = arith.constant 0 : i32
    %c0_i32_0 = arith.constant 0 : i32
    return %arg0, %c0_i32 : i32, i32
  }
  func.func @transform_6(%arg0: i32) -> (i32, i32) {
    %c0_i32 = arith.constant 0 : i32
    %c0_i32_0 = arith.constant 0 : i32
    return %arg0, %c0_i32 : i32, i32
  }
  func.func @transform_7(%arg0: i32) -> (i32, i32) {
    %c0_i32 = arith.constant 0 : i32
    %c0_i32_0 = arith.constant 0 : i32
    %c0_i32_1 = arith.constant 0 : i32
    return %c0_i32, %c0_i32_0 : i32, i32
  }
}

module attributes {stable_mosaic.version = 14 : i64} {
  func.func @_tail_body(%arg0: i32, %arg1: memref<2048x128xf32, #tpu.memory_space<vmem>>, %arg2: memref<8x128xf32, #tpu.memory_space<vmem>>, %arg3: memref<2048x128xf32, #tpu.memory_space<vmem>>, %arg4: memref<2048x128xf32, #tpu.memory_space<vmem>>, %arg5: memref<128x128xf32, #tpu.memory_space<vmem>>, %arg6: memref<1x128xf32, #tpu.memory_space<vmem>>, %arg7: memref<2048x128xf32, #tpu.memory_space<vmem>>, %arg8: memref<2048x128xf32, #tpu.memory_space<vmem>>) attributes {dimension_semantics = [#tpu.dimension_semantics<arbitrary>], iteration_bounds = array<i64: 25>, scalar_prefetch = 0 : i64, scratch_operands = 0 : i64, tpu.core_type = #tpu.core_type<tc>, window_params = [{transform_indices = @transform_0, window_bounds = array<i64: 2048, 128>}, {pipeline_mode = #tpu.pipeline_mode<synchronous>, transform_indices = @transform_1, window_bounds = array<i64: 8, 128>}, {transform_indices = @transform_2, window_bounds = array<i64: 2048, 128>}, {transform_indices = @transform_3, window_bounds = array<i64: 2048, 128>}, {pipeline_mode = #tpu.pipeline_mode<synchronous>, transform_indices = @transform_4, window_bounds = array<i64: 128, 128>}, {pipeline_mode = #tpu.pipeline_mode<synchronous>, transform_indices = @transform_5, window_bounds = array<i64: 1, 128>}, {transform_indices = @transform_6, window_bounds = array<i64: 2048, 128>}, {transform_indices = @transform_7, window_bounds = array<i64: 2048, 128>}]} {
    %get3A = arith.constant 0 : index
    %get3A_0 = arith.constant 0 : index
    %get3A_1 = vector.load %arg1[%get3A, %get3A_0] : memref<2048x128xf32, #tpu.memory_space<vmem>>, vector<2048x128xf32>
    %get3A_2 = arith.constant 0 : index
    %get3A_3 = arith.constant 0 : index
    %get3A_4 = vector.load %arg2[%get3A_2, %get3A_3] : memref<8x128xf32, #tpu.memory_space<vmem>>, vector<1x128xf32>
    %sub3A = vector.broadcast %get3A_4 : vector<1x128xf32> to vector<2048x128xf32>
    %sub3A_5 = arith.subf %get3A_1, %sub3A : vector<2048x128xf32>
    %get3A_6 = arith.constant 1 : index
    %get3A_7 = arith.constant 0 : index
    %get3A_8 = vector.load %arg2[%get3A_6, %get3A_7] : memref<8x128xf32, #tpu.memory_space<vmem>>, vector<1x128xf32>
    %mul3A = vector.broadcast %get3A_8 : vector<1x128xf32> to vector<2048x128xf32>
    %mul3A_9 = arith.mulf %sub3A_5, %mul3A : vector<2048x128xf32>
    %get3A_10 = arith.constant 0 : index
    %get3A_11 = arith.constant 0 : index
    %get3A_12 = vector.load %arg3[%get3A_10, %get3A_11] : memref<2048x128xf32, #tpu.memory_space<vmem>>, vector<2048x128xf32>
    %add3A = arith.addf %mul3A_9, %get3A_12 : vector<2048x128xf32>
    %max3A = arith.constant 0.000000e+00 : f32
    %max3A_13 = vector.broadcast %max3A : f32 to vector<2048x128xf32>
    %max3A_14 = arith.maximumf %add3A, %max3A_13 : vector<2048x128xf32>
    %get3A_15 = arith.constant 0 : index
    %get3A_16 = arith.constant 0 : index
    %get3A_17 = vector.load %arg4[%get3A_15, %get3A_16] : memref<2048x128xf32, #tpu.memory_space<vmem>>, vector<2048x128xf32>
    %add3A_18 = arith.addf %get3A_17, %max3A_14 : vector<2048x128xf32>
    %swap3A = arith.constant 0 : index
    %swap3A_19 = arith.constant 0 : index
    %swap3A_20 = vector.load %arg7[%swap3A, %swap3A_19] : memref<2048x128xf32, #tpu.memory_space<vmem>>, vector<2048x128xf32>
    tpu.vector_store %arg7[%swap3A, %swap3A_19], %add3A_18 {strides = array<i32>} : memref<2048x128xf32, #tpu.memory_space<vmem>>, vector<2048x128xf32>,
    %get3A_21 = arith.constant 0 : index
    %get3A_22 = arith.constant 0 : index
    %get3A_23 = vector.load %arg5[%get3A_21, %get3A_22] : memref<128x128xf32, #tpu.memory_space<vmem>>, vector<128x128xf32>
    %dot_general3A = arith.constant dense<0.000000e+00> : vector<2048x128xf32>
    %dot_general3A_24 = tpu.matmul %add3A_18, %get3A_23, %dot_general3A {dimension_numbers = #tpu.dot_dimension_numbers<[1], [0], [0], [1], [0, 0, 1, 1], [], []>, transpose_lhs_hint = false} : vector<2048x128xf32>, vector<128x128xf32>, vector<2048x128xf32> -> vector<2048x128xf32>
    %get3A_25 = arith.constant 0 : index
    %get3A_26 = arith.constant 0 : index
    %get3A_27 = vector.load %arg6[%get3A_25, %get3A_26] : memref<1x128xf32, #tpu.memory_space<vmem>>, vector<1x128xf32>
    %add3A_28 = vector.broadcast %get3A_27 : vector<1x128xf32> to vector<2048x128xf32>
    %add3A_29 = arith.addf %dot_general3A_24, %add3A_28 : vector<2048x128xf32>
    %gt3A = arith.constant 0.000000e+00 : f32
    %gt3A_30 = vector.broadcast %gt3A : f32 to vector<2048x128xf32>
    %gt3A_31 = arith.cmpf ogt, %add3A_29, %gt3A_30 : vector<2048x128xf32>
    %mul3A_32 = arith.constant 1.000000e-01 : f32
    %mul3A_33 = vector.broadcast %mul3A_32 : f32 to vector<2048x128xf32>
    %mul3A_34 = arith.mulf %mul3A_33, %add3A_29 : vector<2048x128xf32>
    %select_n3A = arith.select %gt3A_31, %add3A_29, %mul3A_34 : vector<2048x128xi1>, vector<2048x128xf32>
    %swap3A_35 = arith.constant 0 : index
    %swap3A_36 = arith.constant 0 : index
    %swap3A_37 = vector.load %arg8[%swap3A_35, %swap3A_36] : memref<2048x128xf32, #tpu.memory_space<vmem>>, vector<2048x128xf32>
    tpu.vector_store %arg8[%swap3A_35, %swap3A_36], %select_n3A {strides = array<i32>} : memref<2048x128xf32, #tpu.memory_space<vmem>>, vector<2048x128xf32>,
    return
  }
  func.func @transform_0(%arg0: i32) -> (i32, i32) {
    %c0_i32 = arith.constant 0 : i32
    %c0_i32_0 = arith.constant 0 : i32
    return %arg0, %c0_i32 : i32, i32
  }
  func.func @transform_1(%arg0: i32) -> (i32, i32) {
    %c0_i32 = arith.constant 0 : i32
    %c0_i32_0 = arith.constant 0 : i32
    %c0_i32_1 = arith.constant 0 : i32
    return %c0_i32, %c0_i32_0 : i32, i32
  }
  func.func @transform_2(%arg0: i32) -> (i32, i32) {
    %c0_i32 = arith.constant 0 : i32
    %c0_i32_0 = arith.constant 0 : i32
    return %arg0, %c0_i32 : i32, i32
  }
  func.func @transform_3(%arg0: i32) -> (i32, i32) {
    %c0_i32 = arith.constant 0 : i32
    %c0_i32_0 = arith.constant 0 : i32
    return %arg0, %c0_i32 : i32, i32
  }
  func.func @transform_4(%arg0: i32) -> (i32, i32) {
    %c0_i32 = arith.constant 0 : i32
    %c0_i32_0 = arith.constant 0 : i32
    %c0_i32_1 = arith.constant 0 : i32
    return %c0_i32, %c0_i32_0 : i32, i32
  }
  func.func @transform_5(%arg0: i32) -> (i32, i32) {
    %c0_i32 = arith.constant 0 : i32
    %c0_i32_0 = arith.constant 0 : i32
    %c0_i32_1 = arith.constant 0 : i32
    return %c0_i32, %c0_i32_0 : i32, i32
  }
  func.func @transform_6(%arg0: i32) -> (i32, i32) {
    %c0_i32 = arith.constant 0 : i32
    %c0_i32_0 = arith.constant 0 : i32
    return %arg0, %c0_i32 : i32, i32
  }
  func.func @transform_7(%arg0: i32) -> (i32, i32) {
    %c0_i32 = arith.constant 0 : i32
    %c0_i32_0 = arith.constant 0 : i32
    return %arg0, %c0_i32 : i32, i32
  }
}

module attributes {stable_mosaic.version = 14 : i64} {
  func.func @_mm2_body(%arg0: i32, %arg1: memref<2048x128xf32, #tpu.memory_space<vmem>>, %arg2: memref<2048x128xf32, #tpu.memory_space<vmem>>, %arg3: memref<128x128xf32, #tpu.memory_space<vmem>>, %arg4: memref<128x128xf32, #tpu.memory_space<vmem>>, %arg5: memref<1x128xf32, #tpu.memory_space<vmem>>, %arg6: memref<128x128xf32, #tpu.memory_space<vmem>>, %arg7: memref<1x128xf32, #tpu.memory_space<vmem>>, %arg8: memref<2048x128xf32, #tpu.memory_space<vmem>>) attributes {dimension_semantics = [#tpu.dimension_semantics<arbitrary>], iteration_bounds = array<i64: 25>, scalar_prefetch = 0 : i64, scratch_operands = 0 : i64, tpu.core_type = #tpu.core_type<tc>, window_params = [{transform_indices = @transform_0, window_bounds = array<i64: 2048, 128>}, {transform_indices = @transform_1, window_bounds = array<i64: 2048, 128>}, {pipeline_mode = #tpu.pipeline_mode<synchronous>, transform_indices = @transform_2, window_bounds = array<i64: 128, 128>}, {pipeline_mode = #tpu.pipeline_mode<synchronous>, transform_indices = @transform_3, window_bounds = array<i64: 128, 128>}, {pipeline_mode = #tpu.pipeline_mode<synchronous>, transform_indices = @transform_4, window_bounds = array<i64: 1, 128>}, {pipeline_mode = #tpu.pipeline_mode<synchronous>, transform_indices = @transform_5, window_bounds = array<i64: 128, 128>}, {pipeline_mode = #tpu.pipeline_mode<synchronous>, transform_indices = @transform_6, window_bounds = array<i64: 1, 128>}, {transform_indices = @transform_7, window_bounds = array<i64: 2048, 128>}]} {
    %get3A = arith.constant 0 : index
    %get3A_0 = arith.constant 0 : index
    %get3A_1 = vector.load %arg1[%get3A, %get3A_0] : memref<2048x128xf32, #tpu.memory_space<vmem>>, vector<2048x128xf32>
    %get3A_2 = arith.constant 0 : index
    %get3A_3 = arith.constant 0 : index
    %get3A_4 = vector.load %arg3[%get3A_2, %get3A_3] : memref<128x128xf32, #tpu.memory_space<vmem>>, vector<128x128xf32>
    %dot_general3A = arith.constant dense<0.000000e+00> : vector<2048x128xf32>
    %dot_general3A_5 = tpu.matmul %get3A_1, %get3A_4, %dot_general3A {dimension_numbers = #tpu.dot_dimension_numbers<[1], [0], [0], [1], [0, 0, 1, 1], [], []>, transpose_lhs_hint = false} : vector<2048x128xf32>, vector<128x128xf32>, vector<2048x128xf32> -> vector<2048x128xf32>
    %get3A_6 = arith.constant 0 : index
    %get3A_7 = arith.constant 0 : index
    %get3A_8 = vector.load %arg2[%get3A_6, %get3A_7] : memref<2048x128xf32, #tpu.memory_space<vmem>>, vector<2048x128xf32>
    %get3A_9 = arith.constant 0 : index
    %get3A_10 = arith.constant 0 : index
    %get3A_11 = vector.load %arg4[%get3A_9, %get3A_10] : memref<128x128xf32, #tpu.memory_space<vmem>>, vector<128x128xf32>
    %dot_general3A_12 = arith.constant dense<0.000000e+00> : vector<2048x128xf32>
    %dot_general3A_13 = tpu.matmul %get3A_8, %get3A_11, %dot_general3A_12 {dimension_numbers = #tpu.dot_dimension_numbers<[1], [0], [0], [1], [0, 0, 1, 1], [], []>, transpose_lhs_hint = false} : vector<2048x128xf32>, vector<128x128xf32>, vector<2048x128xf32> -> vector<2048x128xf32>
    %add3A = arith.addf %dot_general3A_5, %dot_general3A_13 : vector<2048x128xf32>
    %get3A_14 = arith.constant 0 : index
    %get3A_15 = arith.constant 0 : index
    %get3A_16 = vector.load %arg5[%get3A_14, %get3A_15] : memref<1x128xf32, #tpu.memory_space<vmem>>, vector<1x128xf32>
    %add3A_17 = vector.broadcast %get3A_16 : vector<1x128xf32> to vector<2048x128xf32>
    %add3A_18 = arith.addf %add3A, %add3A_17 : vector<2048x128xf32>
    %gt3A = arith.constant 0.000000e+00 : f32
    %gt3A_19 = vector.broadcast %gt3A : f32 to vector<2048x128xf32>
    %gt3A_20 = arith.cmpf ogt, %add3A_18, %gt3A_19 : vector<2048x128xf32>
    %mul3A = arith.constant 1.000000e-01 : f32
    %mul3A_21 = vector.broadcast %mul3A : f32 to vector<2048x128xf32>
    %mul3A_22 = arith.mulf %mul3A_21, %add3A_18 : vector<2048x128xf32>
    %select_n3A = arith.select %gt3A_20, %add3A_18, %mul3A_22 : vector<2048x128xi1>, vector<2048x128xf32>
    %get3A_23 = arith.constant 0 : index
    %get3A_24 = arith.constant 0 : index
    %get3A_25 = vector.load %arg6[%get3A_23, %get3A_24] : memref<128x128xf32, #tpu.memory_space<vmem>>, vector<128x128xf32>
    %dot_general3A_26 = arith.constant dense<0.000000e+00> : vector<2048x128xf32>
    %dot_general3A_27 = tpu.matmul %select_n3A, %get3A_25, %dot_general3A_26 {dimension_numbers = #tpu.dot_dimension_numbers<[1], [0], [0], [1], [0, 0, 1, 1], [], []>, transpose_lhs_hint = false} : vector<2048x128xf32>, vector<128x128xf32>, vector<2048x128xf32> -> vector<2048x128xf32>
    %get3A_28 = arith.constant 0 : index
    %get3A_29 = arith.constant 0 : index
    %get3A_30 = vector.load %arg7[%get3A_28, %get3A_29] : memref<1x128xf32, #tpu.memory_space<vmem>>, vector<1x128xf32>
    %add3A_31 = vector.broadcast %get3A_30 : vector<1x128xf32> to vector<2048x128xf32>
    %add3A_32 = arith.addf %dot_general3A_27, %add3A_31 : vector<2048x128xf32>
    %swap3A = arith.constant 0 : index
    %swap3A_33 = arith.constant 0 : index
    %swap3A_34 = vector.load %arg8[%swap3A, %swap3A_33] : memref<2048x128xf32, #tpu.memory_space<vmem>>, vector<2048x128xf32>
    tpu.vector_store %arg8[%swap3A, %swap3A_33], %add3A_32 {strides = array<i32>} : memref<2048x128xf32, #tpu.memory_space<vmem>>, vector<2048x128xf32>,
    return
  }
  func.func @transform_0(%arg0: i32) -> (i32, i32) {
    %c0_i32 = arith.constant 0 : i32
    %c0_i32_0 = arith.constant 0 : i32
    return %arg0, %c0_i32 : i32, i32
  }
  func.func @transform_1(%arg0: i32) -> (i32, i32) {
    %c0_i32 = arith.constant 0 : i32
    %c0_i32_0 = arith.constant 0 : i32
    return %arg0, %c0_i32 : i32, i32
  }
  func.func @transform_2(%arg0: i32) -> (i32, i32) {
    %c0_i32 = arith.constant 0 : i32
    %c0_i32_0 = arith.constant 0 : i32
    %c0_i32_1 = arith.constant 0 : i32
    return %c0_i32, %c0_i32_0 : i32, i32
  }
  func.func @transform_3(%arg0: i32) -> (i32, i32) {
    %c0_i32 = arith.constant 0 : i32
    %c0_i32_0 = arith.constant 0 : i32
    %c0_i32_1 = arith.constant 0 : i32
    return %c0_i32, %c0_i32_0 : i32, i32
  }
  func.func @transform_4(%arg0: i32) -> (i32, i32) {
    %c0_i32 = arith.constant 0 : i32
    %c0_i32_0 = arith.constant 0 : i32
    %c0_i32_1 = arith.constant 0 : i32
    return %c0_i32, %c0_i32_0 : i32, i32
  }
  func.func @transform_5(%arg0: i32) -> (i32, i32) {
    %c0_i32 = arith.constant 0 : i32
    %c0_i32_0 = arith.constant 0 : i32
    %c0_i32_1 = arith.constant 0 : i32
    return %c0_i32, %c0_i32_0 : i32, i32
  }
  func.func @transform_6(%arg0: i32) -> (i32, i32) {
    %c0_i32 = arith.constant 0 : i32
    %c0_i32_0 = arith.constant 0 : i32
    %c0_i32_1 = arith.constant 0 : i32
    return %c0_i32, %c0_i32_0 : i32, i32
  }
  func.func @transform_7(%arg0: i32) -> (i32, i32) {
    %c0_i32 = arith.constant 0 : i32
    %c0_i32_0 = arith.constant 0 : i32
    return %arg0, %c0_i32 : i32, i32
  }
}

module attributes {stable_mosaic.version = 14 : i64} {
  func.func @_combine_body(%arg0: i32, %arg1: memref<896x128xf32, #tpu.memory_space<vmem>>, %arg2: memref<896x128xf32, #tpu.memory_space<vmem>>, %arg3: memref<896x128xf32, #tpu.memory_space<vmem>>) attributes {dimension_semantics = [#tpu.dimension_semantics<arbitrary>], iteration_bounds = array<i64: 14>, scalar_prefetch = 0 : i64, scratch_operands = 0 : i64, tpu.core_type = #tpu.core_type<tc>, window_params = [{transform_indices = @transform_0, window_bounds = array<i64: 896, 128>}, {transform_indices = @transform_1, window_bounds = array<i64: 896, 128>}, {transform_indices = @transform_2, window_bounds = array<i64: 896, 128>}]} {
    %get3A = arith.constant 0 : index
    %get3A_0 = arith.constant 0 : index
    %get3A_1 = vector.load %arg1[%get3A, %get3A_0] : memref<896x128xf32, #tpu.memory_space<vmem>>, vector<896x128xf32>
    %get3A_2 = arith.constant 0 : index
    %get3A_3 = arith.constant 0 : index
    %get3A_4 = vector.load %arg2[%get3A_2, %get3A_3] : memref<896x128xf32, #tpu.memory_space<vmem>>, vector<896x1xf32>
    %max3A = arith.constant 1.000000e+00 : f32
    %max3A_5 = vector.broadcast %max3A : f32 to vector<896x1xf32>
    %max3A_6 = arith.maximumf %get3A_4, %max3A_5 : vector<896x1xf32>
    %div3A = vector.broadcast %max3A_6 : vector<896x1xf32> to vector<896x128xf32>
    %div3A_7 = arith.divf %get3A_1, %div3A : vector<896x128xf32>
    %swap3A = arith.constant 0 : index
    %swap3A_8 = arith.constant 0 : index
    %swap3A_9 = vector.load %arg3[%swap3A, %swap3A_8] : memref<896x128xf32, #tpu.memory_space<vmem>>, vector<896x128xf32>
    tpu.vector_store %arg3[%swap3A, %swap3A_8], %div3A_7 {strides = array<i32>} : memref<896x128xf32, #tpu.memory_space<vmem>>, vector<896x128xf32>,
    return
  }
  func.func @transform_0(%arg0: i32) -> (i32, i32) {
    %c0_i32 = arith.constant 0 : i32
    %c0_i32_0 = arith.constant 0 : i32
    return %arg0, %c0_i32 : i32, i32
  }
  func.func @transform_1(%arg0: i32) -> (i32, i32) {
    %c0_i32 = arith.constant 0 : i32
    %c0_i32_0 = arith.constant 0 : i32
    return %arg0, %c0_i32 : i32, i32
  }
  func.func @transform_2(%arg0: i32) -> (i32, i32) {
    %c0_i32 = arith.constant 0 : i32
    %c0_i32_0 = arith.constant 0 : i32
    return %arg0, %c0_i32 : i32, i32
  }
}

module attributes {stable_mosaic.version = 14 : i64} {
  func.func @_loss_body(%arg0: i32, %arg1: memref<2048x128xf32, #tpu.memory_space<vmem>>, %arg2: memref<8x128xf32, #tpu.memory_space<vmem>>, %arg3: memref<2048x128xf32, #tpu.memory_space<vmem>>, %arg4: memref<2x128xf32, #tpu.memory_space<vmem>>, %arg5: memref<8x128xf32, #tpu.memory_space<vmem>>) attributes {dimension_semantics = [#tpu.dimension_semantics<arbitrary>], iteration_bounds = array<i64: 13>, scalar_prefetch = 0 : i64, scratch_operands = 0 : i64, tpu.core_type = #tpu.core_type<tc>, window_params = [{transform_indices = @transform_0, window_bounds = array<i64: 2048, 128>}, {pipeline_mode = #tpu.pipeline_mode<synchronous>, transform_indices = @transform_1, window_bounds = array<i64: 8, 128>}, {transform_indices = @transform_2, window_bounds = array<i64: 2048, 128>}, {pipeline_mode = #tpu.pipeline_mode<synchronous>, transform_indices = @transform_3, window_bounds = array<i64: 2, 128>}, {pipeline_mode = #tpu.pipeline_mode<synchronous>, transform_indices = @transform_4, window_bounds = array<i64: 8, 128>}]} {
    %get3A = arith.constant 0 : index
    %get3A_0 = arith.constant 0 : index
    %get3A_1 = vector.load %arg1[%get3A, %get3A_0] : memref<2048x128xf32, #tpu.memory_space<vmem>>, vector<2048x128xf32>
    %get3A_2 = arith.constant 0 : index
    %get3A_3 = arith.constant 0 : index
    %get3A_4 = vector.load %arg2[%get3A_2, %get3A_3] : memref<8x128xf32, #tpu.memory_space<vmem>>, vector<1x128xf32>
    %sub3A = vector.broadcast %get3A_4 : vector<1x128xf32> to vector<2048x128xf32>
    %sub3A_5 = arith.subf %get3A_1, %sub3A : vector<2048x128xf32>
    %get3A_6 = arith.constant 1 : index
    %get3A_7 = arith.constant 0 : index
    %get3A_8 = vector.load %arg2[%get3A_6, %get3A_7] : memref<8x128xf32, #tpu.memory_space<vmem>>, vector<1x128xf32>
    %mul3A = vector.broadcast %get3A_8 : vector<1x128xf32> to vector<2048x128xf32>
    %mul3A_9 = arith.mulf %sub3A_5, %mul3A : vector<2048x128xf32>
    %get3A_10 = arith.constant 0 : index
    %get3A_11 = arith.constant 0 : index
    %get3A_12 = vector.load %arg3[%get3A_10, %get3A_11] : memref<2048x128xf32, #tpu.memory_space<vmem>>, vector<2048x128xf32>
    %add3A = arith.addf %mul3A_9, %get3A_12 : vector<2048x128xf32>
    %max3A = arith.constant 0.000000e+00 : f32
    %max3A_13 = vector.broadcast %max3A : f32 to vector<2048x128xf32>
    %max3A_14 = arith.maximumf %add3A, %max3A_13 : vector<2048x128xf32>
    %get3A_15 = arith.constant 0 : index
    %get3A_16 = arith.constant 0 : index
    %get3A_17 = vector.load %arg4[%get3A_15, %get3A_16] : memref<2x128xf32, #tpu.memory_space<vmem>>, vector<1x128xf32>
    %mul3A_18 = vector.broadcast %get3A_17 : vector<1x128xf32> to vector<2048x128xf32>
    %mul3A_19 = arith.mulf %max3A_14, %mul3A_18 : vector<2048x128xf32>
    %reduce_sum3A = arith.constant dense<0.000000e+00> : vector<2048xf32>
    %reduce_sum3A_20 = vector.multi_reduction <add>, %mul3A_19, %reduce_sum3A [1] : vector<2048x128xf32> to vector<2048xf32>
    %broadcast_in_dim3A = vector.shape_cast %reduce_sum3A_20 : vector<2048xf32> to vector<2048x1xf32>
    %get3A_21 = arith.constant 1 : index
    %get3A_22 = arith.constant 0 : index
    %get3A_23 = vector.load %arg4[%get3A_21, %get3A_22] : memref<2x128xf32, #tpu.memory_space<vmem>>, vector<1x1xf32>
    %add3A_24 = vector.broadcast %get3A_23 : vector<1x1xf32> to vector<2048x1xf32>
    %add3A_25 = arith.addf %broadcast_in_dim3A, %add3A_24 : vector<2048x1xf32>
    %neg3A = arith.constant 0.000000e+00 : f32
    %neg3A_26 = vector.broadcast %neg3A : f32 to vector<2048x1xf32>
    %neg3A_27 = arith.subf %neg3A_26, %add3A_25 : vector<2048x1xf32>
    %max3A_28 = arith.constant 0.000000e+00 : f32
    %max3A_29 = vector.broadcast %max3A_28 : f32 to vector<2048x1xf32>
    %max3A_30 = arith.maximumf %neg3A_27, %max3A_29 : vector<2048x1xf32>
    %abs3A = math.absf %add3A_25 : vector<2048x1xf32>
    %neg3A_31 = arith.constant 0.000000e+00 : f32
    %neg3A_32 = vector.broadcast %neg3A_31 : f32 to vector<2048x1xf32>
    %neg3A_33 = arith.subf %neg3A_32, %abs3A : vector<2048x1xf32>
    %exp3A = math.exp %neg3A_33 : vector<2048x1xf32>
    %log1p3A = math.log1p %exp3A : vector<2048x1xf32>
    %add3A_34 = arith.addf %max3A_30, %log1p3A : vector<2048x1xf32>
    %iota3A = tpu.iota {dimensions = array<i32: 0>} : vector<2048x1xi32>
    %mul3A_35 = arith.constant 2048 : i32
    %mul3A_36 = arith.muli %arg0, %mul3A_35 : i32
    %add3A_37 = vector.broadcast %mul3A_36 : i32 to vector<2048x1xi32>
    %add3A_38 = arith.addi %iota3A, %add3A_37 : vector<2048x1xi32>
    %lt3A = arith.constant 25000 : i32
    %lt3A_39 = vector.broadcast %lt3A : i32 to vector<2048x1xi32>
    %lt3A_40 = arith.cmpi slt, %add3A_38, %lt3A_39 : vector<2048x1xi32>
    %jit3A = arith.constant 0.000000e+00 : f32
    %broadcast_in_dim3A_41 = vector.broadcast %jit3A : f32 to vector<2048x1xf32>
    %select_n3A = arith.select %lt3A_40, %add3A_34, %broadcast_in_dim3A_41 : vector<2048x1xi1>, vector<2048x1xf32>
    %reduce_sum3A_42 = vector.shape_cast %select_n3A : vector<2048x1xf32> to vector<1x2048x1xf32>
    %reduce_sum3A_43 = arith.constant dense<0.000000e+00> : vector<1xf32>
    %reduce_sum3A_44 = vector.multi_reduction <add>, %reduce_sum3A_42, %reduce_sum3A_43 [1, 2] : vector<1x2048x1xf32> to vector<1xf32>
    %reduce_sum3A_45 = vector.shape_cast %reduce_sum3A_44 : vector<1xf32> to vector<1x1x1xf32>
    %reduce_sum3A_46 = vector.extract %reduce_sum3A_45[0, 0, 0] : f32 from vector<1x1x1xf32>
    %iota3A_47 = tpu.iota {dimensions = array<i32: 0>} : vector<8x128xi32>
    %iota3A_48 = tpu.iota {dimensions = array<i32: 1>} : vector<8x128xi32>
    %eq3A = arith.constant 0 : i32
    %eq3A_49 = vector.broadcast %eq3A : i32 to vector<8x128xi32>
    %eq3A_50 = arith.cmpi eq, %iota3A_47, %eq3A_49 : vector<8x128xi32>
    %eq3A_51 = arith.constant 0 : i32
    %eq3A_52 = vector.broadcast %eq3A_51 : i32 to vector<8x128xi32>
    %eq3A_53 = arith.cmpi eq, %iota3A_48, %eq3A_52 : vector<8x128xi32>
    %and3A = arith.andi %eq3A_50, %eq3A_53 : vector<8x128xi1>
    %jit3A_54 = arith.constant 0.000000e+00 : f32
    %broadcast_in_dim3A_55 = vector.broadcast %reduce_sum3A_46 : f32 to vector<8x128xf32>
    %broadcast_in_dim3A_56 = vector.broadcast %jit3A_54 : f32 to vector<8x128xf32>
    %select_n3A_57 = arith.select %and3A, %broadcast_in_dim3A_55, %broadcast_in_dim3A_56 : vector<8x128xi1>, vector<8x128xf32>
    %eq3A_58 = arith.constant 0 : i32
    %eq3A_59 = arith.cmpi eq, %arg0, %eq3A_58 : i32
    %convert_element_type3A = arith.extui %eq3A_59 : i1 to i32
    %cond3A = arith.constant 0 : i32
    %cond3A_60 = arith.cmpi ne, %convert_element_type3A, %cond3A : i32
    scf.if %cond3A_60 {
      %broadcast_in_dim3A_67 = arith.constant 0.000000e+00 : f32
      %broadcast_in_dim3A_68 = vector.broadcast %broadcast_in_dim3A_67 : f32 to vector<8x128xf32>
      %swap3A_69 = arith.constant 0 : index
      %swap3A_70 = arith.constant 0 : index
      %swap3A_71 = vector.load %arg5[%swap3A_69, %swap3A_70] : memref<8x128xf32, #tpu.memory_space<vmem>>, vector<8x128xf32>
      tpu.vector_store %arg5[%swap3A_69, %swap3A_70], %broadcast_in_dim3A_68 {strides = array<i32>} : memref<8x128xf32, #tpu.memory_space<vmem>>, vector<8x128xf32>,
    } else {
    }
    %get3A_61 = arith.constant 0 : index
    %get3A_62 = arith.constant 0 : index
    %get3A_63 = vector.load %arg5[%get3A_61, %get3A_62] : memref<8x128xf32, #tpu.memory_space<vmem>>, vector<8x128xf32>
    %add3A_64 = arith.addf %get3A_63, %select_n3A_57 : vector<8x128xf32>
    %swap3A = arith.constant 0 : index
    %swap3A_65 = arith.constant 0 : index
    %swap3A_66 = vector.load %arg5[%swap3A, %swap3A_65] : memref<8x128xf32, #tpu.memory_space<vmem>>, vector<8x128xf32>
    tpu.vector_store %arg5[%swap3A, %swap3A_65], %add3A_64 {strides = array<i32>} : memref<8x128xf32, #tpu.memory_space<vmem>>, vector<8x128xf32>,
    return
  }
  func.func @transform_0(%arg0: i32) -> (i32, i32) {
    %c0_i32 = arith.constant 0 : i32
    %c0_i32_0 = arith.constant 0 : i32
    return %arg0, %c0_i32 : i32, i32
  }
  func.func @transform_1(%arg0: i32) -> (i32, i32) {
    %c0_i32 = arith.constant 0 : i32
    %c0_i32_0 = arith.constant 0 : i32
    %c0_i32_1 = arith.constant 0 : i32
    return %c0_i32, %c0_i32_0 : i32, i32
  }
  func.func @transform_2(%arg0: i32) -> (i32, i32) {
    %c0_i32 = arith.constant 0 : i32
    %c0_i32_0 = arith.constant 0 : i32
    return %arg0, %c0_i32 : i32, i32
  }
  func.func @transform_3(%arg0: i32) -> (i32, i32) {
    %c0_i32 = arith.constant 0 : i32
    %c0_i32_0 = arith.constant 0 : i32
    %c0_i32_1 = arith.constant 0 : i32
    return %c0_i32, %c0_i32_0 : i32, i32
  }
  func.func @transform_4(%arg0: i32) -> (i32, i32) {
    %c0_i32 = arith.constant 0 : i32
    %c0_i32_0 = arith.constant 0 : i32
    %c0_i32_1 = arith.constant 0 : i32
    return %c0_i32, %c0_i32_0 : i32, i32
  }
}

</mosaic_0001>

<sc_bundles>
// kernel: gather_offload_async_start.1
scs
__scs_entry_jumppad:
0x0: {  	(pc) =	sbr.rel $0x88, $3  }
0x1: {  	(tag) =	ssettag $0x0;
	lr =	simm.s32 $0x1  }
0x2: {  	[smem:$0x3F86] =	sst lr;
	_ =	strace $0xD0000000  }
0x3: {  	_ = 	snop  }
0x4: {  	_ = 	snop  }
0x5: {  	_ = 	snop  }
0x6: {  	_ = 	snop  }
0x7: {  	_ = 	snop  }
__scs_overlays_trampoline_lowered:
0x8: {  	[smem:$0x3F95] =	sst s0  }
0x9: {  	[smem:$0x3F96] =	sst s1  }
0xa: {  	[smem:$0x3F97] =	sst s2  }
0xb: {  	[smem:$0x3F98] =	sst s3  }
0xc: {  	[smem:$0x3F99] =	sst s4  }
0xd: {  	[smem:$0x3F9A] =	sst s5  }
0xe: {  	[smem:$0x3F9B] =	sst s6  }
0xf: {  	[smem:$0x3F9C] =	sst s7  }
0x10: {  	[smem:$0x3F9D] =	sst s8  }
0x11: {  	[smem:$0x3F9E] =	sst s9;
	s0 =	simm.s32 @!p0 $0x0  }
0x12: {  	s1 =	sld [smem:$0x3F84];
	s0 =	simm.s32 @p0 $0x1  }
0x13: {  	[smem:$0x3F9F] =	sst s0;
	s0 =	simm.s32 @!p1 $0x0  }
0x14: {  	s2 =	sld [smem:$0x3F83];
	s0 =	simm.s32 @p1 $0x1  }
0x15: {  	[smem:$0x3FA0] =	sst s0;
	s0 =	simm.s32 @!p2 $0x0  }
0x16: {  	s3 =	sld [smem:$0x3FDB];
	s0 =	simm.s32 @p2 $0x1  }
0x17: {  	s4 =	simm.s32 $0x1BF5;
	[smem:$0x3FA2] =	sst s0  }
0x18: {  	s0 =	sld [smem:$0x3F85];
	_ =	swait.ge [sflag:s4], $0x0  }
0x19: {  	s7 =	sld [smem:$0x3F86]  }
0x1a: {  	s8 =	sadd.s32 $0xFFFFE003, lr  }
0x1b: {  	s9 =	sadd.s32 $0xFFFFFEF7, lr;
	s5 =	simm.s32 $0xFFFFFFFF;
	p2 =	slt.u32 s8, $0xFFFFF086  }
0x1c: {  	p1 =	slt.u32 s9, $0xF7A;
	s5 =	simm.s32 @!p2 $0x0  }
0x1d: {  	s5 =	simm.s32 @p1 $0x1;
	p0 =	seq.s32 s7, s2  }
0x1e: {  	s7 =	smul.u32 @!p0 $0xF7A, s2;
	p2 =	seq.s32 @!p0 s5, $0x0  }
0x1f: {  	s9 =	smul.u32 $0xF7A, s1;
	s8 =	simm.s32 @!p0 $0x1BF5;
	p2 =	por !p2, p0  }
0x20: {  	[sflag:s8] =	ssyncset.s32 @!p0 $0xFFFFF086;
	s6 =	sadd.s32 @!p0 s3, s7;
	s7 =	simm.s32 @!p0 $0x108  }
0x21: {  	s3 =	sadd.s32 s3, s9;
	s6 =	sadd.s32 @!p0 $0x88, s6;
	s7 =	simm.s32 @p2 $0x1082  }
0x22: {  	[simem:s7], [sflag:s8] =	dma.local @!p0 [hbm:s6], $0xF7A  }
0x23: {  	s9 =	sor.u32 $0xD0000000, s2;
	s6 =	simm.s32 $0x108;
	_ =	swait.ge @!p0 [sflag:s8], $0x0  }
0x24: {  	s3 =	sadd.s32 $0x88, s3;
	s6 =	simm.s32 @!p1 $0x1082;
	[sflag:s4] =	ssyncset.s32 $0xFFFFF086  }
0x25: {  	[simem:s6], [sflag:s4] =	dma.local [hbm:s3], $0xF7A  }
0x26: {  	[smem:$0x3F86] =	sst s1;
	(tag) =	ssettag s2;
	_ =	strace s9  }
0x27: {  	s1 =	sld [smem:$0x3F96]  }
0x28: {  	s2 =	sld [smem:$0x3F97]  }
0x29: {  	s4 =	sld [smem:$0x3F99]  }
0x2a: {  	p0 =	seq.s32 s5, $0x0;
	s5 =	sld [smem:$0x3F9A]  }
0x2b: {  	s6 =	sld [smem:$0x3F9B]  }
0x2c: {  	s7 =	sld [smem:$0x3F9C]  }
0x2d: {  	s3 =	simm.s32 $0x108;
	s8 =	sld [smem:$0x3F9D]  }
0x2e: {  	s3 =	simm.s32 @!p0 $0x1082;
	s9 =	sld [smem:$0x3F9E]  }
0x2f: {  	lr =	sadd.s32 s0, s3;
	s0 =	sld [smem:$0x3F95]  }
0x30: {  	s3 =	sld [smem:$0x3F98]  }
0x31: {  	[smem:$0x3FA1] =	sst s10  }
0x32: {  	s10 =	sld [smem:$0x3F9F];
	_ =	sdelay $0x3  }
0x33: {  	p0 =	seq.s32 s10, $0x1;
	s10 =	sld [smem:$0x3FA1];
	_ =	sdelay $0x3  }
0x34: {  	[smem:$0x3FA1] =	sst s10  }
0x35: {  	s10 =	sld [smem:$0x3FA0];
	_ =	sdelay $0x3  }
0x36: {  	p1 =	seq.s32 s10, $0x1;
	s10 =	sld [smem:$0x3FA1];
	_ =	sdelay $0x3  }
0x37: {  	[smem:$0x3FA1] =	sst s10  }
0x38: {  	s10 =	sld [smem:$0x3FA2]  }
0x39: {  	_ = 	snop;
	(pc) =	sbr.ind lr, $3  }
0x3a: {  	_ = 	snop  }
0x3b: {  	_ = 	snop  }
0x3c: {  	p2 =	seq.s32 s10, $0x1;
	s10 =	sld [smem:$0x3FA1]  }
0x3d: {  	_ =	shalt  }
0x3e: {  	_ =	shalt  }
0x3f: {  	_ =	shalt  }
0x40: {  	_ =	shalt  }
0x41: {  	_ =	shalt  }
0x42: {  	_ =	shalt  }
0x43: {  	_ =	shalt  }
0x44: {  	_ =	shalt  }
0x45: {  	_ =	shalt  }
0x46: {  	_ =	shalt  }
0x47: {  	_ =	shalt  }
0x48: {  	_ =	shalt  }
0x49: {  	_ =	shalt  }
0x4a: {  	_ =	shalt  }
0x4b: {  	_ =	shalt  }
0x4c: {  	_ =	shalt  }
0x4d: {  	_ =	shalt  }
0x4e: {  	_ =	shalt  }
0x4f: {  	_ =	shalt  }
0x50: {  	_ =	shalt  }
0x51: {  	_ =	shalt  }
0x52: {  	_ =	shalt  }
0x53: {  	_ =	shalt  }
0x54: {  	_ =	shalt  }
0x55: {  	_ =	shalt  }
0x56: {  	_ =	shalt  }
0x57: {  	_ =	shalt  }
0x58: {  	_ =	shalt  }
0x59: {  	_ =	shalt  }
0x5a: {  	_ =	shalt  }
0x5b: {  	_ =	shalt  }
0x5c: {  	_ =	shalt  }
0x5d: {  	_ =	shalt  }
0x5e: {  	_ =	shalt  }
0x5f: {  	_ =	shalt  }
0x60: {  	_ =	shalt  }
0x61: {  	_ =	shalt  }
0x62: {  	_ =	shalt  }
0x63: {  	_ =	shalt  }
0x64: {  	_ =	shalt  }
0x65: {  	_ =	shalt  }
0x66: {  	_ =	shalt  }
0x67: {  	_ =	shalt  }
0x68: {  	_ =	shalt  }
0x69: {  	_ =	shalt  }
0x6a: {  	_ =	shalt  }
0x6b: {  	_ =	shalt  }
0x6c: {  	_ =	shalt  }
0x6d: {  	_ =	shalt  }
0x6e: {  	_ =	shalt  }
0x6f: {  	_ =	shalt  }
0x70: {  	_ =	shalt  }
0x71: {  	_ =	shalt  }
0x72: {  	_ =	shalt  }
0x73: {  	_ =	shalt  }
0x74: {  	_ =	shalt  }
0x75: {  	_ =	shalt  }
0x76: {  	_ =	shalt  }
0x77: {  	_ =	shalt  }
0x78: {  	_ =	shalt  }
0x79: {  	_ =	shalt  }
0x7a: {  	_ =	shalt  }
0x7b: {  	_ =	shalt  }
0x7c: {  	_ =	shalt  }
0x7d: {  	_ =	shalt  }
0x7e: {  	_ =	shalt  }
0x7f: {  	_ =	shalt  }
0x80: {  	_ =	shalt  }
0x81: {  	_ =	shalt  }
0x82: {  	_ =	shalt  }
0x83: {  	_ =	shalt  }
0x84: {  	_ =	shalt  }
0x85: {  	_ =	shalt  }
0x86: {  	_ =	shalt  }
0x87: {  	_ =	shalt  }
.Lfunc_end0:
.L_simem_size_0:
called_computation.3_lowered:
.L_overlay_start_0:
0x88: {  	s0 =	sld [smem:$0x3FD9]  }
0x89: {  	s1 =	sld [smem:$0x3FFE];
	_ =	sdelay $0x3  }
0x8a: {  	s0 =	sadd.s32 s1, s0  }
0x8b: {  	[smem:$0x3FAD] =	sst s0  }
0x8c: {  	_ = 	snop  }
0x8d: {  	s0 =	sld [smem:$0x3FD0];
	_ =	sdelay $0x2  }
0x8e: {  	s13 =	simm.s32 $0xB;
	s2 =	simm.s32 $0x10  }
0x8f: {  	[smem:s2], [sflag:s13] =	dma.local [hbm:s0], $0x1  }
0x90: {  	_ =	swait.eq [sflag:s13], $0x1  }
0x91: {  	[sflag:s13] =	ssyncset.done $0x0  }
0x92: {  	[sflag:s13] =	ssyncadd.s32 $0xFFFFFFFF  }
0x93: {  	s14 =	sld [smem:$0x10];
	(tm) =	ssettm $0x1  }
0x94: {  	s15 =	sld [smem:$0x3FFB];
	_ =	sdelay $0x3  }
0x95: {  	_ =	strace s15  }
0x96: {  	s1 =	sld [smem:$0x3FFC];
	_ =	sdelay $0x3  }
0x97: {  	_ =	strace s1  }
0x98: {  	s1 =	sld [smem:$0x3FFD];
	_ =	sdelay $0x3  }
0x99: {  	_ =	strace s1  }
0x9a: {  	_ =	strace $0x8FFFFFFF  }
0x9b: {  	s16 =	sld [smem:$0x3FDB];
	_ =	sdelay $0x1  }
0x9c: {  	s17 =	simm.s32 $_scs_section_size  }
0x9d: {  	s3 =	simm.s32 $_size__tile_overlayer_lowered;
	s4 =	simm.s32 $_tile_overlayer_lowered  }
0x9e: {  	s20 =	simm.s32 $0x1BFF;
	s19 =	sshll.u32 s4, $0x1;
	s1 =	sadd.s32 s17, s16  }
0x9f: {  	s5 =	simm.s32 $0x0;
	s18 =	sshll.u32 s3, $0x1;
	s3 =	sadd.s32 s19, s1  }
0xa0: {  	[timem:s5], [sflag:s20] =	dma.local [hbm:s3], s18  }
0xa1: {  	_ =	swait.ge [sflag:s20], s18  }
0xa2: {  	s2 =	ssub.s32 $0x0, s18;
	[sflag:s20] =	ssyncset.done $0x0  }
0xa3: {  	[sflag:s20] =	ssyncadd.s32 s2;
	_ =	sdelay $0x1  }
0xa4: {  	s21 =	simm.s32 $0x1B8B  }
0xa5: {  	_ =	swait.ge [sflag:s21], $0x1  }
0xa6: {  	[sflag:s21] =	ssyncset.done $0x0  }
0xa7: {  	s23 =	simm.s32 $0x1B8E;
	s22 =	sld [smem:$0x3FFE];
	[sflag:s21] =	ssyncadd.s32 $0xFFFFFFFF  }
0xa8: {  	s24 =	simm.s32 $execute0_lowered;
	[smem:$0x3FD2] =	sst s23  }
0xa9: {  	s3 =	sshll.u32 s24, $0x1;
	_ =	strace $0x8000004F;
	[dreg:$0x1] =	wrdreg $0xFFFFFFFF  }
0xaa: {  	s25 =	simm.s32 $_size_execute0_lowered;
	s1 =	sadd.s32 s1, s3;
	[dreg:$0x0] =	wrdreg $0x0  }
0xab: {  	s3 =	sshll.u32 s25, $0x1;
	[dreg:$0x2] =	wrdreg s1  }
0xac: {  	[dreg:$0x3] =	wrdreg s3  }
0xad: {  	[dreg:$0x4] =	wrdreg $0xC0  }
0xae: {  	_ =	task [dreg:s5], $0x5FFFF  }
0xaf: {  	[dreg:$0x1] =	wrdreg $0xFFFFFFFF  }
0xb0: {  	[dreg:$0x0] =	wrdreg $0x60  }
0xb1: {  	[dreg:$0x2] =	wrdreg s14  }
0xb2: {  	[dreg:$0x3] =	wrdreg s22  }
0xb3: {  	[dreg:$0x4] =	wrdreg $0x9  }
0xb4: {  	_ =	task.clear_ibuf [dreg:s5], $0x5FFFF;
	_ =	strace $0x9000004F  }
0xb5: {  	s26 =	simm.s32 $0x9;
	_ =	strace $0x80000051  }
0xb6: {  	_ =	swait.ge [sflag:s26], $0x1  }
0xb7: {  	[sflag:s26] =	ssyncadd.s32 $0xFFFFFFFF  }
0xb8: {  	_ =	strace $0x90000051  }
0xb9: {  	_ =	sfence  }
0xba: {  	s28 =	sld [smem:$0x0];
	_ =	sdelay $0x1  }
0xbb: {  	s29 =	srdreg.scid  }
0xbc: {  	s30 =	sshll.u32 s29, $0xD;
	s31 =	sshrl.u32 s29, $0x2  }
0xbd: {  	s2 =	sand.u32 $0x4000, s30;
	s1 =	sand.u32 $0x1, s29;
	s0 =	sadd.s32 s31, s28  }
0xbe: {  	s1 =	sor.u32 s2, s1;
	s0 =	sshll.u32 s0, $0x11  }
0xbf: {  	s0 =	sor.u32 s0, s1  }
0xc0: {  	s0 =	sadd.s32 $0x8F2B, s0  }
0xc1: {  	[sflag:s0] =	ssyncadd.remote.s32 $0x1  }
0xc2: {  	_ =	sfence.sel $0xFFFF  }
0xc3: {  	[dreg:$0x0] =	wrdreg $0xFFFFFFFF;
	(pc) =	sbr.abs _section_cstart, $3  }
0xc4: {  	[dreg:$0x1] =	wrdreg $0xFFFFFFFF  }
0xc5: {  	_ =	task.clear_ibuf [dreg:s5], $0x2FFFF;
	_ =	strace $0x9FFFFFFF  }
0xc6: {  	(tm) =	ssettm $0x7FFFFFFF  }
0xc7: {  	_ =	shalt  }
tec
execute0_lowered:
.L_overlay_start_1:
0x0: {  	(tag) =	ssettag $0x1  }
0x1: {  	s0 =	stileid.u32  }
0x2: {  	s1 =	smul.u32 $0x7, s0  }
0x3: {  	s2 =	smin.u32 s0, $0xD  }
0x4: {  	s1 =	sadd.s32 s2, s1  }
0x5: {  	p0 =	slt.u32 s0, $0xD;
	s2 =	simm.s32 $0xC80;
	s1 =	smul.u32 $0x190, s1  }
0x6: {  	s2 =	simm.s32 @!p0 $0xAF0  }
0x7: {  	s2 =	sadd.s32 s2, s1  }
0x8: {  	s3 =	smin.u32 s2, $0xC350  }
0x9: {  	s7 =	ssub.s32 s3, s1  }
0xa: {  	p0 =	sgt.s32 s7, $0x0  }
0xb: {  	s7 =	simm.s32 @!p0 $0x0  }
0xc: {  	s31 =	sand.u32 $0xFFF0, s7  }
0xd: {  	s2 =	sshrl.u32 s31, $0x4  }
0xe: {  	s4 =	rddreg [dreg:$0x0];
	s2 =	smul.u32 $0xA3E, s2  }
0xf: {  	s9 =	rddreg [dreg:$0x1];
	s6 =	simm.s32 $0x1  }
0x10: {  	s11 =	simm.s32 $0x3;
	s13 =	simm.s32 $0x0;
	s8 =	sshrl.u32 s2, $0x10  }
0x11: {  	s12 =	simm.s32 $0x0;
	s5 =	sadd.s32 $0x18AE00, s9;
	s10 =	smul.u32 $0x190, s8  }
.Ltmp0:
0x12: {  	s9 =	sadd.s32 $0xC7600, s9;
	s2 =	rddreg [dreg:$0x2];
	(pc) =	sbr.rel .LBB2_1-.Ltmp0, $4  }
0x13: {  	_ =	strace $0x80000050;
	p0 =	sne.s32 s7, s10;
	s10 =	simm.s32 $0x1  }
0x14: {  	[sflag:s6] =	ssyncpa.u1 $0x0;
	s7 =	simm.s32 $0x2;
	s10 =	simm.s32 @!p0 $0x0  }
0x15: {  	[sflag:s7] =	ssyncpa.u1 $0x0;
	p0 =	por $0x0, $0x0;
	s8 =	sadd.s32 s8, s10  }
0x16: {  	vm0 =	vmmov $0xff;
	vm1 =	vcmask $0x3F20;
	[sflag:s11] =	ssyncpa.u1 $0x0;
	s11 =	smov.u32 s1;
	s10 =	sadd.s32 $0x1, s8  }
.LBB2_6:
0x17: {  	[hbm:s17] =	stream.linear.scatter [tilespmem:s14], [sflag:$0x3], $0x400, $0x38;
	[tilespmem:$0x19320] =	vst v63  }
.LBB2_7:
0x18: {  	s13 =	sadd.s32 $0x190, s11  }
0x19: {  	s15 =	smov.u32 s1;
	p2 =	slt.s32 s13, s3  }
0x1a: {  	s15 =	smov.u32 @p2 s13;
	p2 =	sne.s32 s12, s10  }
.Ltmp1:
0x1b: {  	p1 =	slt.u32 s12, $0x2;
	(pc) =	sbr.rel @!p2 .LBB2_8-.Ltmp1, $4  }
0x1c: {  	s14 =	simm.s32 @!p1 $0x3  }
0x1d: {  	s16 =	sadd.s32 $0x1, s12;
	_ =	swait.ge @!p1 [sflag:s14], $0xC800  }
0x1e: {  	p0 =	por !p0, !p0;
	s13 =	smov.u32 s11;
	[sflag:s14] =	ssyncset.done @!p1 $0x0  }
0x1f: {  	s12 =	smov.u32 s16;
	s11 =	smov.u32 s15;
	[sflag:s14] =	ssyncadd.s32 @!p1 $0xFFFF3800  }
.LBB2_1:
0x20: {  	p1 =	sge.u32 s12, s8  }
0x21: {  	s14 =	sxor.u32 @!p1 $0xFFFFFFFF, s12  }
0x22: {  	s14 =	sand.u32 @!p1 $0x1, s14  }
0x23: {  	s14 =	smul.u32 @!p1 $0x640, s14  }
0x24: {  	s31 =	sadd.s32 $0xFFFFFFFF, s12;
	s15 =	sshrl.u32 @!p1 s11, $0x3  }
0x25: {  	s16 =	sand.u32 @!p1 $0x7, s11;
	s15 =	sadd.s32 @!p1 s5, s15;
	s14 =	sshrl.u32 @!p1 s14, $0x2  }
0x26: {  	[tilespmem:s14], [sflag:$0x2] =	stream.linear.gather @!p1 [hbm4b:s15+s16], $0x190, $0x38;
	[tilespmem:$0x19320] =	vst v63  }
0x27: {  	p1 =	sge.u32 s31, s8  }
.Ltmp2:
0x28: {  	_ = 	snop;
	(pc) =	sbr.rel @p1 .LBB2_7-.Ltmp2, $1  }
0x29: {  	_ =	sdelay $0x3  }
0x2a: {  	s14 =	simm.s32 $0x1  }
0x2b: {  	s14 =	simm.s32 @!p0 $0x0  }
0x2c: {  	s15 =	smul.u32 $0x640, s14  }
0x2d: {  	_ =	swait.ge [sflag:s7], $0x190  }
0x2e: {  	[sflag:s7] =	ssyncset.done $0x0;
	s16 =	sshrl.u32 s15, $0x2  }
0x2f: {  	[sflag:s7] =	ssyncadd.s32 $0xFFFFFE70;
	s15 =	sadd.s32 $0x0, s16  }
0x30: {  	v0 =	vld.msk [tilespmem:s15+$0x0 ss:$0x1], $0xffff;
	_ =	sdelay $0x4  }
0x31: {  	vm2 =	vgt.s32 v0, $0x0  }
0x32: {  	v0 =	vnsel vm2, $0x0, v0  }
0x33: {  	v0 =	vmin.u32 v0, $0xC34F  }
0x34: {  	v0 =	vshll.u32 v0, $0x4  }
0x35: {  	s14 =	smul.u32 $0x32000, s14;
	_ =	sdelay $0x1  }
0x36: {  	s14 =	sshrl.u32 s14, $0x2  }
0x37: {  	s14 =	sor.u32 $0x320, s14  }
0x38: {  	[tilespmem:s14], [sflag:$0x1] =	stream.indirect_vreg.gather [hbm:s4], $0x80, v0, vm0, $0x38;
	[tilespmem:$0x19320] =	vst v63  }
0x39: {  	s17 =	sadd.s32 $0x10, s16;
	s15 =	sadd.s32 $0x400, s14  }
0x3a: {  	[tilespmem:s15], [sflag:$0x1] =	stream.indirect_vreg.gather [hbm:s4], $0x80, v0, vm1, $0x38;
	[tilespmem:$0x19320] =	vst v63  }
0x3b: {  	s18 =	simm.s32 $0x80;
	v0 =	vld.msk [tilespmem:s17+$0x0 ss:$0x1], $0xffff;
	s17 =	smov.u32 s14  }
.LBB2_3:
0x3c: {  	p1 =	sne.s32 s18, $0x600;
	_ =	sdelay $0x4  }
0x3d: {  	vm2 =	vgt.s32 v0, $0x0  }
0x3e: {  	v0 =	vnsel vm2, $0x0, v0  }
0x3f: {  	v0 =	vmin.u32 v0, $0xC34F  }
0x40: {  	v0 =	vshll.u32 v0, $0x4;
	_ =	sdelay $0x3  }
.Ltmp3:
0x41: {  	s19 =	sshra.s32 s18, $0x2;
	s17 =	sadd.s32 $0x800, s17;
	(pc) =	sbr.rel @p1 .LBB2_3-.Ltmp3, $4  }
0x42: {  	[tilespmem:s17], [sflag:$0x1] =	stream.indirect_vreg.gather [hbm:s4], $0x80, v0, vm0, $0x38;
	[tilespmem:$0x19320] =	vst v63  }
0x43: {  	s19 =	sadd.s32 s19, s16;
	s20 =	sadd.s32 $0x400, s17  }
0x44: {  	[tilespmem:s20], [sflag:$0x1] =	stream.indirect_vreg.gather [hbm:s4], $0x80, v0, vm1, $0x38;
	[tilespmem:$0x19320] =	vst v63  }
0x45: {  	s18 =	sadd.s32 $0x40, s18;
	v0 =	vld.msk [tilespmem:s19+$0x0 ss:$0x1], $0xffff  }
0x46: {  	_ =	sdelay $0x3  }
0x47: {  	vm2 =	vgt.s32 v0, $0x0  }
0x48: {  	v0 =	vnsel vm2, $0x0, v0  }
0x49: {  	v0 =	vmin.u32 v0, $0xC34F  }
0x4a: {  	v0 =	vshll.u32 v0, $0x4;
	_ =	sdelay $0x3  }
0x4b: {  	s16 =	sadd.s32 $0x800, s17  }
0x4c: {  	[tilespmem:s16], [sflag:$0x1] =	stream.indirect_vreg.gather [hbm:s4], $0x80, v0, vm0, $0x38;
	[tilespmem:$0x19320] =	vst v63  }
0x4d: {  	s16 =	sadd.s32 $0x400, s16  }
0x4e: {  	[tilespmem:s16], [sflag:$0x1] =	stream.indirect_vreg.gather [hbm:s4], $0x80, v0, vm1, $0x38;
	[tilespmem:$0x19320] =	vst v63  }
0x4f: {  	s13 =	sshll.u32 s13, $0x4;
	_ =	swait.ge [sflag:s6], $0xC800  }
0x50: {  	s13 =	sadd.s32 s13, s9;
	[sflag:s6] =	ssyncset.done $0x0  }
0x51: {  	s17 =	sadd.s32 $0x0, s13;
	s16 =	simm.s32 $0x80;
	[sflag:s6] =	ssyncadd.s32 $0xFFFF3800  }
.LBB2_5:
0x52: {  	[hbm:s17] =	stream.linear.scatter [tilespmem:s14], [sflag:$0x3], $0x400, $0x38;
	[tilespmem:$0x19320] =	vst v63  }
0x53: {  	s17 =	smov.u32 s16;
	s14 =	smov.u32 s15;
	p1 =	sne.s32 s16, $0x1880  }
.Ltmp4:
0x54: {  	s16 =	sadd.s32 $0x80, s16;
	(pc) =	sbr.rel @p1 .LBB2_5-.Ltmp4, $2  }
0x55: {  	_ =	sdelay $0x2  }
0x56: {  	s15 =	sadd.s32 $0x400, s15;
	s17 =	sadd.s32 s17, s13  }
.Ltmp5:
0x57: {  	_ = 	snop;
	(pc) =	sbr.rel .LBB2_6-.Ltmp5, $1  }
0x58: {  	_ =	sdelay $0x3  }
.LBB2_8:
0x59: {  	_ =	sfence.sel $0x180000  }
0x5a: {  	s1 =	simm.s32 $0x2;
	[bflag:$0x0] =	sbarrier.arrive $0xFFFF  }
0x5b: {  	s30 =	simm.s32 $0x3;
	[sflag:s1] =	ssyncpa.u1 $0x1  }
0x5c: {  	s31 =	simm.s32 $0x1;
	[sflag:s30] =	ssyncpa.u1 $0x1  }
0x5d: {  	[sflag:s31] =	ssyncpa.u1 $0x1  }
0x5e: {  	p0 =	sne.s32 s0, $0x0;
	_ =	strace $0x90000050  }
0x5f: {  	s0 =	sadd.s32 @!p0 $0x100000, s2;
	[bflag:$0x2] =	sbarrier.arrive $0xFFFF  }
0x60: {  	[sflag:s0] =	ssyncadd.tile.s32 @!p0 $0x1;
	_ =	shalt  }
.Lfunc_end2:
_tile_overlayer_lowered:
.L_overlay_start_2:
0x61: {  	(tag) =	ssettag $0x2  }
0x62: {  	s0 =	rddreg [dreg:$0x0];
	s2 =	stileid.u32  }
0x63: {  	s1 =	rddreg [dreg:$0x1];
	p0 =	sne.s32 s2, $0x0  }
0x64: {  	s3 =	rddreg [dreg:$0x2];
	[bflag:$0x3] =	sbarrier.arrive $0xFFFF;
	s2 =	simm.s32 @!p0 $0x1C01  }
0x65: {  	[timem:s3], [sflag:s2] =	dma.local @!p0 [hbm:s0], s1  }
0x66: {  	s0 =	simm.s32 @!p0 $0x1  }
0x67: {  	_ =	swait.ge @!p0 [sflag:s0], s1  }
0x68: {  	s1 =	ssub.s32 @!p0 $0x0, s1;
	[sflag:s0] =	ssyncset.done @!p0 $0x0  }
0x69: {  	[sflag:s0] =	ssyncadd.s32 @!p0 s1  }
0x6a: {  	[bflag:$0x3] =	sbarrier.arrive $0xFFFF  }
0x6b: {  	_ =	shalt  }

// kernel: gather_offload_async_start
scs
__scs_entry_jumppad:
0x0: {  	(pc) =	sbr.rel $0x88, $3  }
0x1: {  	(tag) =	ssettag $0x0;
	lr =	simm.s32 $0x1  }
0x2: {  	[smem:$0x3F86] =	sst lr;
	_ =	strace $0xD0000000  }
0x3: {  	_ = 	snop  }
0x4: {  	_ = 	snop  }
0x5: {  	_ = 	snop  }
0x6: {  	_ = 	snop  }
0x7: {  	_ = 	snop  }
__scs_overlays_trampoline_lowered:
0x8: {  	[smem:$0x3F95] =	sst s0  }
0x9: {  	[smem:$0x3F96] =	sst s1  }
0xa: {  	[smem:$0x3F97] =	sst s2  }
0xb: {  	[smem:$0x3F98] =	sst s3  }
0xc: {  	[smem:$0x3F99] =	sst s4  }
0xd: {  	[smem:$0x3F9A] =	sst s5  }
0xe: {  	[smem:$0x3F9B] =	sst s6  }
0xf: {  	[smem:$0x3F9C] =	sst s7  }
0x10: {  	[smem:$0x3F9D] =	sst s8  }
0x11: {  	[smem:$0x3F9E] =	sst s9;
	s0 =	simm.s32 @!p0 $0x0  }
0x12: {  	s1 =	sld [smem:$0x3F84];
	s0 =	simm.s32 @p0 $0x1  }
0x13: {  	[smem:$0x3F9F] =	sst s0;
	s0 =	simm.s32 @!p1 $0x0  }
0x14: {  	s2 =	sld [smem:$0x3F83];
	s0 =	simm.s32 @p1 $0x1  }
0x15: {  	[smem:$0x3FA0] =	sst s0;
	s0 =	simm.s32 @!p2 $0x0  }
0x16: {  	s3 =	sld [smem:$0x3FDB];
	s0 =	simm.s32 @p2 $0x1  }
0x17: {  	s4 =	simm.s32 $0x1BF5;
	[smem:$0x3FA2] =	sst s0  }
0x18: {  	s0 =	sld [smem:$0x3F85];
	_ =	swait.ge [sflag:s4], $0x0  }
0x19: {  	s7 =	sld [smem:$0x3F86]  }
0x1a: {  	s8 =	sadd.s32 $0xFFFFE003, lr  }
0x1b: {  	s9 =	sadd.s32 $0xFFFFFEF7, lr;
	s5 =	simm.s32 $0xFFFFFFFF;
	p2 =	slt.u32 s8, $0xFFFFF086  }
0x1c: {  	p1 =	slt.u32 s9, $0xF7A;
	s5 =	simm.s32 @!p2 $0x0  }
0x1d: {  	s5 =	simm.s32 @p1 $0x1;
	p0 =	seq.s32 s7, s2  }
0x1e: {  	s7 =	smul.u32 @!p0 $0xF7A, s2;
	p2 =	seq.s32 @!p0 s5, $0x0  }
0x1f: {  	s9 =	smul.u32 $0xF7A, s1;
	s8 =	simm.s32 @!p0 $0x1BF5;
	p2 =	por !p2, p0  }
0x20: {  	[sflag:s8] =	ssyncset.s32 @!p0 $0xFFFFF086;
	s6 =	sadd.s32 @!p0 s3, s7;
	s7 =	simm.s32 @!p0 $0x108  }
0x21: {  	s3 =	sadd.s32 s3, s9;
	s6 =	sadd.s32 @!p0 $0x88, s6;
	s7 =	simm.s32 @p2 $0x1082  }
0x22: {  	[simem:s7], [sflag:s8] =	dma.local @!p0 [hbm:s6], $0xF7A  }
0x23: {  	s9 =	sor.u32 $0xD0000000, s2;
	s6 =	simm.s32 $0x108;
	_ =	swait.ge @!p0 [sflag:s8], $0x0  }
0x24: {  	s3 =	sadd.s32 $0x88, s3;
	s6 =	simm.s32 @!p1 $0x1082;
	[sflag:s4] =	ssyncset.s32 $0xFFFFF086  }
0x25: {  	[simem:s6], [sflag:s4] =	dma.local [hbm:s3], $0xF7A  }
0x26: {  	[smem:$0x3F86] =	sst s1;
	(tag) =	ssettag s2;
	_ =	strace s9  }
0x27: {  	s1 =	sld [smem:$0x3F96]  }
0x28: {  	s2 =	sld [smem:$0x3F97]  }
0x29: {  	s4 =	sld [smem:$0x3F99]  }
0x2a: {  	p0 =	seq.s32 s5, $0x0;
	s5 =	sld [smem:$0x3F9A]  }
0x2b: {  	s6 =	sld [smem:$0x3F9B]  }
0x2c: {  	s7 =	sld [smem:$0x3F9C]  }
0x2d: {  	s3 =	simm.s32 $0x108;
	s8 =	sld [smem:$0x3F9D]  }
0x2e: {  	s3 =	simm.s32 @!p0 $0x1082;
	s9 =	sld [smem:$0x3F9E]  }
0x2f: {  	lr =	sadd.s32 s0, s3;
	s0 =	sld [smem:$0x3F95]  }
0x30: {  	s3 =	sld [smem:$0x3F98]  }
0x31: {  	[smem:$0x3FA1] =	sst s10  }
0x32: {  	s10 =	sld [smem:$0x3F9F];
	_ =	sdelay $0x3  }
0x33: {  	p0 =	seq.s32 s10, $0x1;
	s10 =	sld [smem:$0x3FA1];
	_ =	sdelay $0x3  }
0x34: {  	[smem:$0x3FA1] =	sst s10  }
0x35: {  	s10 =	sld [smem:$0x3FA0];
	_ =	sdelay $0x3  }
0x36: {  	p1 =	seq.s32 s10, $0x1;
	s10 =	sld [smem:$0x3FA1];
	_ =	sdelay $0x3  }
0x37: {  	[smem:$0x3FA1] =	sst s10  }
0x38: {  	s10 =	sld [smem:$0x3FA2]  }
0x39: {  	_ = 	snop;
	(pc) =	sbr.ind lr, $3  }
0x3a: {  	_ = 	snop  }
0x3b: {  	_ = 	snop  }
0x3c: {  	p2 =	seq.s32 s10, $0x1;
	s10 =	sld [smem:$0x3FA1]  }
0x3d: {  	_ =	shalt  }
0x3e: {  	_ =	shalt  }
0x3f: {  	_ =	shalt  }
0x40: {  	_ =	shalt  }
0x41: {  	_ =	shalt  }
0x42: {  	_ =	shalt  }
0x43: {  	_ =	shalt  }
0x44: {  	_ =	shalt  }
0x45: {  	_ =	shalt  }
0x46: {  	_ =	shalt  }
0x47: {  	_ =	shalt  }
0x48: {  	_ =	shalt  }
0x49: {  	_ =	shalt  }
0x4a: {  	_ =	shalt  }
0x4b: {  	_ =	shalt  }
0x4c: {  	_ =	shalt  }
0x4d: {  	_ =	shalt  }
0x4e: {  	_ =	shalt  }
0x4f: {  	_ =	shalt  }
0x50: {  	_ =	shalt  }
0x51: {  	_ =	shalt  }
0x52: {  	_ =	shalt  }
0x53: {  	_ =	shalt  }
0x54: {  	_ =	shalt  }
0x55: {  	_ =	shalt  }
0x56: {  	_ =	shalt  }
0x57: {  	_ =	shalt  }
0x58: {  	_ =	shalt  }
0x59: {  	_ =	shalt  }
0x5a: {  	_ =	shalt  }
0x5b: {  	_ =	shalt  }
0x5c: {  	_ =	shalt  }
0x5d: {  	_ =	shalt  }
0x5e: {  	_ =	shalt  }
0x5f: {  	_ =	shalt  }
0x60: {  	_ =	shalt  }
0x61: {  	_ =	shalt  }
0x62: {  	_ =	shalt  }
0x63: {  	_ =	shalt  }
0x64: {  	_ =	shalt  }
0x65: {  	_ =	shalt  }
0x66: {  	_ =	shalt  }
0x67: {  	_ =	shalt  }
0x68: {  	_ =	shalt  }
0x69: {  	_ =	shalt  }
0x6a: {  	_ =	shalt  }
0x6b: {  	_ =	shalt  }
0x6c: {  	_ =	shalt  }
0x6d: {  	_ =	shalt  }
0x6e: {  	_ =	shalt  }
0x6f: {  	_ =	shalt  }
0x70: {  	_ =	shalt  }
0x71: {  	_ =	shalt  }
0x72: {  	_ =	shalt  }
0x73: {  	_ =	shalt  }
0x74: {  	_ =	shalt  }
0x75: {  	_ =	shalt  }
0x76: {  	_ =	shalt  }
0x77: {  	_ =	shalt  }
0x78: {  	_ =	shalt  }
0x79: {  	_ =	shalt  }
0x7a: {  	_ =	shalt  }
0x7b: {  	_ =	shalt  }
0x7c: {  	_ =	shalt  }
0x7d: {  	_ =	shalt  }
0x7e: {  	_ =	shalt  }
0x7f: {  	_ =	shalt  }
0x80: {  	_ =	shalt  }
0x81: {  	_ =	shalt  }
0x82: {  	_ =	shalt  }
0x83: {  	_ =	shalt  }
0x84: {  	_ =	shalt  }
0x85: {  	_ =	shalt  }
0x86: {  	_ =	shalt  }
0x87: {  	_ =	shalt  }
.Lfunc_end0:
.L_simem_size_0:
called_computation.2_lowered:
.L_overlay_start_0:
0x88: {  	s0 =	sld [smem:$0x3FD9]  }
0x89: {  	s1 =	sld [smem:$0x3FFE];
	_ =	sdelay $0x3  }
0x8a: {  	s0 =	sadd.s32 s1, s0  }
0x8b: {  	[smem:$0x3FAD] =	sst s0  }
0x8c: {  	_ = 	snop  }
0x8d: {  	(tm) =	ssettm $0x1  }
0x8e: {  	s15 =	sld [smem:$0x3FFB];
	_ =	sdelay $0x3  }
0x8f: {  	_ =	strace s15  }
0x90: {  	s0 =	sld [smem:$0x3FFC];
	_ =	sdelay $0x3  }
0x91: {  	_ =	strace s0  }
0x92: {  	s0 =	sld [smem:$0x3FFD];
	_ =	sdelay $0x3  }
0x93: {  	_ =	strace s0  }
0x94: {  	_ =	strace $0x8FFFFFFF  }
0x95: {  	s16 =	sld [smem:$0x3FDB];
	_ =	sdelay $0x1  }
0x96: {  	s17 =	simm.s32 $_scs_section_size  }
0x97: {  	s2 =	simm.s32 $_size__tile_overlayer_lowered;
	s3 =	simm.s32 $_tile_overlayer_lowered  }
0x98: {  	s20 =	simm.s32 $0x1BFF;
	s19 =	sshll.u32 s3, $0x1;
	s0 =	sadd.s32 s17, s16  }
0x99: {  	s4 =	simm.s32 $0x0;
	s18 =	sshll.u32 s2, $0x1;
	s2 =	sadd.s32 s19, s0  }
0x9a: {  	[timem:s4], [sflag:s20] =	dma.local [hbm:s2], s18  }
0x9b: {  	_ =	swait.ge [sflag:s20], s18  }
0x9c: {  	s1 =	ssub.s32 $0x0, s18;
	[sflag:s20] =	ssyncset.done $0x0  }
0x9d: {  	[sflag:s20] =	ssyncadd.s32 s1;
	_ =	sdelay $0x1  }
0x9e: {  	s21 =	simm.s32 $0x1B8B  }
0x9f: {  	_ =	swait.ge [sflag:s21], $0x1  }
0xa0: {  	[sflag:s21] =	ssyncset.done $0x0  }
0xa1: {  	s23 =	simm.s32 $0x1B8E;
	s22 =	sld [smem:$0x3FFE];
	[sflag:s21] =	ssyncadd.s32 $0xFFFFFFFF  }
0xa2: {  	s24 =	simm.s32 $execute0_lowered;
	[smem:$0x3FD2] =	sst s23  }
0xa3: {  	s2 =	sshll.u32 s24, $0x1;
	_ =	strace $0x80000046;
	[dreg:$0x1] =	wrdreg $0xFFFFFFFF  }
0xa4: {  	s25 =	simm.s32 $_size_execute0_lowered;
	s0 =	sadd.s32 s0, s2;
	[dreg:$0x0] =	wrdreg $0x0  }
0xa5: {  	s2 =	sshll.u32 s25, $0x1;
	[dreg:$0x2] =	wrdreg s0  }
0xa6: {  	[dreg:$0x3] =	wrdreg s2  }
0xa7: {  	[dreg:$0x4] =	wrdreg $0xC0  }
0xa8: {  	_ =	task [dreg:s4], $0x5FFFF  }
0xa9: {  	[dreg:$0x1] =	wrdreg $0xFFFFFFFF  }
0xaa: {  	[dreg:$0x0] =	wrdreg $0x60  }
0xab: {  	[dreg:$0x2] =	wrdreg s22  }
0xac: {  	[dreg:$0x3] =	wrdreg $0x9  }
0xad: {  	_ =	task.clear_ibuf [dreg:s4], $0x4FFFF;
	_ =	strace $0x90000046  }
0xae: {  	s26 =	simm.s32 $0x9;
	_ =	strace $0x80000048  }
0xaf: {  	_ =	swait.ge [sflag:s26], $0x1  }
0xb0: {  	[sflag:s26] =	ssyncadd.s32 $0xFFFFFFFF  }
0xb1: {  	_ =	strace $0x90000048  }
0xb2: {  	_ =	sfence  }
0xb3: {  	s28 =	sld [smem:$0x0];
	_ =	sdelay $0x1  }
0xb4: {  	s29 =	srdreg.scid  }
0xb5: {  	s30 =	sshll.u32 s29, $0xD;
	s31 =	sshrl.u32 s29, $0x2  }
0xb6: {  	s1 =	sand.u32 $0x1, s29;
	s2 =	sand.u32 $0x4000, s30;
	s0 =	sadd.s32 s31, s28  }
0xb7: {  	s1 =	sor.u32 s2, s1;
	s0 =	sshll.u32 s0, $0x11  }
0xb8: {  	s0 =	sor.u32 s0, s1  }
0xb9: {  	s0 =	sadd.s32 $0x8F2B, s0  }
0xba: {  	[sflag:s0] =	ssyncadd.remote.s32 $0x1  }
0xbb: {  	_ =	sfence.sel $0xFFFF  }
0xbc: {  	[dreg:$0x0] =	wrdreg $0xFFFFFFFF;
	(pc) =	sbr.abs _section_cstart, $3  }
0xbd: {  	[dreg:$0x1] =	wrdreg $0xFFFFFFFF  }
0xbe: {  	_ =	task.clear_ibuf [dreg:s4], $0x2FFFF;
	_ =	strace $0x9FFFFFFF  }
0xbf: {  	(tm) =	ssettm $0x7FFFFFFF  }
tec
execute0_lowered:
.L_overlay_start_1:
0x0: {  	(tag) =	ssettag $0x1  }
0x1: {  	s8 =	rddreg [dreg:$0x0]  }
0x2: {  	s0 =	rddreg [dreg:$0x1];
	_ =	strace $0x80000047  }
0x3: {  	s4 =	simm.s32 $0x1;
	s1 =	stileid.u32;
	s7 =	simm.s32 $0x1  }
0x4: {  	s9 =	simm.s32 $0x1;
	s6 =	simm.s32 $0x2;
	s10 =	simm.s32 $0x3  }
0x5: {  	s13 =	simm.s32 $0x0;
	s12 =	simm.s32 $0x0;
	s2 =	sadd.s32 $0x18C800, s8  }
.Ltmp0:
0x6: {  	s3 =	sadd.s32 $0x18AE00, s8;
	p0 =	slt.u32 s1, $0xA;
	(pc) =	sbr.rel .LBB2_1-.Ltmp0, $4  }
0x7: {  	[sflag:s4] =	ssyncpa.u1 $0x0;
	s7 =	simm.s32 @!p0 $0x0;
	p0 =	sne.s32 s1, $0x9  }
0x8: {  	s5 =	smul.u32 $0x7D0, s1;
	[sflag:s6] =	ssyncpa.u1 $0x0;
	s9 =	simm.s32 @!p0 $0x0  }
0x9: {  	s8 =	sadd.s32 $0x19CA00, s8;
	[sflag:s10] =	ssyncpa.u1 $0x0;
	s7 =	sadd.s32 s9, s7  }
0xa: {  	vm0 =	vmmov $0xffff;
	s10 =	simm.s32 $0x0;
	s11 =	smov.u32 s5;
	s9 =	sadd.s32 $0x1, s7  }
.LBB2_4:
0xb: {  	v2 =	vnsel vm1, $0x0, v2  }
0xc: {  	vm1 =	vgt.s32 v0, $0x0;
	v2 =	vmin.u32 v2, $0x7FFFF  }
0xd: {  	v0 =	vnsel vm1, $0x0, v0  }
0xe: {  	v0 =	vmin.u32 v0, $0x7FFFF  }
0xf: {  	[tilespmem:s18], [sflag:$0x1] =	stream.indirect_vreg.gather [hbm4b:s2+s10], $0x1, v1, vm0, $0x4038;
	[tilespmem:$0x1F40] =	vst v63  }
0x10: {  	(ifvalue) =	ssetifvalue $0x7FFFFFFF  }
0x11: {  	[tilespmem:s15], [sflag:$0x1] =	stream.indirect_vreg.gather [hbm4b:s2+s10], $0x1, v2, vm0, $0x4038;
	[tilespmem:$0x1F40] =	vst v63  }
0x12: {  	s29 =	sadd.s32 $0x10, s15;
	(ifvalue) =	ssetifvalue $0x7FFFFFFF  }
0x13: {  	[tilespmem:s29], [sflag:$0x1] =	stream.indirect_vreg.gather [hbm4b:s2+s10], $0x1, v0, vm0, $0x4038;
	[tilespmem:$0x1F40] =	vst v63  }
0x14: {  	_ =	swait.ge [sflag:s4], $0x7D0  }
0x15: {  	s30 =	sshrl.u32 s13, $0x3;
	[sflag:s4] =	ssyncset.done $0x0  }
0x16: {  	s31 =	sand.u32 $0x7, s13;
	s15 =	sadd.s32 s8, s30;
	[sflag:s4] =	ssyncadd.s32 $0xFFFFF830  }
0x17: {  	[hbm4b:s15+s31] =	stream.linear.scatter [tilespmem:s14], [sflag:$0x3], $0x7D0, $0x38;
	[tilespmem:$0x1F40] =	vst v63  }
.LBB2_5:
0x18: {  	s15 =	sadd.s32 $0x7D00, s11  }
0x19: {  	p1 =	sgt.s32 s15, $0xC34F  }
0x1a: {  	s15 =	smov.u32 @p1 s5;
	p1 =	sne.s32 s12, s9  }
.Ltmp1:
0x1b: {  	p0 =	slt.u32 s12, $0x2;
	(pc) =	sbr.rel @!p1 .LBB2_6-.Ltmp1, $4  }
0x1c: {  	s14 =	simm.s32 @!p0 $0x3  }
0x1d: {  	_ =	swait.ge @!p0 [sflag:s14], $0x7D0  }
0x1e: {  	s16 =	sadd.s32 $0x1, s12;
	s13 =	smov.u32 s11;
	[sflag:s14] =	ssyncset.done @!p0 $0x0  }
0x1f: {  	s12 =	smov.u32 s16;
	s11 =	smov.u32 s15;
	[sflag:s14] =	ssyncadd.s32 @!p0 $0xFFFFF830  }
.LBB2_1:
0x20: {  	p0 =	sge.u32 s12, s7  }
0x21: {  	s14 =	sxor.u32 @!p0 $0x1, s12  }
0x22: {  	s14 =	smul.u32 @!p0 $0x1F40, s14  }
0x23: {  	s31 =	sadd.s32 $0xFFFFFFFF, s12;
	s15 =	sshrl.u32 @!p0 s11, $0x3  }
0x24: {  	s16 =	sand.u32 @!p0 $0x7, s11;
	s15 =	sadd.s32 @!p0 s3, s15;
	s14 =	sshra.s32 @!p0 s14, $0x2  }
0x25: {  	[tilespmem:s14], [sflag:$0x2] =	stream.linear.gather @!p0 [hbm4b:s15+s16], $0x7D0, $0x38;
	[tilespmem:$0x1F40] =	vst v63  }
0x26: {  	p0 =	sge.u32 s31, s7  }
.Ltmp2:
0x27: {  	_ = 	snop;
	(pc) =	sbr.rel @p0 .LBB2_5-.Ltmp2, $1  }
0x28: {  	_ =	sdelay $0x3  }
0x29: {  	s14 =	sand.u32 $0x1, s12  }
0x2a: {  	_ =	swait.ge [sflag:s6], $0x7D0;
	p0 =	seq.s32 s14, $0x1;
	s14 =	simm.s32 $0x7D0  }
0x2b: {  	[sflag:s6] =	ssyncset.done $0x0;
	s14 =	simm.s32 @!p0 $0x0  }
0x2c: {  	[sflag:s6] =	ssyncadd.s32 $0xFFFFF830;
	(ifvalue) =	ssetifvalue $0x7FFFFFFF;
	v0 =	vld.msk [tilespmem:s14+$0x0 ss:$0x1], $0xffff;
	_ =	sdelay $0x4  }
0x2d: {  	s15 =	sadd.s32 $0x10, s14;
	vm1 =	vgt.s32 v0, $0x0  }
0x2e: {  	v2 =	vld.msk [tilespmem:s15+$0x0 ss:$0x1], $0xffff;
	v1 =	vnsel vm1, $0x0, v0  }
0x2f: {  	v1 =	vmin.u32 v1, $0x7FFFF;
	_ =	sdelay $0x2  }
0x30: {  	s17 =	simm.s32 $0x20;
	s14 =	sadd.s32 $0xFA0, s14;
	s16 =	sadd.s32 $0x10, s15  }
0x31: {  	s15 =	sadd.s32 $0x10, s14;
	s18 =	smov.u32 s14;
	v0 =	vld.msk [tilespmem:s16+$0x0 ss:$0x1], $0xffff;
	vm1 =	vgt.s32 v2, $0x0;
	(ifvalue) =	ssetifvalue $0x7FFFFFFF  }
.LBB2_3:
0x32: {  	[tilespmem:s18], [sflag:$0x1] =	stream.indirect_vreg.gather [hbm4b:s2+s10], $0x1, v1, vm0, $0x4038;
	[tilespmem:$0x1F40] =	vst v63  }
0x33: {  	s17 =	sadd.s32 $0x10, s17  }
0x34: {  	v2 =	vnsel vm1, $0x0, v2;
	p0 =	slt.u32 s17, $0x7C0  }
.Ltmp3:
0x35: {  	s18 =	smov.u32 s15;
	v1 =	vmin.u32 v2, $0x7FFFF;
	(pc) =	sbr.rel @p0 .LBB2_3-.Ltmp3, $3  }
0x36: {  	_ =	sdelay $0x1  }
0x37: {  	s16 =	sadd.s32 $0x10, s16  }
0x38: {  	vm1 =	vgt.s32 v0, $0x0;
	s15 =	sadd.s32 $0x10, s15;
	v2 =	vmov v0;
	(ifvalue) =	ssetifvalue $0x7FFFFFFF;
	v0 =	vld.msk [tilespmem:s16+$0x0 ss:$0x1], $0xffff  }
.Ltmp4:
0x39: {  	_ = 	snop;
	(pc) =	sbr.rel .LBB2_4-.Ltmp4, $1  }
0x3a: {  	_ =	sdelay $0x3  }
.LBB2_6:
0x3b: {  	_ =	sfence.sel $0x180000  }
0x3c: {  	s2 =	simm.s32 $0x2;
	[bflag:$0x0] =	sbarrier.arrive $0xFFFF  }
0x3d: {  	s30 =	simm.s32 $0x3;
	[sflag:s2] =	ssyncpa.u1 $0x1  }
0x3e: {  	s31 =	simm.s32 $0x1;
	[sflag:s30] =	ssyncpa.u1 $0x1  }
0x3f: {  	[sflag:s31] =	ssyncpa.u1 $0x1  }
0x40: {  	p0 =	sne.s32 s1, $0x0;
	_ =	strace $0x90000047  }
0x41: {  	s0 =	sadd.s32 @!p0 $0x100000, s0;
	[bflag:$0x2] =	sbarrier.arrive $0xFFFF  }
0x42: {  	[sflag:s0] =	ssyncadd.tile.s32 @!p0 $0x1;
	_ =	shalt  }
.Lfunc_end2:
_tile_overlayer_lowered:
.L_overlay_start_2:
0x43: {  	(tag) =	ssettag $0x2  }
0x44: {  	s0 =	rddreg [dreg:$0x0];
	s2 =	stileid.u32  }
0x45: {  	s1 =	rddreg [dreg:$0x1];
	p0 =	sne.s32 s2, $0x0  }
0x46: {  	s3 =	rddreg [dreg:$0x2];
	[bflag:$0x3] =	sbarrier.arrive $0xFFFF;
	s2 =	simm.s32 @!p0 $0x1C01  }
0x47: {  	[timem:s3], [sflag:s2] =	dma.local @!p0 [hbm:s0], s1  }
0x48: {  	s0 =	simm.s32 @!p0 $0x1  }
0x49: {  	_ =	swait.ge @!p0 [sflag:s0], s1  }
0x4a: {  	s1 =	ssub.s32 @!p0 $0x0, s1;
	[sflag:s0] =	ssyncset.done @!p0 $0x0  }
0x4b: {  	[sflag:s0] =	ssyncadd.s32 @!p0 s1  }
0x4c: {  	[bflag:$0x3] =	sbarrier.arrive $0xFFFF  }
0x4d: {  	_ =	shalt  }

// kernel: kernel.16.cloned.1.call-start
scs
__scs_entry_jumppad:
0x0: {  	(pc) =	sbr.rel $0x88, $3  }
0x1: {  	(tag) =	ssettag $0x0;
	lr =	simm.s32 $0x1  }
0x2: {  	[smem:$0x3F86] =	sst lr;
	_ =	strace $0xD0000000  }
0x3: {  	_ = 	snop  }
0x4: {  	_ = 	snop  }
0x5: {  	_ = 	snop  }
0x6: {  	_ = 	snop  }
0x7: {  	_ = 	snop  }
__scs_overlays_trampoline_lowered:
0x8: {  	[smem:$0x3F95] =	sst s0  }
0x9: {  	[smem:$0x3F96] =	sst s1  }
0xa: {  	[smem:$0x3F97] =	sst s2  }
0xb: {  	[smem:$0x3F98] =	sst s3  }
0xc: {  	[smem:$0x3F99] =	sst s4  }
0xd: {  	[smem:$0x3F9A] =	sst s5  }
0xe: {  	[smem:$0x3F9B] =	sst s6  }
0xf: {  	[smem:$0x3F9C] =	sst s7  }
0x10: {  	[smem:$0x3F9D] =	sst s8  }
0x11: {  	[smem:$0x3F9E] =	sst s9;
	s0 =	simm.s32 @!p0 $0x0  }
0x12: {  	s1 =	sld [smem:$0x3F84];
	s0 =	simm.s32 @p0 $0x1  }
0x13: {  	[smem:$0x3F9F] =	sst s0;
	s0 =	simm.s32 @!p1 $0x0  }
0x14: {  	s2 =	sld [smem:$0x3F83];
	s0 =	simm.s32 @p1 $0x1  }
0x15: {  	[smem:$0x3FA0] =	sst s0;
	s0 =	simm.s32 @!p2 $0x0  }
0x16: {  	s3 =	sld [smem:$0x3FDB];
	s0 =	simm.s32 @p2 $0x1  }
0x17: {  	s4 =	simm.s32 $0x1BF5;
	[smem:$0x3FA2] =	sst s0  }
0x18: {  	s0 =	sld [smem:$0x3F85];
	_ =	swait.ge [sflag:s4], $0x0  }
0x19: {  	s7 =	sld [smem:$0x3F86]  }
0x1a: {  	s8 =	sadd.s32 $0xFFFFE003, lr  }
0x1b: {  	s9 =	sadd.s32 $0xFFFFFEF7, lr;
	s5 =	simm.s32 $0xFFFFFFFF;
	p2 =	slt.u32 s8, $0xFFFFF086  }
0x1c: {  	p1 =	slt.u32 s9, $0xF7A;
	s5 =	simm.s32 @!p2 $0x0  }
0x1d: {  	s5 =	simm.s32 @p1 $0x1;
	p0 =	seq.s32 s7, s2  }
0x1e: {  	s7 =	smul.u32 @!p0 $0xF7A, s2;
	p2 =	seq.s32 @!p0 s5, $0x0  }
0x1f: {  	s9 =	smul.u32 $0xF7A, s1;
	s8 =	simm.s32 @!p0 $0x1BF5;
	p2 =	por !p2, p0  }
0x20: {  	[sflag:s8] =	ssyncset.s32 @!p0 $0xFFFFF086;
	s6 =	sadd.s32 @!p0 s3, s7;
	s7 =	simm.s32 @!p0 $0x108  }
0x21: {  	s3 =	sadd.s32 s3, s9;
	s6 =	sadd.s32 @!p0 $0x88, s6;
	s7 =	simm.s32 @p2 $0x1082  }
0x22: {  	[simem:s7], [sflag:s8] =	dma.local @!p0 [hbm:s6], $0xF7A  }
0x23: {  	s9 =	sor.u32 $0xD0000000, s2;
	s6 =	simm.s32 $0x108;
	_ =	swait.ge @!p0 [sflag:s8], $0x0  }
0x24: {  	s3 =	sadd.s32 $0x88, s3;
	s6 =	simm.s32 @!p1 $0x1082;
	[sflag:s4] =	ssyncset.s32 $0xFFFFF086  }
0x25: {  	[simem:s6], [sflag:s4] =	dma.local [hbm:s3], $0xF7A  }
0x26: {  	[smem:$0x3F86] =	sst s1;
	(tag) =	ssettag s2;
	_ =	strace s9  }
0x27: {  	s1 =	sld [smem:$0x3F96]  }
0x28: {  	s2 =	sld [smem:$0x3F97]  }
0x29: {  	s4 =	sld [smem:$0x3F99]  }
0x2a: {  	p0 =	seq.s32 s5, $0x0;
	s5 =	sld [smem:$0x3F9A]  }
0x2b: {  	s6 =	sld [smem:$0x3F9B]  }
0x2c: {  	s7 =	sld [smem:$0x3F9C]  }
0x2d: {  	s3 =	simm.s32 $0x108;
	s8 =	sld [smem:$0x3F9D]  }
0x2e: {  	s3 =	simm.s32 @!p0 $0x1082;
	s9 =	sld [smem:$0x3F9E]  }
0x2f: {  	lr =	sadd.s32 s0, s3;
	s0 =	sld [smem:$0x3F95]  }
0x30: {  	s3 =	sld [smem:$0x3F98]  }
0x31: {  	[smem:$0x3FA1] =	sst s10  }
0x32: {  	s10 =	sld [smem:$0x3F9F];
	_ =	sdelay $0x3  }
0x33: {  	p0 =	seq.s32 s10, $0x1;
	s10 =	sld [smem:$0x3FA1];
	_ =	sdelay $0x3  }
0x34: {  	[smem:$0x3FA1] =	sst s10  }
0x35: {  	s10 =	sld [smem:$0x3FA0];
	_ =	sdelay $0x3  }
0x36: {  	p1 =	seq.s32 s10, $0x1;
	s10 =	sld [smem:$0x3FA1];
	_ =	sdelay $0x3  }
0x37: {  	[smem:$0x3FA1] =	sst s10  }
0x38: {  	s10 =	sld [smem:$0x3FA2]  }
0x39: {  	_ = 	snop;
	(pc) =	sbr.ind lr, $3  }
0x3a: {  	_ = 	snop  }
0x3b: {  	_ = 	snop  }
0x3c: {  	p2 =	seq.s32 s10, $0x1;
	s10 =	sld [smem:$0x3FA1]  }
0x3d: {  	_ =	shalt  }
0x3e: {  	_ =	shalt  }
0x3f: {  	_ =	shalt  }
0x40: {  	_ =	shalt  }
0x41: {  	_ =	shalt  }
0x42: {  	_ =	shalt  }
0x43: {  	_ =	shalt  }
0x44: {  	_ =	shalt  }
0x45: {  	_ =	shalt  }
0x46: {  	_ =	shalt  }
0x47: {  	_ =	shalt  }
0x48: {  	_ =	shalt  }
0x49: {  	_ =	shalt  }
0x4a: {  	_ =	shalt  }
0x4b: {  	_ =	shalt  }
0x4c: {  	_ =	shalt  }
0x4d: {  	_ =	shalt  }
0x4e: {  	_ =	shalt  }
0x4f: {  	_ =	shalt  }
0x50: {  	_ =	shalt  }
0x51: {  	_ =	shalt  }
0x52: {  	_ =	shalt  }
0x53: {  	_ =	shalt  }
0x54: {  	_ =	shalt  }
0x55: {  	_ =	shalt  }
0x56: {  	_ =	shalt  }
0x57: {  	_ =	shalt  }
0x58: {  	_ =	shalt  }
0x59: {  	_ =	shalt  }
0x5a: {  	_ =	shalt  }
0x5b: {  	_ =	shalt  }
0x5c: {  	_ =	shalt  }
0x5d: {  	_ =	shalt  }
0x5e: {  	_ =	shalt  }
0x5f: {  	_ =	shalt  }
0x60: {  	_ =	shalt  }
0x61: {  	_ =	shalt  }
0x62: {  	_ =	shalt  }
0x63: {  	_ =	shalt  }
0x64: {  	_ =	shalt  }
0x65: {  	_ =	shalt  }
0x66: {  	_ =	shalt  }
0x67: {  	_ =	shalt  }
0x68: {  	_ =	shalt  }
0x69: {  	_ =	shalt  }
0x6a: {  	_ =	shalt  }
0x6b: {  	_ =	shalt  }
0x6c: {  	_ =	shalt  }
0x6d: {  	_ =	shalt  }
0x6e: {  	_ =	shalt  }
0x6f: {  	_ =	shalt  }
0x70: {  	_ =	shalt  }
0x71: {  	_ =	shalt  }
0x72: {  	_ =	shalt  }
0x73: {  	_ =	shalt  }
0x74: {  	_ =	shalt  }
0x75: {  	_ =	shalt  }
0x76: {  	_ =	shalt  }
0x77: {  	_ =	shalt  }
0x78: {  	_ =	shalt  }
0x79: {  	_ =	shalt  }
0x7a: {  	_ =	shalt  }
0x7b: {  	_ =	shalt  }
0x7c: {  	_ =	shalt  }
0x7d: {  	_ =	shalt  }
0x7e: {  	_ =	shalt  }
0x7f: {  	_ =	shalt  }
0x80: {  	_ =	shalt  }
0x81: {  	_ =	shalt  }
0x82: {  	_ =	shalt  }
0x83: {  	_ =	shalt  }
0x84: {  	_ =	shalt  }
0x85: {  	_ =	shalt  }
0x86: {  	_ =	shalt  }
0x87: {  	_ =	shalt  }
.Lfunc_end0:
.L_simem_size_0:
called_computation.4_lowered:
.L_overlay_start_0:
0x88: {  	s2 =	sld [smem:$0x3FD9]  }
0x89: {  	s3 =	sld [smem:$0x3FFE];
	_ =	sdelay $0x1  }
0x8a: {  	s1 =	srdreg.scid  }
0x8b: {  	s0 =	sand.u32 $0x1, s1  }
0x8c: {  	s14 =	sshll.u32 s0, $0xA;
	s2 =	sadd.s32 s3, s2  }
0x8d: {  	s2 =	sadd.s32 s2, s14  }
0x8e: {  	[smem:$0x3FAD] =	sst s2  }
0x8f: {  	_ = 	snop  }
0x90: {  	s2 =	sld [smem:$0x3FD0];
	_ =	sdelay $0x2  }
0x91: {  	s15 =	simm.s32 $0xB;
	s4 =	simm.s32 $0x10  }
0x92: {  	[smem:s4], [sflag:s15] =	dma.local [hbm:s2], $0x1  }
0x93: {  	_ =	swait.eq [sflag:s15], $0x1  }
0x94: {  	[sflag:s15] =	ssyncset.done $0x0  }
0x95: {  	[sflag:s15] =	ssyncadd.s32 $0xFFFFFFFF  }
0x96: {  	s16 =	sld [smem:$0x10];
	(tm) =	ssettm $0x1  }
0x97: {  	s17 =	sld [smem:$0x3FFB];
	_ =	sdelay $0x3  }
0x98: {  	_ =	strace s17  }
0x99: {  	s3 =	sld [smem:$0x3FFC];
	_ =	sdelay $0x3  }
0x9a: {  	_ =	strace s3  }
0x9b: {  	s3 =	sld [smem:$0x3FFD];
	_ =	sdelay $0x3  }
0x9c: {  	_ =	strace s3  }
0x9d: {  	_ =	strace $0x8FFFFFFF  }
0x9e: {  	s18 =	sld [smem:$0x3FDB];
	_ =	sdelay $0x1  }
0x9f: {  	s19 =	simm.s32 $_scs_section_size  }
0xa0: {  	s5 =	simm.s32 $_size__tile_overlayer_lowered;
	s6 =	simm.s32 $_tile_overlayer_lowered  }
0xa1: {  	s22 =	simm.s32 $0x1BFF;
	s21 =	sshll.u32 s6, $0x1;
	s3 =	sadd.s32 s19, s18  }
0xa2: {  	s7 =	simm.s32 $0x0;
	s20 =	sshll.u32 s5, $0x1;
	s5 =	sadd.s32 s21, s3  }
0xa3: {  	[timem:s7], [sflag:s22] =	dma.local [hbm:s5], s20  }
0xa4: {  	_ =	swait.ge [sflag:s22], s20  }
0xa5: {  	s4 =	ssub.s32 $0x0, s20;
	[sflag:s22] =	ssyncset.done $0x0  }
0xa6: {  	[sflag:s22] =	ssyncadd.s32 s4;
	_ =	sdelay $0x1  }
0xa7: {  	s23 =	simm.s32 $0x1B8B  }
0xa8: {  	_ =	swait.ge [sflag:s23], $0x1  }
0xa9: {  	[sflag:s23] =	ssyncset.done $0x0  }
0xaa: {  	s25 =	simm.s32 $0x1B8E;
	s24 =	sld [smem:$0x3FFE];
	[sflag:s23] =	ssyncadd.s32 $0xFFFFFFFF  }
0xab: {  	s26 =	simm.s32 $execute0_lowered;
	[smem:$0x3FD2] =	sst s25  }
0xac: {  	s5 =	sshll.u32 s26, $0x1;
	_ =	strace $0x80000052;
	[dreg:$0x1] =	wrdreg $0xFFFFFFFF  }
0xad: {  	s28 =	simm.s32 $_size_execute0_lowered;
	s3 =	sadd.s32 s3, s5;
	[dreg:$0x0] =	wrdreg $0x0  }
0xae: {  	s5 =	sshll.u32 s28, $0x1;
	[dreg:$0x2] =	wrdreg s3  }
0xaf: {  	[dreg:$0x3] =	wrdreg s5  }
0xb0: {  	[dreg:$0x4] =	wrdreg $0xC0  }
0xb1: {  	_ =	task [dreg:s7], $0x5FFFF  }
0xb2: {  	[dreg:$0x1] =	wrdreg $0xFFFFFFFF  }
0xb3: {  	[dreg:$0x0] =	wrdreg $0x60  }
0xb4: {  	[dreg:$0x2] =	wrdreg s16  }
0xb5: {  	[dreg:$0x3] =	wrdreg s24  }
0xb6: {  	[dreg:$0x4] =	wrdreg $0x0  }
0xb7: {  	[dreg:$0x5] =	wrdreg $0x9  }
0xb8: {  	_ =	task.clear_ibuf [dreg:s7], $0x6FFFF;
	_ =	strace $0x90000052  }
0xb9: {  	s29 =	simm.s32 $0x9;
	_ =	strace $0x80000054  }
0xba: {  	_ =	swait.ge [sflag:s29], $0x1  }
0xbb: {  	[sflag:s29] =	ssyncadd.s32 $0xFFFFFFFF  }
0xbc: {  	_ =	strace $0x90000054  }
0xbd: {  	_ =	sfence  }
0xbe: {  	s30 =	sld [smem:$0x0];
	_ =	sdelay $0x2  }
0xbf: {  	s31 =	sshll.u32 s1, $0xD;
	s1 =	sshrl.u32 s1, $0x2  }
0xc0: {  	s3 =	sand.u32 $0x4000, s31;
	s1 =	sadd.s32 s1, s30  }
0xc1: {  	s0 =	sor.u32 s3, s0;
	s1 =	sshll.u32 s1, $0x11  }
0xc2: {  	s0 =	sor.u32 s1, s0  }
0xc3: {  	s0 =	sadd.s32 $0x8F2B, s0  }
0xc4: {  	[sflag:s0] =	ssyncadd.remote.s32 $0x1  }
0xc5: {  	_ =	sfence.sel $0xFFFF  }
0xc6: {  	[dreg:$0x0] =	wrdreg $0xFFFFFFFF;
	(pc) =	sbr.abs _section_cstart, $3  }
0xc7: {  	[dreg:$0x1] =	wrdreg $0xFFFFFFFF  }
0xc8: {  	_ =	task.clear_ibuf [dreg:s7], $0x2FFFF;
	_ =	strace $0x9FFFFFFF  }
0xc9: {  	(tm) =	ssettm $0x7FFFFFFF  }
tec
execute0_lowered:
.L_overlay_start_1:
0x0: {  	(tag) =	ssettag $0x1  }
0x1: {  	s1 =	rddreg [dreg:$0x0]  }
0x2: {  	s0 =	rddreg [dreg:$0x1]  }
0x3: {  	s2 =	rddreg [dreg:$0x2];
	s3 =	simm.s32 $0x0;
	s5 =	srdreg.scid  }
0x4: {  	s6 =	stileid.u32;
	s17 =	simm.s32 $0x3;
	s19 =	simm.s32 $0x18900  }
0x5: {  	s20 =	simm.s32 $0x40;
	s21 =	simm.s32 $0x18A00;
	s22 =	simm.s32 $0x2  }
0x6: {  	s25 =	simm.s32 $0x0;
	[smem:$0x7FF] =	sst s3;
	s4 =	sadd.s32 $0x18C800, s0  }
0x7: {  	s12 =	sadd.s32 $0x18FA00, s0;
	s18 =	sand.u32 $0x1, s5;
	s9 =	smul.u32 $0x62000, s6  }
0x8: {  	s5 =	sadd.s32 $0xC7600, s0;
	s7 =	sadd.s32 $0xCA800, s0;
	s10 =	smul.u32 $0x1900, s6  }
0x9: {  	s30 =	sshll.u32 s6, $0x6;
	s15 =	smul.u32 $0x320, s6;
	_ =	strace $0x80000053  }
0xa: {  	s8 =	ssub.s32 $0x2, s18;
	[dreg:$0x4] =	wrdreg s7;
	s7 =	sadd.s32 $0xFB800, s0  }
0xb: {  	p0 =	sne.s32 s18, $0x0;
	s29 =	sshrl.u32 s9, $0x2;
	s9 =	smul.u32 $0x3100, s6  }
.Ltmp0:
0xc: {  	s18 =	simm.s32 $0x18800;
	s28 =	sshrl.u32 s8, $0x1;
	(pc) =	sbr.rel .LBB2_1-.Ltmp0, $4  }
0xd: {  	s11 =	sshrl.u32 s10, $0x3;
	s31 =	sadd.s32 s15, s4;
	s0 =	ssub.s32 s8, s28  }
0xe: {  	s16 =	sadd.s32 s29, s2;
	s8 =	sor.u32 $0x1C03, s30;
	s10 =	sadd.s32 s4, s11  }
0xf: {  	s11 =	sadd.s32 s12, s11;
	s12 =	sadd.s32 s15, s12;
	s15 =	sadd.s32 $0x8, s31  }
0x10: {  	v0 =	vimm.f32 $1.000000000e+00;
	s13 =	smax.u32 s0, $0x1;
	s14 =	sadd.s32 $0x8, s12;
	s16 =	sshrl.u32 s16, $0x3  }
.LBB2_9:
0x11: {  	s0 =	sadd.s32 s0, s12;
	[sflag:s17] =	ssyncadd.s32 $0xFFFFE000  }
0x12: {  	[tilespmem:s19], [sflag:$0x3] =	stream.linear.gather [hbm4b:s0+s3], $0x40, $0x38;
	[tilespmem:$0x1CA00] =	vst v63  }
0x13: {  	_ =	swait.ge [sflag:s17], $0x40  }
0x14: {  	[sflag:s17] =	ssyncset.done $0x0  }
0x15: {  	[sflag:s17] =	ssyncadd.s32 $0xFFFFFFC0  }
0x16: {  	[spmem:s2] =	stream.indirect.scatter.add.f32 [tilespmem:s21], [sflag:$0x3], $0x80, s19, s20, $0xb8;
	[tilespmem:$0x1CA00] =	vst v63  }
0x17: {  	_ =	swait.ge [sflag:s17], $0x2000  }
0x18: {  	[sflag:s17] =	ssyncset.done $0x0  }
0x19: {  	s0 =	smov.u32 s7;
	[sflag:s17] =	ssyncadd.s32 $0xFFFFE000  }
.LBB2_10:
0x1a: {  	s25 =	sadd.s32 $0x1, s25  }
0x1b: {  	p1 =	sne.s32 s25, s13  }
.Ltmp1:
0x1c: {  	s0 =	sadd.s32 s0, s9;
	[bflag:$0x0] =	sbarrier.arrive $0xFFFF;
	(pc) =	sbr.rel @!p1 .LBB2_11-.Ltmp1, $4  }
0x1d: {  	[hbm:s0], [sflag:s8] =	dma.local [spmem:s16], $0x3100  }
0x1e: {  	_ =	swait.ge [sflag:s17], $0x3100  }
0x1f: {  	[sflag:s17] =	ssyncset.done $0x0  }
0x20: {  	[sflag:s17] =	ssyncadd.s32 $0xFFFFCF00  }
.LBB2_1:
0x21: {  	[spmem:s16], [sflag:s8] =	dma.local [hbm:s5], $0x3100  }
0x22: {  	_ =	swait.ge [sflag:s17], $0x3100  }
0x23: {  	[sflag:s17] =	ssyncset.done $0x0  }
0x24: {  	s0 =	simm.s32 $0x0;
	s4 =	simm.s32 $0x200;
	[sflag:s17] =	ssyncadd.s32 $0xFFFFCF00  }
.LBB2_2:
0x25: {  	p1 =	sne.s32 s4, $0x7E00;
	[tilespmem:s0+$0x18A70] =	vst v0  }
0x26: {  	[tilespmem:s0+$0x18A00] =	vst v0  }
0x27: {  	[tilespmem:s0+$0x18A10] =	vst v0  }
.Ltmp2:
0x28: {  	[tilespmem:s0+$0x18A20] =	vst v0;
	(pc) =	sbr.rel @p1 .LBB2_2-.Ltmp2, $4  }
0x29: {  	[tilespmem:s0+$0x18A30] =	vst v0  }
0x2a: {  	[tilespmem:s0+$0x18A40] =	vst v0  }
0x2b: {  	[tilespmem:s0+$0x18A50] =	vst v0  }
0x2c: {  	[tilespmem:s0+$0x18A60] =	vst v0;
	s0 =	sshra.s32 s4, $0x2;
	s4 =	sadd.s32 $0x200, s4  }
0x2d: {  	[tilespmem:s0+$0x18A70] =	vst v0  }
0x2e: {  	[tilespmem:s0+$0x18A00] =	vst v0  }
0x2f: {  	[tilespmem:s0+$0x18A10] =	vst v0  }
0x30: {  	[tilespmem:s0+$0x18A20] =	vst v0  }
0x31: {  	[tilespmem:s0+$0x18A30] =	vst v0  }
.Ltmp3:
0x32: {  	[tilespmem:s0+$0x18A40] =	vst v0;
	(pc) =	sbr.rel @p0 .LBB2_7-.Ltmp3, $3  }
0x33: {  	[tilespmem:s0+$0x18A50] =	vst v0  }
0x34: {  	[tilespmem:s0+$0x18A60] =	vst v0  }
0x35: {  	[bflag:$0x0] =	sbarrier.arrive $0xFFFF;
	_ =	sdelay $0x1  }
0x36: {  	[tilespmem:s18], [sflag:$0x3] =	stream.linear.gather [hbm4b:s10+s3], $0x40, $0x38;
	[tilespmem:$0x1CA00] =	vst v63  }
0x37: {  	_ =	swait.ge [sflag:s17], $0x40  }
0x38: {  	[sflag:s17] =	ssyncset.done $0x0  }
0x39: {  	[sflag:s17] =	ssyncadd.s32 $0xFFFFFFC0  }
0x3a: {  	[tilespmem:s19], [sflag:$0x3] =	stream.linear.gather [hbm4b:s11+s3], $0x40, $0x38;
	[tilespmem:$0x1CA00] =	vst v63  }
0x3b: {  	s0 =	simm.s32 $0x1;
	_ =	swait.ge [sflag:s17], $0x40  }
0x3c: {  	s0 =	sand.u32 $0x1, s0;
	[sflag:s17] =	ssyncset.done $0x0  }
0x3d: {  	s4 =	sshll.u32 s0, $0x7;
	[sflag:s17] =	ssyncadd.s32 $0xFFFFFFC0  }
0x3e: {  	[tilespmem:s21], [sflag:$0x1] =	stream.indirect.gather [hbm4b:s1+s20], $0x80, s18, s20, $0xb8;
	[tilespmem:$0x1CA00] =	vst v63  }
0x3f: {  	s26 =	sor.u32 $0x18800, s4  }
0x40: {  	[tilespmem:s26], [sflag:$0x3] =	stream.linear.gather [hbm4b:s15+s3], $0x40, $0x38;
	[tilespmem:$0x1CA00] =	vst v63  }
0x41: {  	s28 =	simm.s32 $0x0;
	_ =	swait.ge [sflag:s17], $0x40  }
0x42: {  	s28 =	sand.u32 $0x1, s28;
	[sflag:s17] =	ssyncset.done $0x0  }
0x43: {  	s23 =	sshll.u32 s0, $0xD;
	s4 =	sor.u32 $0x18900, s4;
	[sflag:s17] =	ssyncadd.s32 $0xFFFFFFC0  }
0x44: {  	[tilespmem:s4], [sflag:$0x3] =	stream.linear.gather [hbm4b:s14+s3], $0x40, $0x38;
	[tilespmem:$0x1CA00] =	vst v63  }
0x45: {  	s0 =	sadd.s32 $0x1, s0;
	s29 =	sadd.s32 $0x1, s28;
	_ =	swait.ge [sflag:s17], $0x40  }
0x46: {  	s24 =	sshll.u32 s28, $0xD;
	s28 =	sshll.u32 s28, $0x7;
	[sflag:s17] =	ssyncset.done $0x0  }
0x47: {  	s28 =	sor.u32 $0x18900, s28;
	s4 =	sor.u32 $0x18A00, s23;
	[sflag:s17] =	ssyncadd.s32 $0xFFFFFFC0  }
0x48: {  	[tilespmem:s4], [sflag:s0] =	stream.indirect.gather [hbm4b:s1+s20], $0x80, s26, s20, $0xb8;
	[tilespmem:$0x1CA00] =	vst v63  }
0x49: {  	s26 =	simm.s32 $0x2;
	s4 =	simm.s32 $0x3;
	_ =	swait.ge [sflag:s29], $0x2000  }
0x4a: {  	s0 =	sor.u32 $0x18A00, s24;
	s30 =	sand.u32 $0x1, s26;
	[sflag:s29] =	ssyncset.done $0x0  }
0x4b: {  	s31 =	sshll.u32 s30, $0xD;
	[sflag:s29] =	ssyncadd.s32 $0xFFFFE000;
	s29 =	sadd.s32 $0x8, s15  }
0x4c: {  	[spmem:s2] =	stream.indirect.scatter.add.f32 [tilespmem:s0], [sflag:$0x3], $0x80, s28, s20, $0xb8;
	[tilespmem:$0x1CA00] =	vst v63  }
0x4d: {  	s28 =	sadd.s32 $0x8, s14;
	s0 =	sshll.u32 s30, $0x7;
	_ =	swait.ge [sflag:s17], $0x2000  }
.LBB2_5:
0x4e: {  	s23 =	sor.u32 $0x18800, s0;
	[sflag:s17] =	ssyncset.done $0x0  }
0x4f: {  	s24 =	smov.u32 s26;
	s26 =	smov.u32 s4;
	s6 =	sadd.s32 $0x1, s4  }
0x50: {  	p1 =	sne.s32 s4, $0x63;
	[sflag:s17] =	ssyncadd.s32 $0xFFFFE000  }
0x51: {  	[tilespmem:s23], [sflag:$0x3] =	stream.linear.gather [hbm4b:s29+s3], $0x40, $0x38;
	[tilespmem:$0x1CA00] =	vst v63  }
0x52: {  	_ =	swait.ge [sflag:s17], $0x40  }
0x53: {  	s0 =	sor.u32 $0x18900, s0;
	[sflag:s17] =	ssyncset.done $0x0  }
0x54: {  	s29 =	sadd.s32 $0x8, s29;
	[sflag:s17] =	ssyncadd.s32 $0xFFFFFFC0  }
0x55: {  	[tilespmem:s0], [sflag:$0x3] =	stream.linear.gather [hbm4b:s28+s3], $0x40, $0x38;
	[tilespmem:$0x1CA00] =	vst v63  }
0x56: {  	s0 =	sadd.s32 $0xFFFFFFFF, s24  }
0x57: {  	s4 =	sor.u32 $0x18A00, s31;
	_ =	swait.ge [sflag:s17], $0x40;
	s0 =	sand.u32 $0x1, s0  }
0x58: {  	s24 =	sadd.s32 $0x1, s30;
	[sflag:s17] =	ssyncset.done $0x0;
	s30 =	sshll.u32 s0, $0xD  }
0x59: {  	s31 =	sadd.s32 $0x1, s0;
	s0 =	sshll.u32 s0, $0x7;
	[sflag:s17] =	ssyncadd.s32 $0xFFFFFFC0  }
0x5a: {  	[tilespmem:s4], [sflag:s24] =	stream.indirect.gather [hbm4b:s1+s20], $0x80, s23, s20, $0xb8;
	[tilespmem:$0x1CA00] =	vst v63  }
.Ltmp4:
0x5b: {  	s0 =	sor.u32 $0x18900, s0;
	_ =	swait.ge [sflag:s31], $0x2000;
	(pc) =	sbr.rel @p1 .LBB2_5-.Ltmp4, $4  }
0x5c: {  	s4 =	sor.u32 $0x18A00, s30;
	s30 =	sand.u32 $0x1, s26;
	[sflag:s31] =	ssyncset.done $0x0  }
0x5d: {  	s28 =	sadd.s32 $0x8, s28;
	[sflag:s31] =	ssyncadd.s32 $0xFFFFE000;
	s31 =	sshll.u32 s30, $0xD  }
0x5e: {  	[spmem:s2] =	stream.indirect.scatter.add.f32 [tilespmem:s4], [sflag:$0x3], $0x80, s0, s20, $0xb8;
	[tilespmem:$0x1CA00] =	vst v63  }
0x5f: {  	s0 =	sshll.u32 s30, $0x7;
	s4 =	smov.u32 s6;
	_ =	swait.ge [sflag:s17], $0x2000  }
0x60: {  	[sflag:s17] =	ssyncset.done $0x0  }
0x61: {  	s4 =	sor.u32 $0x18800, s0;
	[sflag:s17] =	ssyncadd.s32 $0xFFFFE000  }
0x62: {  	[tilespmem:s4], [sflag:$0x3] =	stream.linear.gather [hbm4b:s29+s3], $0x40, $0x38;
	[tilespmem:$0x1CA00] =	vst v63  }
0x63: {  	_ =	swait.ge [sflag:s17], $0x40  }
0x64: {  	[sflag:s17] =	ssyncset.done $0x0  }
0x65: {  	s24 =	sor.u32 $0x18900, s0;
	[sflag:s17] =	ssyncadd.s32 $0xFFFFFFC0  }
0x66: {  	[tilespmem:s24], [sflag:$0x3] =	stream.linear.gather [hbm4b:s28+s3], $0x40, $0x38;
	[tilespmem:$0x1CA00] =	vst v63  }
0x67: {  	s28 =	sadd.s32 $0xFFFFFFFF, s26;
	_ =	swait.ge [sflag:s17], $0x40  }
0x68: {  	s6 =	sor.u32 $0x18A00, s31;
	s0 =	sand.u32 $0x1, s28;
	[sflag:s17] =	ssyncset.done $0x0  }
0x69: {  	s23 =	sadd.s32 $0x1, s30;
	s24 =	sadd.s32 $0x1, s0;
	[sflag:s17] =	ssyncadd.s32 $0xFFFFFFC0  }
0x6a: {  	[tilespmem:s6], [sflag:s23] =	stream.indirect.gather [hbm4b:s1+s20], $0x80, s4, s20, $0xb8;
	[tilespmem:$0x1CA00] =	vst v63  }
0x6b: {  	_ =	swait.ge [sflag:s24], $0x2000  }
0x6c: {  	s29 =	sshll.u32 s0, $0xD;
	s0 =	sshll.u32 s0, $0x7;
	[sflag:s24] =	ssyncset.done $0x0  }
0x6d: {  	s0 =	sor.u32 $0x18900, s0;
	s4 =	sor.u32 $0x18A00, s29;
	[sflag:s24] =	ssyncadd.s32 $0xFFFFE000  }
0x6e: {  	[spmem:s2] =	stream.indirect.scatter.add.f32 [tilespmem:s4], [sflag:$0x3], $0x80, s0, s20, $0xb8;
	[tilespmem:$0x1CA00] =	vst v63  }
0x6f: {  	_ =	swait.ge [sflag:s17], $0x2000  }
0x70: {  	[sflag:s17] =	ssyncset.done $0x0  }
0x71: {  	[sflag:s17] =	ssyncadd.s32 $0xFFFFE000  }
0x72: {  	_ =	swait.ge [sflag:s22], $0x2000  }
0x73: {  	s30 =	simm.s32 $0x18980;
	[sflag:s22] =	ssyncset.done $0x0  }
.Ltmp5:
0x74: {  	s31 =	simm.s32 $0x1AA00;
	[sflag:s22] =	ssyncadd.s32 $0xFFFFE000;
	(pc) =	sbr.rel .LBB2_10-.Ltmp5, $4  }
0x75: {  	[spmem:s2] =	stream.indirect.scatter.add.f32 [tilespmem:s31], [sflag:$0x3], $0x80, s30, s20, $0xb8;
	[tilespmem:$0x1CA00] =	vst v63  }
0x76: {  	_ =	swait.ge [sflag:s17], $0x2000  }
0x77: {  	[sflag:s17] =	ssyncset.done $0x0  }
0x78: {  	s0 =	rddreg [dreg:$0x4];
	[sflag:s17] =	ssyncadd.s32 $0xFFFFE000  }
.LBB2_7:
0x79: {  	s0 =	sadd.s32 $0x0, s12  }
0x7a: {  	[tilespmem:s19], [sflag:$0x3] =	stream.linear.gather [hbm4b:s0+s3], $0x40, $0x38;
	[tilespmem:$0x1CA00] =	vst v63  }
0x7b: {  	_ =	swait.ge [sflag:s17], $0x40  }
0x7c: {  	[sflag:s17] =	ssyncset.done $0x0  }
0x7d: {  	[sflag:s17] =	ssyncadd.s32 $0xFFFFFFC0  }
0x7e: {  	[spmem:s2] =	stream.indirect.scatter.add.f32 [tilespmem:s21], [sflag:$0x3], $0x80, s19, s20, $0xb8;
	[tilespmem:$0x1CA00] =	vst v63  }
0x7f: {  	_ =	swait.ge [sflag:s17], $0x2000  }
0x80: {  	s4 =	simm.s32 $0x10;
	s0 =	simm.s32 $0x8;
	[sflag:s17] =	ssyncset.done $0x0  }
.LBB2_8:
0x81: {  	s6 =	sadd.s32 s0, s12  }
0x82: {  	[sflag:s17] =	ssyncadd.s32 $0xFFFFE000;
	s0 =	smov.u32 s4;
	s23 =	sadd.s32 $0x8, s4  }
0x83: {  	[tilespmem:s19], [sflag:$0x3] =	stream.linear.gather [hbm4b:s6+s3], $0x40, $0x38;
	[tilespmem:$0x1CA00] =	vst v63  }
0x84: {  	p1 =	sne.s32 s4, $0x318;
	_ =	swait.ge [sflag:s17], $0x40  }
.Ltmp6:
0x85: {  	[sflag:s17] =	ssyncset.done $0x0;
	(pc) =	sbr.rel @p1 .LBB2_8-.Ltmp6, $4  }
0x86: {  	[sflag:s17] =	ssyncadd.s32 $0xFFFFFFC0  }
0x87: {  	[spmem:s2] =	stream.indirect.scatter.add.f32 [tilespmem:s21], [sflag:$0x3], $0x80, s19, s20, $0xb8;
	[tilespmem:$0x1CA00] =	vst v63  }
0x88: {  	_ =	swait.ge [sflag:s17], $0x2000  }
0x89: {  	s4 =	smov.u32 s23;
	[sflag:s17] =	ssyncset.done $0x0  }
.Ltmp7:
0x8a: {  	_ = 	snop;
	(pc) =	sbr.rel .LBB2_9-.Ltmp7, $1  }
0x8b: {  	_ =	sdelay $0x3  }
.LBB2_11:
0x8c: {  	_ =	sfence.sel $0x180000  }
0x8d: {  	[bflag:$0x0] =	sbarrier.arrive $0xFFFF  }
0x8e: {  	_ =	strace $0x90000053  }
0x8f: {  	s0 =	stileid.u32;
	[bflag:$0x2] =	sbarrier.arrive $0xFFFF  }
0x90: {  	p0 =	sne.s32 s0, $0x0;
	s0 =	rddreg [dreg:$0x3]  }
0x91: {  	s0 =	sadd.s32 @!p0 $0x100000, s0  }
0x92: {  	[sflag:s0] =	ssyncadd.tile.s32 @!p0 $0x1;
	_ =	shalt  }
.Lfunc_end2:
_tile_overlayer_lowered:
.L_overlay_start_2:
0x93: {  	(tag) =	ssettag $0x2  }
0x94: {  	s0 =	rddreg [dreg:$0x0];
	s2 =	stileid.u32  }
0x95: {  	s1 =	rddreg [dreg:$0x1];
	p0 =	sne.s32 s2, $0x0  }
0x96: {  	s3 =	rddreg [dreg:$0x2];
	[bflag:$0x3] =	sbarrier.arrive $0xFFFF;
	s2 =	simm.s32 @!p0 $0x1C03  }
0x97: {  	[timem:s3], [sflag:s2] =	dma.local @!p0 [hbm:s0], s1  }
0x98: {  	s0 =	simm.s32 @!p0 $0x3  }
0x99: {  	_ =	swait.ge @!p0 [sflag:s0], s1  }
0x9a: {  	s1 =	ssub.s32 @!p0 $0x0, s1;
	[sflag:s0] =	ssyncset.done @!p0 $0x0  }
0x9b: {  	[sflag:s0] =	ssyncadd.s32 @!p0 s1  }
0x9c: {  	[bflag:$0x3] =	sbarrier.arrive $0xFFFF  }
0x9d: {  	_ =	shalt  }

// kernel: kernel.19.cloned.1.call-start
scs
__scs_entry_jumppad:
0x0: {  	(pc) =	sbr.rel $0x88, $3  }
0x1: {  	(tag) =	ssettag $0x0;
	lr =	simm.s32 $0x1  }
0x2: {  	[smem:$0x3F86] =	sst lr;
	_ =	strace $0xD0000000  }
0x3: {  	_ = 	snop  }
0x4: {  	_ = 	snop  }
0x5: {  	_ = 	snop  }
0x6: {  	_ = 	snop  }
0x7: {  	_ = 	snop  }
__scs_overlays_trampoline_lowered:
0x8: {  	[smem:$0x3F95] =	sst s0  }
0x9: {  	[smem:$0x3F96] =	sst s1  }
0xa: {  	[smem:$0x3F97] =	sst s2  }
0xb: {  	[smem:$0x3F98] =	sst s3  }
0xc: {  	[smem:$0x3F99] =	sst s4  }
0xd: {  	[smem:$0x3F9A] =	sst s5  }
0xe: {  	[smem:$0x3F9B] =	sst s6  }
0xf: {  	[smem:$0x3F9C] =	sst s7  }
0x10: {  	[smem:$0x3F9D] =	sst s8  }
0x11: {  	[smem:$0x3F9E] =	sst s9;
	s0 =	simm.s32 @!p0 $0x0  }
0x12: {  	s1 =	sld [smem:$0x3F84];
	s0 =	simm.s32 @p0 $0x1  }
0x13: {  	[smem:$0x3F9F] =	sst s0;
	s0 =	simm.s32 @!p1 $0x0  }
0x14: {  	s2 =	sld [smem:$0x3F83];
	s0 =	simm.s32 @p1 $0x1  }
0x15: {  	[smem:$0x3FA0] =	sst s0;
	s0 =	simm.s32 @!p2 $0x0  }
0x16: {  	s3 =	sld [smem:$0x3FDB];
	s0 =	simm.s32 @p2 $0x1  }
0x17: {  	s4 =	simm.s32 $0x1BF5;
	[smem:$0x3FA2] =	sst s0  }
0x18: {  	s0 =	sld [smem:$0x3F85];
	_ =	swait.ge [sflag:s4], $0x0  }
0x19: {  	s7 =	sld [smem:$0x3F86]  }
0x1a: {  	s8 =	sadd.s32 $0xFFFFE003, lr  }
0x1b: {  	s9 =	sadd.s32 $0xFFFFFEF7, lr;
	s5 =	simm.s32 $0xFFFFFFFF;
	p2 =	slt.u32 s8, $0xFFFFF086  }
0x1c: {  	p1 =	slt.u32 s9, $0xF7A;
	s5 =	simm.s32 @!p2 $0x0  }
0x1d: {  	s5 =	simm.s32 @p1 $0x1;
	p0 =	seq.s32 s7, s2  }
0x1e: {  	s7 =	smul.u32 @!p0 $0xF7A, s2;
	p2 =	seq.s32 @!p0 s5, $0x0  }
0x1f: {  	s9 =	smul.u32 $0xF7A, s1;
	s8 =	simm.s32 @!p0 $0x1BF5;
	p2 =	por !p2, p0  }
0x20: {  	[sflag:s8] =	ssyncset.s32 @!p0 $0xFFFFF086;
	s6 =	sadd.s32 @!p0 s3, s7;
	s7 =	simm.s32 @!p0 $0x108  }
0x21: {  	s3 =	sadd.s32 s3, s9;
	s6 =	sadd.s32 @!p0 $0x88, s6;
	s7 =	simm.s32 @p2 $0x1082  }
0x22: {  	[simem:s7], [sflag:s8] =	dma.local @!p0 [hbm:s6], $0xF7A  }
0x23: {  	s9 =	sor.u32 $0xD0000000, s2;
	s6 =	simm.s32 $0x108;
	_ =	swait.ge @!p0 [sflag:s8], $0x0  }
0x24: {  	s3 =	sadd.s32 $0x88, s3;
	s6 =	simm.s32 @!p1 $0x1082;
	[sflag:s4] =	ssyncset.s32 $0xFFFFF086  }
0x25: {  	[simem:s6], [sflag:s4] =	dma.local [hbm:s3], $0xF7A  }
0x26: {  	[smem:$0x3F86] =	sst s1;
	(tag) =	ssettag s2;
	_ =	strace s9  }
0x27: {  	s1 =	sld [smem:$0x3F96]  }
0x28: {  	s2 =	sld [smem:$0x3F97]  }
0x29: {  	s4 =	sld [smem:$0x3F99]  }
0x2a: {  	p0 =	seq.s32 s5, $0x0;
	s5 =	sld [smem:$0x3F9A]  }
0x2b: {  	s6 =	sld [smem:$0x3F9B]  }
0x2c: {  	s7 =	sld [smem:$0x3F9C]  }
0x2d: {  	s3 =	simm.s32 $0x108;
	s8 =	sld [smem:$0x3F9D]  }
0x2e: {  	s3 =	simm.s32 @!p0 $0x1082;
	s9 =	sld [smem:$0x3F9E]  }
0x2f: {  	lr =	sadd.s32 s0, s3;
	s0 =	sld [smem:$0x3F95]  }
0x30: {  	s3 =	sld [smem:$0x3F98]  }
0x31: {  	[smem:$0x3FA1] =	sst s10  }
0x32: {  	s10 =	sld [smem:$0x3F9F];
	_ =	sdelay $0x3  }
0x33: {  	p0 =	seq.s32 s10, $0x1;
	s10 =	sld [smem:$0x3FA1];
	_ =	sdelay $0x3  }
0x34: {  	[smem:$0x3FA1] =	sst s10  }
0x35: {  	s10 =	sld [smem:$0x3FA0];
	_ =	sdelay $0x3  }
0x36: {  	p1 =	seq.s32 s10, $0x1;
	s10 =	sld [smem:$0x3FA1];
	_ =	sdelay $0x3  }
0x37: {  	[smem:$0x3FA1] =	sst s10  }
0x38: {  	s10 =	sld [smem:$0x3FA2]  }
0x39: {  	_ = 	snop;
	(pc) =	sbr.ind lr, $3  }
0x3a: {  	_ = 	snop  }
0x3b: {  	_ = 	snop  }
0x3c: {  	p2 =	seq.s32 s10, $0x1;
	s10 =	sld [smem:$0x3FA1]  }
0x3d: {  	_ =	shalt  }
0x3e: {  	_ =	shalt  }
0x3f: {  	_ =	shalt  }
0x40: {  	_ =	shalt  }
0x41: {  	_ =	shalt  }
0x42: {  	_ =	shalt  }
0x43: {  	_ =	shalt  }
0x44: {  	_ =	shalt  }
0x45: {  	_ =	shalt  }
0x46: {  	_ =	shalt  }
0x47: {  	_ =	shalt  }
0x48: {  	_ =	shalt  }
0x49: {  	_ =	shalt  }
0x4a: {  	_ =	shalt  }
0x4b: {  	_ =	shalt  }
0x4c: {  	_ =	shalt  }
0x4d: {  	_ =	shalt  }
0x4e: {  	_ =	shalt  }
0x4f: {  	_ =	shalt  }
0x50: {  	_ =	shalt  }
0x51: {  	_ =	shalt  }
0x52: {  	_ =	shalt  }
0x53: {  	_ =	shalt  }
0x54: {  	_ =	shalt  }
0x55: {  	_ =	shalt  }
0x56: {  	_ =	shalt  }
0x57: {  	_ =	shalt  }
0x58: {  	_ =	shalt  }
0x59: {  	_ =	shalt  }
0x5a: {  	_ =	shalt  }
0x5b: {  	_ =	shalt  }
0x5c: {  	_ =	shalt  }
0x5d: {  	_ =	shalt  }
0x5e: {  	_ =	shalt  }
0x5f: {  	_ =	shalt  }
0x60: {  	_ =	shalt  }
0x61: {  	_ =	shalt  }
0x62: {  	_ =	shalt  }
0x63: {  	_ =	shalt  }
0x64: {  	_ =	shalt  }
0x65: {  	_ =	shalt  }
0x66: {  	_ =	shalt  }
0x67: {  	_ =	shalt  }
0x68: {  	_ =	shalt  }
0x69: {  	_ =	shalt  }
0x6a: {  	_ =	shalt  }
0x6b: {  	_ =	shalt  }
0x6c: {  	_ =	shalt  }
0x6d: {  	_ =	shalt  }
0x6e: {  	_ =	shalt  }
0x6f: {  	_ =	shalt  }
0x70: {  	_ =	shalt  }
0x71: {  	_ =	shalt  }
0x72: {  	_ =	shalt  }
0x73: {  	_ =	shalt  }
0x74: {  	_ =	shalt  }
0x75: {  	_ =	shalt  }
0x76: {  	_ =	shalt  }
0x77: {  	_ =	shalt  }
0x78: {  	_ =	shalt  }
0x79: {  	_ =	shalt  }
0x7a: {  	_ =	shalt  }
0x7b: {  	_ =	shalt  }
0x7c: {  	_ =	shalt  }
0x7d: {  	_ =	shalt  }
0x7e: {  	_ =	shalt  }
0x7f: {  	_ =	shalt  }
0x80: {  	_ =	shalt  }
0x81: {  	_ =	shalt  }
0x82: {  	_ =	shalt  }
0x83: {  	_ =	shalt  }
0x84: {  	_ =	shalt  }
0x85: {  	_ =	shalt  }
0x86: {  	_ =	shalt  }
0x87: {  	_ =	shalt  }
.Lfunc_end0:
.L_simem_size_0:
called_computation.5_lowered:
.L_overlay_start_0:
0x88: {  	s2 =	sld [smem:$0x3FD9]  }
0x89: {  	s3 =	sld [smem:$0x3FFE];
	_ =	sdelay $0x1  }
0x8a: {  	s1 =	srdreg.scid  }
0x8b: {  	s0 =	sand.u32 $0x1, s1  }
0x8c: {  	s14 =	sshll.u32 s0, $0xA;
	s2 =	sadd.s32 s3, s2  }
0x8d: {  	s2 =	sadd.s32 s2, s14  }
0x8e: {  	[smem:$0x3FAD] =	sst s2  }
0x8f: {  	_ = 	snop  }
0x90: {  	s2 =	sld [smem:$0x3FD0];
	_ =	sdelay $0x2  }
0x91: {  	s15 =	simm.s32 $0xB;
	s4 =	simm.s32 $0x10  }
0x92: {  	[smem:s4], [sflag:s15] =	dma.local [hbm:s2], $0x1  }
0x93: {  	_ =	swait.eq [sflag:s15], $0x1  }
0x94: {  	[sflag:s15] =	ssyncset.done $0x0  }
0x95: {  	[sflag:s15] =	ssyncadd.s32 $0xFFFFFFFF  }
0x96: {  	s16 =	sld [smem:$0x10];
	(tm) =	ssettm $0x1  }
0x97: {  	s17 =	sld [smem:$0x3FFB];
	_ =	sdelay $0x3  }
0x98: {  	_ =	strace s17  }
0x99: {  	s3 =	sld [smem:$0x3FFC];
	_ =	sdelay $0x3  }
0x9a: {  	_ =	strace s3  }
0x9b: {  	s3 =	sld [smem:$0x3FFD];
	_ =	sdelay $0x3  }
0x9c: {  	_ =	strace s3  }
0x9d: {  	_ =	strace $0x8FFFFFFF  }
0x9e: {  	s18 =	sld [smem:$0x3FDB];
	_ =	sdelay $0x1  }
0x9f: {  	s19 =	simm.s32 $_scs_section_size  }
0xa0: {  	s5 =	simm.s32 $_size__tile_overlayer_lowered;
	s6 =	simm.s32 $_tile_overlayer_lowered  }
0xa1: {  	s22 =	simm.s32 $0x1BFF;
	s21 =	sshll.u32 s6, $0x1;
	s3 =	sadd.s32 s19, s18  }
0xa2: {  	s7 =	simm.s32 $0x0;
	s20 =	sshll.u32 s5, $0x1;
	s5 =	sadd.s32 s21, s3  }
0xa3: {  	[timem:s7], [sflag:s22] =	dma.local [hbm:s5], s20  }
0xa4: {  	_ =	swait.ge [sflag:s22], s20  }
0xa5: {  	s4 =	ssub.s32 $0x0, s20;
	[sflag:s22] =	ssyncset.done $0x0  }
0xa6: {  	[sflag:s22] =	ssyncadd.s32 s4;
	_ =	sdelay $0x1  }
0xa7: {  	s23 =	simm.s32 $0x1B8B  }
0xa8: {  	_ =	swait.ge [sflag:s23], $0x1  }
0xa9: {  	[sflag:s23] =	ssyncset.done $0x0  }
0xaa: {  	s25 =	simm.s32 $0x1B8E;
	s24 =	sld [smem:$0x3FFE];
	[sflag:s23] =	ssyncadd.s32 $0xFFFFFFFF  }
0xab: {  	s26 =	simm.s32 $execute0_lowered;
	[smem:$0x3FD2] =	sst s25  }
0xac: {  	s5 =	sshll.u32 s26, $0x1;
	_ =	strace $0x80000055;
	[dreg:$0x1] =	wrdreg $0xFFFFFFFF  }
0xad: {  	s28 =	simm.s32 $_size_execute0_lowered;
	s3 =	sadd.s32 s3, s5;
	[dreg:$0x0] =	wrdreg $0x0  }
0xae: {  	s5 =	sshll.u32 s28, $0x1;
	[dreg:$0x2] =	wrdreg s3  }
0xaf: {  	[dreg:$0x3] =	wrdreg s5  }
0xb0: {  	[dreg:$0x4] =	wrdreg $0xC0  }
0xb1: {  	_ =	task [dreg:s7], $0x5FFFF  }
0xb2: {  	[dreg:$0x1] =	wrdreg $0xFFFFFFFF  }
0xb3: {  	[dreg:$0x0] =	wrdreg $0x60  }
0xb4: {  	[dreg:$0x2] =	wrdreg s16  }
0xb5: {  	[dreg:$0x3] =	wrdreg s24  }
0xb6: {  	[dreg:$0x4] =	wrdreg $0x9  }
0xb7: {  	_ =	task.clear_ibuf [dreg:s7], $0x5FFFF;
	_ =	strace $0x90000055  }
0xb8: {  	s29 =	simm.s32 $0x9;
	_ =	strace $0x80000057  }
0xb9: {  	_ =	swait.ge [sflag:s29], $0x1  }
0xba: {  	[sflag:s29] =	ssyncadd.s32 $0xFFFFFFFF  }
0xbb: {  	_ =	strace $0x90000057  }
0xbc: {  	_ =	sfence  }
0xbd: {  	s30 =	sld [smem:$0x0];
	_ =	sdelay $0x2  }
0xbe: {  	s31 =	sshll.u32 s1, $0xD;
	s1 =	sshrl.u32 s1, $0x2  }
0xbf: {  	s3 =	sand.u32 $0x4000, s31;
	s1 =	sadd.s32 s1, s30  }
0xc0: {  	s0 =	sor.u32 s3, s0;
	s1 =	sshll.u32 s1, $0x11  }
0xc1: {  	s0 =	sor.u32 s1, s0  }
0xc2: {  	s0 =	sadd.s32 $0x8F2B, s0  }
0xc3: {  	[sflag:s0] =	ssyncadd.remote.s32 $0x1  }
0xc4: {  	_ =	sfence.sel $0xFFFF  }
0xc5: {  	[dreg:$0x0] =	wrdreg $0xFFFFFFFF;
	(pc) =	sbr.abs _section_cstart, $3  }
0xc6: {  	[dreg:$0x1] =	wrdreg $0xFFFFFFFF  }
0xc7: {  	_ =	task.clear_ibuf [dreg:s7], $0x2FFFF;
	_ =	strace $0x9FFFFFFF  }
0xc8: {  	(tm) =	ssettm $0x7FFFFFFF  }
0xc9: {  	_ =	shalt  }
tec
execute0_lowered:
.L_overlay_start_1:
0x0: {  	(tag) =	ssettag $0x1  }
0x1: {  	s1 =	rddreg [dreg:$0x0];
	s2 =	srdreg.scid  }
0x2: {  	s4 =	rddreg [dreg:$0x1];
	s5 =	sand.u32 $0x1, s2  }
0x3: {  	s2 =	stileid.u32;
	s6 =	smul.u32 $0x190, s5  }
0x4: {  	s0 =	rddreg [dreg:$0x2];
	s7 =	smul.u32 $0x19, s2  }
0x5: {  	s3 =	simm.s32 $0x0;
	s8 =	sadd.s32 $0x192C00, s4;
	s12 =	smul.u32 $0xC8000, s5  }
0x6: {  	[smem:$0x7FF] =	sst s3;
	s9 =	sadd.s32 $0x195E00, s4;
	s13 =	smul.u32 $0xC800, s2  }
0x7: {  	_ =	strace $0x80000056;
	s28 =	ssub.s32 $0x2, s5;
	s30 =	smul.u32 $0x1900, s5  }
0x8: {  	s29 =	sshll.u32 s2, $0x4;
	s31 =	smul.u32 $0x190, s2;
	s10 =	sshrl.u32 s28, $0x1  }
0x9: {  	s6 =	sadd.s32 s7, s6;
	s7 =	sand.u32 $0x70, s29;
	s10 =	ssub.s32 s28, s10  }
0xa: {  	s11 =	sshll.u32 s6, $0x4;
	s7 =	sadd.s32 s8, s7;
	s5 =	smax.u32 s10, $0x1  }
0xb: {  	s6 =	sshll.u32 s6, $0xB;
	s8 =	sadd.s32 s30, s8;
	s10 =	simm.s32 $0x80  }
0xc: {  	s11 =	sand.u32 $0x3F80, s11;
	s6 =	sadd.s32 s9, s6;
	s9 =	sadd.s32 s12, s9  }
0xd: {  	s8 =	sadd.s32 s31, s8;
	s12 =	simm.s32 $0x1;
	s4 =	sadd.s32 s11, s7  }
0xe: {  	s6 =	sadd.s32 $0xC000, s6;
	s7 =	sadd.s32 s13, s9;
	s8 =	sadd.s32 $0x10, s8  }
0xf: {  	s9 =	simm.s32 $0x3;
	s11 =	simm.s32 $0x100;
	s13 =	simm.s32 $0x0  }
.LBB2_1:
0x10: {  	[tilespmem:s3], [sflag:$0x3] =	stream.linear.gather [hbm4b:s4+s3], $0x80, $0x38;
	[tilespmem:$0x8100] =	vst v63  }
0x11: {  	_ =	swait.ge [sflag:s9], $0x80  }
0x12: {  	[sflag:s9] =	ssyncset.done $0x0  }
0x13: {  	s14 =	sand.u32 $0x1, s12;
	[sflag:s9] =	ssyncadd.s32 $0xFFFFFF80  }
0x14: {  	[tilespmem:s11], [sflag:$0x1] =	stream.indirect.gather [hbm4b:s1+s10], $0x80, s3, s10, $0xb8;
	[tilespmem:$0x8100] =	vst v63  }
0x15: {  	s15 =	sshll.u32 s14, $0x7  }
0x16: {  	[tilespmem:s15], [sflag:$0x3] =	stream.linear.gather [hbm4b:s8+s3], $0x80, $0x38;
	[tilespmem:$0x8100] =	vst v63  }
0x17: {  	s17 =	simm.s32 $0x0;
	s16 =	sadd.s32 $0x1, s14;
	_ =	swait.ge [sflag:s9], $0x80  }
0x18: {  	s14 =	sshll.u32 s14, $0xE;
	s17 =	sand.u32 $0x1, s17;
	[sflag:s9] =	ssyncset.done $0x0  }
0x19: {  	s14 =	sor.u32 $0x100, s14;
	s18 =	sadd.s32 $0x1, s17;
	[sflag:s9] =	ssyncadd.s32 $0xFFFFFF80  }
0x1a: {  	[tilespmem:s14], [sflag:s16] =	stream.indirect.gather [hbm4b:s1+s10], $0x80, s15, s10, $0xb8;
	[tilespmem:$0x8100] =	vst v63  }
0x1b: {  	s31 =	sshll.u32 s17, $0xE;
	_ =	swait.ge [sflag:s18], $0x4000  }
0x1c: {  	s14 =	sor.u32 $0x100, s31;
	s16 =	simm.s32 $0x2;
	[sflag:s18] =	ssyncset.done $0x0  }
0x1d: {  	s15 =	sadd.s32 $0x10, s8;
	s17 =	sand.u32 $0x1, s16;
	[sflag:s18] =	ssyncadd.s32 $0xFFFFC000  }
0x1e: {  	[hbm4b:s7+s3] =	stream.linear.scatter [tilespmem:s14], [sflag:$0x3], $0x4000, $0x38;
	[tilespmem:$0x8100] =	vst v63  }
0x1f: {  	s18 =	simm.s32 $0x3;
	s14 =	sadd.s32 $0x800, s7;
	_ =	swait.ge [sflag:s9], $0x4000  }
.LBB2_2:
0x20: {  	s19 =	sshll.u32 s17, $0x7  }
0x21: {  	[sflag:s9] =	ssyncset.done $0x0;
	s20 =	smov.u32 s18;
	s21 =	sadd.s32 $0x1, s18  }
0x22: {  	p0 =	sne.s32 s18, $0x18;
	s18 =	sadd.s32 $0x1, s17;
	[sflag:s9] =	ssyncadd.s32 $0xFFFFC000  }
0x23: {  	[tilespmem:s19], [sflag:$0x3] =	stream.linear.gather [hbm4b:s15+s3], $0x80, $0x38;
	[tilespmem:$0x8100] =	vst v63  }
0x24: {  	s16 =	sadd.s32 $0xFFFFFFFF, s16;
	s17 =	sshll.u32 s17, $0xE;
	_ =	swait.ge [sflag:s9], $0x80  }
0x25: {  	s16 =	sand.u32 $0x1, s16;
	s17 =	sor.u32 $0x100, s17;
	[sflag:s9] =	ssyncset.done $0x0  }
0x26: {  	s22 =	sadd.s32 $0x1, s16;
	s23 =	sshll.u32 s16, $0xE;
	[sflag:s9] =	ssyncadd.s32 $0xFFFFFF80  }
0x27: {  	[tilespmem:s17], [sflag:s18] =	stream.indirect.gather [hbm4b:s1+s10], $0x80, s19, s10, $0xb8;
	[tilespmem:$0x8100] =	vst v63  }
.Ltmp0:
0x28: {  	s16 =	smov.u32 s20;
	_ =	swait.ge [sflag:s22], $0x4000;
	(pc) =	sbr.rel @p0 .LBB2_2-.Ltmp0, $4  }
0x29: {  	s17 =	sor.u32 $0x100, s23;
	[sflag:s22] =	ssyncset.done $0x0  }
0x2a: {  	s15 =	sadd.s32 $0x10, s15;
	s18 =	smov.u32 s21;
	[sflag:s22] =	ssyncadd.s32 $0xFFFFC000  }
0x2b: {  	[hbm4b:s14+s3] =	stream.linear.scatter [tilespmem:s17], [sflag:$0x3], $0x4000, $0x38;
	[tilespmem:$0x8100] =	vst v63  }
0x2c: {  	s17 =	sand.u32 $0x1, s16;
	s14 =	sadd.s32 $0x800, s14;
	_ =	swait.ge [sflag:s9], $0x4000  }
0x2d: {  	[sflag:s9] =	ssyncset.done $0x0  }
0x2e: {  	s18 =	sshll.u32 s17, $0x7;
	[sflag:s9] =	ssyncadd.s32 $0xFFFFC000  }
0x2f: {  	[tilespmem:s18], [sflag:$0x3] =	stream.linear.gather [hbm4b:s15+s3], $0x80, $0x38;
	[tilespmem:$0x8100] =	vst v63  }
0x30: {  	s29 =	sadd.s32 $0x1, s17;
	s16 =	sadd.s32 $0xFFFFFFFF, s16;
	_ =	swait.ge [sflag:s9], $0x80  }
0x31: {  	s30 =	sshll.u32 s17, $0xE;
	s16 =	sand.u32 $0x1, s16;
	[sflag:s9] =	ssyncset.done $0x0  }
0x32: {  	s17 =	sor.u32 $0x100, s30;
	s19 =	sadd.s32 $0x1, s16;
	[sflag:s9] =	ssyncadd.s32 $0xFFFFFF80  }
0x33: {  	[tilespmem:s17], [sflag:s29] =	stream.indirect.gather [hbm4b:s1+s10], $0x80, s18, s10, $0xb8;
	[tilespmem:$0x8100] =	vst v63  }
0x34: {  	_ =	swait.ge [sflag:s19], $0x4000  }
0x35: {  	s31 =	sshll.u32 s16, $0xE;
	[sflag:s19] =	ssyncset.done $0x0  }
0x36: {  	s15 =	sor.u32 $0x100, s31;
	[sflag:s19] =	ssyncadd.s32 $0xFFFFC000  }
0x37: {  	[hbm4b:s14+s3] =	stream.linear.scatter [tilespmem:s15], [sflag:$0x3], $0x4000, $0x38;
	[tilespmem:$0x8100] =	vst v63  }
0x38: {  	_ =	swait.ge [sflag:s9], $0x4000  }
0x39: {  	[sflag:s9] =	ssyncset.done $0x0  }
0x3a: {  	[sflag:s9] =	ssyncadd.s32 $0xFFFFC000  }
0x3b: {  	s13 =	sadd.s32 $0x1, s13;
	_ =	swait.ge [sflag:s12], $0x4000  }
0x3c: {  	p0 =	sne.s32 s13, s5;
	[sflag:s12] =	ssyncset.done $0x0  }
.Ltmp1:
0x3d: {  	[sflag:s12] =	ssyncadd.s32 $0xFFFFC000;
	(pc) =	sbr.rel @p0 .LBB2_1-.Ltmp1, $4  }
0x3e: {  	[hbm4b:s6+s3] =	stream.linear.scatter [tilespmem:s11], [sflag:$0x3], $0x4000, $0x38;
	[tilespmem:$0x8100] =	vst v63  }
0x3f: {  	_ =	swait.ge [sflag:s9], $0x4000  }
0x40: {  	[sflag:s9] =	ssyncset.done $0x0  }
0x41: {  	[sflag:s9] =	ssyncadd.s32 $0xFFFFC000  }
0x42: {  	_ =	sfence.sel $0x180000  }
0x43: {  	[bflag:$0x0] =	sbarrier.arrive $0xFFFF  }
0x44: {  	p0 =	sne.s32 s2, $0x0;
	_ =	strace $0x90000056  }
0x45: {  	s0 =	sadd.s32 @!p0 $0x100000, s0;
	[bflag:$0x2] =	sbarrier.arrive $0xFFFF  }
0x46: {  	[sflag:s0] =	ssyncadd.tile.s32 @!p0 $0x1;
	_ =	shalt  }
.Lfunc_end2:
_tile_overlayer_lowered:
.L_overlay_start_2:
0x47: {  	(tag) =	ssettag $0x2  }
0x48: {  	s0 =	rddreg [dreg:$0x0];
	s2 =	stileid.u32  }
0x49: {  	s1 =	rddreg [dreg:$0x1];
	p0 =	sne.s32 s2, $0x0  }
0x4a: {  	s3 =	rddreg [dreg:$0x2];
	[bflag:$0x3] =	sbarrier.arrive $0xFFFF;
	s2 =	simm.s32 @!p0 $0x1C03  }
0x4b: {  	[timem:s3], [sflag:s2] =	dma.local @!p0 [hbm:s0], s1  }
0x4c: {  	s0 =	simm.s32 @!p0 $0x3  }
0x4d: {  	_ =	swait.ge @!p0 [sflag:s0], s1  }
0x4e: {  	s1 =	ssub.s32 @!p0 $0x0, s1;
	[sflag:s0] =	ssyncset.done @!p0 $0x0  }
0x4f: {  	[sflag:s0] =	ssyncadd.s32 @!p0 s1  }
0x50: {  	[bflag:$0x3] =	sbarrier.arrive $0xFFFF  }
0x51: {  	_ =	shalt  }

// kernel: scatter_offload_async_start.1
scs
__scs_entry_jumppad:
0x0: {  	(pc) =	sbr.rel $0x88, $3  }
0x1: {  	(tag) =	ssettag $0x0;
	lr =	simm.s32 $0x1  }
0x2: {  	[smem:$0x3F86] =	sst lr;
	_ =	strace $0xD0000000  }
0x3: {  	_ = 	snop  }
0x4: {  	_ = 	snop  }
0x5: {  	_ = 	snop  }
0x6: {  	_ = 	snop  }
0x7: {  	_ = 	snop  }
__scs_overlays_trampoline_lowered:
0x8: {  	[smem:$0x3F95] =	sst s0  }
0x9: {  	[smem:$0x3F96] =	sst s1  }
0xa: {  	[smem:$0x3F97] =	sst s2  }
0xb: {  	[smem:$0x3F98] =	sst s3  }
0xc: {  	[smem:$0x3F99] =	sst s4  }
0xd: {  	[smem:$0x3F9A] =	sst s5  }
0xe: {  	[smem:$0x3F9B] =	sst s6  }
0xf: {  	[smem:$0x3F9C] =	sst s7  }
0x10: {  	[smem:$0x3F9D] =	sst s8  }
0x11: {  	[smem:$0x3F9E] =	sst s9;
	s0 =	simm.s32 @!p0 $0x0  }
0x12: {  	s1 =	sld [smem:$0x3F84];
	s0 =	simm.s32 @p0 $0x1  }
0x13: {  	[smem:$0x3F9F] =	sst s0;
	s0 =	simm.s32 @!p1 $0x0  }
0x14: {  	s2 =	sld [smem:$0x3F83];
	s0 =	simm.s32 @p1 $0x1  }
0x15: {  	[smem:$0x3FA0] =	sst s0;
	s0 =	simm.s32 @!p2 $0x0  }
0x16: {  	s3 =	sld [smem:$0x3FDB];
	s0 =	simm.s32 @p2 $0x1  }
0x17: {  	s4 =	simm.s32 $0x1BF5;
	[smem:$0x3FA2] =	sst s0  }
0x18: {  	s0 =	sld [smem:$0x3F85];
	_ =	swait.ge [sflag:s4], $0x0  }
0x19: {  	s7 =	sld [smem:$0x3F86]  }
0x1a: {  	s8 =	sadd.s32 $0xFFFFE003, lr  }
0x1b: {  	s9 =	sadd.s32 $0xFFFFFEF7, lr;
	s5 =	simm.s32 $0xFFFFFFFF;
	p2 =	slt.u32 s8, $0xFFFFF086  }
0x1c: {  	p1 =	slt.u32 s9, $0xF7A;
	s5 =	simm.s32 @!p2 $0x0  }
0x1d: {  	s5 =	simm.s32 @p1 $0x1;
	p0 =	seq.s32 s7, s2  }
0x1e: {  	s7 =	smul.u32 @!p0 $0xF7A, s2;
	p2 =	seq.s32 @!p0 s5, $0x0  }
0x1f: {  	s9 =	smul.u32 $0xF7A, s1;
	s8 =	simm.s32 @!p0 $0x1BF5;
	p2 =	por !p2, p0  }
0x20: {  	[sflag:s8] =	ssyncset.s32 @!p0 $0xFFFFF086;
	s6 =	sadd.s32 @!p0 s3, s7;
	s7 =	simm.s32 @!p0 $0x108  }
0x21: {  	s3 =	sadd.s32 s3, s9;
	s6 =	sadd.s32 @!p0 $0x88, s6;
	s7 =	simm.s32 @p2 $0x1082  }
0x22: {  	[simem:s7], [sflag:s8] =	dma.local @!p0 [hbm:s6], $0xF7A  }
0x23: {  	s9 =	sor.u32 $0xD0000000, s2;
	s6 =	simm.s32 $0x108;
	_ =	swait.ge @!p0 [sflag:s8], $0x0  }
0x24: {  	s3 =	sadd.s32 $0x88, s3;
	s6 =	simm.s32 @!p1 $0x1082;
	[sflag:s4] =	ssyncset.s32 $0xFFFFF086  }
0x25: {  	[simem:s6], [sflag:s4] =	dma.local [hbm:s3], $0xF7A  }
0x26: {  	[smem:$0x3F86] =	sst s1;
	(tag) =	ssettag s2;
	_ =	strace s9  }
0x27: {  	s1 =	sld [smem:$0x3F96]  }
0x28: {  	s2 =	sld [smem:$0x3F97]  }
0x29: {  	s4 =	sld [smem:$0x3F99]  }
0x2a: {  	p0 =	seq.s32 s5, $0x0;
	s5 =	sld [smem:$0x3F9A]  }
0x2b: {  	s6 =	sld [smem:$0x3F9B]  }
0x2c: {  	s7 =	sld [smem:$0x3F9C]  }
0x2d: {  	s3 =	simm.s32 $0x108;
	s8 =	sld [smem:$0x3F9D]  }
0x2e: {  	s3 =	simm.s32 @!p0 $0x1082;
	s9 =	sld [smem:$0x3F9E]  }
0x2f: {  	lr =	sadd.s32 s0, s3;
	s0 =	sld [smem:$0x3F95]  }
0x30: {  	s3 =	sld [smem:$0x3F98]  }
0x31: {  	[smem:$0x3FA1] =	sst s10  }
0x32: {  	s10 =	sld [smem:$0x3F9F];
	_ =	sdelay $0x3  }
0x33: {  	p0 =	seq.s32 s10, $0x1;
	s10 =	sld [smem:$0x3FA1];
	_ =	sdelay $0x3  }
0x34: {  	[smem:$0x3FA1] =	sst s10  }
0x35: {  	s10 =	sld [smem:$0x3FA0];
	_ =	sdelay $0x3  }
0x36: {  	p1 =	seq.s32 s10, $0x1;
	s10 =	sld [smem:$0x3FA1];
	_ =	sdelay $0x3  }
0x37: {  	[smem:$0x3FA1] =	sst s10  }
0x38: {  	s10 =	sld [smem:$0x3FA2]  }
0x39: {  	_ = 	snop;
	(pc) =	sbr.ind lr, $3  }
0x3a: {  	_ = 	snop  }
0x3b: {  	_ = 	snop  }
0x3c: {  	p2 =	seq.s32 s10, $0x1;
	s10 =	sld [smem:$0x3FA1]  }
0x3d: {  	_ =	shalt  }
0x3e: {  	_ =	shalt  }
0x3f: {  	_ =	shalt  }
0x40: {  	_ =	shalt  }
0x41: {  	_ =	shalt  }
0x42: {  	_ =	shalt  }
0x43: {  	_ =	shalt  }
0x44: {  	_ =	shalt  }
0x45: {  	_ =	shalt  }
0x46: {  	_ =	shalt  }
0x47: {  	_ =	shalt  }
0x48: {  	_ =	shalt  }
0x49: {  	_ =	shalt  }
0x4a: {  	_ =	shalt  }
0x4b: {  	_ =	shalt  }
0x4c: {  	_ =	shalt  }
0x4d: {  	_ =	shalt  }
0x4e: {  	_ =	shalt  }
0x4f: {  	_ =	shalt  }
0x50: {  	_ =	shalt  }
0x51: {  	_ =	shalt  }
0x52: {  	_ =	shalt  }
0x53: {  	_ =	shalt  }
0x54: {  	_ =	shalt  }
0x55: {  	_ =	shalt  }
0x56: {  	_ =	shalt  }
0x57: {  	_ =	shalt  }
0x58: {  	_ =	shalt  }
0x59: {  	_ =	shalt  }
0x5a: {  	_ =	shalt  }
0x5b: {  	_ =	shalt  }
0x5c: {  	_ =	shalt  }
0x5d: {  	_ =	shalt  }
0x5e: {  	_ =	shalt  }
0x5f: {  	_ =	shalt  }
0x60: {  	_ =	shalt  }
0x61: {  	_ =	shalt  }
0x62: {  	_ =	shalt  }
0x63: {  	_ =	shalt  }
0x64: {  	_ =	shalt  }
0x65: {  	_ =	shalt  }
0x66: {  	_ =	shalt  }
0x67: {  	_ =	shalt  }
0x68: {  	_ =	shalt  }
0x69: {  	_ =	shalt  }
0x6a: {  	_ =	shalt  }
0x6b: {  	_ =	shalt  }
0x6c: {  	_ =	shalt  }
0x6d: {  	_ =	shalt  }
0x6e: {  	_ =	shalt  }
0x6f: {  	_ =	shalt  }
0x70: {  	_ =	shalt  }
0x71: {  	_ =	shalt  }
0x72: {  	_ =	shalt  }
0x73: {  	_ =	shalt  }
0x74: {  	_ =	shalt  }
0x75: {  	_ =	shalt  }
0x76: {  	_ =	shalt  }
0x77: {  	_ =	shalt  }
0x78: {  	_ =	shalt  }
0x79: {  	_ =	shalt  }
0x7a: {  	_ =	shalt  }
0x7b: {  	_ =	shalt  }
0x7c: {  	_ =	shalt  }
0x7d: {  	_ =	shalt  }
0x7e: {  	_ =	shalt  }
0x7f: {  	_ =	shalt  }
0x80: {  	_ =	shalt  }
0x81: {  	_ =	shalt  }
0x82: {  	_ =	shalt  }
0x83: {  	_ =	shalt  }
0x84: {  	_ =	shalt  }
0x85: {  	_ =	shalt  }
0x86: {  	_ =	shalt  }
0x87: {  	_ =	shalt  }
.Lfunc_end0:
.L_simem_size_0:
called_computation.1_lowered:
.L_overlay_start_0:
0x88: {  	s0 =	sld [smem:$0x3FD9]  }
0x89: {  	s1 =	sld [smem:$0x3FFE];
	_ =	sdelay $0x3  }
0x8a: {  	s0 =	sadd.s32 s1, s0  }
0x8b: {  	[smem:$0x3FAD] =	sst s0  }
0x8c: {  	_ = 	snop  }
0x8d: {  	s0 =	sld [smem:$0x3FD0];
	_ =	sdelay $0x2  }
0x8e: {  	s13 =	simm.s32 $0xB;
	s2 =	simm.s32 $0x10  }
0x8f: {  	[smem:s2], [sflag:s13] =	dma.local [hbm:s0], $0x1  }
0x90: {  	_ =	swait.eq [sflag:s13], $0x1  }
0x91: {  	[sflag:s13] =	ssyncset.done $0x0  }
0x92: {  	[sflag:s13] =	ssyncadd.s32 $0xFFFFFFFF  }
0x93: {  	s14 =	sld [smem:$0x10];
	(tm) =	ssettm $0x1  }
0x94: {  	s15 =	sld [smem:$0x3FFB];
	_ =	sdelay $0x3  }
0x95: {  	_ =	strace s15  }
0x96: {  	s1 =	sld [smem:$0x3FFC];
	_ =	sdelay $0x3  }
0x97: {  	_ =	strace s1  }
0x98: {  	s1 =	sld [smem:$0x3FFD];
	_ =	sdelay $0x3  }
0x99: {  	_ =	strace s1  }
0x9a: {  	_ =	strace $0x8FFFFFFF  }
0x9b: {  	s16 =	sld [smem:$0x3FDB];
	_ =	sdelay $0x1  }
0x9c: {  	s17 =	simm.s32 $_scs_section_size  }
0x9d: {  	s3 =	simm.s32 $_size__tile_overlayer_lowered;
	s4 =	simm.s32 $_tile_overlayer_lowered  }
0x9e: {  	s20 =	simm.s32 $0x1BFF;
	s19 =	sshll.u32 s4, $0x1;
	s1 =	sadd.s32 s17, s16  }
0x9f: {  	s5 =	simm.s32 $0x0;
	s18 =	sshll.u32 s3, $0x1;
	s3 =	sadd.s32 s19, s1  }
0xa0: {  	[timem:s5], [sflag:s20] =	dma.local [hbm:s3], s18  }
0xa1: {  	_ =	swait.ge [sflag:s20], s18  }
0xa2: {  	s2 =	ssub.s32 $0x0, s18;
	[sflag:s20] =	ssyncset.done $0x0  }
0xa3: {  	[sflag:s20] =	ssyncadd.s32 s2;
	_ =	sdelay $0x1  }
0xa4: {  	s21 =	simm.s32 $0x1B8B  }
0xa5: {  	_ =	swait.ge [sflag:s21], $0x1  }
0xa6: {  	[sflag:s21] =	ssyncset.done $0x0  }
0xa7: {  	s23 =	simm.s32 $0x1B8E;
	s22 =	sld [smem:$0x3FFE];
	[sflag:s21] =	ssyncadd.s32 $0xFFFFFFFF  }
0xa8: {  	s24 =	simm.s32 $execute0_lowered;
	[smem:$0x3FD2] =	sst s23  }
0xa9: {  	s3 =	sshll.u32 s24, $0x1;
	_ =	strace $0x8000004C;
	[dreg:$0x1] =	wrdreg $0xFFFFFFFF  }
0xaa: {  	s25 =	simm.s32 $_size_execute0_lowered;
	s1 =	sadd.s32 s1, s3;
	[dreg:$0x0] =	wrdreg $0x0  }
0xab: {  	s3 =	sshll.u32 s25, $0x1;
	[dreg:$0x2] =	wrdreg s1  }
0xac: {  	[dreg:$0x3] =	wrdreg s3  }
0xad: {  	[dreg:$0x4] =	wrdreg $0xC0  }
0xae: {  	_ =	task [dreg:s5], $0x5FFFF  }
0xaf: {  	[dreg:$0x1] =	wrdreg $0xFFFFFFFF  }
0xb0: {  	[dreg:$0x0] =	wrdreg $0x60  }
0xb1: {  	[dreg:$0x2] =	wrdreg s14  }
0xb2: {  	[dreg:$0x3] =	wrdreg s22  }
0xb3: {  	[dreg:$0x4] =	wrdreg $0xA  }
0xb4: {  	_ =	task.clear_ibuf [dreg:s5], $0x5FFFF;
	_ =	strace $0x9000004C  }
0xb5: {  	s26 =	simm.s32 $0xA;
	_ =	strace $0x8000004E  }
0xb6: {  	_ =	swait.ge [sflag:s26], $0x1  }
0xb7: {  	[sflag:s26] =	ssyncadd.s32 $0xFFFFFFFF  }
0xb8: {  	_ =	strace $0x9000004E  }
0xb9: {  	_ =	sfence  }
0xba: {  	s28 =	sld [smem:$0x0];
	_ =	sdelay $0x1  }
0xbb: {  	s29 =	srdreg.scid  }
0xbc: {  	s30 =	sshll.u32 s29, $0xD;
	s31 =	sshrl.u32 s29, $0x2  }
0xbd: {  	s2 =	sand.u32 $0x4000, s30;
	s1 =	sand.u32 $0x1, s29;
	s0 =	sadd.s32 s31, s28  }
0xbe: {  	s1 =	sor.u32 s2, s1;
	s0 =	sshll.u32 s0, $0x11  }
0xbf: {  	s0 =	sor.u32 s0, s1  }
0xc0: {  	s0 =	sadd.s32 $0x8F2B, s0  }
0xc1: {  	[sflag:s0] =	ssyncadd.remote.s32 $0x1  }
0xc2: {  	_ =	sfence.sel $0xFFFF  }
0xc3: {  	[dreg:$0x0] =	wrdreg $0xFFFFFFFF;
	(pc) =	sbr.abs _section_cstart, $3  }
0xc4: {  	[dreg:$0x1] =	wrdreg $0xFFFFFFFF  }
0xc5: {  	_ =	task.clear_ibuf [dreg:s5], $0x2FFFF;
	_ =	strace $0x9FFFFFFF  }
0xc6: {  	(tm) =	ssettm $0x7FFFFFFF  }
0xc7: {  	_ =	shalt  }
tec
execute0_lowered:
.L_overlay_start_1:
0x0: {  	(tag) =	ssettag $0x1  }
0x1: {  	s1 =	rddreg [dreg:$0x0]  }
0x2: {  	s0 =	rddreg [dreg:$0x1];
	_ =	strace $0x8000004D;
	s2 =	simm.s32 $0x1  }
0x3: {  	s8 =	simm.s32 $0x108;
	v0 =	vimm.s32 $0x0;
	[sflag:s2] =	ssyncpa.u1 $0x0  }
0x4: {  	[tilespmem:s8+$0x70] =	vst v0  }
0x5: {  	[tilespmem:s8+$0x60] =	vst v0  }
0x6: {  	[tilespmem:s8+$0x50] =	vst v0  }
0x7: {  	[tilespmem:s8+$0x40] =	vst v0  }
0x8: {  	[tilespmem:s8+$0x30] =	vst v0  }
0x9: {  	s2 =	sadd.s32 $0x18C800, s0;
	[tilespmem:s8+$0x20] =	vst v0  }
0xa: {  	s4 =	simm.s32 $0x40;
	s3 =	sadd.s32 $0x19E400, s0;
	s5 =	sadd.s32 $0x18E200, s0;
	[tilespmem:s8+$0x10] =	vst v0  }
.LBB2_1:
0xb: {  	s4 =	sadd.s32 $0x40, s4;
	[tilespmem:s8+$0x0] =	vst v0;
	s8 =	sadd.s32 $0x80, s8  }
0xc: {  	p0 =	slt.u32 s4, $0x3C40;
	[tilespmem:s8+$0x70] =	vst v0  }
0xd: {  	[tilespmem:s8+$0x60] =	vst v0  }
.Ltmp0:
0xe: {  	[tilespmem:s8+$0x50] =	vst v0;
	(pc) =	sbr.rel @p0 .LBB2_1-.Ltmp0, $4  }
0xf: {  	[tilespmem:s8+$0x40] =	vst v0  }
0x10: {  	[tilespmem:s8+$0x30] =	vst v0  }
0x11: {  	[tilespmem:s8+$0x20] =	vst v0  }
0x12: {  	[tilespmem:s8+$0x10] =	vst v0  }
0x13: {  	s13 =	stileid.u32  }
0x14: {  	s0 =	simm.s32 $0x1;
	p0 =	sne.s32 s13, $0x0;
	s4 =	smul.u32 $0xD, s13  }
0x15: {  	s0 =	simm.s32 @!p0 $0x0  }
0x16: {  	s0 =	sadd.s32 s0, s4  }
0x17: {  	p1 =	seq.s32 s13, $0x0;
	s6 =	smul.u32 $0xF0, s0;
	s0 =	simm.s32 $0xD20  }
0x18: {  	s0 =	simm.s32 @!p1 $0xC30  }
0x19: {  	s0 =	sadd.s32 s0, s6  }
0x1a: {  	s7 =	smin.u32 s0, $0xC350  }
0x1b: {  	s0 =	ssub.s32 s7, s6  }
0x1c: {  	p1 =	sgt.s32 s0, $0x0  }
0x1d: {  	s0 =	simm.s32 @!p1 $0x0  }
0x1e: {  	s30 =	smul.u32 $0x8889, s0  }
0x1f: {  	s31 =	simm.s32 $0x2;
	s9 =	simm.s32 $0x7;
	s10 =	simm.s32 $0x1  }
0x20: {  	s12 =	simm.s32 $0x8;
	s19 =	simm.s32 $0x0;
	s4 =	sshrl.u32 s30, $0x17  }
0x21: {  	s15 =	simm.s32 $0xA;
	s17 =	simm.s32 $0x0;
	s11 =	smul.u32 $0xF0, s4  }
.Ltmp1:
0x22: {  	[tilespmem:s8+$0x0] =	vst v0;
	v0 =	vimm.s32 $0xFFFFFFFF;
	s18 =	simm.s32 $0x0;
	[sflag:s31] =	ssyncpa.u1 $0x0;
	(pc) =	sbr.rel .LBB2_3-.Ltmp1, $4  }
0x23: {  	[tilespmem:$0xF208] =	vst v0;
	[sflag:s9] =	ssyncpa.u1 $0x0;
	p1 =	sne.s32 s0, s11;
	s0 =	simm.s32 $0x1  }
0x24: {  	s13 =	sshll.u32 s13, $0x8;
	[sflag:s12] =	ssyncpa.u1 $0x0;
	s0 =	simm.s32 @!p1 $0x0  }
0x25: {  	s16 =	smov.u32 s6;
	s11 =	simm.s32 $0x9;
	s12 =	sadd.s32 s4, s0  }
0x26: {  	v0 =	vlaneseq.u32;
	[sflag:s11] =	ssyncpa.u1 $0x0;
	p1 =	por $0x0, $0x0;
	s14 =	sadd.s32 $0x1, s12  }
.LBB2_18:
0x27: {  	s0 =	sshrl.u32 s28, $0x2  }
.LBB2_20:
0x28: {  	_ =	swait.ge [sflag:s15], s0  }
0x29: {  	s31 =	ssub.s32 $0x0, s0;
	v1 =	vmov s21;
	vm0 =	veq.s32 v0, $0x0;
	[sflag:s15] =	ssyncset.done $0x0  }
0x2a: {  	vm15 =	veq.s32 v0, $0x2;
	v1 =	vsel vm0, s26, v1;
	[sflag:s15] =	ssyncadd.s32 s31  }
0x2b: {  	v1 =	vsel vm15, s19, v1;
	[sflag:s15] =	ssyncpa.u1 $0x1  }
0x2c: {  	[tilespmem:$0xF208] =	vst v1  }
.LBB2_21:
0x2d: {  	s0 =	sadd.s32 $0xF0, s16  }
0x2e: {  	s4 =	smov.u32 s6;
	p2 =	slt.s32 s0, s7  }
0x2f: {  	s4 =	smov.u32 @p2 s0;
	p2 =	sne.s32 s18, s14  }
.Ltmp2:
0x30: {  	_ = 	snop;
	(pc) =	sbr.rel @!p2 .LBB2_22-.Ltmp2, $3  }
0x31: {  	_ =	sdelay $0x1  }
0x32: {  	s19 =	smov.u32 s17;
	s31 =	sadd.s32 $0x1, s18;
	s17 =	smov.u32 s16  }
0x33: {  	p1 =	por !p1, !p1;
	s18 =	smov.u32 s31;
	s16 =	smov.u32 s4  }
.LBB2_3:
0x34: {  	p2 =	sge.u32 s18, s12  }
0x35: {  	s0 =	smulhi.u32 @!p2 $0xAAAAAAAB, s18  }
0x36: {  	s4 =	smov.u32 s16;
	p3 =	sgt.s32 @!p2 s16, $0xC260  }
0x37: {  	s20 =	sshra.s32 @!p2 s16, $0x1F;
	p3 =	por !p3, p2;
	s0 =	sshrl.u32 @!p2 s0, $0x1  }
0x38: {  	s20 =	sand.u32 @!p2 s20, s16;
	s4 =	simm.s32 @p3 $0xC260;
	s0 =	smul.u32 @!p2 $0x3, s0  }
0x39: {  	s4 =	ssub.s32 @!p2 s4, s20  }
0x3a: {  	s4 =	sadd.s32 @!p2 $0xFFFF3DA0, s4;
	s0 =	ssub.s32 @!p2 s18, s0  }
0x3b: {  	s20 =	sshll.u32 @!p2 s4, $0x2;
	p3 =	sgt.s32 @!p2 s4, $0xEF;
	s0 =	smul.u32 @!p2 $0x3C0, s0  }
0x3c: {  	s21 =	sand.u32 @!p2 $0x7, s16;
	s4 =	ssub.s32 @!p2 $0x3C0, s20;
	p3 =	por !p3, p2  }
0x3d: {  	s20 =	sshrl.u32 @!p2 s16, $0x3;
	s4 =	sshrl.u32 @!p2 s4, $0x2;
	s0 =	sshrl.u32 @!p2 s0, $0x2  }
0x3e: {  	s20 =	sadd.s32 @!p2 s5, s20;
	s4 =	simm.s32 @!p3 $0x0;
	s0 =	sadd.s32 @!p2 $0x10238, s0  }
0x3f: {  	[tilespmem:s0], [sflag:$0x8] =	stream.linear.gather @!p2 [hbm4b:s20+s21], s4, $0x38;
	[tilespmem:$0x1F6E8] =	vst v63  }
0x40: {  	s0 =	sadd.s32 $0xFFFFFFFF, s18  }
0x41: {  	p2 =	sge.u32 s0, s12  }
0x42: {  	p3 =	sgt.s32 @!p2 s17, $0xC260  }
0x43: {  	s4 =	smov.u32 s17;
	s20 =	sshra.s32 @!p2 s17, $0x1F;
	p3 =	por !p3, p2  }
0x44: {  	s20 =	sand.u32 @!p2 s20, s17;
	s4 =	simm.s32 @p3 $0xC260  }
0x45: {  	s4 =	ssub.s32 @!p2 s4, s20  }
0x46: {  	s4 =	sadd.s32 @!p2 $0xFFFF3DA0, s4  }
0x47: {  	s21 =	sand.u32 @!p2 $0x1, s0;
	s20 =	sshll.u32 @!p2 s4, $0x2  }
0x48: {  	p3 =	sgt.s32 @!p2 s4, $0xEF;
	s4 =	ssub.s32 @!p2 $0x3C0, s20;
	s20 =	smulhi.u32 @!p2 $0xAAAAAAAB, s0  }
0x49: {  	s23 =	smul.u32 @!p2 $0x3C0, s21;
	p3 =	por !p3, p2;
	s4 =	sshrl.u32 @!p2 s4, $0x2  }
0x4a: {  	s22 =	simm.s32 @!p2 $0x8;
	s4 =	simm.s32 @!p3 $0x0;
	s20 =	sshrl.u32 @!p2 s20, $0x1  }
0x4b: {  	s23 =	sshrl.u32 @!p2 s23, $0x2;
	_ =	swait.ge @!p2 [sflag:s22], s4;
	s20 =	smul.u32 @!p2 $0x3, s20  }
0x4c: {  	s23 =	sor.u32 @!p2 $0x10508, s23;
	s24 =	ssub.s32 @!p2 $0x0, s4;
	[sflag:s22] =	ssyncset.done @!p2 $0x0  }
0x4d: {  	[sflag:s22] =	ssyncadd.s32 @!p2 s24;
	s22 =	sshrl.u32 @!p2 s17, $0x3;
	s0 =	ssub.s32 @!p2 s0, s20  }
0x4e: {  	s24 =	sand.u32 @!p2 $0x7, s17;
	s22 =	sadd.s32 @!p2 s2, s22;
	s0 =	smul.u32 @!p2 $0x3C0, s0  }
0x4f: {  	[tilespmem:s23], [sflag:$0x9] =	stream.linear.gather @!p2 [hbm4b:s22+s24], s4, $0x38;
	[tilespmem:$0x1F6E8] =	vst v63  }
0x50: {  	s20 =	ssub.s32 @!p2 $0xC350, s17;
	s4 =	smul.u32 @!p2 $0x1E000, s21  }
0x51: {  	p3 =	slt.s32 @!p2 s20, $0xF0  }
0x52: {  	p3 =	por !p3, p2;
	s0 =	sshrl.u32 @!p2 s0, $0x2;
	s4 =	sshrl.u32 @!p2 s4, $0x2  }
0x53: {  	s20 =	simm.s32 @p3 $0xF0;
	s0 =	sadd.s32 @!p2 $0x10238, s0;
	s4 =	sor.u32 @!p2 $0x106E8, s4  }
0x54: {  	[tilespmem:s4], [sflag:$0x7] =	stream.indirect.gather @!p2 [hbm4b:s3+s20], $0x80, s0, s20, $0xb8;
	[tilespmem:$0x1F6E8] =	vst v63  }
0x55: {  	p2 =	slt.u32 s18, $0x2  }
.Ltmp3:
0x56: {  	_ = 	snop;
	(pc) =	sbr.rel @p2 .LBB2_21-.Ltmp3, $1  }
0x57: {  	_ =	sdelay $0x3  }
0x58: {  	p2 =	sgt.s32 s19, $0xC260;
	s0 =	smov.u32 s19  }
0x59: {  	s4 =	sshra.s32 s19, $0x1F;
	s20 =	ssub.s32 $0xC350, s19;
	s0 =	simm.s32 @!p2 $0xC260  }
0x5a: {  	s4 =	sand.u32 s4, s19;
	p2 =	slt.s32 s20, $0xF0;
	s21 =	smov.u32 s20  }
0x5b: {  	s0 =	ssub.s32 s0, s4;
	s21 =	simm.s32 @!p2 $0xF0  }
0x5c: {  	s0 =	sadd.s32 $0xFFFF3DA0, s0;
	s28 =	sshll.u32 s21, $0x7  }
0x5d: {  	s29 =	sshll.u32 s0, $0x2;
	s4 =	sand.u32 $0x3FFFFF80, s28  }
0x5e: {  	p2 =	sgt.s32 s0, $0xEF;
	s30 =	ssub.s32 $0x3C0, s29;
	_ =	swait.ge [sflag:s9], s4  }
0x5f: {  	s4 =	ssub.s32 $0x0, s4;
	[sflag:s9] =	ssyncset.done $0x0;
	s0 =	sshrl.u32 s30, $0x2  }
0x60: {  	[sflag:s9] =	ssyncadd.s32 s4;
	s0 =	simm.s32 @p2 $0x0  }
0x61: {  	_ =	swait.ge [sflag:s11], s0  }
0x62: {  	s0 =	ssub.s32 $0x0, s0;
	[sflag:s11] =	ssyncset.done $0x0  }
0x63: {  	[sflag:s11] =	ssyncadd.s32 s0  }
0x64: {  	v1 =	vld [tilespmem:$0xF208];
	_ =	sdelay $0x4  }
0x65: {  	(v2sf) =	vpush v1, $0x0  }
0x66: {  	(v2sf) =	vpush v1, $0x1  }
0x67: {  	(v2sf) =	vpush v1, $0x2;
	_ =	sdelay $0x3  }
0x68: {  	s0 =	sadd.s32 $0xF0, s19  }
0x69: {  	p2 =	slt.s32 s7, s0  }
0x6a: {  	s0 =	smov.u32 @p2 s7;
	p2 =	sgt.s32 s20, $0x0  }
0x6b: {  	s23 =	ssub.s32 s0, s19;
	s20 =	simm.s32 @!p2 $0x0  }
0x6c: {  	p2 =	slt.s32 s20, s23  }
0x6d: {  	s23 =	smov.u32 @p2 s20  }
0x6e: {  	s22 =	simm.s32 $0x1;
	p2 =	slt.s32 s23, $0x1  }
.Ltmp4:
0x6f: {  	s22 =	simm.s32 @!p1 $0x0;
	(pc) =	sbr.rel @p2 .LBB2_8-.Ltmp4, $4  }
0x70: {  	s31 =	smul.u32 $0x3C0, s22  }
0x71: {  	s24 =	spop (v2sf)  }
0x72: {  	s0 =	sshrl.u32 s31, $0x2;
	s26 =	spop (v2sf)  }
0x73: {  	s20 =	sor.u32 $0x10508, s0;
	s19 =	spop (v2sf)  }
0x74: {  	s0 =	smin.u32 s23, $0x10  }
0x75: {  	v1 =	vmov s0  }
0x76: {  	p3 =	sgt.s32 s23, $0x10;
	vm1 =	vgt.u32 v1, v0  }
.Ltmp5:
0x77: {  	_ = 	snop;
	(pc) =	sbr.rel @!p3 .LBB2_7-.Ltmp5, $2  }
0x78: {  	_ =	sdelay $0x2  }
0x79: {  	s25 =	simm.s32 $0x10;
	s28 =	sadd.s32 $0xFFFFFFF0, s23;
	s21 =	smov.u32 s20;
	vm0 =	vmmov vm1  }
.LBB2_6:
0x7a: {  	s0 =	smin.u32 s28, $0x10;
	s25 =	sadd.s32 $0x10, s25;
	v1 =	vld.msk [tilespmem:s21+$0x0 ss:$0x1], vm1  }
0x7b: {  	v2 =	vmov s0;
	p3 =	slt.s32 s25, s23  }
0x7c: {  	vm1 =	vgt.u32 v2, v0  }
.Ltmp6:
0x7d: {  	(pc) =	sbr.rel @p3 .LBB2_6-.Ltmp6, $3  }
0x7e: {  	_ =	sdelay $0x1  }
0x7f: {  	v1 =	vshll.u32 v1, $0x4  }
0x80: {  	s28 =	sadd.s32 $0xFFFFFFF0, s28;
	[tilespmem:s21+$0x0] =	vst.msk vm0, v1;
	s21 =	sadd.s32 $0x10, s21;
	vm0 =	vmmov vm1  }
.LBB2_7:
0x81: {  	_ =	sdelay $0x4  }
0x82: {  	v1 =	vld.msk [tilespmem:s21+$0x0 ss:$0x1], vm1;
	_ =	sdelay $0x4  }
0x83: {  	v1 =	vshll.u32 v1, $0x4  }
0x84: {  	[tilespmem:s21+$0x0] =	vst.msk vm0, v1  }
.LBB2_8:
0x85: {  	s0 =	sand.u32 $0x1, s18  }
0x86: {  	s0 =	smul.u32 $0xF0, s0  }
0x87: {  	p3 =	sne.s32 s26, $0xFFFFFFFF  }
0x88: {  	v1 =	vld.msk @!p3 [tilespmem:s0+$0x10508], $0x1;
	_ =	sdelay $0x4  }
0x89: {  	(v2sf) =	vpush @!p3 v1, $0x0;
	_ =	sdelay $0xc  }
.Ltmp7:
0x8a: {  	_ = 	snop;
	(pc) =	sbr.rel @p2 .LBB2_19-.Ltmp7, $4  }
0x8b: {  	_ = 	snop  }
0x8c: {  	s25 =	spop @!p3 (v2sf)  }
0x8d: {  	s19 =	simm.s32 @!p3 $0x0;
	s21 =	smov.u32 s25  }
0x8e: {  	[sflag:s15] =	ssyncpa.u1 $0x0;
	s25 =	smov.u32 @p3 s24;
	s21 =	smov.u32 @p3 s26  }
0x8f: {  	v1 =	vld.msk [tilespmem:s20+$0x0], $0x1;
	_ =	sdelay $0x4  }
0x90: {  	(v2sf) =	vpush v1, $0x0;
	_ =	sdelay $0xe  }
0x91: {  	s0 =	smul.u32 $0x1E000, s22;
	s29 =	spop (v2sf)  }
0x92: {  	s23 =	ssub.s32 $0x0, s23;
	p2 =	seq.s32 s25, s29  }
0x93: {  	s26 =	sadd.s32 $0x1, s23;
	s0 =	sshrl.u32 s0, $0x2;
	p3 =	sgt.s32 @!p2 s25, $0x0  }
0x94: {  	s22 =	sor.u32 $0x10728, s0;
	s0 =	smov.u32 s25;
	p3 =	por !p3, p2  }
0x95: {  	s0 =	simm.s32 @p3 $0x0;
	p3 =	seq.s32 s26, $0x0  }
.Ltmp8:
0x96: {  	_ = 	snop;
	(pc) =	sbr.rel @p3 .LBB2_11-.Ltmp8, $4  }
0x97: {  	_ = 	snop  }
0x98: {  	s24 =	simm.s32 $0x0;
	s28 =	sadd.s32 $0x1, s20;
	s0 =	smin.u32 @!p2 s0, $0xC34F0  }
0x99: {  	s30 =	simm.s32 @!p2 $0x1;
	s31 =	simm.s32 @!p2 $0x7988;
	s4 =	sand.u32 @!p2 $0xFFFF8, s0  }
0x9a: {  	s30 =	smov.u32 @p2 s24;
	s0 =	sand.u32 @!p2 $0x7, s0;
	s4 =	sadd.s32 @!p2 s1, s4  }
.LBB2_10:
0x9b: {  	s8 =	smov.u32 s30  }
0x9c: {  	[tilespmem:s31], [sflag:$0x2] =	stream.linear.gather @!p2 [hbm4b:s4+s0], $0x80, $0x38;
	[tilespmem:$0x1F6E8] =	vst v63  }
0x9d: {  	s26 =	sadd.s32 $0x1, s26;
	s0 =	smov.u32 s29;
	v1 =	vld.msk [tilespmem:s28+$0x0], $0x1  }
0x9e: {  	p3 =	seq.s32 s26, $0x0;
	_ =	sdelay $0x3  }
0x9f: {  	(v2sf) =	vpush v1, $0x0;
	_ =	sdelay $0xe  }
0xa0: {  	s29 =	spop (v2sf)  }
0xa1: {  	p2 =	seq.s32 s0, s29  }
0xa2: {  	p4 =	sgt.s32 @!p2 s0, $0x0;
	s4 =	sshll.u32 @!p2 s30, $0x9;
	s30 =	sadd.s32 @!p2 $0x1, s30  }
.Ltmp9:
0xa3: {  	p4 =	por !p4, p2;
	s4 =	sshra.s32 @!p2 s4, $0x2;
	(pc) =	sbr.rel @!p3 .LBB2_10-.Ltmp9, $4  }
0xa4: {  	s30 =	smov.u32 @p2 s8;
	s0 =	simm.s32 @p4 $0x0;
	s31 =	sadd.s32 @!p2 $0x7988, s4  }
0xa5: {  	s0 =	smin.u32 @!p2 s0, $0xC34F0  }
0xa6: {  	s4 =	sand.u32 @!p2 $0xFFFF8, s0;
	s0 =	sand.u32 @!p2 $0x7, s0  }
0xa7: {  	s28 =	sadd.s32 $0x1, s28;
	s4 =	sadd.s32 @!p2 s1, s4  }
.LBB2_11:
0xa8: {  	[tilespmem:s31], [sflag:$0x2] =	stream.linear.gather @!p2 [hbm4b:s4+s0], $0x80, $0x38;
	[tilespmem:$0x1F6E8] =	vst v63  }
.Ltmp10:
0xa9: {  	s30 =	sshll.u32 s30, $0x7;
	(pc) =	sbr.rel .LBB2_12-.Ltmp10, $4  }
0xaa: {  	s31 =	simm.s32 $0x2;
	s0 =	sand.u32 $0x3FFFFF80, s30  }
0xab: {  	_ =	swait.ge [sflag:s31], s0  }
0xac: {  	s0 =	ssub.s32 $0x0, s0;
	[sflag:s31] =	ssyncset.done $0x0  }
0xad: {  	s28 =	simm.s32 $0x0;
	[sflag:s31] =	ssyncadd.s32 s0  }
.LBB2_13:
0xae: {  	v1 =	vld [tilespmem:s22+$0xFFFFFFC0];
	_ =	sdelay $0x3  }
0xaf: {  	s0 =	sshra.s32 s0, $0x2  }
0xb0: {  	[tilespmem:s0+$0x108] =	vst.add.f32.msk $0xffff, v1  }
0xb1: {  	v1 =	vld [tilespmem:s22+$0xFFFFFFD0];
	_ =	sdelay $0x4  }
0xb2: {  	[tilespmem:s0+$0x118] =	vst.add.f32.msk $0xffff, v1  }
0xb3: {  	v1 =	vld [tilespmem:s22+$0xFFFFFFE0];
	_ =	sdelay $0x4  }
0xb4: {  	[tilespmem:s0+$0x128] =	vst.add.f32.msk $0xffff, v1  }
0xb5: {  	v1 =	vld [tilespmem:s22+$0xFFFFFFF0];
	_ =	sdelay $0x4  }
0xb6: {  	[tilespmem:s0+$0x138] =	vst.add.f32.msk $0xffff, v1  }
0xb7: {  	v1 =	vld [tilespmem:s22+$0x0];
	_ =	sdelay $0x4  }
0xb8: {  	[tilespmem:s0+$0x148] =	vst.add.f32.msk $0xffff, v1  }
0xb9: {  	v1 =	vld [tilespmem:s22+$0x10];
	_ =	sdelay $0x4  }
0xba: {  	[tilespmem:s0+$0x158] =	vst.add.f32.msk $0xffff, v1  }
0xbb: {  	v1 =	vld [tilespmem:s22+$0x20];
	_ =	sdelay $0x4  }
0xbc: {  	[tilespmem:s0+$0x168] =	vst.add.f32.msk $0xffff, v1  }
0xbd: {  	v1 =	vld [tilespmem:s22+$0x30];
	_ =	sdelay $0x4  }
0xbe: {  	[tilespmem:s0+$0x178] =	vst.add.f32.msk $0xffff, v1  }
.LBB2_17:
0xbf: {  	s23 =	sadd.s32 $0x1, s23  }
0xc0: {  	p2 =	seq.s32 s23, $0x0  }
.Ltmp11:
0xc1: {  	_ = 	snop;
	(pc) =	sbr.rel @p2 .LBB2_18-.Ltmp11, $2  }
0xc2: {  	_ =	sdelay $0x2  }
0xc3: {  	s20 =	sadd.s32 $0x1, s20;
	s22 =	sadd.s32 $0x80, s22;
	s25 =	smov.u32 s26  }
.LBB2_12:
0xc4: {  	v1 =	vld.msk [tilespmem:s20+$0x0], $0x1;
	_ =	sdelay $0x4  }
0xc5: {  	(v2sf) =	vpush v1, $0x0;
	_ =	sdelay $0xe  }
0xc6: {  	s26 =	spop (v2sf)  }
0xc7: {  	p2 =	sne.s32 s25, s26  }
.Ltmp12:
0xc8: {  	_ = 	snop;
	(pc) =	sbr.rel @!p2 .LBB2_13-.Ltmp12, $2  }
0xc9: {  	_ =	sdelay $0x2  }
0xca: {  	s0 =	sshll.u32 s19, $0x9  }
0xcb: {  	p2 =	seq.s32 s25, s21  }
.Ltmp13:
0xcc: {  	_ = 	snop;
	(pc) =	sbr.rel @!p2 .LBB2_15-.Ltmp13, $1  }
0xcd: {  	_ =	sdelay $0x3  }
0xce: {  	s0 =	sshra.s32 s0, $0x2  }
.Ltmp14:
0xcf: {  	s0 =	sadd.s32 $0x108, s0;
	(pc) =	sbr.rel .LBB2_16-.Ltmp14, $4  }
0xd0: {  	[spmem:s13] =	stream.linear.scatter [tilespmem:s0], [sflag:$0x1], $0x80, $0x38;
	[tilespmem:$0x1F6E8] =	vst v63  }
0xd1: {  	_ =	swait.ge [sflag:s10], $0x80  }
0xd2: {  	[sflag:s10] =	ssyncset.done $0x0  }
0xd3: {  	[sflag:s10] =	ssyncadd.s32 $0xFFFFFF80  }
.LBB2_15:
0xd4: {  	s4 =	sshll.u32 s24, $0x9  }
0xd5: {  	s4 =	sshra.s32 s4, $0x2  }
0xd6: {  	v1 =	vld [tilespmem:s4+$0x7988];
	_ =	sdelay $0x3  }
0xd7: {  	s0 =	sshra.s32 s0, $0x2  }
0xd8: {  	[tilespmem:s0+$0x108] =	vst.add.f32.msk $0xffff, v1  }
0xd9: {  	v1 =	vld [tilespmem:s4+$0x7998];
	_ =	sdelay $0x4  }
0xda: {  	[tilespmem:s0+$0x118] =	vst.add.f32.msk $0xffff, v1  }
0xdb: {  	v1 =	vld [tilespmem:s4+$0x79A8];
	_ =	sdelay $0x4  }
0xdc: {  	[tilespmem:s0+$0x128] =	vst.add.f32.msk $0xffff, v1  }
0xdd: {  	v1 =	vld [tilespmem:s4+$0x79B8];
	_ =	sdelay $0x4  }
0xde: {  	[tilespmem:s0+$0x138] =	vst.add.f32.msk $0xffff, v1  }
0xdf: {  	v1 =	vld [tilespmem:s4+$0x79C8];
	_ =	sdelay $0x4  }
0xe0: {  	[tilespmem:s0+$0x148] =	vst.add.f32.msk $0xffff, v1  }
0xe1: {  	v1 =	vld [tilespmem:s4+$0x79D8];
	_ =	sdelay $0x4  }
0xe2: {  	[tilespmem:s0+$0x158] =	vst.add.f32.msk $0xffff, v1  }
0xe3: {  	v1 =	vld [tilespmem:s4+$0x79E8];
	_ =	sdelay $0x4  }
0xe4: {  	[tilespmem:s0+$0x168] =	vst.add.f32.msk $0xffff, v1  }
0xe5: {  	v1 =	vld [tilespmem:s4+$0x79F8];
	_ =	sdelay $0x2  }
0xe6: {  	p2 =	sgt.u32 s25, $0xC34F0  }
0xe7: {  	s4 =	sand.u32 @!p2 $0xFFFF8, s25  }
0xe8: {  	s8 =	sadd.s32 $0x108, s0;
	[tilespmem:s0+$0x178] =	vst.add.f32.msk $0xffff, v1;
	s0 =	sadd.s32 @!p2 s1, s4;
	s4 =	sand.u32 @!p2 $0x7, s25  }
0xe9: {  	[hbm4b:s0+s4] =	stream.linear.scatter @!p2 [tilespmem:s8], [sflag:$0xA], $0x80, $0x38;
	[tilespmem:$0x1F6E8] =	vst v63  }
0xea: {  	s0 =	simm.s32 $0x0  }
0xeb: {  	s0 =	simm.s32 @!p2 $0x200  }
0xec: {  	s28 =	sadd.s32 s0, s28  }
.LBB2_16:
0xed: {  	s0 =	sadd.s32 $0x1, s19  }
0xee: {  	s4 =	smulhi.u32 $0x88888889, s0;
	_ =	sdelay $0x1  }
0xef: {  	v1 =	vld [tilespmem:s22+$0xFFFFFFC0];
	s4 =	sshrl.u32 s4, $0x7  }
0xf0: {  	s4 =	smul.u32 $0xF0, s4;
	_ =	sdelay $0x1  }
0xf1: {  	s19 =	ssub.s32 s0, s4  }
0xf2: {  	s0 =	sshll.u32 s19, $0x7  }
0xf3: {  	[tilespmem:s0+$0x108] =	vst v1  }
0xf4: {  	v1 =	vld [tilespmem:s22+$0xFFFFFFD0];
	_ =	sdelay $0x4  }
0xf5: {  	[tilespmem:s0+$0x118] =	vst v1  }
0xf6: {  	v1 =	vld [tilespmem:s22+$0xFFFFFFE0];
	_ =	sdelay $0x4  }
0xf7: {  	[tilespmem:s0+$0x128] =	vst v1  }
0xf8: {  	v1 =	vld [tilespmem:s22+$0xFFFFFFF0];
	_ =	sdelay $0x4  }
0xf9: {  	[tilespmem:s0+$0x138] =	vst v1  }
0xfa: {  	v1 =	vld [tilespmem:s22+$0x0];
	_ =	sdelay $0x4  }
0xfb: {  	[tilespmem:s0+$0x148] =	vst v1  }
0xfc: {  	v1 =	vld [tilespmem:s22+$0x10];
	_ =	sdelay $0x4  }
0xfd: {  	[tilespmem:s0+$0x158] =	vst v1  }
0xfe: {  	v1 =	vld [tilespmem:s22+$0x20];
	_ =	sdelay $0x4  }
0xff: {  	[tilespmem:s0+$0x168] =	vst v1  }
0x100: {  	v1 =	vld [tilespmem:s22+$0x30]  }
.Ltmp15:
0x101: {  	_ = 	snop;
	(pc) =	sbr.rel .LBB2_17-.Ltmp15, $2  }
0x102: {  	_ =	sdelay $0x2  }
0x103: {  	s24 =	sadd.s32 $0x1, s24;
	[tilespmem:s0+$0x178] =	vst v1  }
.LBB2_19:
.Ltmp16:
0x104: {  	(pc) =	sbr.rel .LBB2_20-.Ltmp16, $4  }
0x105: {  	_ = 	snop  }
0x106: {  	s0 =	simm.s32 $0x2  }
0x107: {  	_ =	swait.ge [sflag:s0], $0x0  }
0x108: {  	s26 =	smov.u32 s25;
	[sflag:s0] =	ssyncset.done $0x0;
	s0 =	simm.s32 $0x0  }
.LBB2_22:
0x109: {  	_ =	sfence.sel $0x180000  }
0x10a: {  	s0 =	simm.s32 $0x7;
	[bflag:$0x0] =	sbarrier.arrive $0xFFFF  }
0x10b: {  	s24 =	simm.s32 $0x8;
	[sflag:s0] =	ssyncpa.u1 $0x1  }
0x10c: {  	s25 =	simm.s32 $0x9;
	[sflag:s24] =	ssyncpa.u1 $0x1  }
0x10d: {  	s26 =	simm.s32 $0x2;
	[sflag:s25] =	ssyncpa.u1 $0x1  }
0x10e: {  	[sflag:s26] =	ssyncpa.u1 $0x1  }
0x10f: {  	v0 =	vld [tilespmem:$0xF208];
	_ =	sdelay $0x4  }
0x110: {  	(v2sf) =	vpush v0, $0x0  }
0x111: {  	(v2sf) =	vpush v0, $0x1;
	_ =	sdelay $0x1  }
0x112: {  	(v2sf) =	vpush v0, $0x2;
	_ =	sdelay $0xb  }
0x113: {  	s0 =	spop (v2sf)  }
0x114: {  	s2 =	spop (v2sf)  }
0x115: {  	s3 =	smov.u32 s0;
	p1 =	sne.s32 s0, s2  }
0x116: {  	s4 =	spop (v2sf);
	s3 =	simm.s32 @!p1 $0xFFFFFFFF  }
0x117: {  	v2 =	vimm.s32 $0x1;
	v3 =	vlaneseq.u32;
	p1 =	seq.s32 s4, $0xFFFFFFFF;
	v1 =	vmov s3  }
0x118: {  	s28 =	stileid.u32;
	v0 =	vperm.xlane v0, v2;
	p2 =	sne.s32 @!p1 s0, s2;
	v1 =	vperm.xlane v1, v3  }
0x119: {  	vm0 =	vcmask $0x3F04;
	s6 =	simm.s32 $0xF208;
	s0 =	simm.s32 @!p1 $0x1;
	p2 =	por !p2, p1  }
0x11a: {  	s3 =	sshll.u32 s28, $0x1;
	s2 =	sshll.u32 @!p1 s4, $0x9;
	s0 =	simm.s32 @p2 $0x0;
	v0 =	vsel vm0, v1, v0  }
0x11b: {  	s5 =	sor.u32 $0x1000, s3;
	s2 =	sshra.s32 @!p1 s2, $0x2;
	s0 =	sor.u32 @!p1 s0, s3;
	[tilespmem:$0xF208] =	vst v0  }
0x11c: {  	[spmem:s5] =	stream.linear.scatter [tilespmem:s6], [sflag:$0x1], $0x2, $0x38;
	[tilespmem:$0x1F6E8] =	vst v63  }
0x11d: {  	s2 =	sadd.s32 @!p1 $0x108, s2;
	s0 =	sshll.u32 @!p1 s0, $0x7  }
0x11e: {  	[spmem:s0] =	stream.linear.scatter @!p1 [tilespmem:s2], [sflag:$0x1], $0x80, $0x38;
	[tilespmem:$0x1F6E8] =	vst v63  }
0x11f: {  	s0 =	simm.s32 @!p1 $0x82  }
0x120: {  	s2 =	simm.s32 $0x1;
	s0 =	simm.s32 @p1 $0x2  }
0x121: {  	_ =	swait.ge [sflag:s2], s0  }
0x122: {  	s0 =	ssub.s32 $0x0, s0;
	[sflag:s2] =	ssyncset.done $0x0  }
0x123: {  	[sflag:s2] =	ssyncadd.s32 s0  }
0x124: {  	_ =	sfence.stream.spmem  }
0x125: {  	s29 =	simm.s32 $0x3;
	[bflag:$0x0] =	sbarrier.arrive $0xFFFF  }
0x126: {  	s30 =	simm.s32 $0x4;
	[sflag:s29] =	ssyncpa.u1 $0x1  }
0x127: {  	s31 =	simm.s32 $0x3C;
	[sflag:s30] =	ssyncpa.u1 $0x1  }
0x128: {  	[sflag:s31] =	ssyncpa.u1 $0x1  }
0x129: {  	_ =	sfence @p0  }
0x12a: {  	[sflag:s2] =	ssyncpa.u1 @p0 $0x1  }
0x12b: {  	_ =	strace @p0 $0x9000004D  }
0x12c: {  	[bflag:$0x2] =	sbarrier.arrive @p0 $0xFFFF  }
0x12d: {  	_ =	shalt @p0  }
.LBB2_23:
0x12e: {  	_ =	sfence.stream.spmem;
	s0 =	simm.s32 $0x5  }
0x12f: {  	s2 =	simm.s32 $0x1000;
	s3 =	simm.s32 $0xF218;
	[sflag:s0] =	ssyncpa.u1 $0x0  }
0x130: {  	[tilespmem:s3], [sflag:$0x5] =	stream.linear.gather [spmem:s2], $0x20, $0x38;
	[tilespmem:$0x1F6E8] =	vst v63  }
0x131: {  	s30 =	simm.s32 $0xF238;
	s2 =	simm.s32 $0x0  }
0x132: {  	[tilespmem:s30], [sflag:$0x5] =	stream.linear.gather [spmem:s2], $0x1000, $0x38;
	[tilespmem:$0x1F6E8] =	vst v63  }
.Ltmp17:
0x133: {  	_ = 	snop;
	(pc) =	sbr.rel .LBB2_24-.Ltmp17, $4  }
0x134: {  	_ =	swait.ge [sflag:s0], $0x1020  }
0x135: {  	[sflag:s0] =	ssyncset.done $0x0  }
0x136: {  	s31 =	simm.s32 $0x6;
	[sflag:s0] =	ssyncadd.s32 $0xFFFFEFE0  }
0x137: {  	s3 =	simm.s32 $0x0;
	[sflag:s31] =	ssyncpa.u1 $0x0  }
.LBB2_30:
0x138: {  	p0 =	slt.u32 s4, $0xC34F1  }
0x139: {  	s0 =	sand.u32 @p0 $0xFFFF8, s4  }
0x13a: {  	s4 =	sand.u32 @p0 $0x7, s4;
	s5 =	simm.s32 @p0 $0xF188;
	s0 =	sadd.s32 @p0 s1, s0  }
0x13b: {  	[tilespmem:s5], [sflag:$0x6] =	stream.linear.gather @p0 [hbm4b:s0+s4], $0x80, $0x38;
	[tilespmem:$0x1F6E8] =	vst v63  }
0x13c: {  	s0 =	simm.s32 @p0 $0x6  }
0x13d: {  	_ =	swait.ge @p0 [sflag:s0], $0x80  }
0x13e: {  	[sflag:s0] =	ssyncset.done @p0 $0x0  }
0x13f: {  	[sflag:s0] =	ssyncadd.s32 @p0 $0xFFFFFF80  }
0x140: {  	v1 =	vld @p0 [tilespmem:$0xF188];
	_ =	sdelay $0x2  }
0x141: {  	s0 =	sshll.u32 @p0 s3, $0x9  }
0x142: {  	s4 =	sshrl.u32 @p0 s0, $0x2  }
0x143: {  	[tilespmem:s4+$0xF238] =	vst.add.f32.msk @p0 $0xffff, v1  }
0x144: {  	v1 =	vld @p0 [tilespmem:$0xF198];
	_ =	sdelay $0x4  }
0x145: {  	[tilespmem:s4+$0xF248] =	vst.add.f32.msk @p0 $0xffff, v1  }
0x146: {  	v1 =	vld @p0 [tilespmem:$0xF1A8];
	_ =	sdelay $0x4  }
0x147: {  	[tilespmem:s4+$0xF258] =	vst.add.f32.msk @p0 $0xffff, v1  }
0x148: {  	v1 =	vld @p0 [tilespmem:$0xF1B8];
	_ =	sdelay $0x4  }
0x149: {  	[tilespmem:s4+$0xF268] =	vst.add.f32.msk @p0 $0xffff, v1  }
0x14a: {  	v1 =	vld @p0 [tilespmem:$0xF1C8];
	_ =	sdelay $0x4  }
0x14b: {  	[tilespmem:s4+$0xF278] =	vst.add.f32.msk @p0 $0xffff, v1  }
0x14c: {  	v1 =	vld @p0 [tilespmem:$0xF1D8];
	_ =	sdelay $0x4  }
0x14d: {  	[tilespmem:s4+$0xF288] =	vst.add.f32.msk @p0 $0xffff, v1  }
0x14e: {  	v1 =	vld @p0 [tilespmem:$0xF1E8];
	_ =	sdelay $0x4  }
0x14f: {  	[tilespmem:s4+$0xF298] =	vst.add.f32.msk @p0 $0xffff, v1  }
0x150: {  	v1 =	vld @p0 [tilespmem:$0xF1F8];
	_ =	sdelay $0x3  }
0x151: {  	s5 =	sshll.u32 @!p0 s3, $0x9  }
0x152: {  	s5 =	smov.u32 @p0 s0;
	[tilespmem:s4+$0xF2A8] =	vst.add.f32.msk @p0 $0xffff, v1  }
0x153: {  	s0 =	sshrl.u32 s5, $0x2;
	[tilespmem:s2+$0xF218] =	vst.msk $0x1, v0  }
0x154: {  	v0 =	vld [tilespmem:s0+$0xF238];
	_ =	sdelay $0x2  }
0x155: {  	s31 =	sshll.u32 s2, $0x9  }
0x156: {  	s4 =	sshra.s32 s31, $0x2  }
0x157: {  	[tilespmem:s4+$0xF238] =	vst v0  }
0x158: {  	v0 =	vld [tilespmem:s0+$0xF248];
	_ =	sdelay $0x4  }
0x159: {  	[tilespmem:s4+$0xF248] =	vst v0  }
0x15a: {  	v0 =	vld [tilespmem:s0+$0xF258];
	_ =	sdelay $0x4  }
0x15b: {  	[tilespmem:s4+$0xF258] =	vst v0  }
0x15c: {  	v0 =	vld [tilespmem:s0+$0xF268];
	_ =	sdelay $0x4  }
0x15d: {  	[tilespmem:s4+$0xF268] =	vst v0  }
0x15e: {  	v0 =	vld [tilespmem:s0+$0xF278];
	_ =	sdelay $0x4  }
0x15f: {  	[tilespmem:s4+$0xF278] =	vst v0  }
0x160: {  	v0 =	vld [tilespmem:s0+$0xF288];
	_ =	sdelay $0x4  }
0x161: {  	[tilespmem:s4+$0xF288] =	vst v0  }
0x162: {  	v0 =	vld [tilespmem:s0+$0xF298];
	_ =	sdelay $0x4  }
0x163: {  	[tilespmem:s4+$0xF298] =	vst v0  }
0x164: {  	v0 =	vld [tilespmem:s0+$0xF2A8];
	_ =	sdelay $0x4  }
0x165: {  	s2 =	sadd.s32 $0x1, s2;
	[tilespmem:s4+$0xF2A8] =	vst v0  }
.LBB2_31:
0x166: {  	s3 =	sadd.s32 $0x1, s3  }
0x167: {  	p0 =	sne.s32 s3, $0x20  }
.Ltmp18:
0x168: {  	_ = 	snop;
	(pc) =	sbr.rel @!p0 .LBB2_32-.Ltmp18, $1  }
0x169: {  	_ =	sdelay $0x3  }
.LBB2_24:
0x16a: {  	v0 =	vld.msk [tilespmem:s3+$0xF218], $0x1;
	_ =	sdelay $0x4  }
0x16b: {  	(v2sf) =	vpush v0, $0x0;
	_ =	sdelay $0xe  }
0x16c: {  	s4 =	spop (v2sf)  }
0x16d: {  	p0 =	seq.s32 s4, $0xFFFFFFFF  }
.Ltmp19:
0x16e: {  	_ = 	snop;
	(pc) =	sbr.rel @p0 .LBB2_31-.Ltmp19, $1  }
0x16f: {  	_ =	sdelay $0x3  }
0x170: {  	p0 =	slt.s32 s2, $0x1  }
.Ltmp20:
0x171: {  	_ = 	snop;
	(pc) =	sbr.rel @p0 .LBB2_30-.Ltmp20, $1  }
0x172: {  	_ =	sdelay $0x3  }
0x173: {  	s5 =	simm.s32 $0xF218;
	p0 =	por $0x0, $0x0  }
0x174: {  	v1 =	vld.msk @!p0 [tilespmem:s5+$0x0], $0x1;
	_ =	sdelay $0x4  }
0x175: {  	(v2sf) =	vpush @!p0 v1, $0x0;
	_ =	sdelay $0xd  }
0x176: {  	p2 =	sne.s32 s2, $0x1  }
.Ltmp21:
0x177: {  	s0 =	spop @!p0 (v2sf);
	(pc) =	sbr.rel @!p2 .LBB2_28-.Ltmp21, $4  }
0x178: {  	p1 =	seq.s32 @!p0 s4, s0  }
0x179: {  	s6 =	simm.s32 $0x0;
	p1 =	por !p1, p0  }
0x17a: {  	s0 =	simm.s32 $0xFFFFFFFF;
	s6 =	simm.s32 @p1 $0xFFFFFFFF  }
0x17b: {  	s7 =	simm.s32 $0x1;
	s6 =	smov.u32 @p0 s0  }
.LBB2_27:
0x17c: {  	s0 =	smov.u32 s6;
	p0 =	sne.s32 s6, $0xFFFFFFFF  }
0x17d: {  	s5 =	sadd.s32 $0x1, s5;
	s6 =	smov.u32 s7;
	s7 =	sadd.s32 $0x1, s7  }
0x17e: {  	p1 =	sne.s32 s2, s7;
	v1 =	vld.msk @!p0 [tilespmem:s5+$0x0], $0x1;
	_ =	sdelay $0x4  }
0x17f: {  	(v2sf) =	vpush @!p0 v1, $0x0;
	_ =	sdelay $0xe  }
.Ltmp22:
0x180: {  	s8 =	spop @!p0 (v2sf);
	(pc) =	sbr.rel @p1 .LBB2_27-.Ltmp22, $4  }
0x181: {  	p2 =	seq.s32 @!p0 s4, s8  }
0x182: {  	p2 =	por !p2, p0  }
0x183: {  	s6 =	simm.s32 @p2 $0xFFFFFFFF  }
0x184: {  	s6 =	smov.u32 @p0 s0  }
.LBB2_28:
0x185: {  	p0 =	seq.s32 s6, $0xFFFFFFFF  }
.Ltmp23:
0x186: {  	_ = 	snop;
	(pc) =	sbr.rel @p0 .LBB2_30-.Ltmp23, $1  }
0x187: {  	_ =	sdelay $0x3  }
0x188: {  	s0 =	sshll.u32 s3, $0x7  }
0x189: {  	s0 =	sand.u32 $0x3FFFFF80, s0  }
0x18a: {  	v0 =	vld [tilespmem:s0+$0xF238];
	_ =	sdelay $0x2  }
0x18b: {  	s4 =	sshll.u32 s6, $0x9  }
0x18c: {  	s4 =	sshra.s32 s4, $0x2  }
0x18d: {  	[tilespmem:s4+$0xF238] =	vst.add.f32.msk $0xffff, v0  }
0x18e: {  	v0 =	vld [tilespmem:s0+$0xF248];
	_ =	sdelay $0x4  }
0x18f: {  	[tilespmem:s4+$0xF248] =	vst.add.f32.msk $0xffff, v0  }
0x190: {  	v0 =	vld [tilespmem:s0+$0xF258];
	_ =	sdelay $0x4  }
0x191: {  	[tilespmem:s4+$0xF258] =	vst.add.f32.msk $0xffff, v0  }
0x192: {  	v0 =	vld [tilespmem:s0+$0xF268];
	_ =	sdelay $0x4  }
0x193: {  	[tilespmem:s4+$0xF268] =	vst.add.f32.msk $0xffff, v0  }
0x194: {  	v0 =	vld [tilespmem:s0+$0xF278];
	_ =	sdelay $0x4  }
0x195: {  	[tilespmem:s4+$0xF278] =	vst.add.f32.msk $0xffff, v0  }
0x196: {  	v0 =	vld [tilespmem:s0+$0xF288];
	_ =	sdelay $0x4  }
0x197: {  	[tilespmem:s4+$0xF288] =	vst.add.f32.msk $0xffff, v0  }
0x198: {  	v0 =	vld [tilespmem:s0+$0xF298];
	_ =	sdelay $0x4  }
0x199: {  	[tilespmem:s4+$0xF298] =	vst.add.f32.msk $0xffff, v0  }
0x19a: {  	v0 =	vld [tilespmem:s0+$0xF2A8]  }
.Ltmp24:
0x19b: {  	_ = 	snop;
	(pc) =	sbr.rel .LBB2_31-.Ltmp24, $2  }
0x19c: {  	_ =	sdelay $0x2  }
0x19d: {  	[tilespmem:s4+$0xF2A8] =	vst.add.f32.msk $0xffff, v0  }
.LBB2_32:
0x19e: {  	p0 =	slt.s32 s2, $0x1  }
.Ltmp25:
0x19f: {  	_ = 	snop;
	(pc) =	sbr.rel @p0 .LBB2_36-.Ltmp25, $3  }
0x1a0: {  	_ =	sdelay $0x1  }
0x1a1: {  	s0 =	simm.s32 $0x6  }
0x1a2: {  	s3 =	simm.s32 $0x0;
	[sflag:s0] =	ssyncpa.u1 $0x1  }
0x1a3: {  	s0 =	simm.s32 $0xF218  }
0x1a4: {  	v0 =	vld.msk [tilespmem:s0+$0x0], $0x1;
	_ =	sdelay $0x4  }
0x1a5: {  	(v2sf) =	vpush v0, $0x0;
	_ =	sdelay $0xd  }
0x1a6: {  	s2 =	sadd.s32 $0xFFFFFFFF, s2  }
0x1a7: {  	p1 =	sne.s32 s2, $0x0;
	s0 =	spop (v2sf)  }
.Ltmp26:
0x1a8: {  	p0 =	sgt.u32 s0, $0xC34F0;
	(pc) =	sbr.rel @!p1 .LBB2_35-.Ltmp26, $4  }
0x1a9: {  	s4 =	simm.s32 $0xF238;
	s5 =	sand.u32 @!p0 $0xFFFF8, s0  }
0x1aa: {  	s6 =	simm.s32 $0x0;
	s0 =	sand.u32 @!p0 $0x7, s0;
	s5 =	sadd.s32 @!p0 s1, s5  }
0x1ab: {  	[hbm4b:s5+s0] =	stream.linear.scatter @!p0 [tilespmem:s4], [sflag:$0x5], $0x80, $0x38;
	[tilespmem:$0x1F6E8] =	vst v63  }
0x1ac: {  	s6 =	simm.s32 @!p0 $0x200;
	s5 =	simm.s32 $0xF219  }
.LBB2_34:
0x1ad: {  	v0 =	vld.msk [tilespmem:s5+$0x0], $0x1;
	s2 =	sadd.s32 $0xFFFFFFFF, s2;
	s3 =	sadd.s32 s3, s6  }
0x1ae: {  	p0 =	sne.s32 s2, $0x0;
	_ =	sdelay $0x3  }
0x1af: {  	(v2sf) =	vpush v0, $0x0;
	_ =	sdelay $0xe  }
.Ltmp27:
0x1b0: {  	s0 =	spop (v2sf);
	(pc) =	sbr.rel @p0 .LBB2_34-.Ltmp27, $4  }
0x1b1: {  	s6 =	simm.s32 $0x0;
	p1 =	sgt.u32 s0, $0xC34F0  }
0x1b2: {  	s4 =	sadd.s32 $0x80, s4;
	s6 =	simm.s32 @!p1 $0x200;
	s7 =	sand.u32 @!p1 $0xFFFF8, s0  }
0x1b3: {  	s5 =	sadd.s32 $0x1, s5;
	s0 =	sand.u32 @!p1 $0x7, s0;
	s7 =	sadd.s32 @!p1 s1, s7  }
0x1b4: {  	[hbm4b:s7+s0] =	stream.linear.scatter @!p1 [tilespmem:s4], [sflag:$0x5], $0x80, $0x38;
	[tilespmem:$0x1F6E8] =	vst v63  }
.LBB2_35:
0x1b5: {  	s0 =	sadd.s32 s3, s6  }
0x1b6: {  	s3 =	sshrl.u32 s0, $0x2  }
.LBB2_36:
0x1b7: {  	s0 =	simm.s32 $0x5  }
0x1b8: {  	_ =	swait.ge [sflag:s0], s3  }
0x1b9: {  	s1 =	ssub.s32 $0x0, s3;
	[sflag:s0] =	ssyncset.done $0x0  }
0x1ba: {  	[sflag:s0] =	ssyncadd.s32 s1  }
0x1bb: {  	[sflag:s0] =	ssyncpa.u1 $0x1  }
0x1bc: {  	s30 =	simm.s32 $0x1;
	_ =	sfence  }
0x1bd: {  	[sflag:s30] =	ssyncpa.u1 $0x1  }
0x1be: {  	_ =	strace $0x9000004D  }
0x1bf: {  	[bflag:$0x2] =	sbarrier.arrive $0xFFFF  }
0x1c0: {  	s31 =	rddreg [dreg:$0x2]  }
0x1c1: {  	s0 =	sadd.s32 $0x100000, s31  }
0x1c2: {  	[sflag:s0] =	ssyncadd.tile.s32 $0x1;
	_ =	shalt  }
.Lfunc_end2:
_tile_overlayer_lowered:
.L_overlay_start_2:
0x1c3: {  	(tag) =	ssettag $0x2  }
0x1c4: {  	s0 =	rddreg [dreg:$0x0];
	s2 =	stileid.u32  }
0x1c5: {  	s1 =	rddreg [dreg:$0x1];
	p0 =	sne.s32 s2, $0x0  }
0x1c6: {  	s3 =	rddreg [dreg:$0x2];
	[bflag:$0x3] =	sbarrier.arrive $0xFFFF;
	s2 =	simm.s32 @!p0 $0x1C01  }
0x1c7: {  	[timem:s3], [sflag:s2] =	dma.local @!p0 [hbm:s0], s1  }
0x1c8: {  	s0 =	simm.s32 @!p0 $0x1  }
0x1c9: {  	_ =	swait.ge @!p0 [sflag:s0], s1  }
0x1ca: {  	s1 =	ssub.s32 @!p0 $0x0, s1;
	[sflag:s0] =	ssyncset.done @!p0 $0x0  }
0x1cb: {  	[sflag:s0] =	ssyncadd.s32 @!p0 s1  }
0x1cc: {  	[bflag:$0x3] =	sbarrier.arrive $0xFFFF  }
0x1cd: {  	_ =	shalt  }

// kernel: scatter_offload_async_start
scs
__scs_entry_jumppad:
0x0: {  	(pc) =	sbr.rel $0x88, $3  }
0x1: {  	(tag) =	ssettag $0x0;
	lr =	simm.s32 $0x1  }
0x2: {  	[smem:$0x3F86] =	sst lr;
	_ =	strace $0xD0000000  }
0x3: {  	_ = 	snop  }
0x4: {  	_ = 	snop  }
0x5: {  	_ = 	snop  }
0x6: {  	_ = 	snop  }
0x7: {  	_ = 	snop  }
__scs_overlays_trampoline_lowered:
0x8: {  	[smem:$0x3F95] =	sst s0  }
0x9: {  	[smem:$0x3F96] =	sst s1  }
0xa: {  	[smem:$0x3F97] =	sst s2  }
0xb: {  	[smem:$0x3F98] =	sst s3  }
0xc: {  	[smem:$0x3F99] =	sst s4  }
0xd: {  	[smem:$0x3F9A] =	sst s5  }
0xe: {  	[smem:$0x3F9B] =	sst s6  }
0xf: {  	[smem:$0x3F9C] =	sst s7  }
0x10: {  	[smem:$0x3F9D] =	sst s8  }
0x11: {  	[smem:$0x3F9E] =	sst s9;
	s0 =	simm.s32 @!p0 $0x0  }
0x12: {  	s1 =	sld [smem:$0x3F84];
	s0 =	simm.s32 @p0 $0x1  }
0x13: {  	[smem:$0x3F9F] =	sst s0;
	s0 =	simm.s32 @!p1 $0x0  }
0x14: {  	s2 =	sld [smem:$0x3F83];
	s0 =	simm.s32 @p1 $0x1  }
0x15: {  	[smem:$0x3FA0] =	sst s0;
	s0 =	simm.s32 @!p2 $0x0  }
0x16: {  	s3 =	sld [smem:$0x3FDB];
	s0 =	simm.s32 @p2 $0x1  }
0x17: {  	s4 =	simm.s32 $0x1BF5;
	[smem:$0x3FA2] =	sst s0  }
0x18: {  	s0 =	sld [smem:$0x3F85];
	_ =	swait.ge [sflag:s4], $0x0  }
0x19: {  	s7 =	sld [smem:$0x3F86]  }
0x1a: {  	s8 =	sadd.s32 $0xFFFFE003, lr  }
0x1b: {  	s9 =	sadd.s32 $0xFFFFFEF7, lr;
	s5 =	simm.s32 $0xFFFFFFFF;
	p2 =	slt.u32 s8, $0xFFFFF086  }
0x1c: {  	p1 =	slt.u32 s9, $0xF7A;
	s5 =	simm.s32 @!p2 $0x0  }
0x1d: {  	s5 =	simm.s32 @p1 $0x1;
	p0 =	seq.s32 s7, s2  }
0x1e: {  	s7 =	smul.u32 @!p0 $0xF7A, s2;
	p2 =	seq.s32 @!p0 s5, $0x0  }
0x1f: {  	s9 =	smul.u32 $0xF7A, s1;
	s8 =	simm.s32 @!p0 $0x1BF5;
	p2 =	por !p2, p0  }
0x20: {  	[sflag:s8] =	ssyncset.s32 @!p0 $0xFFFFF086;
	s6 =	sadd.s32 @!p0 s3, s7;
	s7 =	simm.s32 @!p0 $0x108  }
0x21: {  	s3 =	sadd.s32 s3, s9;
	s6 =	sadd.s32 @!p0 $0x88, s6;
	s7 =	simm.s32 @p2 $0x1082  }
0x22: {  	[simem:s7], [sflag:s8] =	dma.local @!p0 [hbm:s6], $0xF7A  }
0x23: {  	s9 =	sor.u32 $0xD0000000, s2;
	s6 =	simm.s32 $0x108;
	_ =	swait.ge @!p0 [sflag:s8], $0x0  }
0x24: {  	s3 =	sadd.s32 $0x88, s3;
	s6 =	simm.s32 @!p1 $0x1082;
	[sflag:s4] =	ssyncset.s32 $0xFFFFF086  }
0x25: {  	[simem:s6], [sflag:s4] =	dma.local [hbm:s3], $0xF7A  }
0x26: {  	[smem:$0x3F86] =	sst s1;
	(tag) =	ssettag s2;
	_ =	strace s9  }
0x27: {  	s1 =	sld [smem:$0x3F96]  }
0x28: {  	s2 =	sld [smem:$0x3F97]  }
0x29: {  	s4 =	sld [smem:$0x3F99]  }
0x2a: {  	p0 =	seq.s32 s5, $0x0;
	s5 =	sld [smem:$0x3F9A]  }
0x2b: {  	s6 =	sld [smem:$0x3F9B]  }
0x2c: {  	s7 =	sld [smem:$0x3F9C]  }
0x2d: {  	s3 =	simm.s32 $0x108;
	s8 =	sld [smem:$0x3F9D]  }
0x2e: {  	s3 =	simm.s32 @!p0 $0x1082;
	s9 =	sld [smem:$0x3F9E]  }
0x2f: {  	lr =	sadd.s32 s0, s3;
	s0 =	sld [smem:$0x3F95]  }
0x30: {  	s3 =	sld [smem:$0x3F98]  }
0x31: {  	[smem:$0x3FA1] =	sst s10  }
0x32: {  	s10 =	sld [smem:$0x3F9F];
	_ =	sdelay $0x3  }
0x33: {  	p0 =	seq.s32 s10, $0x1;
	s10 =	sld [smem:$0x3FA1];
	_ =	sdelay $0x3  }
0x34: {  	[smem:$0x3FA1] =	sst s10  }
0x35: {  	s10 =	sld [smem:$0x3FA0];
	_ =	sdelay $0x3  }
0x36: {  	p1 =	seq.s32 s10, $0x1;
	s10 =	sld [smem:$0x3FA1];
	_ =	sdelay $0x3  }
0x37: {  	[smem:$0x3FA1] =	sst s10  }
0x38: {  	s10 =	sld [smem:$0x3FA2]  }
0x39: {  	_ = 	snop;
	(pc) =	sbr.ind lr, $3  }
0x3a: {  	_ = 	snop  }
0x3b: {  	_ = 	snop  }
0x3c: {  	p2 =	seq.s32 s10, $0x1;
	s10 =	sld [smem:$0x3FA1]  }
0x3d: {  	_ =	shalt  }
0x3e: {  	_ =	shalt  }
0x3f: {  	_ =	shalt  }
0x40: {  	_ =	shalt  }
0x41: {  	_ =	shalt  }
0x42: {  	_ =	shalt  }
0x43: {  	_ =	shalt  }
0x44: {  	_ =	shalt  }
0x45: {  	_ =	shalt  }
0x46: {  	_ =	shalt  }
0x47: {  	_ =	shalt  }
0x48: {  	_ =	shalt  }
0x49: {  	_ =	shalt  }
0x4a: {  	_ =	shalt  }
0x4b: {  	_ =	shalt  }
0x4c: {  	_ =	shalt  }
0x4d: {  	_ =	shalt  }
0x4e: {  	_ =	shalt  }
0x4f: {  	_ =	shalt  }
0x50: {  	_ =	shalt  }
0x51: {  	_ =	shalt  }
0x52: {  	_ =	shalt  }
0x53: {  	_ =	shalt  }
0x54: {  	_ =	shalt  }
0x55: {  	_ =	shalt  }
0x56: {  	_ =	shalt  }
0x57: {  	_ =	shalt  }
0x58: {  	_ =	shalt  }
0x59: {  	_ =	shalt  }
0x5a: {  	_ =	shalt  }
0x5b: {  	_ =	shalt  }
0x5c: {  	_ =	shalt  }
0x5d: {  	_ =	shalt  }
0x5e: {  	_ =	shalt  }
0x5f: {  	_ =	shalt  }
0x60: {  	_ =	shalt  }
0x61: {  	_ =	shalt  }
0x62: {  	_ =	shalt  }
0x63: {  	_ =	shalt  }
0x64: {  	_ =	shalt  }
0x65: {  	_ =	shalt  }
0x66: {  	_ =	shalt  }
0x67: {  	_ =	shalt  }
0x68: {  	_ =	shalt  }
0x69: {  	_ =	shalt  }
0x6a: {  	_ =	shalt  }
0x6b: {  	_ =	shalt  }
0x6c: {  	_ =	shalt  }
0x6d: {  	_ =	shalt  }
0x6e: {  	_ =	shalt  }
0x6f: {  	_ =	shalt  }
0x70: {  	_ =	shalt  }
0x71: {  	_ =	shalt  }
0x72: {  	_ =	shalt  }
0x73: {  	_ =	shalt  }
0x74: {  	_ =	shalt  }
0x75: {  	_ =	shalt  }
0x76: {  	_ =	shalt  }
0x77: {  	_ =	shalt  }
0x78: {  	_ =	shalt  }
0x79: {  	_ =	shalt  }
0x7a: {  	_ =	shalt  }
0x7b: {  	_ =	shalt  }
0x7c: {  	_ =	shalt  }
0x7d: {  	_ =	shalt  }
0x7e: {  	_ =	shalt  }
0x7f: {  	_ =	shalt  }
0x80: {  	_ =	shalt  }
0x81: {  	_ =	shalt  }
0x82: {  	_ =	shalt  }
0x83: {  	_ =	shalt  }
0x84: {  	_ =	shalt  }
0x85: {  	_ =	shalt  }
0x86: {  	_ =	shalt  }
0x87: {  	_ =	shalt  }
.Lfunc_end0:
.L_simem_size_0:
called_computation_lowered:
.L_overlay_start_0:
0x88: {  	s0 =	sld [smem:$0x3FD9]  }
0x89: {  	s1 =	sld [smem:$0x3FFE];
	_ =	sdelay $0x3  }
0x8a: {  	s0 =	sadd.s32 s1, s0  }
0x8b: {  	[smem:$0x3FAD] =	sst s0  }
0x8c: {  	_ = 	snop  }
0x8d: {  	(tm) =	ssettm $0x1  }
0x8e: {  	s15 =	sld [smem:$0x3FFB];
	_ =	sdelay $0x3  }
0x8f: {  	_ =	strace s15  }
0x90: {  	s0 =	sld [smem:$0x3FFC];
	_ =	sdelay $0x3  }
0x91: {  	_ =	strace s0  }
0x92: {  	s0 =	sld [smem:$0x3FFD];
	_ =	sdelay $0x3  }
0x93: {  	_ =	strace s0  }
0x94: {  	_ =	strace $0x8FFFFFFF  }
0x95: {  	s16 =	sld [smem:$0x3FDB];
	_ =	sdelay $0x1  }
0x96: {  	s17 =	simm.s32 $_scs_section_size  }
0x97: {  	s2 =	simm.s32 $_size__tile_overlayer_lowered;
	s3 =	simm.s32 $_tile_overlayer_lowered  }
0x98: {  	s20 =	simm.s32 $0x1BFF;
	s19 =	sshll.u32 s3, $0x1;
	s0 =	sadd.s32 s17, s16  }
0x99: {  	s4 =	simm.s32 $0x0;
	s18 =	sshll.u32 s2, $0x1;
	s2 =	sadd.s32 s19, s0  }
0x9a: {  	[timem:s4], [sflag:s20] =	dma.local [hbm:s2], s18  }
0x9b: {  	_ =	swait.ge [sflag:s20], s18  }
0x9c: {  	s1 =	ssub.s32 $0x0, s18;
	[sflag:s20] =	ssyncset.done $0x0  }
0x9d: {  	[sflag:s20] =	ssyncadd.s32 s1;
	_ =	sdelay $0x1  }
0x9e: {  	s21 =	simm.s32 $0x1B8B  }
0x9f: {  	_ =	swait.ge [sflag:s21], $0x1  }
0xa0: {  	[sflag:s21] =	ssyncset.done $0x0  }
0xa1: {  	s23 =	simm.s32 $0x1B8E;
	s22 =	sld [smem:$0x3FFE];
	[sflag:s21] =	ssyncadd.s32 $0xFFFFFFFF  }
0xa2: {  	s24 =	simm.s32 $execute0_lowered;
	[smem:$0x3FD2] =	sst s23  }
0xa3: {  	s2 =	sshll.u32 s24, $0x1;
	_ =	strace $0x80000049;
	[dreg:$0x1] =	wrdreg $0xFFFFFFFF  }
0xa4: {  	s25 =	simm.s32 $_size_execute0_lowered;
	s0 =	sadd.s32 s0, s2;
	[dreg:$0x0] =	wrdreg $0x0  }
0xa5: {  	s2 =	sshll.u32 s25, $0x1;
	[dreg:$0x2] =	wrdreg s0  }
0xa6: {  	[dreg:$0x3] =	wrdreg s2  }
0xa7: {  	[dreg:$0x4] =	wrdreg $0xC0  }
0xa8: {  	_ =	task [dreg:s4], $0x5FFFF  }
0xa9: {  	[dreg:$0x1] =	wrdreg $0xFFFFFFFF  }
0xaa: {  	[dreg:$0x0] =	wrdreg $0x60  }
0xab: {  	[dreg:$0x2] =	wrdreg s22  }
0xac: {  	[dreg:$0x3] =	wrdreg $0x9  }
0xad: {  	_ =	task.clear_ibuf [dreg:s4], $0x4FFFF;
	_ =	strace $0x90000049  }
0xae: {  	s26 =	simm.s32 $0x9;
	_ =	strace $0x8000004B  }
0xaf: {  	_ =	swait.ge [sflag:s26], $0x1  }
0xb0: {  	[sflag:s26] =	ssyncadd.s32 $0xFFFFFFFF  }
0xb1: {  	_ =	strace $0x9000004B  }
0xb2: {  	_ =	sfence  }
0xb3: {  	s28 =	sld [smem:$0x0];
	_ =	sdelay $0x1  }
0xb4: {  	s29 =	srdreg.scid  }
0xb5: {  	s30 =	sshll.u32 s29, $0xD;
	s31 =	sshrl.u32 s29, $0x2  }
0xb6: {  	s1 =	sand.u32 $0x1, s29;
	s2 =	sand.u32 $0x4000, s30;
	s0 =	sadd.s32 s31, s28  }
0xb7: {  	s1 =	sor.u32 s2, s1;
	s0 =	sshll.u32 s0, $0x11  }
0xb8: {  	s0 =	sor.u32 s0, s1  }
0xb9: {  	s0 =	sadd.s32 $0x8F2B, s0  }
0xba: {  	[sflag:s0] =	ssyncadd.remote.s32 $0x1  }
0xbb: {  	_ =	sfence.sel $0xFFFF  }
0xbc: {  	[dreg:$0x0] =	wrdreg $0xFFFFFFFF;
	(pc) =	sbr.abs _section_cstart, $3  }
0xbd: {  	[dreg:$0x1] =	wrdreg $0xFFFFFFFF  }
0xbe: {  	_ =	task.clear_ibuf [dreg:s4], $0x2FFFF;
	_ =	strace $0x9FFFFFFF  }
0xbf: {  	(tm) =	ssettm $0x7FFFFFFF  }
tec
execute0_lowered:
.L_overlay_start_1:
0x0: {  	(tag) =	ssettag $0x1  }
0x1: {  	s6 =	stileid.u32  }
0x2: {  	s0 =	rddreg [dreg:$0x0];
	_ =	strace $0x8000004A;
	s1 =	smin.u32 s6, $0x9  }
0x3: {  	s2 =	simm.s32 $0x1;
	p0 =	slt.u32 s6, $0x9;
	s1 =	sadd.s32 s6, s1  }
0x4: {  	v1 =	vimm.s32 $0xFFFFFFFF;
	[sflag:s2] =	ssyncpa.u1 $0x0;
	s3 =	smul.u32 $0x7D0, s1;
	s1 =	simm.s32 $0xFA0  }
0x5: {  	[tilespmem:$0x10] =	vst v1;
	s1 =	simm.s32 @!p0 $0x7D0  }
0x6: {  	v0 =	vimm.f32 $0.0e+00;
	[tilespmem:$0x20] =	vst v1;
	s1 =	sadd.s32 s1, s3  }
0x7: {  	[tilespmem:$0x30] =	vst v0;
	s4 =	smin.u32 s1, $0xC350  }
0x8: {  	[tilespmem:$0x40] =	vst v0;
	s9 =	ssub.s32 s4, s3  }
0x9: {  	[tilespmem:$0x50] =	vst v0;
	p0 =	sgt.s32 s9, $0x0  }
0xa: {  	s7 =	simm.s32 $0x2;
	[tilespmem:$0x60] =	vst v1;
	s9 =	simm.s32 @!p0 $0x0  }
0xb: {  	s8 =	simm.s32 $0x8;
	s31 =	simm.s32 $0x9;
	[tilespmem:$0x70] =	vst v1;
	s30 =	sand.u32 $0xFFF0, s9  }
0xc: {  	s16 =	simm.s32 $0x0;
	s17 =	simm.s32 $0xF0;
	[tilespmem:$0x80] =	vst v1;
	s1 =	sshrl.u32 s30, $0x4  }
0xd: {  	s18 =	simm.s32 $0xFFFFFFFF;
	s19 =	simm.s32 $0xFFFFF160;
	v1 =	vimm.s32 $0x0;
	[tilespmem:$0xB0] =	vst v0;
	s5 =	smul.u32 $0x1063, s1  }
0xe: {  	s20 =	simm.s32 $0xFFFFFFFE;
	s21 =	simm.s32 $0xF;
	s25 =	simm.s32 $0x0;
	[tilespmem:$0x90] =	vst v1  }
0xf: {  	[tilespmem:$0xA0] =	vst v1;
	[sflag:s7] =	ssyncpa.u1 $0x0;
	s7 =	simm.s32 $0x7;
	s10 =	sshrl.u32 s5, $0x13  }
0x10: {  	s24 =	simm.s32 $0x0;
	[sflag:s7] =	ssyncpa.u1 $0x0;
	s11 =	smul.u32 $0x7D0, s10  }
0x11: {  	s14 =	sshllo.u32 s6, $0x1;
	[sflag:s8] =	ssyncpa.u1 $0x0;
	s23 =	smov.u32 s3  }
.Ltmp0:
0x12: {  	s1 =	sadd.s32 $0x193000, s0;
	p0 =	sne.s32 s9, s11;
	(pc) =	sbr.rel .LBB2_1-.Ltmp0, $4  }
0x13: {  	s5 =	sadd.s32 $0x18FC00, s0;
	s0 =	sadd.s32 $0x191600, s0;
	s2 =	simm.s32 @!p0 $0x0  }
0x14: {  	[sflag:s31] =	ssyncpa.u1 $0x0;
	[dreg:$0x2] =	wrdreg s0;
	s9 =	sadd.s32 s10, s2  }
0x15: {  	vm0 =	vmmov $0xffff;
	v2 =	vlaneseq.u32;
	p0 =	por $0x0, $0x0;
	s10 =	sshll.u32 s6, $0x1;
	s11 =	sadd.s32 $0x1, s9  }
0x16: {  	vm1 =	vmxor vm1, vm1;
	vm2 =	vmmov $0x1;
	vm3 =	vcmask $0x3F3C;
	s12 =	sadd.s32 $0x2, s9;
	s13 =	sor.u32 $0x81, s10;
	s15 =	sor.u32 $0x80, s10  }
.LBB2_9:
0x17: {  	p1 =	slt.u32 s24, $0x3  }
0x18: {  	s0 =	simm.s32 @!p1 $0x2  }
0x19: {  	_ =	swait.ge @!p1 [sflag:s0], $0x7D0  }
0x1a: {  	[sflag:s0] =	ssyncset.done @!p1 $0x0  }
0x1b: {  	[sflag:s0] =	ssyncadd.s32 @!p1 $0xFFFFF830;
	s0 =	simm.s32 @!p1 $0x9  }
0x1c: {  	_ =	swait.ge @!p1 [sflag:s0], $0x10  }
0x1d: {  	[sflag:s0] =	ssyncset.done @!p1 $0x0  }
0x1e: {  	[sflag:s0] =	ssyncadd.s32 @!p1 $0xFFFFFFF0;
	p1 =	sne.s32 s24, s12  }
.Ltmp1:
0x1f: {  	s2 =	sadd.s32 $0x7D0, s23;
	(pc) =	sbr.rel @!p1 .LBB2_10-.Ltmp1, $4  }
0x20: {  	s6 =	smov.u32 s3;
	s31 =	sadd.s32 $0x1, s24;
	s17 =	sadd.s32 $0x7D0, s17  }
0x21: {  	s18 =	sadd.s32 $0x1, s18;
	s25 =	smov.u32 s23;
	p2 =	slt.s32 s2, s4  }
0x22: {  	p0 =	por !p0, !p0;
	s19 =	sadd.s32 $0x7D0, s19;
	s6 =	smov.u32 @p2 s2  }
0x23: {  	s20 =	sadd.s32 $0x1, s20;
	s23 =	smov.u32 s6;
	s24 =	smov.u32 s31  }
.LBB2_1:
0x24: {  	p1 =	sge.u32 s24, s9  }
0x25: {  	s0 =	smulhi.u32 @!p1 $0xAAAAAAAB, s24;
	_ =	sdelay $0x1  }
0x26: {  	s0 =	sshrl.u32 @!p1 s0, $0x1  }
0x27: {  	s0 =	smul.u32 @!p1 $0x3, s0;
	_ =	sdelay $0x1  }
0x28: {  	s0 =	ssub.s32 @!p1 s24, s0  }
0x29: {  	s0 =	smul.u32 @!p1 $0x1F40, s0;
	_ =	sdelay $0x1  }
0x2a: {  	s2 =	sshrl.u32 @!p1 s23, $0x3;
	s0 =	sshrl.u32 @!p1 s0, $0x2  }
0x2b: {  	s22 =	sand.u32 @!p1 $0x7, s23;
	s2 =	sadd.s32 @!p1 s5, s2;
	s0 =	sadd.s32 @!p1 $0x100, s0  }
0x2c: {  	[tilespmem:s0], [sflag:$0x7] =	stream.linear.gather @!p1 [hbm4b:s2+s22], $0x7D0, $0x38;
	[tilespmem:$0x4770] =	vst v63  }
0x2d: {  	s0 =	sadd.s32 $0xFFFFFFFF, s24  }
0x2e: {  	p1 =	sge.u32 s0, s9  }
.Ltmp2:
0x2f: {  	_ = 	snop;
	(pc) =	sbr.rel @p1 .LBB2_5-.Ltmp2, $1  }
0x30: {  	_ =	sdelay $0x3  }
0x31: {  	s2 =	smulhi.u32 $0xAAAAAAAB, s0;
	_ =	sdelay $0x1  }
0x32: {  	s2 =	sshrl.u32 s2, $0x1  }
0x33: {  	s2 =	smul.u32 $0x3, s2;
	_ =	sdelay $0x1  }
0x34: {  	s2 =	ssub.s32 s0, s2  }
0x35: {  	s2 =	smul.u32 $0x1F40, s2  }
0x36: {  	_ =	swait.ge [sflag:s7], $0x7D0  }
0x37: {  	[sflag:s7] =	ssyncset.done $0x0;
	s2 =	sshrl.u32 s2, $0x2  }
0x38: {  	[sflag:s7] =	ssyncadd.s32 $0xFFFFF830;
	(ifvalue) =	ssetifvalue $0xFFFFFFFF;
	v3 =	vld.msk [tilespmem:s2+$0x100 ss:$0x1], $0xffff;
	_ =	sdelay $0x2  }
0x39: {  	s30 =	smulhi.u32 $0xAAAAAAAB, s18;
	p1 =	sne.s32 s24, $0x1  }
0x3a: {  	v4 =	vimm.s32 @!p1 $0x0  }
0x3b: {  	s2 =	sshrl.u32 s30, $0x1;
	v4 =	vperm.xlane @!p1 v3, v4  }
0x3c: {  	s22 =	sshll.u32 s24, $0x4;
	s2 =	smul.u32 $0xFFFFA240, s2;
	vm4 =	vlt.u32 v3, $0xC400  }
0x3d: {  	s22 =	sand.u32 $0x10, s22;
	v3 =	vnsel vm4, $0xFFFFFFFE, v3;
	vm4 =	vlt.u32 @!p1 v4, $0xC400  }
0x3e: {  	s2 =	sshra.s32 s2, $0x2;
	[tilespmem:s22+$0x60] =	vst v3;
	v3 =	vnsel @!p1 vm4, $0xFFFFFFFE, v4  }
0x3f: {  	s28 =	sadd.s32 s2, s17;
	[tilespmem:$0x80] =	vst @!p1 v3  }
0x40: {  	v3 =	vld.msk [tilespmem:s28+$0x0 ss:$0x1], $0xffff;
	_ =	sdelay $0x4  }
0x41: {  	(xrf1) =	vunique.msk.u32 $0xffff, v3;
	_ =	sdelay $0xd  }
0x42: {  	v4 =	vimm.s32 $0xFFFFFFFF;
	v5, _, _ =	vpop (xrf1)  }
0x43: {  	vm5 =	vne.s32 v3, v4;
	vm4 =	veq.s32 v5, v2  }
0x44: {  	vm6 =	vlt.u32 v3, $0xC400;
	vm4 =	vmand vm5, vm4  }
0x45: {  	vm4 =	vmand vm6, vm4  }
0x46: {  	v4 =	vnsel vm4, $0xFFFFFFFF, v3  }
0x47: {  	s31 =	sand.u32 $0x1, s0  }
0x48: {  	s0 =	simm.s32 $0x7D0;
	p1 =	seq.s32 s31, $0x1  }
0x49: {  	s0 =	simm.s32 @!p1 $0x0  }
0x4a: {  	s26 =	sadd.s32 $0x2030, s0;
	(ifvalue) =	ssetifvalue $0xFFFFFFFF  }
0x4b: {  	v3 =	vperm.xlane v3, v1;
	[tilespmem:s26], [sflag:$0x8] =	stream.indirect_vreg.gather [hbm4b:s1+s16], $0x1, v4, vm0, $0x4038;
	v4 =	vnsel vm6, $0xFFFFFFFE, v4;
	[tilespmem:$0x4770] =	vst v63  }
0x4c: {  	s2 =	simm.s32 $0x0;
	s22 =	sadd.s32 $0xFFFFFFF0, s28;
	[tilespmem:s28+$0x0] =	vst v4  }
.LBB2_3:
0x4d: {  	v4 =	vld.msk [tilespmem:s22+$0x0 ss:$0x1], $0xffff;
	s2 =	sadd.s32 $0x10, s2;
	v5 =	vmov v3;
	s28 =	smov.u32 s22  }
0x4e: {  	p1 =	slt.u32 s2, $0x7C0;
	_ =	sdelay $0x4  }
0x4f: {  	v3 =	vperm.xlane v4, v1;
	(xrf1) =	vunique.msk.u32 $0xffff, v4;
	_ =	sdelay $0xd  }
0x50: {  	v6, _, _ =	vpop (xrf1)  }
0x51: {  	vm5 =	vne.s32 v4, v5;
	vm4 =	veq.s32 v6, v2  }
0x52: {  	vm6 =	vlt.u32 v4, $0xC400;
	vm4 =	vmand vm5, vm4  }
0x53: {  	vm4 =	vmand vm6, vm4  }
0x54: {  	v4 =	vnsel vm4, $0xFFFFFFFF, v4  }
.Ltmp3:
0x55: {  	v5 =	vnsel vm6, $0xFFFFFFFE, v4;
	(pc) =	sbr.rel @p1 .LBB2_3-.Ltmp3, $3  }
0x56: {  	_ =	sdelay $0x1  }
0x57: {  	s22 =	sadd.s32 $0xFFFFFFF0, s22;
	s26 =	sadd.s32 $0xFFFFFFF0, s26;
	(ifvalue) =	ssetifvalue $0xFFFFFFFF  }
0x58: {  	[tilespmem:s26], [sflag:$0x8] =	stream.indirect_vreg.gather [hbm4b:s1+s16], $0x1, v4, vm0, $0x4038;
	[tilespmem:s28+$0x0] =	vst v5  }
0x59: {  	s2 =	sshrl.u32 s25, $0x3;
	s6 =	rddreg [dreg:$0x2]  }
0x5a: {  	s0 =	sadd.s32 $0x2810, s0;
	s2 =	sadd.s32 s6, s2  }
0x5b: {  	[tilespmem:s0], [sflag:$0x8] =	stream.linear.gather [hbm:s2], $0x7D0, $0x38;
	[tilespmem:$0x4770] =	vst v63  }
.LBB2_5:
0x5c: {  	p1 =	slt.u32 s24, $0x2  }
0x5d: {  	p2 =	sge.u32 @!p1 s24, s12  }
0x5e: {  	p1 =	por p1, p2  }
.Ltmp4:
0x5f: {  	_ = 	snop;
	(pc) =	sbr.rel @p1 .LBB2_9-.Ltmp4, $1  }
0x60: {  	_ =	sdelay $0x3  }
0x61: {  	s0 =	sadd.s32 $0xFFFFFFFE, s24  }
0x62: {  	s2 =	smulhi.u32 $0xAAAAAAAB, s0;
	_ =	sdelay $0x1  }
0x63: {  	s2 =	sshrl.u32 s2, $0x1  }
0x64: {  	s2 =	smul.u32 $0x3, s2;
	_ =	sdelay $0x1  }
0x65: {  	s0 =	ssub.s32 s0, s2  }
0x66: {  	_ =	swait.ge [sflag:s8], $0xFA0;
	s0 =	smul.u32 $0x7D0, s0  }
0x67: {  	p1 =	sne.s32 s24, s11;
	[sflag:s8] =	ssyncset.done $0x0  }
0x68: {  	[sflag:s8] =	ssyncadd.s32 $0xFFFFF060;
	s2 =	sadd.s32 @!p1 $0x8CF, s0  }
0x69: {  	[spmem:s13] =	stream.linear.scatter @!p1 [tilespmem:s2], [sflag:$0x1], $0x1, $0x38;
	[tilespmem:$0x4770] =	vst v63  }
0x6a: {  	s2 =	simm.s32 @!p1 $0x1  }
0x6b: {  	_ =	swait.ge @!p1 [sflag:s2], $0x1  }
0x6c: {  	s22 =	sshll.u32 s24, $0x4;
	[sflag:s2] =	ssyncset.done @!p1 $0x0  }
0x6d: {  	s25 =	sand.u32 $0x10, s22;
	[sflag:s2] =	ssyncadd.s32 @!p1 $0xFFFFFFFF  }
0x6e: {  	s2 =	sxor.u32 $0x10, s25;
	v4 =	vld [tilespmem:s25+$0x10]  }
0x6f: {  	v5 =	vld [tilespmem:s2+$0x60]  }
0x70: {  	v3 =	vld [tilespmem:$0x80];
	_ =	sdelay $0x2  }
0x71: {  	(v2sf) =	vpush v4, $0x0  }
0x72: {  	(v2sf) =	vpush v5, $0x0  }
0x73: {  	(v2sf) =	vpush v3, $0x0;
	_ =	sdelay $0xc  }
0x74: {  	s6 =	spop (v2sf)  }
0x75: {  	s28 =	spop (v2sf)  }
0x76: {  	s26 =	spop (v2sf)  }
0x77: {  	p2 =	seq.s32 s6, s28;
	p3 =	seq.s32 s26, s6  }
0x78: {  	p3 =	por p2, p3  }
0x79: {  	s6 =	sand.u32 $0x1, s24;
	v4 =	vpsel p3, $0xFFFFFFFF, v4  }
0x7a: {  	s28 =	smul.u32 $0x7D0, s6;
	[tilespmem:s25+$0x10] =	vst.msk $0x1, v4  }
0x7b: {  	v4 =	vld [tilespmem:$0x30]  }
0x7c: {  	v5 =	vld [tilespmem:s28+$0x2810]  }
0x7d: {  	v6 =	vld [tilespmem:s25+$0x40];
	_ =	sdelay $0x3  }
0x7e: {  	vm4 =	vmmov vm1;
	v5 =	vadd.f32 v5, v4  }
0x7f: {  	vm5 =	vmmov vm2;
	vm4 =	vmmov @p2 vm2;
	v4 =	vadd.f32 v6, v4  }
0x80: {  	s22 =	sshll.u32 s6, $0x4;
	vm5 =	vmmov @p3 vm1;
	[tilespmem:s28+$0x2810] =	vst.msk vm4, v5  }
0x81: {  	[tilespmem:s22+$0x4750] =	vst.msk vm5, v4  }
0x82: {  	v4 =	vld [tilespmem:s28+$0x2030];
	_ =	sdelay $0x3  }
0x83: {  	v5 =	vimm.f32 $0.0e+00  }
0x84: {  	v4 =	vshift.insert v4, v5, s21  }
0x85: {  	s29 =	sor.u32 $0x40, s2  }
0x86: {  	[tilespmem:s29+$0x0] =	vst.msk $0x1, v4  }
0x87: {  	[tilespmem:s28+$0x203F] =	vst.msk $0x1, v5  }
0x88: {  	v4 =	vld [tilespmem:s0+$0x8C0];
	_ =	sdelay $0x1  }
0x89: {  	s29 =	smulhi.u32 $0xAAAAAAAB, s20;
	s0 =	simm.s32 $0x1  }
0x8a: {  	s0 =	simm.s32 @!p0 $0x0  }
0x8b: {  	s29 =	sshrl.u32 s29, $0x1;
	s0 =	smul.u32 $0x1F40, s0  }
0x8c: {  	s29 =	smul.u32 $0xFFFFA240, s29;
	v4 =	vshift.insert v4, v1, s21  }
0x8d: {  	s0 =	sshrl.u32 s0, $0x2  }
0x8e: {  	s29 =	sshra.s32 s29, $0x2;
	s30 =	sadd.s32 $0x2810, s0;
	[tilespmem:s2+$0x10] =	vst.msk $0x1, v4  }
0x8f: {  	s6 =	sadd.s32 s29, s19;
	v6 =	vld [tilespmem:s30+$0x0]  }
0x90: {  	v7 =	vld [tilespmem:s6+$0x0];
	_ =	sdelay $0x3  }
0x91: {  	v5 =	vadd.f32 v6, v5  }
0x92: {  	vm4 =	vne.s32 v7, $0xFFFFFFFF  }
0x93: {  	(xrf2) =	vadd.seg.scan.f32 vm4, v5;
	_ =	sdelay $0x3  }
0x94: {  	s31 =	sadd.s32 $0x1870, s0;
	v5 =	vperm.xlane v4, v1  }
0x95: {  	v6 =	vld [tilespmem:s31+$0x0]  }
0x96: {  	vm5 =	veq.s32 v7, v3;
	vm6 =	veq.s32 v7, v5  }
0x97: {  	vm7 =	vgt.u32 v7, $0xFFFFFFFD;
	vm6 =	vmor vm6, vm5  }
0x98: {  	vm6 =	vmor vm6, vm7  }
0x99: {  	v9 =	vld [tilespmem:$0xA0];
	v7 =	vsel vm6, $0xFFFFFFFF, v7  }
0x9a: {  	v10 =	vld [tilespmem:$0x90];
	v6 =	vsel vm5, $0x0, v6;
	v8, _, _ =	vpop (xrf2)  }
0x9b: {  	v6 =	vadd.f32 v8, v6  }
0x9c: {  	s0 =	sadd.s32 $0x37B0, s0  }
0x9d: {  	vm4 =	vmand vm4, vm3;
	[tilespmem:s0+$0x0] =	vst v6;
	(ifvalue) =	ssetifvalue $0xFFFFFFFF  }
0x9e: {  	vm6 =	veq.s32 v9, $0x1;
	[hbm4b:s1+s16] =	stream.indirect_vreg.scatter [tilespmem:s0], [sflag:$0x2], $0x1, v7, vm0, $0x4038;
	v7 =	vsel vm4, $0x0, v8;
	[tilespmem:$0x4770] =	vst v63  }
0x9f: {  	s29 =	sadd.s32 $0x4750, s22;
	s22 =	sadd.s32 $0x10, s6;
	s2 =	simm.s32 $0x0;
	vm4 =	vmor vm6, vm5;
	v6 =	vsel vm5, v8, v10;
	v7 =	vshift.insert v7, v0, s21  }
.LBB2_7:
0xa0: {  	v8 =	vld [tilespmem:s22+$0x0];
	s30 =	sadd.s32 $0x10, s30  }
0xa1: {  	s31 =	sadd.s32 $0x10, s31;
	v9 =	vld [tilespmem:s30+$0x0]  }
0xa2: {  	s2 =	sadd.s32 $0x10, s2;
	v10 =	vld [tilespmem:s31+$0x0]  }
0xa3: {  	p2 =	slt.u32 s2, $0x7C0;
	_ =	sdelay $0x2  }
0xa4: {  	v7 =	vadd.f32 v9, v7  }
0xa5: {  	vm5 =	vne.s32 v8, $0xFFFFFFFF  }
0xa6: {  	vm6 =	vmand vm5, vm3;
	(xrf2) =	vadd.seg.scan.f32 vm5, v7;
	_ =	sdelay $0x5  }
0xa7: {  	vm7 =	veq.s32 v8, v5;
	vm5 =	veq.s32 v8, v3  }
0xa8: {  	vm8 =	vgt.u32 v8, $0xFFFFFFFD;
	vm4 =	vmor vm4, vm5;
	vm7 =	vmor vm7, vm5  }
0xa9: {  	vm7 =	vmor vm7, vm8  }
0xaa: {  	v8 =	vsel vm7, $0xFFFFFFFF, v8  }
.Ltmp5:
0xab: {  	v7 =	vsel vm5, $0x0, v10;
	v9, _, _ =	vpop (xrf2);
	(pc) =	sbr.rel @p2 .LBB2_7-.Ltmp5, $4  }
0xac: {  	v6 =	vsel vm5, v9, v6;
	v10 =	vadd.f32 v9, v7;
	v7 =	vsel vm6, $0x0, v9  }
0xad: {  	s0 =	sadd.s32 $0x10, s0;
	v7 =	vshift.insert v7, v0, s21  }
0xae: {  	s22 =	sadd.s32 $0x10, s22;
	[tilespmem:s0+$0x0] =	vst v10;
	(ifvalue) =	ssetifvalue $0xFFFFFFFF  }
0xaf: {  	[hbm4b:s1+s16] =	stream.indirect_vreg.scatter [tilespmem:s0], [sflag:$0x2], $0x1, v8, vm0, $0x4038;
	[tilespmem:$0x4770] =	vst v63  }
0xb0: {  	v3 =	vld [tilespmem:s28+$0x3F70];
	_ =	sdelay $0x4  }
0xb1: {  	v3 =	vshift.insert v3, v0, s21  }
0xb2: {  	s0 =	simm.s32 $0x30  }
0xb3: {  	[tilespmem:s0+$0x0] =	vst.msk $0x1, v3  }
0xb4: {  	v3 =	vsel vm4, $0x1, v1;
	[tilespmem:$0x90] =	vst v6  }
0xb5: {  	s0 =	sadd.s32 @!p1 $0x3F7F, s28;
	[tilespmem:$0xA0] =	vst v3  }
0xb6: {  	[spmem:s14] =	stream.linear.scatter @!p1 [tilespmem:s0], [sflag:$0x1], $0x1, $0x38;
	[tilespmem:$0x4770] =	vst v63  }
0xb7: {  	s0 =	simm.s32 @!p1 $0x1  }
0xb8: {  	v3 =	vmctz.xlane @!p1 vm4;
	_ =	swait.ge @!p1 [sflag:s0], $0x1  }
0xb9: {  	(v2sf) =	vpush @!p1 v4, $0x0  }
0xba: {  	(v2sf) =	vpush @!p1 v3, $0x0;
	_ =	sdelay $0xd  }
0xbb: {  	s2 =	spop @!p1 (v2sf)  }
0xbc: {  	s6 =	spop @!p1 (v2sf)  }
0xbd: {  	p2 =	sne.s32 @!p1 s26, s2;
	p3 =	slt.s32 @!p1 s6, $0xF  }
0xbe: {  	[sflag:s0] =	ssyncset.done @!p1 $0x0;
	p2 =	por p2, p1;
	p3 =	por !p3, p1  }
0xbf: {  	[sflag:s0] =	ssyncadd.s32 @!p1 $0xFFFFFFFF;
	v3 =	vimm.s32 @!p2 $0xFFFFFFFF;
	s6 =	simm.s32 @p3 $0xF  }
0xc0: {  	[tilespmem:$0x80] =	vst @!p2 v3;
	s2 =	sadd.s32 @!p1 $0x90, s6  }
0xc1: {  	[spmem:s10] =	stream.linear.scatter @!p1 [tilespmem:s2], [sflag:$0x1], $0x1, $0x38;
	[tilespmem:$0x4770] =	vst v63  }
0xc2: {  	_ =	swait.ge @!p1 [sflag:s0], $0x1  }
0xc3: {  	[sflag:s0] =	ssyncset.done @!p1 $0x0  }
0xc4: {  	s2 =	simm.s32 @!p1 $0x80;
	[sflag:s0] =	ssyncadd.s32 @!p1 $0xFFFFFFFF  }
0xc5: {  	[spmem:s15] =	stream.linear.scatter @!p1 [tilespmem:s2], [sflag:$0x1], $0x1, $0x38;
	[tilespmem:$0x4770] =	vst v63  }
0xc6: {  	_ =	swait.ge @!p1 [sflag:s0], $0x1  }
0xc7: {  	[sflag:s0] =	ssyncset.done @!p1 $0x0  }
0xc8: {  	[sflag:s0] =	ssyncadd.s32 @!p1 $0xFFFFFFFF;
	(ifvalue) =	ssetifvalue $0xFFFFFFFF;
	v3 =	vld [tilespmem:s25+$0x10];
	_ =	sdelay $0x3  }
.Ltmp6:
0xc9: {  	_ = 	snop;
	(pc) =	sbr.rel .LBB2_9-.Ltmp6, $3  }
0xca: {  	_ =	sdelay $0x1  }
0xcb: {  	(ifvalue) =	ssetifvalue $0xFFFFFFFF  }
0xcc: {  	[hbm4b:s1+s16] =	stream.indirect_vreg.scatter [tilespmem:s29], [sflag:$0x9], $0x1, v3, vm0, $0x4038;
	[tilespmem:$0x4770] =	vst v63  }
.LBB2_10:
0xcd: {  	_ =	sfence.sel $0x180000  }
0xce: {  	s0 =	simm.s32 $0x7;
	[bflag:$0x0] =	sbarrier.arrive $0xFFFF  }
0xcf: {  	s26 =	simm.s32 $0x8;
	[sflag:s0] =	ssyncpa.u1 $0x1  }
0xd0: {  	s28 =	simm.s32 $0x9;
	[sflag:s26] =	ssyncpa.u1 $0x1  }
0xd1: {  	[sflag:s28] =	ssyncpa.u1 $0x1  }
0xd2: {  	_ =	sfence.stream.spmem  }
0xd3: {  	s29 =	simm.s32 $0x3;
	[bflag:$0x0] =	sbarrier.arrive $0xFFFF  }
0xd4: {  	s30 =	simm.s32 $0x4;
	[sflag:s29] =	ssyncpa.u1 $0x1  }
0xd5: {  	s31 =	simm.s32 $0x3C;
	s2 =	stileid.u32;
	[sflag:s30] =	ssyncpa.u1 $0x1  }
0xd6: {  	p0 =	sne.s32 s2, $0x0;
	[sflag:s31] =	ssyncpa.u1 $0x1  }
0xd7: {  	s0 =	simm.s32 @p0 $0x1;
	_ =	sfence @p0  }
0xd8: {  	[sflag:s0] =	ssyncpa.u1 @p0 $0x1;
	s0 =	simm.s32 @p0 $0x2  }
0xd9: {  	[sflag:s0] =	ssyncpa.u1 @p0 $0x1  }
0xda: {  	_ =	strace @p0 $0x9000004A  }
0xdb: {  	[bflag:$0x2] =	sbarrier.arrive @p0 $0xFFFF  }
0xdc: {  	_ =	shalt @p0  }
.LBB2_11:
0xdd: {  	_ =	sfence.stream.spmem;
	s0 =	simm.s32 $0x5  }
0xde: {  	s2 =	simm.s32 $0x80;
	s3 =	simm.s32 $0xC0;
	[sflag:s0] =	ssyncpa.u1 $0x0  }
0xdf: {  	[tilespmem:s3], [sflag:$0x5] =	stream.linear.gather [spmem:s2], $0x20, $0x38;
	[tilespmem:$0x4770] =	vst v63  }
0xe0: {  	s2 =	simm.s32 $0x0;
	s3 =	simm.s32 $0xE0  }
0xe1: {  	[tilespmem:s3], [sflag:$0x5] =	stream.linear.gather [spmem:s2], $0x20, $0x38;
	[tilespmem:$0x4770] =	vst v63  }
.Ltmp7:
0xe2: {  	_ = 	snop;
	(pc) =	sbr.rel .LBB2_12-.Ltmp7, $4  }
0xe3: {  	_ =	swait.ge [sflag:s0], $0x40  }
0xe4: {  	[sflag:s0] =	ssyncset.done $0x0  }
0xe5: {  	s31 =	simm.s32 $0x6;
	[sflag:s0] =	ssyncadd.s32 $0xFFFFFFC0  }
0xe6: {  	s4 =	simm.s32 $0x0;
	[sflag:s31] =	ssyncpa.u1 $0x0  }
.LBB2_17:
0xe7: {  	p0 =	sgt.u32 s5, $0xC3FF  }
0xe8: {  	s0 =	sshrl.u32 @!p0 s5, $0x3  }
0xe9: {  	s5 =	sand.u32 @!p0 $0x7, s5;
	s6 =	simm.s32 @!p0 $0xB0;
	s0 =	sadd.s32 @!p0 s1, s0  }
0xea: {  	[tilespmem:s6], [sflag:$0x6] =	stream.linear.gather @!p0 [hbm4b:s0+s5], $0x1, $0x38;
	[tilespmem:$0x4770] =	vst v63  }
0xeb: {  	s0 =	simm.s32 @!p0 $0x6  }
0xec: {  	_ =	swait.ge @!p0 [sflag:s0], $0x1  }
0xed: {  	[sflag:s0] =	ssyncset.done @!p0 $0x0  }
0xee: {  	[sflag:s0] =	ssyncadd.s32 @!p0 $0xFFFFFFFF  }
0xef: {  	v2 =	vmov @!p0 s4;
	v1 =	vld.msk @!p0 [tilespmem:$0xB0], $0x1;
	_ =	sdelay $0x3  }
0xf0: {  	s0 =	simm.s32 @!p0 $0xE0  }
0xf1: {  	[tilespmem:v2+s0+$0x0], v1 =	vst.idx.ret.add.f32.msk @!p0 $0x1, v1  }
0xf2: {  	[tilespmem:s2+$0xC0] =	vst.msk $0x1, v0  }
0xf3: {  	v0 =	vld.msk [tilespmem:s4+$0xE0], $0x1;
	_ =	sdelay $0x4  }
0xf4: {  	[tilespmem:s2+$0xE0] =	vst.msk $0x1, v0;
	s2 =	sadd.s32 $0x1, s2  }
.LBB2_19:
0xf5: {  	s4 =	sadd.s32 $0x1, s4  }
0xf6: {  	p0 =	sne.s32 s4, $0x20  }
.Ltmp8:
0xf7: {  	_ = 	snop;
	(pc) =	sbr.rel @!p0 .LBB2_20-.Ltmp8, $1  }
0xf8: {  	_ =	sdelay $0x3  }
.LBB2_12:
0xf9: {  	v0 =	vld.msk [tilespmem:s4+$0xC0], $0x1;
	_ =	sdelay $0x4  }
0xfa: {  	(v2sf) =	vpush v0, $0x0;
	_ =	sdelay $0xe  }
0xfb: {  	s5 =	spop (v2sf)  }
0xfc: {  	p0 =	seq.s32 s5, $0xFFFFFFFF  }
.Ltmp9:
0xfd: {  	_ = 	snop;
	(pc) =	sbr.rel @p0 .LBB2_19-.Ltmp9, $1  }
0xfe: {  	_ =	sdelay $0x3  }
0xff: {  	p0 =	slt.s32 s2, $0x1  }
.Ltmp10:
0x100: {  	_ = 	snop;
	(pc) =	sbr.rel @p0 .LBB2_17-.Ltmp10, $1  }
0x101: {  	_ =	sdelay $0x3  }
0x102: {  	s0 =	simm.s32 $0xC0;
	p0 =	por $0x0, $0x0  }
0x103: {  	v1 =	vld.msk @!p0 [tilespmem:s0+$0x0], $0x1;
	_ =	sdelay $0x4  }
0x104: {  	(v2sf) =	vpush @!p0 v1, $0x0;
	_ =	sdelay $0xd  }
0x105: {  	p2 =	sne.s32 s2, $0x1  }
.Ltmp11:
0x106: {  	s6 =	spop @!p0 (v2sf);
	(pc) =	sbr.rel @!p2 .LBB2_16-.Ltmp11, $4  }
0x107: {  	p1 =	seq.s32 @!p0 s5, s6  }
0x108: {  	s6 =	simm.s32 $0x0;
	p1 =	por !p1, p0  }
0x109: {  	s8 =	simm.s32 $0xFFFFFFFF;
	s6 =	simm.s32 @p1 $0xFFFFFFFF  }
0x10a: {  	s7 =	simm.s32 $0x1;
	s6 =	smov.u32 @p0 s8  }
.LBB2_15:
0x10b: {  	s8 =	smov.u32 s6;
	p0 =	sne.s32 s6, $0xFFFFFFFF  }
0x10c: {  	s0 =	sadd.s32 $0x1, s0;
	s6 =	smov.u32 s7;
	s7 =	sadd.s32 $0x1, s7  }
0x10d: {  	p1 =	sne.s32 s2, s7;
	v1 =	vld.msk @!p0 [tilespmem:s0+$0x0], $0x1;
	_ =	sdelay $0x4  }
0x10e: {  	(v2sf) =	vpush @!p0 v1, $0x0;
	_ =	sdelay $0xe  }
.Ltmp12:
0x10f: {  	s9 =	spop @!p0 (v2sf);
	(pc) =	sbr.rel @p1 .LBB2_15-.Ltmp12, $4  }
0x110: {  	p2 =	seq.s32 @!p0 s5, s9  }
0x111: {  	p2 =	por !p2, p0  }
0x112: {  	s6 =	simm.s32 @p2 $0xFFFFFFFF  }
0x113: {  	s6 =	smov.u32 @p0 s8  }
.LBB2_16:
0x114: {  	p0 =	sne.s32 s6, $0xFFFFFFFF  }
.Ltmp13:
0x115: {  	_ = 	snop;
	(pc) =	sbr.rel @!p0 .LBB2_17-.Ltmp13, $1  }
0x116: {  	_ =	sdelay $0x3  }
0x117: {  	v0 =	vld.msk [tilespmem:s4+$0xE0], $0x1;
	v1 =	vmov s6  }
.Ltmp14:
0x118: {  	_ = 	snop;
	(pc) =	sbr.rel .LBB2_19-.Ltmp14, $2  }
0x119: {  	_ =	sdelay $0x2  }
0x11a: {  	[tilespmem:v1+s3+$0x0], v0 =	vst.idx.ret.add.f32.msk $0x1, v0  }
.LBB2_20:
0x11b: {  	p0 =	slt.s32 s2, $0x1  }
.Ltmp15:
0x11c: {  	_ = 	snop;
	(pc) =	sbr.rel @p0 .LBB2_24-.Ltmp15, $3  }
0x11d: {  	_ =	sdelay $0x1  }
0x11e: {  	s0 =	simm.s32 $0x6  }
0x11f: {  	s3 =	simm.s32 $0x0;
	[sflag:s0] =	ssyncpa.u1 $0x1  }
0x120: {  	s0 =	simm.s32 $0xC0  }
0x121: {  	v0 =	vld.msk [tilespmem:s0+$0x0], $0x1;
	_ =	sdelay $0x4  }
0x122: {  	(v2sf) =	vpush v0, $0x0;
	_ =	sdelay $0xe  }
0x123: {  	s2 =	sadd.s32 $0xFFFFFFFF, s2;
	s4 =	spop (v2sf)  }
0x124: {  	p1 =	sne.s32 s2, $0x0;
	p0 =	sgt.u32 s4, $0xC3FF  }
.Ltmp16:
0x125: {  	s5 =	sshrl.u32 @!p0 s4, $0x3;
	(pc) =	sbr.rel @!p1 .LBB2_23-.Ltmp16, $4  }
0x126: {  	s0 =	simm.s32 $0xE0;
	s4 =	sand.u32 @!p0 $0x7, s4;
	s5 =	sadd.s32 @!p0 s1, s5  }
0x127: {  	[hbm4b:s5+s4] =	stream.linear.scatter @!p0 [tilespmem:s0], [sflag:$0x5], $0x1, $0x38;
	[tilespmem:$0x4770] =	vst v63  }
0x128: {  	s5 =	simm.s32 $0x0  }
0x129: {  	s4 =	simm.s32 $0xC1;
	s5 =	simm.s32 @!p0 $0x4  }
.LBB2_22:
0x12a: {  	v0 =	vld.msk [tilespmem:s4+$0x0], $0x1;
	s2 =	sadd.s32 $0xFFFFFFFF, s2;
	s3 =	sadd.s32 s3, s5  }
0x12b: {  	p0 =	sne.s32 s2, $0x0;
	_ =	sdelay $0x3  }
0x12c: {  	(v2sf) =	vpush v0, $0x0;
	_ =	sdelay $0xe  }
.Ltmp17:
0x12d: {  	s6 =	spop (v2sf);
	(pc) =	sbr.rel @p0 .LBB2_22-.Ltmp17, $4  }
0x12e: {  	s5 =	simm.s32 $0x0;
	p1 =	sgt.u32 s6, $0xC3FF  }
0x12f: {  	s0 =	sadd.s32 $0x1, s0;
	s5 =	simm.s32 @!p1 $0x4;
	s7 =	sshrl.u32 @!p1 s6, $0x3  }
0x130: {  	s4 =	sadd.s32 $0x1, s4;
	s6 =	sand.u32 @!p1 $0x7, s6;
	s7 =	sadd.s32 @!p1 s1, s7  }
0x131: {  	[hbm4b:s7+s6] =	stream.linear.scatter @!p1 [tilespmem:s0], [sflag:$0x5], $0x1, $0x38;
	[tilespmem:$0x4770] =	vst v63  }
.LBB2_23:
0x132: {  	s0 =	sadd.s32 s3, s5  }
0x133: {  	s3 =	sshrl.u32 s0, $0x2  }
.LBB2_24:
0x134: {  	s0 =	simm.s32 $0x5  }
0x135: {  	_ =	swait.ge [sflag:s0], s3  }
0x136: {  	s1 =	ssub.s32 $0x0, s3;
	[sflag:s0] =	ssyncset.done $0x0  }
0x137: {  	[sflag:s0] =	ssyncadd.s32 s1  }
0x138: {  	[sflag:s0] =	ssyncpa.u1 $0x1  }
0x139: {  	s29 =	simm.s32 $0x1;
	_ =	sfence  }
0x13a: {  	s30 =	simm.s32 $0x2;
	[sflag:s29] =	ssyncpa.u1 $0x1  }
0x13b: {  	[sflag:s30] =	ssyncpa.u1 $0x1  }
0x13c: {  	_ =	strace $0x9000004A  }
0x13d: {  	[bflag:$0x2] =	sbarrier.arrive $0xFFFF  }
0x13e: {  	s31 =	rddreg [dreg:$0x1]  }
0x13f: {  	s0 =	sadd.s32 $0x100000, s31  }
0x140: {  	[sflag:s0] =	ssyncadd.tile.s32 $0x1;
	_ =	shalt  }
.Lfunc_end2:
_tile_overlayer_lowered:
.L_overlay_start_2:
0x141: {  	(tag) =	ssettag $0x2  }
0x142: {  	s0 =	rddreg [dreg:$0x0];
	s2 =	stileid.u32  }
0x143: {  	s1 =	rddreg [dreg:$0x1];
	p0 =	sne.s32 s2, $0x0  }
0x144: {  	s3 =	rddreg [dreg:$0x2];
	[bflag:$0x3] =	sbarrier.arrive $0xFFFF;
	s2 =	simm.s32 @!p0 $0x1C01  }
0x145: {  	[timem:s3], [sflag:s2] =	dma.local @!p0 [hbm:s0], s1  }
0x146: {  	s0 =	simm.s32 @!p0 $0x1  }
0x147: {  	_ =	swait.ge @!p0 [sflag:s0], s1  }
0x148: {  	s1 =	ssub.s32 @!p0 $0x0, s1;
	[sflag:s0] =	ssyncset.done @!p0 $0x0  }
0x149: {  	[sflag:s0] =	ssyncadd.s32 @!p0 s1  }
0x14a: {  	[bflag:$0x3] =	sbarrier.arrive $0xFFFF  }
0x14b: {  	_ =	shalt  }

</sc_bundles>
